<compile_context>
chip_gen: v7x
topology: tpu7x:2x2x1
jax: 0.10.2.dev20260603
libtpu: 0.0.44.dev20260713+nightly
codegen_flags: <defaults>
</compile_context>

<pallas_src>
import functools

import jax
import jax.numpy as jnp
from jax import lax
from jax.experimental import pallas as pl
from jax.experimental.pallas import tpu as pltpu
from jax.experimental.pallas import tpu_sc as plsc

D = 100
DP = 128
NT = 16
NSTATE = 16
NC, NS = 2, 16
NW = NC * NS
NP = 10240
HALF = NP
BLK = 512



def _sc_gather(table, idx, name):
    B = idx.shape[0]
    per_w = B // NW
    mesh = plsc.VectorSubcoreMesh(core_axis_name="c", subcore_axis_name="s")
    packed = table.dtype == jnp.bfloat16
    if packed:
        table = lax.bitcast_convert_type(
            table.reshape(table.shape[0], DP // 2, 2), jnp.int32)

    def _unpack(out):
        if packed:
            return lax.bitcast_convert_type(out, jnp.bfloat16).reshape(B, DP)
        return out
    W = table.shape[1]

    if per_w <= 128:
        @functools.partial(
            pl.kernel,
            mesh=mesh,
            out_type=jax.ShapeDtypeStruct((B, W), table.dtype),
            scratch_types=[
                pltpu.VMEM((per_w,), jnp.int32),
                pltpu.VMEM((per_w, W), table.dtype),
                pltpu.SemaphoreType.DMA,
            ],
            name=name,
        )
        def k(table_hbm, idx_hbm, out_hbm, idx_v, rows_v, sem):
            wid = lax.axis_index("s") * NC + lax.axis_index("c")
            base = wid * per_w
            pltpu.sync_copy(idx_hbm.at[pl.ds(base, per_w)], idx_v)
            pltpu.async_copy(table_hbm.at[idx_v], rows_v, sem).wait()
            pltpu.sync_copy(rows_v, out_hbm.at[pl.ds(base, per_w)])

        return _unpack(k(table, idx))

    assert per_w % 128 == 0
    nrow = per_w // 128
    nch = nrow
    nrow_p = (nrow + 7) // 8 * 8
    idx2d = jnp.zeros((NW, nrow_p, 128), jnp.int32).at[:, :nrow].set(
        idx.reshape(NW, nrow, 128)).reshape(NW * nrow_p, 128)

    @functools.partial(
        pl.kernel,
        mesh=mesh,
        out_type=jax.ShapeDtypeStruct((B, W), table.dtype),
        scratch_types=[
            pltpu.VMEM((nrow_p, 128), jnp.int32),
            pltpu.VMEM((128, W), table.dtype),
            pltpu.VMEM((128, W), table.dtype),
            pltpu.SemaphoreType.DMA,
            pltpu.SemaphoreType.DMA,
            pltpu.SemaphoreType.DMA,
            pltpu.SemaphoreType.DMA,
        ],
        name=name,
    )
    def kb(table_hbm, idx_hbm, out_hbm, idx_v, buf0, buf1, g0, g1, w0, w1):
        wid = lax.axis_index("s") * NC + lax.axis_index("c")
        base = wid * nrow
        pltpu.sync_copy(idx_hbm.at[pl.ds(wid * nrow_p, nrow_p)], idx_v)
        bufs, gsem, wsem = [buf0, buf1], [g0, g1], [w0, w1]
        gops = [None] * nch
        wops = [None] * nch

        def fire(ch):
            p = ch % 2
            gops[ch] = pltpu.async_copy(table_hbm.at[idx_v.at[ch]],
                                        bufs[p], gsem[p])

        fire(0)
        for ch in range(nch):
            p = ch % 2
            if ch + 1 < nch:
                if ch >= 1:
                    wops[ch - 1].wait()
                fire(ch + 1)
            gops[ch].wait()
            wops[ch] = pltpu.async_copy(
                bufs[p], out_hbm.at[pl.ds((base + ch) * 128, 128)], wsem[p])
        wops[nch - 2].wait()
        wops[nch - 1].wait()

    return _unpack(kb(table, idx2d))


def _sc_scatter(inp_e, dest, zeros_buf):
    E2 = dest.shape[0]
    ch = E2 // NS
    rows_per_tile = HALF // NS
    mesh = plsc.VectorSubcoreMesh(core_axis_name="c", subcore_axis_name="s")

    @functools.partial(
        pl.kernel,
        mesh=mesh,
        out_type=jax.ShapeDtypeStruct((2 * HALF, DP), jnp.float32),
        scratch_types=[
            pltpu.VMEM((ch,), jnp.int32),
            pltpu.VMEM((ch, DP), jnp.float32),
            pltpu.VMEM_SHARED((HALF + 8, DP), jnp.float32),
            pltpu.SemaphoreType.DMA,
        ],
        name="sc_scatter_add",
    )
    def k(inp_hbm, dest_hbm, zeros_hbm, out_hbm, idx_v, rows_v, acc, sem):
        c = lax.axis_index("c")
        s = lax.axis_index("s")
        base = c * HALF
        pltpu.sync_copy(zeros_hbm.at[pl.ds(0, rows_per_tile)],
                        acc.at[pl.ds(s * rows_per_tile, rows_per_tile)])

        @pl.when(s == 0)
        def _():
            pltpu.sync_copy(zeros_hbm.at[pl.ds(640, 8)], acc.at[pl.ds(HALF, 8)])

        plsc.subcore_barrier()
        pltpu.sync_copy(dest_hbm.at[pl.ds(s * ch, ch)], idx_v)
        for i in range(ch // 16):
            d = idx_v[pl.ds(i * 16, 16)]
            loc = d - base
            oob = (loc < 0) | (loc >= HALF)
            idx_v[pl.ds(i * 16, 16)] = jnp.where(oob, HALF, loc)
        pltpu.sync_copy(inp_hbm.at[pl.ds(s * ch, ch)], rows_v)
        pltpu.sync_copy(rows_v, acc.at[idx_v], add=True)
        plsc.subcore_barrier()
        pltpu.sync_copy(acc.at[pl.ds(s * rows_per_tile, rows_per_tile)],
                        out_hbm.at[pl.ds(base + s * rows_per_tile, rows_per_tile)])

    return k(inp_e, dest, zeros_buf)



def _f32dot(a, b):
    return jnp.dot(a, b, preferred_element_type=jnp.float32)


def _tc_prep(W_state, b_state2, W1, b12, W2, b22, edge_embed,
             g1wih, g1whh, g1bih2, g1bhh2, g2wih, g2whh, vis, etypes, masks):
    NBLK = NP // BLK
    n_real = vis.shape[2]

    def body(wst_r, bst_r, w1_r, b1_r, w2_r, b2_r, ee_r,
             w1i_r, w1h_r, b1i_r, b1h_r, w2i_r, w2h_r, vis_r, et_r, mk_r,
             w1a_o, ws2_o, cp_o, w2p_o, b2p_o, wih1_o, whh1_o, bih1_o,
             bhh1_o, wih2_o, whh2_o, bmat_o, visc_o, etc_o, mkc_o):
        i = pl.program_id(0)

        @pl.when(i == 0)
        def _weights():
            w1a = w1_r[:D, :]
            w1b = w1_r[D:, :]
            w1a_o[...] = jnp.zeros((DP, DP), jnp.float32)
            w1a_o[:D, :D] = w1a
            ws2_o[...] = jnp.zeros((NSTATE, DP), jnp.float32)
            ws2_o[:, :D] = _f32dot(wst_r[...], w1b)
            cp_o[...] = jnp.zeros((1, DP), jnp.float32)
            cp_o[:, :D] = _f32dot(bst_r[...], w1b) + b1_r[...]
            w2p_o[...] = jnp.zeros((DP, DP), jnp.float32)
            w2p_o[:D, :D] = w2_r[...]
            b2p_o[...] = jnp.zeros((1, DP), jnp.float32)
            b2p_o[:, :D] = b2_r[...]
            for src, dst in ((w1i_r, wih1_o), (w1h_r, whh1_o),
                             (w2i_r, wih2_o), (w2h_r, whh2_o)):
                dst[...] = jnp.zeros((DP, 3 * DP), jnp.float32)
                for g in range(3):
                    dst[:D, g * DP:g * DP + D] = src[:, g * D:(g + 1) * D]
            for src, dst in ((b1i_r, bih1_o), (b1h_r, bhh1_o)):
                dst[...] = jnp.zeros((1, 3 * DP), jnp.float32)
                for g in range(3):
                    dst[:, g * DP:g * DP + D] = src[:, g * D:(g + 1) * D]
            eet = jnp.transpose(ee_r[...].reshape(NT, D, D), (0, 2, 1))
            bmat_o[...] = jnp.zeros((NT * DP, DP), jnp.float32)
            for k in range(NT):
                bmat_o[k * DP:k * DP + D, :D] = eet[k]
            etm = et_r[...].reshape(4, -1)
            mkm = mk_r[...].reshape(4, -1)
            E = etm.shape[1]
            for b in range(2):
                for t in range(2):
                    r0 = t * 2 * E + b * E
                    etc_o[r0:r0 + E, :] = etm[2 * b + t].reshape(E, 1)
                    mkc_o[r0:r0 + E, :] = mkm[2 * b + t].reshape(E, 1)

        v = vis_r[...].reshape(4, BLK)
        col_ok = (lax.broadcasted_iota(jnp.int32, (4, BLK), 1)
                  + i * BLK) < n_real
        v = jnp.where(col_ok, v, 0.0)
        visc_o[...] = v.reshape(4, BLK, 1)

    E2 = 2 * etypes.shape[2]
    full = lambda *shape: pl.BlockSpec(shape, lambda i: tuple(0 for _ in shape))
    return pl.pallas_call(
        body,
        grid=(NBLK,),
        in_specs=[
            full(*W_state.shape), full(*b_state2.shape),
            full(*W1.shape), full(*b12.shape), full(*W2.shape),
            full(*b22.shape), full(*edge_embed.shape),
            full(*g1wih.shape), full(*g1whh.shape), full(*g1bih2.shape),
            full(*g1bhh2.shape), full(*g2wih.shape), full(*g2whh.shape),
            pl.BlockSpec((2, 2, BLK), lambda i: (0, 0, i)),
            full(*etypes.shape), full(*masks.shape),
        ],
        out_specs=[
            full(DP, DP), full(NSTATE, DP), full(1, DP),
            full(DP, DP), full(1, DP),
            full(DP, 3 * DP), full(DP, 3 * DP), full(1, 3 * DP),
            full(1, 3 * DP), full(DP, 3 * DP), full(DP, 3 * DP),
            full(NT * DP, DP),
            pl.BlockSpec((4, BLK, 1), lambda i: (0, i, 0)),
            full(2 * E2, 1), full(2 * E2, 1),
        ],
        out_shape=[
            jax.ShapeDtypeStruct((DP, DP), jnp.float32),
            jax.ShapeDtypeStruct((NSTATE, DP), jnp.float32),
            jax.ShapeDtypeStruct((1, DP), jnp.float32),
            jax.ShapeDtypeStruct((DP, DP), jnp.float32),
            jax.ShapeDtypeStruct((1, DP), jnp.float32),
            jax.ShapeDtypeStruct((DP, 3 * DP), jnp.float32),
            jax.ShapeDtypeStruct((DP, 3 * DP), jnp.float32),
            jax.ShapeDtypeStruct((1, 3 * DP), jnp.float32),
            jax.ShapeDtypeStruct((1, 3 * DP), jnp.float32),
            jax.ShapeDtypeStruct((DP, 3 * DP), jnp.float32),
            jax.ShapeDtypeStruct((DP, 3 * DP), jnp.float32),
            jax.ShapeDtypeStruct((NT * DP, DP), jnp.float32),
            jax.ShapeDtypeStruct((4, NP, 1), jnp.float32),
            jax.ShapeDtypeStruct((2 * E2, 1), jnp.int32),
            jax.ShapeDtypeStruct((2 * E2, 1), jnp.float32),
        ],
        name="tc_prep",
    )(W_state, b_state2, W1, b12, W2, b22, edge_embed,
      g1wih, g1whh, g1bih2, g1bhh2, g2wih, g2whh, vis, etypes, masks)


def _tc_init(name2_t0, states, w1a, ws2, cp, w2, b2, wih2):
    NBLK = NP // BLK

    def body(n0, s0, w1a_r, ws, c, w2r, b2r, wih, h0_ref):
        pre0 = (_f32dot(n0[...].astype(jnp.float32), w1a_r[...])
                + _f32dot(s0[...].reshape(BLK, NSTATE), ws[...]) + c[...])
        init0 = _f32dot(jax.nn.relu(pre0), w2r[...]) + b2r[...]
        gi = _f32dot(init0, wih[...])
        z = jax.nn.sigmoid(gi[:, DP:2 * DP])
        nn_ = jnp.tanh(gi[:, 2 * DP:])
        h0_ref[...] = (1.0 - z) * nn_

    row_spec = pl.BlockSpec((BLK, DP), lambda b, nb: (b * NBLK + nb, 0))
    return pl.pallas_call(
        body,
        grid=(2, NBLK),
        in_specs=[
            pl.BlockSpec((BLK, DP), lambda b, nb: (b * NBLK + nb, 0)),
            pl.BlockSpec((1, 1, BLK, NSTATE), lambda b, nb: (b, 0, nb, 0)),
            pl.BlockSpec((DP, DP), lambda b, nb: (0, 0)),
            pl.BlockSpec((NSTATE, DP), lambda b, nb: (0, 0)),
            pl.BlockSpec((1, DP), lambda b, nb: (0, 0)),
            pl.BlockSpec((DP, DP), lambda b, nb: (0, 0)),
            pl.BlockSpec((1, DP), lambda b, nb: (0, 0)),
            pl.BlockSpec((DP, 3 * DP), lambda b, nb: (0, 0)),
        ],
        out_specs=row_spec,
        out_shape=jax.ShapeDtypeStruct((2 * NP, DP), jnp.float32),
        name="tc_init",
    )(name2_t0, states, w1a, ws2, cp, w2, b2, wih2)


def _tc_edge(xe, et_cols, mk_cols, bmat, t_idx):
    E2 = xe.shape[0]
    EB = 256
    toff = t_idx * (E2 // EB)

    def body(xe_r, et_r, mk_r, b_r, out_r):
        xm = xe_r[...].astype(jnp.float32) * mk_r[...]
        xt = jnp.concatenate([xm] * NT, axis=1)
        kcol = lax.broadcasted_iota(jnp.int32, (EB, NT * DP), 1) // DP
        sel = (et_r[...] == kcol).astype(jnp.float32)
        out_r[...] = _f32dot(xt * sel, b_r[...])

    return pl.pallas_call(
        body,
        grid=(E2 // EB,),
        in_specs=[
            pl.BlockSpec((EB, DP), lambda i: (i, 0)),
            pl.BlockSpec((EB, 1), lambda i: (i + toff, 0)),
            pl.BlockSpec((EB, 1), lambda i: (i + toff, 0)),
            pl.BlockSpec((NT * DP, DP), lambda i: (0, 0)),
        ],
        out_specs=pl.BlockSpec((EB, DP), lambda i: (i, 0)),
        out_shape=jax.ShapeDtypeStruct((E2, DP), jnp.float32),
        name="tc_edge_matmul",
    )(xe, et_cols, mk_cols, bmat)


def _gru_gates(gi, gh, h):
    r = jax.nn.sigmoid(gi[:, :DP] + gh[:, :DP])
    z = jax.nn.sigmoid(gi[:, DP:2 * DP] + gh[:, DP:2 * DP])
    nn_ = jnp.tanh(gi[:, 2 * DP:] + r * gh[:, 2 * DP:])
    return (1.0 - z) * nn_ + z * h


def _tc_update(a, h, vis2, wih1, whh1, bih1, bhh1, t_idx, n_t, n_real,
               repr_buf=None, init_next=None, wih2=None, whh2=None):
    NBLK = NP // BLK
    bs = 2
    has_next = init_next is not None
    has_alias = repr_buf is not None

    def body(*refs):
        i = 7
        (a_r, h_r, vis_r, wih1_r, whh1_r, bih1_r, bhh1_r) = refs[:7]
        if has_alias:
            i += 1
        if has_next:
            (n1_r, s1_r, w1a_r, ws2_r, cp_r, w2p_r, b2p_r, wih2_r,
             whh2_r) = refs[i:i + 9]
            i += 9
        repr_r, glob_r = refs[i:i + 2]
        i += 2
        if has_next:
            h1_r = refs[i]
            i += 1
        accg, accv = refs[i:i + 2]
        nb = pl.program_id(1)
        h_ = h_r[...].astype(jnp.float32)
        gi = _f32dot(a_r[...], wih1_r[...]) + bih1_r[...]
        gh = _f32dot(h_, whh1_r[...]) + bhh1_r[...]
        feat = _gru_gates(gi, gh, h_)
        vis = vis_r[...].reshape(BLK, 1)
        rep = feat * vis
        repr_r[...] = rep[None, None, :, :D]
        ok = (lax.broadcasted_iota(jnp.int32, (BLK, 1), 0) + nb * BLK) < n_real
        part = jnp.sum(jnp.where(ok, rep * vis, 0.0), axis=0, keepdims=True)
        vpart = jnp.sum(vis) * jnp.ones((1, DP), jnp.float32)
        prev_g = jnp.where(nb == 0, 0.0, accg[...])
        prev_v = jnp.where(nb == 0, 0.0, accv[...])
        accg[...] = prev_g + part
        accv[...] = prev_v + vpart
        glob_r[...] = jnp.broadcast_to(
            (accg[...] / (accv[...] + 1e-9))[None], (1, 8, DP))
        if has_next:
            pre1 = (_f32dot(n1_r[...].astype(jnp.float32), w1a_r[...])
                    + _f32dot(s1_r[...].reshape(BLK, NSTATE), ws2_r[...])
                    + cp_r[...])
            init1 = _f32dot(jax.nn.relu(pre1), w2p_r[...]) + b2p_r[...]
            gi2 = _f32dot(init1, wih2_r[...])
            gh2 = _f32dot(h_, whh2_r[...])
            h1_r[...] = _gru_gates(gi2, gh2, h_)

    row_spec = pl.BlockSpec((BLK, DP), lambda b, nb: (b * NBLK + nb, 0))
    w_spec = pl.BlockSpec((DP, 3 * DP), lambda b, nb: (0, 0))
    b_spec = pl.BlockSpec((1, 3 * DP), lambda b, nb: (0, 0))
    in_specs = [row_spec, row_spec,
                pl.BlockSpec((1, BLK, 1), lambda b, nb: (2 * b + t_idx, nb, 0)),
                w_spec, w_spec, b_spec, b_spec]
    args = [a, h, vis2, wih1, whh1, bih1, bhh1]
    aliases = {}
    if has_alias:
        in_specs.append(pl.BlockSpec(memory_space=pl.ANY))
        args.append(repr_buf)
        aliases = {7: 0}
    if has_next:
        (name2_t1, states_raw, w1a, ws2, cp, w2p, b2p, wih2, whh2) = init_next
        in_specs += [
            pl.BlockSpec((BLK, DP), lambda b, nb: (b * NBLK + nb, 0)),
            pl.BlockSpec((1, 1, BLK, NSTATE), lambda b, nb: (b, 1, nb, 0)),
            pl.BlockSpec((DP, DP), lambda b, nb: (0, 0)),
            pl.BlockSpec((NSTATE, DP), lambda b, nb: (0, 0)),
            pl.BlockSpec((1, DP), lambda b, nb: (0, 0)),
            pl.BlockSpec((DP, DP), lambda b, nb: (0, 0)),
            pl.BlockSpec((1, DP), lambda b, nb: (0, 0)),
            w_spec, w_spec]
        args += [name2_t1, states_raw, w1a, ws2, cp, w2p, b2p, wih2, whh2]
    out_specs = [
        pl.BlockSpec((1, 1, BLK, D), lambda b, nb: (b, t_idx, nb, 0)),
        pl.BlockSpec((1, 8, DP), lambda b, nb: (b, 0, 0)),
    ]
    out_shape = [
        jax.ShapeDtypeStruct((bs, n_t, n_real, D), jnp.float32),
        jax.ShapeDtypeStruct((bs, 8, DP), jnp.float32),
    ]
    if has_next:
        out_specs.append(row_spec)
        out_shape.append(jax.ShapeDtypeStruct((bs * NP, DP), jnp.float32))

    return pl.pallas_call(
        body,
        grid=(bs, NBLK),
        in_specs=in_specs,
        out_specs=out_specs,
        out_shape=out_shape,
        input_output_aliases=aliases,
        scratch_shapes=[pltpu.VMEM((1, DP), jnp.float32),
                        pltpu.VMEM((1, DP), jnp.float32)],
        name="tc_update_t%d" % t_idx,
    )(*args)



def kernel(class_names, states, edge_values, edge_types, visibility, mask_edges,
           obj_emb, W_state, b_state, W1, b1, W2, b2, edge_embed,
           gru1_wih, gru1_whh, gru1_bih, gru1_bhh, gru2_wih, gru2_whh):
    bs, T, N = class_names.shape
    E = edge_values.shape[2]
    E2 = bs * E
    f32 = jnp.float32
    i32 = jnp.int32

    (w1a, ws2, cp, w2p, b2p, wih1, whh1, bih1, bhh1, wih2, whh2, bmat,
     vis_cols, et_cols, mk_cols) = _tc_prep(
        W_state, b_state.reshape(1, D), W1, b1.reshape(1, D), W2,
        b2.reshape(1, D), edge_embed, gru1_wih, gru1_whh,
        gru1_bih.reshape(1, 3 * D), gru1_bhh.reshape(1, 3 * D), gru2_wih,
        gru2_whh, visibility, edge_types.astype(i32), mask_edges)
    obj_pad = jnp.zeros((obj_emb.shape[0], DP), f32).at[:, :D].set(obj_emb)

    class_t = class_names.astype(i32).transpose(1, 0, 2)
    class_p = jnp.zeros((T, bs, NP), i32).at[:, :, :N].set(class_t).reshape(-1)
    offs = (jnp.arange(bs, dtype=i32) * NP)[None, :, None]
    ev = edge_values.astype(i32).transpose(1, 0, 2, 3)
    origin = (ev[:, :, :, 0] + offs).reshape(T, E2)
    dest = (ev[:, :, :, 1] + offs).reshape(T, E2)
    zeros_buf = jnp.zeros((648, DP), f32)

    half = bs * NP
    name2_t0 = _sc_gather(obj_pad, class_p[:half], "sc_gather_names_t0")
    name2_t1 = _sc_gather(obj_pad, class_p[half:], "sc_gather_names_t1")
    h = _tc_init(name2_t0, states, w1a, ws2, cp, w2p, b2p, wih2)

    node_repr = None
    globs = []
    for t in range(T):
        xe = _sc_gather(h, origin[t], "sc_gather_edges")
        inp_e = _tc_edge(xe, et_cols, mk_cols, bmat, t)
        a = _sc_scatter(inp_e, dest[t], zeros_buf)
        if t == 0:
            t1_pack = (name2_t1, states, w1a, ws2, cp, w2p, b2p, wih2, whh2)
            node_repr, glob, h = _tc_update(a, h, vis_cols, wih1, whh1, bih1,
                                            bhh1, 0, T, N, None, t1_pack)
        else:
            node_repr, glob = _tc_update(a, h, vis_cols, wih1, whh1, bih1,
                                         bhh1, t, T, N, node_repr)
        globs.append(glob[:, 0, :D])

    global_repr = jnp.stack(globs, axis=1)
    return (node_repr, global_repr)

# --- scband reference (transcript-rebuilt; emitter-appended) ---
"""Pipeline reference for scband-graph-state-representation-40303973106315 (READ-ONLY COPY).

The authoritative reference and input builder live on the scoring server;
editing this copy changes nothing except your own understanding.
"""

import jax, jax.numpy as jnp
import numpy as np

BS, T, N, E = 2, 2, 10000, 1024
D = 100
NUM_STATES = 16
NUM_OBJECTS = 500
N_ETYPES = 16
N_STEPS = 3


def gru_cell(x, h, w_ih, w_hh, b_ih=None, b_hh=None):
    gi = x @ w_ih
    gh = h @ w_hh
    if b_ih is not None:
        gi = gi + b_ih
    if b_hh is not None:
        gh = gh + b_hh
    i_r, i_z, i_n = jnp.split(gi, 3, axis=-1)
    h_r, h_z, h_n = jnp.split(gh, 3, axis=-1)
    r = jax.nn.sigmoid(i_r + h_r)
    z = jax.nn.sigmoid(i_z + h_z)
    n = jnp.tanh(i_n + r * h_n)
    return (1.0 - z) * n + z * h


def setup_inputs(seed: int = 0):
    key = jax.random.key(seed)
    ks = jax.random.split(key, 24)
    s = 0.05
    inp = {}
    inp['class_names'] = jax.random.randint(ks[0], (BS, T, N), 0, NUM_OBJECTS)
    inp['states'] = jax.random.uniform(ks[1], (BS, T, N, NUM_STATES), dtype=jnp.float32)
    inp['edge_values'] = jax.random.randint(ks[2], (BS, T, E, 2), 0, N)
    inp['edge_types'] = jax.random.randint(ks[3], (BS, T, E), 0, N_ETYPES)
    inp['visibility'] = jax.random.uniform(ks[4], (BS, T, N), dtype=jnp.float32)
    inp['mask_edges'] = jax.random.uniform(ks[5], (BS, T, E), dtype=jnp.float32)
    inp['obj_emb'] = jax.random.normal(ks[6], (NUM_OBJECTS, D), dtype=jnp.float32) * s
    inp['W_state'] = jax.random.normal(ks[7], (NUM_STATES, D), dtype=jnp.float32) * s
    inp['b_state'] = jnp.zeros((D,), jnp.float32)
    inp['W1'] = jax.random.normal(ks[8], (2 * D, D), dtype=jnp.float32) * s
    inp['b1'] = jnp.zeros((D,), jnp.float32)
    inp['W2'] = jax.random.normal(ks[9], (D, D), dtype=jnp.float32) * s
    inp['b2'] = jnp.zeros((D,), jnp.float32)
    inp['edge_embed'] = jax.random.normal(ks[10], (N_ETYPES, D * D), dtype=jnp.float32) * s
    inp['gru1_wih'] = jax.random.normal(ks[11], (D, 3 * D), dtype=jnp.float32) * s
    inp['gru1_whh'] = jax.random.normal(ks[12], (D, 3 * D), dtype=jnp.float32) * s
    inp['gru1_bih'] = jnp.zeros((3 * D,), jnp.float32)
    inp['gru1_bhh'] = jnp.zeros((3 * D,), jnp.float32)
    inp['gru2_wih'] = jax.random.normal(ks[13], (D, 3 * D), dtype=jnp.float32) * s
    inp['gru2_whh'] = jax.random.normal(ks[14], (D, 3 * D), dtype=jnp.float32) * s
    return inp


def reference(class_names, states, edge_values, edge_types, visibility, mask_edges,
              obj_emb, W_state, b_state, W1, b1, W2, b2, edge_embed,
              gru1_wih, gru1_whh, gru1_bih, gru1_bhh, gru2_wih, gru2_whh):
    bs, t, n = class_names.shape
    # ClassNameStateRepresentation
    node_name = jnp.take(obj_emb, class_names, axis=0)  # [bs,T,N,D]
    state_e = states @ W_state + b_state                # [bs,T,N,D]
    x = jnp.concatenate([node_name, state_e], axis=-1)
    init = jax.nn.relu(x @ W1 + b1) @ W2 + b2           # [bs,T,N,D]

    h_t_flat = jnp.zeros((bs * n, D), jnp.float32)
    offsets = (jnp.arange(bs) * n)[:, None]
    node_reps = []
    for it in range(t):
        # outer GRU over timesteps (no bias)
        h_t_flat = gru_cell(init[:, it].reshape(-1, D), h_t_flat, gru2_wih, gru2_whh)
        feat_flat = h_t_flat  # out_feats == in_feats, so zero-pad is empty
        origin_flat = (edge_values[:, it, :, 0] + offsets).reshape(-1)
        dest_flat = (edge_values[:, it, :, 1] + offsets).reshape(-1)
        feat = feat_flat
        # Faithful to the torch code: feat_flat is NOT updated inside this loop
        for _ in range(N_STEPS):
            ee = jnp.take(edge_embed, edge_types[:, it].reshape(-1), axis=0).reshape(-1, D, D)
            ee = ee * mask_edges[:, it].reshape(-1)[:, None, None]
            fin = feat_flat[origin_flat][:, None, :]
            inp_e = (ee * fin).sum(-1)  # [bs*E, D]
            a_t = jnp.zeros((bs * n, D), jnp.float32).at[dest_flat].add(inp_e)
            feat = gru_cell(a_t, feat_flat, gru1_wih, gru1_whh, gru1_bih, gru1_bhh)
        node_repr = feat.reshape(bs, n, D) * visibility[:, it][:, :, None]
        node_reps.append(node_repr)
    node_representations = jnp.stack(node_reps, axis=1)  # [bs,T,N,D]
    num_nodes = visibility.sum(-1) + 1e-09               # [bs,T]
    global_repr = (node_representations * visibility[..., None]).sum(2) / num_nodes[:, :, None]
    return (node_representations, global_repr)

if __name__ == "__main__":
    import jax
    _d = setup_inputs()
    print(jax.jit(kernel)(*tuple(_d.values())))

</pallas_src>

<mosaic_0001>
#map = affine_map<(d0, d1) -> (0, 0)>
module attributes {stable_mosaic.version = 14 : i64} {
  func.func @sc_gather_names_t1(%arg0: i32, %arg1: i32, %arg2: memref<500x128xf32, #tpu.memory_space<hbm>>, %arg3: memref<256x128xi32, #tpu.memory_space<hbm>>, %arg4: memref<20480x128xf32, #tpu.memory_space<hbm>>, %arg5: memref<8x128xi32, #tpu.memory_space<vmem>>, %arg6: memref<128x128xf32, #tpu.memory_space<vmem>>, %arg7: memref<128x128xf32, #tpu.memory_space<vmem>>, %arg8: memref<!tpu.dma_semaphore, #tpu.memory_space<semaphore_mem>>, %arg9: memref<!tpu.dma_semaphore, #tpu.memory_space<semaphore_mem>>, %arg10: memref<!tpu.dma_semaphore, #tpu.memory_space<semaphore_mem>>, %arg11: memref<!tpu.dma_semaphore, #tpu.memory_space<semaphore_mem>>) attributes {dimension_semantics = [#tpu.dimension_semantics<core_parallel>, #tpu.dimension_semantics<subcore_parallel>], iteration_bounds = array<i64: 2, 16>, scalar_prefetch = 0 : i64, scratch_operands = 7 : i64, tpu.core_type = #tpu.core_type<sc_vector_subcore>, window_params = [{transform_indices = #map}, {transform_indices = #map}, {transform_indices = #map}]} {
    %mul3A = arith.constant 2 : i32
    %mul3A_0 = arith.muli %arg1, %mul3A : i32
    %add3A = arith.addi %mul3A_0, %arg0 : i32
    %mul3A_1 = arith.constant 5 : i32
    %mul3A_2 = arith.muli %add3A, %mul3A_1 : i32
    %mul3A_3 = arith.constant 8 : i32
    %mul3A_4 = arith.muli %add3A, %mul3A_3 : i32
    "tpu.region"() ({
      %run_scoped3A = tpu.sem_alloc : memref<!tpu.dma_semaphore, #tpu.memory_space<semaphore_mem>>
      %dma_start3A_133 = arith.constant 0 : i32
      %dma_start3A_134 = tpu.memref_slice %arg3[%mul3A_4, %dma_start3A_133] : memref<256x128xi32, #tpu.memory_space<hbm>> -> memref<8x128xi32, #tpu.memory_space<hbm>>
      %dma_start3A_135 = arith.constant 0 : i32
      %dma_start3A_136 = tpu.memref_slice %arg3[%mul3A_4, %dma_start3A_135] : memref<256x128xi32, #tpu.memory_space<hbm>> -> memref<8x128xi32, #tpu.memory_space<hbm>>
      tpu.enqueue_dma source(%dma_start3A_136 : memref<8x128xi32, #tpu.memory_space<hbm>>) target(%arg5 : memref<8x128xi32, #tpu.memory_space<vmem>>) target_semaphore(%run_scoped3A : memref<!tpu.dma_semaphore, #tpu.memory_space<semaphore_mem>>)
      %dma_wait3A_137 = arith.constant 0 : i32
      %dma_wait3A_138 = tpu.memref_slice %arg3[%mul3A_4, %dma_wait3A_137] : memref<256x128xi32, #tpu.memory_space<hbm>> -> memref<8x128xi32, #tpu.memory_space<hbm>>
      %dma_wait3A_139 = arith.constant 0 : i32
      %dma_wait3A_140 = tpu.memref_slice %arg3[%mul3A_4, %dma_wait3A_139] : memref<256x128xi32, #tpu.memory_space<hbm>> -> memref<8x128xi32, #tpu.memory_space<hbm>>
      tpu.wait_dma2 semaphore(%run_scoped3A : memref<!tpu.dma_semaphore, #tpu.memory_space<semaphore_mem>>) src(%dma_wait3A_140 : memref<8x128xi32, #tpu.memory_space<hbm>>) dst(%arg5 : memref<8x128xi32, #tpu.memory_space<vmem>>)
      tpu.yield
    }) : () -> ()
    %dma_start3A = arith.constant 0 : i32
    %dma_start3A_5 = arith.constant 0 : i32
    %dma_start3A_6 = tpu.memref_slice %arg5[%dma_start3A, %dma_start3A_5] : memref<8x128xi32, #tpu.memory_space<vmem>> -> memref<1x128xi32, #tpu.memory_space<vmem>>
    %dma_start3A_7 = tpu.memref_squeeze %dma_start3A_6 : memref<1x128xi32, #tpu.memory_space<vmem>> -> memref<128xi32, #tpu.memory_space<vmem>>
    %dma_start3A_8 = arith.constant 0 : i32
    %dma_start3A_9 = arith.constant 0 : i32
    %dma_start3A_10 = tpu.memref_slice %arg2[%dma_start3A_8, %dma_start3A_9] : memref<500x128xf32, #tpu.memory_space<hbm>> -> memref<500x128xf32, #tpu.memory_space<hbm>>
    tpu.enqueue_indirect_dma source(%dma_start3A_10 : memref<500x128xf32, #tpu.memory_space<hbm>>) target(%arg6 : memref<128x128xf32, #tpu.memory_space<vmem>>) offsets(%dma_start3A_7 : memref<128xi32, #tpu.memory_space<vmem>>) semaphore(%arg8 : memref<!tpu.dma_semaphore, #tpu.memory_space<semaphore_mem>>)
    %dma_start3A_11 = arith.constant 1 : i32
    %dma_start3A_12 = arith.constant 0 : i32
    %dma_start3A_13 = tpu.memref_slice %arg5[%dma_start3A_11, %dma_start3A_12] : memref<8x128xi32, #tpu.memory_space<vmem>> -> memref<1x128xi32, #tpu.memory_space<vmem>>
    %dma_start3A_14 = tpu.memref_squeeze %dma_start3A_13 : memref<1x128xi32, #tpu.memory_space<vmem>> -> memref<128xi32, #tpu.memory_space<vmem>>
    %dma_start3A_15 = arith.constant 0 : i32
    %dma_start3A_16 = arith.constant 0 : i32
    %dma_start3A_17 = tpu.memref_slice %arg2[%dma_start3A_15, %dma_start3A_16] : memref<500x128xf32, #tpu.memory_space<hbm>> -> memref<500x128xf32, #tpu.memory_space<hbm>>
    tpu.enqueue_indirect_dma source(%dma_start3A_17 : memref<500x128xf32, #tpu.memory_space<hbm>>) target(%arg7 : memref<128x128xf32, #tpu.memory_space<vmem>>) offsets(%dma_start3A_14 : memref<128xi32, #tpu.memory_space<vmem>>) semaphore(%arg9 : memref<!tpu.dma_semaphore, #tpu.memory_space<semaphore_mem>>)
    %dma_wait3A = arith.constant 0 : i32
    %dma_wait3A_18 = arith.constant 0 : i32
    %dma_wait3A_19 = tpu.memref_slice %arg5[%dma_wait3A, %dma_wait3A_18] : memref<8x128xi32, #tpu.memory_space<vmem>> -> memref<1x128xi32, #tpu.memory_space<vmem>>
    %dma_wait3A_20 = tpu.memref_squeeze %dma_wait3A_19 : memref<1x128xi32, #tpu.memory_space<vmem>> -> memref<128xi32, #tpu.memory_space<vmem>>
    %dma_wait3A_21 = arith.constant 0 : i32
    %dma_wait3A_22 = arith.constant 0 : i32
    %dma_wait3A_23 = tpu.memref_slice %arg2[%dma_wait3A_21, %dma_wait3A_22] : memref<500x128xf32, #tpu.memory_space<hbm>> -> memref<500x128xf32, #tpu.memory_space<hbm>>
    tpu.wait_indirect_dma semaphore(%arg8 : memref<!tpu.dma_semaphore, #tpu.memory_space<semaphore_mem>>) src(%dma_wait3A_23 : memref<500x128xf32, #tpu.memory_space<hbm>>) dst(%arg6 : memref<128x128xf32, #tpu.memory_space<vmem>>)
    %add3A_24 = arith.constant 0 : i32
    %add3A_25 = arith.addi %mul3A_2, %add3A_24 : i32
    %mul3A_26 = arith.constant 128 : i32
    %mul3A_27 = arith.muli %add3A_25, %mul3A_26 : i32
    %dma_start3A_28 = arith.constant 0 : i32
    %dma_start3A_29 = tpu.memref_slice %arg4[%mul3A_27, %dma_start3A_28] : memref<20480x128xf32, #tpu.memory_space<hbm>> -> memref<128x128xf32, #tpu.memory_space<hbm>>
    %dma_start3A_30 = arith.constant 0 : i32
    %dma_start3A_31 = tpu.memref_slice %arg4[%mul3A_27, %dma_start3A_30] : memref<20480x128xf32, #tpu.memory_space<hbm>> -> memref<128x128xf32, #tpu.memory_space<hbm>>
    tpu.enqueue_dma source(%arg6 : memref<128x128xf32, #tpu.memory_space<vmem>>) target(%dma_start3A_31 : memref<128x128xf32, #tpu.memory_space<hbm>>) target_semaphore(%arg10 : memref<!tpu.dma_semaphore, #tpu.memory_space<semaphore_mem>>)
    %dma_wait3A_32 = arith.constant 0 : i32
    %dma_wait3A_33 = tpu.memref_slice %arg4[%mul3A_27, %dma_wait3A_32] : memref<20480x128xf32, #tpu.memory_space<hbm>> -> memref<128x128xf32, #tpu.memory_space<hbm>>
    %dma_wait3A_34 = arith.constant 0 : i32
    %dma_wait3A_35 = tpu.memref_slice %arg4[%mul3A_27, %dma_wait3A_34] : memref<20480x128xf32, #tpu.memory_space<hbm>> -> memref<128x128xf32, #tpu.memory_space<hbm>>
    tpu.wait_dma2 semaphore(%arg10 : memref<!tpu.dma_semaphore, #tpu.memory_space<semaphore_mem>>) src(%arg6 : memref<128x128xf32, #tpu.memory_space<vmem>>) dst(%dma_wait3A_35 : memref<128x128xf32, #tpu.memory_space<hbm>>)
    %dma_start3A_36 = arith.constant 2 : i32
    %dma_start3A_37 = arith.constant 0 : i32
    %dma_start3A_38 = tpu.memref_slice %arg5[%dma_start3A_36, %dma_start3A_37] : memref<8x128xi32, #tpu.memory_space<vmem>> -> memref<1x128xi32, #tpu.memory_space<vmem>>
    %dma_start3A_39 = tpu.memref_squeeze %dma_start3A_38 : memref<1x128xi32, #tpu.memory_space<vmem>> -> memref<128xi32, #tpu.memory_space<vmem>>
    %dma_start3A_40 = arith.constant 0 : i32
    %dma_start3A_41 = arith.constant 0 : i32
    %dma_start3A_42 = tpu.memref_slice %arg2[%dma_start3A_40, %dma_start3A_41] : memref<500x128xf32, #tpu.memory_space<hbm>> -> memref<500x128xf32, #tpu.memory_space<hbm>>
    tpu.enqueue_indirect_dma source(%dma_start3A_42 : memref<500x128xf32, #tpu.memory_space<hbm>>) target(%arg6 : memref<128x128xf32, #tpu.memory_space<vmem>>) offsets(%dma_start3A_39 : memref<128xi32, #tpu.memory_space<vmem>>) semaphore(%arg8 : memref<!tpu.dma_semaphore, #tpu.memory_space<semaphore_mem>>)
    %dma_wait3A_43 = arith.constant 1 : i32
    %dma_wait3A_44 = arith.constant 0 : i32
    %dma_wait3A_45 = tpu.memref_slice %arg5[%dma_wait3A_43, %dma_wait3A_44] : memref<8x128xi32, #tpu.memory_space<vmem>> -> memref<1x128xi32, #tpu.memory_space<vmem>>
    %dma_wait3A_46 = tpu.memref_squeeze %dma_wait3A_45 : memref<1x128xi32, #tpu.memory_space<vmem>> -> memref<128xi32, #tpu.memory_space<vmem>>
    %dma_wait3A_47 = arith.constant 0 : i32
    %dma_wait3A_48 = arith.constant 0 : i32
    %dma_wait3A_49 = tpu.memref_slice %arg2[%dma_wait3A_47, %dma_wait3A_48] : memref<500x128xf32, #tpu.memory_space<hbm>> -> memref<500x128xf32, #tpu.memory_space<hbm>>
    tpu.wait_indirect_dma semaphore(%arg9 : memref<!tpu.dma_semaphore, #tpu.memory_space<semaphore_mem>>) src(%dma_wait3A_49 : memref<500x128xf32, #tpu.memory_space<hbm>>) dst(%arg7 : memref<128x128xf32, #tpu.memory_space<vmem>>)
    %add3A_50 = arith.constant 1 : i32
    %add3A_51 = arith.addi %mul3A_2, %add3A_50 : i32
    %mul3A_52 = arith.constant 128 : i32
    %mul3A_53 = arith.muli %add3A_51, %mul3A_52 : i32
    %dma_start3A_54 = arith.constant 0 : i32
    %dma_start3A_55 = tpu.memref_slice %arg4[%mul3A_53, %dma_start3A_54] : memref<20480x128xf32, #tpu.memory_space<hbm>> -> memref<128x128xf32, #tpu.memory_space<hbm>>
    %dma_start3A_56 = arith.constant 0 : i32
    %dma_start3A_57 = tpu.memref_slice %arg4[%mul3A_53, %dma_start3A_56] : memref<20480x128xf32, #tpu.memory_space<hbm>> -> memref<128x128xf32, #tpu.memory_space<hbm>>
    tpu.enqueue_dma source(%arg7 : memref<128x128xf32, #tpu.memory_space<vmem>>) target(%dma_start3A_57 : memref<128x128xf32, #tpu.memory_space<hbm>>) target_semaphore(%arg11 : memref<!tpu.dma_semaphore, #tpu.memory_space<semaphore_mem>>)
    %dma_wait3A_58 = arith.constant 0 : i32
    %dma_wait3A_59 = tpu.memref_slice %arg4[%mul3A_53, %dma_wait3A_58] : memref<20480x128xf32, #tpu.memory_space<hbm>> -> memref<128x128xf32, #tpu.memory_space<hbm>>
    %dma_wait3A_60 = arith.constant 0 : i32
    %dma_wait3A_61 = tpu.memref_slice %arg4[%mul3A_53, %dma_wait3A_60] : memref<20480x128xf32, #tpu.memory_space<hbm>> -> memref<128x128xf32, #tpu.memory_space<hbm>>
    tpu.wait_dma2 semaphore(%arg11 : memref<!tpu.dma_semaphore, #tpu.memory_space<semaphore_mem>>) src(%arg7 : memref<128x128xf32, #tpu.memory_space<vmem>>) dst(%dma_wait3A_61 : memref<128x128xf32, #tpu.memory_space<hbm>>)
    %dma_start3A_62 = arith.constant 3 : i32
    %dma_start3A_63 = arith.constant 0 : i32
    %dma_start3A_64 = tpu.memref_slice %arg5[%dma_start3A_62, %dma_start3A_63] : memref<8x128xi32, #tpu.memory_space<vmem>> -> memref<1x128xi32, #tpu.memory_space<vmem>>
    %dma_start3A_65 = tpu.memref_squeeze %dma_start3A_64 : memref<1x128xi32, #tpu.memory_space<vmem>> -> memref<128xi32, #tpu.memory_space<vmem>>
    %dma_start3A_66 = arith.constant 0 : i32
    %dma_start3A_67 = arith.constant 0 : i32
    %dma_start3A_68 = tpu.memref_slice %arg2[%dma_start3A_66, %dma_start3A_67] : memref<500x128xf32, #tpu.memory_space<hbm>> -> memref<500x128xf32, #tpu.memory_space<hbm>>
    tpu.enqueue_indirect_dma source(%dma_start3A_68 : memref<500x128xf32, #tpu.memory_space<hbm>>) target(%arg7 : memref<128x128xf32, #tpu.memory_space<vmem>>) offsets(%dma_start3A_65 : memref<128xi32, #tpu.memory_space<vmem>>) semaphore(%arg9 : memref<!tpu.dma_semaphore, #tpu.memory_space<semaphore_mem>>)
    %dma_wait3A_69 = arith.constant 2 : i32
    %dma_wait3A_70 = arith.constant 0 : i32
    %dma_wait3A_71 = tpu.memref_slice %arg5[%dma_wait3A_69, %dma_wait3A_70] : memref<8x128xi32, #tpu.memory_space<vmem>> -> memref<1x128xi32, #tpu.memory_space<vmem>>
    %dma_wait3A_72 = tpu.memref_squeeze %dma_wait3A_71 : memref<1x128xi32, #tpu.memory_space<vmem>> -> memref<128xi32, #tpu.memory_space<vmem>>
    %dma_wait3A_73 = arith.constant 0 : i32
    %dma_wait3A_74 = arith.constant 0 : i32
    %dma_wait3A_75 = tpu.memref_slice %arg2[%dma_wait3A_73, %dma_wait3A_74] : memref<500x128xf32, #tpu.memory_space<hbm>> -> memref<500x128xf32, #tpu.memory_space<hbm>>
    tpu.wait_indirect_dma semaphore(%arg8 : memref<!tpu.dma_semaphore, #tpu.memory_space<semaphore_mem>>) src(%dma_wait3A_75 : memref<500x128xf32, #tpu.memory_space<hbm>>) dst(%arg6 : memref<128x128xf32, #tpu.memory_space<vmem>>)
    %add3A_76 = arith.constant 2 : i32
    %add3A_77 = arith.addi %mul3A_2, %add3A_76 : i32
    %mul3A_78 = arith.constant 128 : i32
    %mul3A_79 = arith.muli %add3A_77, %mul3A_78 : i32
    %dma_start3A_80 = arith.constant 0 : i32
    %dma_start3A_81 = tpu.memref_slice %arg4[%mul3A_79, %dma_start3A_80] : memref<20480x128xf32, #tpu.memory_space<hbm>> -> memref<128x128xf32, #tpu.memory_space<hbm>>
    %dma_start3A_82 = arith.constant 0 : i32
    %dma_start3A_83 = tpu.memref_slice %arg4[%mul3A_79, %dma_start3A_82] : memref<20480x128xf32, #tpu.memory_space<hbm>> -> memref<128x128xf32, #tpu.memory_space<hbm>>
    tpu.enqueue_dma source(%arg6 : memref<128x128xf32, #tpu.memory_space<vmem>>) target(%dma_start3A_83 : memref<128x128xf32, #tpu.memory_space<hbm>>) target_semaphore(%arg10 : memref<!tpu.dma_semaphore, #tpu.memory_space<semaphore_mem>>)
    %dma_wait3A_84 = arith.constant 0 : i32
    %dma_wait3A_85 = tpu.memref_slice %arg4[%mul3A_79, %dma_wait3A_84] : memref<20480x128xf32, #tpu.memory_space<hbm>> -> memref<128x128xf32, #tpu.memory_space<hbm>>
    %dma_wait3A_86 = arith.constant 0 : i32
    %dma_wait3A_87 = tpu.memref_slice %arg4[%mul3A_79, %dma_wait3A_86] : memref<20480x128xf32, #tpu.memory_space<hbm>> -> memref<128x128xf32, #tpu.memory_space<hbm>>
    tpu.wait_dma2 semaphore(%arg10 : memref<!tpu.dma_semaphore, #tpu.memory_space<semaphore_mem>>) src(%arg6 : memref<128x128xf32, #tpu.memory_space<vmem>>) dst(%dma_wait3A_87 : memref<128x128xf32, #tpu.memory_space<hbm>>)
    %dma_start3A_88 = arith.constant 4 : i32
    %dma_start3A_89 = arith.constant 0 : i32
    %dma_start3A_90 = tpu.memref_slice %arg5[%dma_start3A_88, %dma_start3A_89] : memref<8x128xi32, #tpu.memory_space<vmem>> -> memref<1x128xi32, #tpu.memory_space<vmem>>
    %dma_start3A_91 = tpu.memref_squeeze %dma_start3A_90 : memref<1x128xi32, #tpu.memory_space<vmem>> -> memref<128xi32, #tpu.memory_space<vmem>>
    %dma_start3A_92 = arith.constant 0 : i32
    %dma_start3A_93 = arith.constant 0 : i32
    %dma_start3A_94 = tpu.memref_slice %arg2[%dma_start3A_92, %dma_start3A_93] : memref<500x128xf32, #tpu.memory_space<hbm>> -> memref<500x128xf32, #tpu.memory_space<hbm>>
    tpu.enqueue_indirect_dma source(%dma_start3A_94 : memref<500x128xf32, #tpu.memory_space<hbm>>) target(%arg6 : memref<128x128xf32, #tpu.memory_space<vmem>>) offsets(%dma_start3A_91 : memref<128xi32, #tpu.memory_space<vmem>>) semaphore(%arg8 : memref<!tpu.dma_semaphore, #tpu.memory_space<semaphore_mem>>)
    %dma_wait3A_95 = arith.constant 3 : i32
    %dma_wait3A_96 = arith.constant 0 : i32
    %dma_wait3A_97 = tpu.memref_slice %arg5[%dma_wait3A_95, %dma_wait3A_96] : memref<8x128xi32, #tpu.memory_space<vmem>> -> memref<1x128xi32, #tpu.memory_space<vmem>>
    %dma_wait3A_98 = tpu.memref_squeeze %dma_wait3A_97 : memref<1x128xi32, #tpu.memory_space<vmem>> -> memref<128xi32, #tpu.memory_space<vmem>>
    %dma_wait3A_99 = arith.constant 0 : i32
    %dma_wait3A_100 = arith.constant 0 : i32
    %dma_wait3A_101 = tpu.memref_slice %arg2[%dma_wait3A_99, %dma_wait3A_100] : memref<500x128xf32, #tpu.memory_space<hbm>> -> memref<500x128xf32, #tpu.memory_space<hbm>>
    tpu.wait_indirect_dma semaphore(%arg9 : memref<!tpu.dma_semaphore, #tpu.memory_space<semaphore_mem>>) src(%dma_wait3A_101 : memref<500x128xf32, #tpu.memory_space<hbm>>) dst(%arg7 : memref<128x128xf32, #tpu.memory_space<vmem>>)
    %add3A_102 = arith.constant 3 : i32
    %add3A_103 = arith.addi %mul3A_2, %add3A_102 : i32
    %mul3A_104 = arith.constant 128 : i32
    %mul3A_105 = arith.muli %add3A_103, %mul3A_104 : i32
    %dma_start3A_106 = arith.constant 0 : i32
    %dma_start3A_107 = tpu.memref_slice %arg4[%mul3A_105, %dma_start3A_106] : memref<20480x128xf32, #tpu.memory_space<hbm>> -> memref<128x128xf32, #tpu.memory_space<hbm>>
    %dma_start3A_108 = arith.constant 0 : i32
    %dma_start3A_109 = tpu.memref_slice %arg4[%mul3A_105, %dma_start3A_108] : memref<20480x128xf32, #tpu.memory_space<hbm>> -> memref<128x128xf32, #tpu.memory_space<hbm>>
    tpu.enqueue_dma source(%arg7 : memref<128x128xf32, #tpu.memory_space<vmem>>) target(%dma_start3A_109 : memref<128x128xf32, #tpu.memory_space<hbm>>) target_semaphore(%arg11 : memref<!tpu.dma_semaphore, #tpu.memory_space<semaphore_mem>>)
    %dma_wait3A_110 = arith.constant 4 : i32
    %dma_wait3A_111 = arith.constant 0 : i32
    %dma_wait3A_112 = tpu.memref_slice %arg5[%dma_wait3A_110, %dma_wait3A_111] : memref<8x128xi32, #tpu.memory_space<vmem>> -> memref<1x128xi32, #tpu.memory_space<vmem>>
    %dma_wait3A_113 = tpu.memref_squeeze %dma_wait3A_112 : memref<1x128xi32, #tpu.memory_space<vmem>> -> memref<128xi32, #tpu.memory_space<vmem>>
    %dma_wait3A_114 = arith.constant 0 : i32
    %dma_wait3A_115 = arith.constant 0 : i32
    %dma_wait3A_116 = tpu.memref_slice %arg2[%dma_wait3A_114, %dma_wait3A_115] : memref<500x128xf32, #tpu.memory_space<hbm>> -> memref<500x128xf32, #tpu.memory_space<hbm>>
    tpu.wait_indirect_dma semaphore(%arg8 : memref<!tpu.dma_semaphore, #tpu.memory_space<semaphore_mem>>) src(%dma_wait3A_116 : memref<500x128xf32, #tpu.memory_space<hbm>>) dst(%arg6 : memref<128x128xf32, #tpu.memory_space<vmem>>)
    %add3A_117 = arith.constant 4 : i32
    %add3A_118 = arith.addi %mul3A_2, %add3A_117 : i32
    %mul3A_119 = arith.constant 128 : i32
    %mul3A_120 = arith.muli %add3A_118, %mul3A_119 : i32
    %dma_start3A_121 = arith.constant 0 : i32
    %dma_start3A_122 = tpu.memref_slice %arg4[%mul3A_120, %dma_start3A_121] : memref<20480x128xf32, #tpu.memory_space<hbm>> -> memref<128x128xf32, #tpu.memory_space<hbm>>
    %dma_start3A_123 = arith.constant 0 : i32
    %dma_start3A_124 = tpu.memref_slice %arg4[%mul3A_120, %dma_start3A_123] : memref<20480x128xf32, #tpu.memory_space<hbm>> -> memref<128x128xf32, #tpu.memory_space<hbm>>
    tpu.enqueue_dma source(%arg6 : memref<128x128xf32, #tpu.memory_space<vmem>>) target(%dma_start3A_124 : memref<128x128xf32, #tpu.memory_space<hbm>>) target_semaphore(%arg10 : memref<!tpu.dma_semaphore, #tpu.memory_space<semaphore_mem>>)
    %dma_wait3A_125 = arith.constant 0 : i32
    %dma_wait3A_126 = tpu.memref_slice %arg4[%mul3A_105, %dma_wait3A_125] : memref<20480x128xf32, #tpu.memory_space<hbm>> -> memref<128x128xf32, #tpu.memory_space<hbm>>
    %dma_wait3A_127 = arith.constant 0 : i32
    %dma_wait3A_128 = tpu.memref_slice %arg4[%mul3A_105, %dma_wait3A_127] : memref<20480x128xf32, #tpu.memory_space<hbm>> -> memref<128x128xf32, #tpu.memory_space<hbm>>
    tpu.wait_dma2 semaphore(%arg11 : memref<!tpu.dma_semaphore, #tpu.memory_space<semaphore_mem>>) src(%arg7 : memref<128x128xf32, #tpu.memory_space<vmem>>) dst(%dma_wait3A_128 : memref<128x128xf32, #tpu.memory_space<hbm>>)
    %dma_wait3A_129 = arith.constant 0 : i32
    %dma_wait3A_130 = tpu.memref_slice %arg4[%mul3A_120, %dma_wait3A_129] : memref<20480x128xf32, #tpu.memory_space<hbm>> -> memref<128x128xf32, #tpu.memory_space<hbm>>
    %dma_wait3A_131 = arith.constant 0 : i32
    %dma_wait3A_132 = tpu.memref_slice %arg4[%mul3A_120, %dma_wait3A_131] : memref<20480x128xf32, #tpu.memory_space<hbm>> -> memref<128x128xf32, #tpu.memory_space<hbm>>
    tpu.wait_dma2 semaphore(%arg10 : memref<!tpu.dma_semaphore, #tpu.memory_space<semaphore_mem>>) src(%arg6 : memref<128x128xf32, #tpu.memory_space<vmem>>) dst(%dma_wait3A_132 : memref<128x128xf32, #tpu.memory_space<hbm>>)
    return
  }
}

#map = affine_map<(d0, d1) -> (0, 0)>
#map1 = affine_map<(d0, d1) -> (0)>
module attributes {stable_mosaic.version = 14 : i64} {
  func.func @sc_scatter_add(%arg0: i32, %arg1: i32, %arg2: memref<2048x128xf32, #tpu.memory_space<hbm>>, %arg3: memref<2048xi32, #tpu.memory_space<hbm>>, %arg4: memref<648x128xf32, #tpu.memory_space<hbm>>, %arg5: memref<20480x128xf32, #tpu.memory_space<hbm>>, %arg6: memref<128xi32, #tpu.memory_space<vmem>>, %arg7: memref<128x128xf32, #tpu.memory_space<vmem>>, %arg8: memref<10248x128xf32, #tpu.memory_space<vmem_shared>>, %arg9: memref<!tpu.dma_semaphore, #tpu.memory_space<semaphore_mem>>) attributes {dimension_semantics = [#tpu.dimension_semantics<core_parallel>, #tpu.dimension_semantics<subcore_parallel>], iteration_bounds = array<i64: 2, 16>, scalar_prefetch = 0 : i64, scratch_operands = 4 : i64, tpu.core_type = #tpu.core_type<sc_vector_subcore>, window_params = [{transform_indices = #map}, {transform_indices = #map1}, {transform_indices = #map}, {transform_indices = #map}]} {
    %mul3A = arith.constant 10240 : i32
    %mul3A_0 = arith.muli %arg0, %mul3A : i32
    %mul3A_1 = arith.constant 640 : i32
    %mul3A_2 = arith.muli %arg1, %mul3A_1 : i32
    "tpu.region"() ({
      %run_scoped3A = tpu.sem_alloc : memref<!tpu.dma_semaphore, #tpu.memory_space<semaphore_mem>>
      %dma_start3A = arith.constant 0 : i32
      %dma_start3A_157 = tpu.memref_slice %arg8[%mul3A_2, %dma_start3A] : memref<10248x128xf32, #tpu.memory_space<vmem_shared>> -> memref<640x128xf32, #tpu.memory_space<vmem_shared>>
      %dma_start3A_158 = arith.constant 0 : i32
      %dma_start3A_159 = arith.constant 0 : i32
      %dma_start3A_160 = tpu.memref_slice %arg4[%dma_start3A_158, %dma_start3A_159] : memref<648x128xf32, #tpu.memory_space<hbm>> -> memref<640x128xf32, #tpu.memory_space<hbm>>
      tpu.enqueue_dma source(%dma_start3A_160 : memref<640x128xf32, #tpu.memory_space<hbm>>) target(%dma_start3A_157 : memref<640x128xf32, #tpu.memory_space<vmem_shared>>) target_semaphore(%run_scoped3A : memref<!tpu.dma_semaphore, #tpu.memory_space<semaphore_mem>>)
      %dma_wait3A = arith.constant 0 : i32
      %dma_wait3A_161 = tpu.memref_slice %arg8[%mul3A_2, %dma_wait3A] : memref<10248x128xf32, #tpu.memory_space<vmem_shared>> -> memref<640x128xf32, #tpu.memory_space<vmem_shared>>
      %dma_wait3A_162 = arith.constant 0 : i32
      %dma_wait3A_163 = arith.constant 0 : i32
      %dma_wait3A_164 = tpu.memref_slice %arg4[%dma_wait3A_162, %dma_wait3A_163] : memref<648x128xf32, #tpu.memory_space<hbm>> -> memref<640x128xf32, #tpu.memory_space<hbm>>
      tpu.wait_dma2 semaphore(%run_scoped3A : memref<!tpu.dma_semaphore, #tpu.memory_space<semaphore_mem>>) src(%dma_wait3A_164 : memref<640x128xf32, #tpu.memory_space<hbm>>) dst(%dma_wait3A_161 : memref<640x128xf32, #tpu.memory_space<vmem_shared>>)
      tpu.yield
    }) : () -> ()
    %eq3A = arith.constant 0 : i32
    %eq3A_3 = arith.cmpi eq, %arg1, %eq3A : i32
    %convert_element_type3A = arith.extui %eq3A_3 : i1 to i32
    %cond3A = arith.constant 0 : i32
    %cond3A_4 = arith.cmpi ne, %convert_element_type3A, %cond3A : i32
    scf.if %cond3A_4 {
      "tpu.region"() ({
        %run_scoped3A = tpu.sem_alloc : memref<!tpu.dma_semaphore, #tpu.memory_space<semaphore_mem>>
        %dma_start3A = arith.constant 10240 : i32
        %dma_start3A_157 = arith.constant 0 : i32
        %dma_start3A_158 = tpu.memref_slice %arg8[%dma_start3A, %dma_start3A_157] : memref<10248x128xf32, #tpu.memory_space<vmem_shared>> -> memref<8x128xf32, #tpu.memory_space<vmem_shared>>
        %dma_start3A_159 = arith.constant 640 : i32
        %dma_start3A_160 = arith.constant 0 : i32
        %dma_start3A_161 = tpu.memref_slice %arg4[%dma_start3A_159, %dma_start3A_160] : memref<648x128xf32, #tpu.memory_space<hbm>> -> memref<8x128xf32, #tpu.memory_space<hbm>>
        tpu.enqueue_dma source(%dma_start3A_161 : memref<8x128xf32, #tpu.memory_space<hbm>>) target(%dma_start3A_158 : memref<8x128xf32, #tpu.memory_space<vmem_shared>>) target_semaphore(%run_scoped3A : memref<!tpu.dma_semaphore, #tpu.memory_space<semaphore_mem>>)
        %dma_wait3A = arith.constant 10240 : i32
        %dma_wait3A_162 = arith.constant 0 : i32
        %dma_wait3A_163 = tpu.memref_slice %arg8[%dma_wait3A, %dma_wait3A_162] : memref<10248x128xf32, #tpu.memory_space<vmem_shared>> -> memref<8x128xf32, #tpu.memory_space<vmem_shared>>
        %dma_wait3A_164 = arith.constant 640 : i32
        %dma_wait3A_165 = arith.constant 0 : i32
        %dma_wait3A_166 = tpu.memref_slice %arg4[%dma_wait3A_164, %dma_wait3A_165] : memref<648x128xf32, #tpu.memory_space<hbm>> -> memref<8x128xf32, #tpu.memory_space<hbm>>
        tpu.wait_dma2 semaphore(%run_scoped3A : memref<!tpu.dma_semaphore, #tpu.memory_space<semaphore_mem>>) src(%dma_wait3A_166 : memref<8x128xf32, #tpu.memory_space<hbm>>) dst(%dma_wait3A_163 : memref<8x128xf32, #tpu.memory_space<vmem_shared>>)
        tpu.yield
      }) : () -> ()
    } else {
    }
    %barrier3A = arith.constant 0 : index
    tpu.barrier barrier_id(%barrier3A)
    %mul3A_5 = arith.constant 128 : i32
    %mul3A_6 = arith.muli %arg1, %mul3A_5 : i32
    "tpu.region"() ({
      %run_scoped3A = tpu.sem_alloc : memref<!tpu.dma_semaphore, #tpu.memory_space<semaphore_mem>>
      %dma_start3A = tpu.memref_slice %arg3[%mul3A_6] : memref<2048xi32, #tpu.memory_space<hbm>> -> memref<128xi32, #tpu.memory_space<hbm>>
      %dma_start3A_157 = tpu.memref_slice %arg3[%mul3A_6] : memref<2048xi32, #tpu.memory_space<hbm>> -> memref<128xi32, #tpu.memory_space<hbm>>
      tpu.enqueue_dma source(%dma_start3A_157 : memref<128xi32, #tpu.memory_space<hbm>>) target(%arg6 : memref<128xi32, #tpu.memory_space<vmem>>) target_semaphore(%run_scoped3A : memref<!tpu.dma_semaphore, #tpu.memory_space<semaphore_mem>>)
      %dma_wait3A = tpu.memref_slice %arg3[%mul3A_6] : memref<2048xi32, #tpu.memory_space<hbm>> -> memref<128xi32, #tpu.memory_space<hbm>>
      %dma_wait3A_158 = tpu.memref_slice %arg3[%mul3A_6] : memref<2048xi32, #tpu.memory_space<hbm>> -> memref<128xi32, #tpu.memory_space<hbm>>
      tpu.wait_dma2 semaphore(%run_scoped3A : memref<!tpu.dma_semaphore, #tpu.memory_space<semaphore_mem>>) src(%dma_wait3A_158 : memref<128xi32, #tpu.memory_space<hbm>>) dst(%arg6 : memref<128xi32, #tpu.memory_space<vmem>>)
      tpu.yield
    }) : () -> ()
    %get3A = arith.constant 0 : index
    %get3A_7 = tpu.vector_load %arg6[%get3A] {strides = array<i32>} : memref<128xi32, #tpu.memory_space<vmem>>, vector<16xi32>,
    %get3A_8 = vector.shape_cast %get3A_7 : vector<16xi32> to vector<16xi32>
    %sub3A = vector.broadcast %mul3A_0 : i32 to vector<16xi32>
    %sub3A_9 = arith.subi %get3A_8, %sub3A : vector<16xi32>
    %lt3A = arith.constant 0 : i32
    %lt3A_10 = vector.broadcast %lt3A : i32 to vector<16xi32>
    %lt3A_11 = arith.cmpi slt, %sub3A_9, %lt3A_10 : vector<16xi32>
    %ge3A = arith.constant 10240 : i32
    %ge3A_12 = vector.broadcast %ge3A : i32 to vector<16xi32>
    %ge3A_13 = arith.cmpi sge, %sub3A_9, %ge3A_12 : vector<16xi32>
    %or3A = arith.ori %lt3A_11, %ge3A_13 : vector<16xi1>
    %jit3A = arith.constant 10240 : i32
    %broadcast_in_dim3A = vector.broadcast %jit3A : i32 to vector<16xi32>
    %select_n3A = arith.select %or3A, %broadcast_in_dim3A, %sub3A_9 : vector<16xi1>, vector<16xi32>
    %swap3A = arith.constant 0 : index
    %swap3A_14 = tpu.vector_load %arg6[%swap3A] {strides = array<i32>} : memref<128xi32, #tpu.memory_space<vmem>>, vector<16xi32>,
    %swap3A_15 = vector.shape_cast %swap3A_14 : vector<16xi32> to vector<16xi32>
    %swap3A_16 = vector.shape_cast %select_n3A : vector<16xi32> to vector<16xi32>
    tpu.vector_store %arg6[%swap3A], %swap3A_16 {strides = array<i32>} : memref<128xi32, #tpu.memory_space<vmem>>, vector<16xi32>,
    %get3A_17 = arith.constant 16 : index
    %get3A_18 = tpu.vector_load %arg6[%get3A_17] {strides = array<i32>} : memref<128xi32, #tpu.memory_space<vmem>>, vector<16xi32>,
    %get3A_19 = vector.shape_cast %get3A_18 : vector<16xi32> to vector<16xi32>
    %sub3A_20 = vector.broadcast %mul3A_0 : i32 to vector<16xi32>
    %sub3A_21 = arith.subi %get3A_19, %sub3A_20 : vector<16xi32>
    %lt3A_22 = arith.constant 0 : i32
    %lt3A_23 = vector.broadcast %lt3A_22 : i32 to vector<16xi32>
    %lt3A_24 = arith.cmpi slt, %sub3A_21, %lt3A_23 : vector<16xi32>
    %ge3A_25 = arith.constant 10240 : i32
    %ge3A_26 = vector.broadcast %ge3A_25 : i32 to vector<16xi32>
    %ge3A_27 = arith.cmpi sge, %sub3A_21, %ge3A_26 : vector<16xi32>
    %or3A_28 = arith.ori %lt3A_24, %ge3A_27 : vector<16xi1>
    %jit3A_29 = arith.constant 10240 : i32
    %broadcast_in_dim3A_30 = vector.broadcast %jit3A_29 : i32 to vector<16xi32>
    %select_n3A_31 = arith.select %or3A_28, %broadcast_in_dim3A_30, %sub3A_21 : vector<16xi1>, vector<16xi32>
    %swap3A_32 = arith.constant 16 : index
    %swap3A_33 = tpu.vector_load %arg6[%swap3A_32] {strides = array<i32>} : memref<128xi32, #tpu.memory_space<vmem>>, vector<16xi32>,
    %swap3A_34 = vector.shape_cast %swap3A_33 : vector<16xi32> to vector<16xi32>
    %swap3A_35 = vector.shape_cast %select_n3A_31 : vector<16xi32> to vector<16xi32>
    tpu.vector_store %arg6[%swap3A_32], %swap3A_35 {strides = array<i32>} : memref<128xi32, #tpu.memory_space<vmem>>, vector<16xi32>,
    %get3A_36 = arith.constant 32 : index
    %get3A_37 = tpu.vector_load %arg6[%get3A_36] {strides = array<i32>} : memref<128xi32, #tpu.memory_space<vmem>>, vector<16xi32>,
    %get3A_38 = vector.shape_cast %get3A_37 : vector<16xi32> to vector<16xi32>
    %sub3A_39 = vector.broadcast %mul3A_0 : i32 to vector<16xi32>
    %sub3A_40 = arith.subi %get3A_38, %sub3A_39 : vector<16xi32>
    %lt3A_41 = arith.constant 0 : i32
    %lt3A_42 = vector.broadcast %lt3A_41 : i32 to vector<16xi32>
    %lt3A_43 = arith.cmpi slt, %sub3A_40, %lt3A_42 : vector<16xi32>
    %ge3A_44 = arith.constant 10240 : i32
    %ge3A_45 = vector.broadcast %ge3A_44 : i32 to vector<16xi32>
    %ge3A_46 = arith.cmpi sge, %sub3A_40, %ge3A_45 : vector<16xi32>
    %or3A_47 = arith.ori %lt3A_43, %ge3A_46 : vector<16xi1>
    %jit3A_48 = arith.constant 10240 : i32
    %broadcast_in_dim3A_49 = vector.broadcast %jit3A_48 : i32 to vector<16xi32>
    %select_n3A_50 = arith.select %or3A_47, %broadcast_in_dim3A_49, %sub3A_40 : vector<16xi1>, vector<16xi32>
    %swap3A_51 = arith.constant 32 : index
    %swap3A_52 = tpu.vector_load %arg6[%swap3A_51] {strides = array<i32>} : memref<128xi32, #tpu.memory_space<vmem>>, vector<16xi32>,
    %swap3A_53 = vector.shape_cast %swap3A_52 : vector<16xi32> to vector<16xi32>
    %swap3A_54 = vector.shape_cast %select_n3A_50 : vector<16xi32> to vector<16xi32>
    tpu.vector_store %arg6[%swap3A_51], %swap3A_54 {strides = array<i32>} : memref<128xi32, #tpu.memory_space<vmem>>, vector<16xi32>,
    %get3A_55 = arith.constant 48 : index
    %get3A_56 = tpu.vector_load %arg6[%get3A_55] {strides = array<i32>} : memref<128xi32, #tpu.memory_space<vmem>>, vector<16xi32>,
    %get3A_57 = vector.shape_cast %get3A_56 : vector<16xi32> to vector<16xi32>
    %sub3A_58 = vector.broadcast %mul3A_0 : i32 to vector<16xi32>
    %sub3A_59 = arith.subi %get3A_57, %sub3A_58 : vector<16xi32>
    %lt3A_60 = arith.constant 0 : i32
    %lt3A_61 = vector.broadcast %lt3A_60 : i32 to vector<16xi32>
    %lt3A_62 = arith.cmpi slt, %sub3A_59, %lt3A_61 : vector<16xi32>
    %ge3A_63 = arith.constant 10240 : i32
    %ge3A_64 = vector.broadcast %ge3A_63 : i32 to vector<16xi32>
    %ge3A_65 = arith.cmpi sge, %sub3A_59, %ge3A_64 : vector<16xi32>
    %or3A_66 = arith.ori %lt3A_62, %ge3A_65 : vector<16xi1>
    %jit3A_67 = arith.constant 10240 : i32
    %broadcast_in_dim3A_68 = vector.broadcast %jit3A_67 : i32 to vector<16xi32>
    %select_n3A_69 = arith.select %or3A_66, %broadcast_in_dim3A_68, %sub3A_59 : vector<16xi1>, vector<16xi32>
    %swap3A_70 = arith.constant 48 : index
    %swap3A_71 = tpu.vector_load %arg6[%swap3A_70] {strides = array<i32>} : memref<128xi32, #tpu.memory_space<vmem>>, vector<16xi32>,
    %swap3A_72 = vector.shape_cast %swap3A_71 : vector<16xi32> to vector<16xi32>
    %swap3A_73 = vector.shape_cast %select_n3A_69 : vector<16xi32> to vector<16xi32>
    tpu.vector_store %arg6[%swap3A_70], %swap3A_73 {strides = array<i32>} : memref<128xi32, #tpu.memory_space<vmem>>, vector<16xi32>,
    %get3A_74 = arith.constant 64 : index
    %get3A_75 = tpu.vector_load %arg6[%get3A_74] {strides = array<i32>} : memref<128xi32, #tpu.memory_space<vmem>>, vector<16xi32>,
    %get3A_76 = vector.shape_cast %get3A_75 : vector<16xi32> to vector<16xi32>
    %sub3A_77 = vector.broadcast %mul3A_0 : i32 to vector<16xi32>
    %sub3A_78 = arith.subi %get3A_76, %sub3A_77 : vector<16xi32>
    %lt3A_79 = arith.constant 0 : i32
    %lt3A_80 = vector.broadcast %lt3A_79 : i32 to vector<16xi32>
    %lt3A_81 = arith.cmpi slt, %sub3A_78, %lt3A_80 : vector<16xi32>
    %ge3A_82 = arith.constant 10240 : i32
    %ge3A_83 = vector.broadcast %ge3A_82 : i32 to vector<16xi32>
    %ge3A_84 = arith.cmpi sge, %sub3A_78, %ge3A_83 : vector<16xi32>
    %or3A_85 = arith.ori %lt3A_81, %ge3A_84 : vector<16xi1>
    %jit3A_86 = arith.constant 10240 : i32
    %broadcast_in_dim3A_87 = vector.broadcast %jit3A_86 : i32 to vector<16xi32>
    %select_n3A_88 = arith.select %or3A_85, %broadcast_in_dim3A_87, %sub3A_78 : vector<16xi1>, vector<16xi32>
    %swap3A_89 = arith.constant 64 : index
    %swap3A_90 = tpu.vector_load %arg6[%swap3A_89] {strides = array<i32>} : memref<128xi32, #tpu.memory_space<vmem>>, vector<16xi32>,
    %swap3A_91 = vector.shape_cast %swap3A_90 : vector<16xi32> to vector<16xi32>
    %swap3A_92 = vector.shape_cast %select_n3A_88 : vector<16xi32> to vector<16xi32>
    tpu.vector_store %arg6[%swap3A_89], %swap3A_92 {strides = array<i32>} : memref<128xi32, #tpu.memory_space<vmem>>, vector<16xi32>,
    %get3A_93 = arith.constant 80 : index
    %get3A_94 = tpu.vector_load %arg6[%get3A_93] {strides = array<i32>} : memref<128xi32, #tpu.memory_space<vmem>>, vector<16xi32>,
    %get3A_95 = vector.shape_cast %get3A_94 : vector<16xi32> to vector<16xi32>
    %sub3A_96 = vector.broadcast %mul3A_0 : i32 to vector<16xi32>
    %sub3A_97 = arith.subi %get3A_95, %sub3A_96 : vector<16xi32>
    %lt3A_98 = arith.constant 0 : i32
    %lt3A_99 = vector.broadcast %lt3A_98 : i32 to vector<16xi32>
    %lt3A_100 = arith.cmpi slt, %sub3A_97, %lt3A_99 : vector<16xi32>
    %ge3A_101 = arith.constant 10240 : i32
    %ge3A_102 = vector.broadcast %ge3A_101 : i32 to vector<16xi32>
    %ge3A_103 = arith.cmpi sge, %sub3A_97, %ge3A_102 : vector<16xi32>
    %or3A_104 = arith.ori %lt3A_100, %ge3A_103 : vector<16xi1>
    %jit3A_105 = arith.constant 10240 : i32
    %broadcast_in_dim3A_106 = vector.broadcast %jit3A_105 : i32 to vector<16xi32>
    %select_n3A_107 = arith.select %or3A_104, %broadcast_in_dim3A_106, %sub3A_97 : vector<16xi1>, vector<16xi32>
    %swap3A_108 = arith.constant 80 : index
    %swap3A_109 = tpu.vector_load %arg6[%swap3A_108] {strides = array<i32>} : memref<128xi32, #tpu.memory_space<vmem>>, vector<16xi32>,
    %swap3A_110 = vector.shape_cast %swap3A_109 : vector<16xi32> to vector<16xi32>
    %swap3A_111 = vector.shape_cast %select_n3A_107 : vector<16xi32> to vector<16xi32>
    tpu.vector_store %arg6[%swap3A_108], %swap3A_111 {strides = array<i32>} : memref<128xi32, #tpu.memory_space<vmem>>, vector<16xi32>,
    %get3A_112 = arith.constant 96 : index
    %get3A_113 = tpu.vector_load %arg6[%get3A_112] {strides = array<i32>} : memref<128xi32, #tpu.memory_space<vmem>>, vector<16xi32>,
    %get3A_114 = vector.shape_cast %get3A_113 : vector<16xi32> to vector<16xi32>
    %sub3A_115 = vector.broadcast %mul3A_0 : i32 to vector<16xi32>
    %sub3A_116 = arith.subi %get3A_114, %sub3A_115 : vector<16xi32>
    %lt3A_117 = arith.constant 0 : i32
    %lt3A_118 = vector.broadcast %lt3A_117 : i32 to vector<16xi32>
    %lt3A_119 = arith.cmpi slt, %sub3A_116, %lt3A_118 : vector<16xi32>
    %ge3A_120 = arith.constant 10240 : i32
    %ge3A_121 = vector.broadcast %ge3A_120 : i32 to vector<16xi32>
    %ge3A_122 = arith.cmpi sge, %sub3A_116, %ge3A_121 : vector<16xi32>
    %or3A_123 = arith.ori %lt3A_119, %ge3A_122 : vector<16xi1>
    %jit3A_124 = arith.constant 10240 : i32
    %broadcast_in_dim3A_125 = vector.broadcast %jit3A_124 : i32 to vector<16xi32>
    %select_n3A_126 = arith.select %or3A_123, %broadcast_in_dim3A_125, %sub3A_116 : vector<16xi1>, vector<16xi32>
    %swap3A_127 = arith.constant 96 : index
    %swap3A_128 = tpu.vector_load %arg6[%swap3A_127] {strides = array<i32>} : memref<128xi32, #tpu.memory_space<vmem>>, vector<16xi32>,
    %swap3A_129 = vector.shape_cast %swap3A_128 : vector<16xi32> to vector<16xi32>
    %swap3A_130 = vector.shape_cast %select_n3A_126 : vector<16xi32> to vector<16xi32>
    tpu.vector_store %arg6[%swap3A_127], %swap3A_130 {strides = array<i32>} : memref<128xi32, #tpu.memory_space<vmem>>, vector<16xi32>,
    %get3A_131 = arith.constant 112 : index
    %get3A_132 = tpu.vector_load %arg6[%get3A_131] {strides = array<i32>} : memref<128xi32, #tpu.memory_space<vmem>>, vector<16xi32>,
    %get3A_133 = vector.shape_cast %get3A_132 : vector<16xi32> to vector<16xi32>
    %sub3A_134 = vector.broadcast %mul3A_0 : i32 to vector<16xi32>
    %sub3A_135 = arith.subi %get3A_133, %sub3A_134 : vector<16xi32>
    %lt3A_136 = arith.constant 0 : i32
    %lt3A_137 = vector.broadcast %lt3A_136 : i32 to vector<16xi32>
    %lt3A_138 = arith.cmpi slt, %sub3A_135, %lt3A_137 : vector<16xi32>
    %ge3A_139 = arith.constant 10240 : i32
    %ge3A_140 = vector.broadcast %ge3A_139 : i32 to vector<16xi32>
    %ge3A_141 = arith.cmpi sge, %sub3A_135, %ge3A_140 : vector<16xi32>
    %or3A_142 = arith.ori %lt3A_138, %ge3A_141 : vector<16xi1>
    %jit3A_143 = arith.constant 10240 : i32
    %broadcast_in_dim3A_144 = vector.broadcast %jit3A_143 : i32 to vector<16xi32>
    %select_n3A_145 = arith.select %or3A_142, %broadcast_in_dim3A_144, %sub3A_135 : vector<16xi1>, vector<16xi32>
    %swap3A_146 = arith.constant 112 : index
    %swap3A_147 = tpu.vector_load %arg6[%swap3A_146] {strides = array<i32>} : memref<128xi32, #tpu.memory_space<vmem>>, vector<16xi32>,
    %swap3A_148 = vector.shape_cast %swap3A_147 : vector<16xi32> to vector<16xi32>
    %swap3A_149 = vector.shape_cast %select_n3A_145 : vector<16xi32> to vector<16xi32>
    tpu.vector_store %arg6[%swap3A_146], %swap3A_149 {strides = array<i32>} : memref<128xi32, #tpu.memory_space<vmem>>, vector<16xi32>,
    %mul3A_150 = arith.constant 128 : i32
    %mul3A_151 = arith.muli %arg1, %mul3A_150 : i32
    "tpu.region"() ({
      %run_scoped3A = tpu.sem_alloc : memref<!tpu.dma_semaphore, #tpu.memory_space<semaphore_mem>>
      %dma_start3A = arith.constant 0 : i32
      %dma_start3A_157 = tpu.memref_slice %arg2[%mul3A_151, %dma_start3A] : memref<2048x128xf32, #tpu.memory_space<hbm>> -> memref<128x128xf32, #tpu.memory_space<hbm>>
      %dma_start3A_158 = arith.constant 0 : i32
      %dma_start3A_159 = tpu.memref_slice %arg2[%mul3A_151, %dma_start3A_158] : memref<2048x128xf32, #tpu.memory_space<hbm>> -> memref<128x128xf32, #tpu.memory_space<hbm>>
      tpu.enqueue_dma source(%dma_start3A_159 : memref<128x128xf32, #tpu.memory_space<hbm>>) target(%arg7 : memref<128x128xf32, #tpu.memory_space<vmem>>) target_semaphore(%run_scoped3A : memref<!tpu.dma_semaphore, #tpu.memory_space<semaphore_mem>>)
      %dma_wait3A = arith.constant 0 : i32
      %dma_wait3A_160 = tpu.memref_slice %arg2[%mul3A_151, %dma_wait3A] : memref<2048x128xf32, #tpu.memory_space<hbm>> -> memref<128x128xf32, #tpu.memory_space<hbm>>
      %dma_wait3A_161 = arith.constant 0 : i32
      %dma_wait3A_162 = tpu.memref_slice %arg2[%mul3A_151, %dma_wait3A_161] : memref<2048x128xf32, #tpu.memory_space<hbm>> -> memref<128x128xf32, #tpu.memory_space<hbm>>
      tpu.wait_dma2 semaphore(%run_scoped3A : memref<!tpu.dma_semaphore, #tpu.memory_space<semaphore_mem>>) src(%dma_wait3A_162 : memref<128x128xf32, #tpu.memory_space<hbm>>) dst(%arg7 : memref<128x128xf32, #tpu.memory_space<vmem>>)
      tpu.yield
    }) : () -> ()
    "tpu.region"() ({
      %run_scoped3A = tpu.sem_alloc : memref<!tpu.dma_semaphore, #tpu.memory_space<semaphore_mem>>
      %dma_start3A = arith.constant 0 : i32
      %dma_start3A_157 = arith.constant 0 : i32
      %dma_start3A_158 = tpu.memref_slice %arg8[%dma_start3A, %dma_start3A_157] : memref<10248x128xf32, #tpu.memory_space<vmem_shared>> -> memref<10248x128xf32, #tpu.memory_space<vmem_shared>>
      tpu.enqueue_indirect_dma source(%arg7 : memref<128x128xf32, #tpu.memory_space<vmem>>) target(%dma_start3A_158 : memref<10248x128xf32, #tpu.memory_space<vmem_shared>>) offsets(%arg6 : memref<128xi32, #tpu.memory_space<vmem>>) semaphore(%run_scoped3A : memref<!tpu.dma_semaphore, #tpu.memory_space<semaphore_mem>>) {add = true}
      %dma_wait3A = arith.constant 0 : i32
      %dma_wait3A_159 = arith.constant 0 : i32
      %dma_wait3A_160 = tpu.memref_slice %arg8[%dma_wait3A, %dma_wait3A_159] : memref<10248x128xf32, #tpu.memory_space<vmem_shared>> -> memref<10248x128xf32, #tpu.memory_space<vmem_shared>>
      tpu.wait_indirect_dma semaphore(%run_scoped3A : memref<!tpu.dma_semaphore, #tpu.memory_space<semaphore_mem>>) src(%arg7 : memref<128x128xf32, #tpu.memory_space<vmem>>) dst(%dma_wait3A_160 : memref<10248x128xf32, #tpu.memory_space<vmem_shared>>)
      tpu.yield
    }) : () -> ()
    %barrier3A_152 = arith.constant 0 : index
    tpu.barrier barrier_id(%barrier3A_152)
    %mul3A_153 = arith.constant 640 : i32
    %mul3A_154 = arith.muli %arg1, %mul3A_153 : i32
    %mul3A_155 = arith.constant 640 : i32
    %mul3A_156 = arith.muli %arg1, %mul3A_155 : i32
    %add3A = arith.addi %mul3A_0, %mul3A_156 : i32
    "tpu.region"() ({
      %run_scoped3A = tpu.sem_alloc : memref<!tpu.dma_semaphore, #tpu.memory_space<semaphore_mem>>
      %dma_start3A = arith.constant 0 : i32
      %dma_start3A_157 = tpu.memref_slice %arg5[%add3A, %dma_start3A] : memref<20480x128xf32, #tpu.memory_space<hbm>> -> memref<640x128xf32, #tpu.memory_space<hbm>>
      %dma_start3A_158 = arith.constant 0 : i32
      %dma_start3A_159 = tpu.memref_slice %arg8[%mul3A_154, %dma_start3A_158] : memref<10248x128xf32, #tpu.memory_space<vmem_shared>> -> memref<640x128xf32, #tpu.memory_space<vmem_shared>>
      tpu.enqueue_dma source(%dma_start3A_159 : memref<640x128xf32, #tpu.memory_space<vmem_shared>>) target(%dma_start3A_157 : memref<640x128xf32, #tpu.memory_space<hbm>>) target_semaphore(%run_scoped3A : memref<!tpu.dma_semaphore, #tpu.memory_space<semaphore_mem>>)
      %dma_wait3A = arith.constant 0 : i32
      %dma_wait3A_160 = tpu.memref_slice %arg5[%add3A, %dma_wait3A] : memref<20480x128xf32, #tpu.memory_space<hbm>> -> memref<640x128xf32, #tpu.memory_space<hbm>>
      %dma_wait3A_161 = arith.constant 0 : i32
      %dma_wait3A_162 = tpu.memref_slice %arg8[%mul3A_154, %dma_wait3A_161] : memref<10248x128xf32, #tpu.memory_space<vmem_shared>> -> memref<640x128xf32, #tpu.memory_space<vmem_shared>>
      tpu.wait_dma2 semaphore(%run_scoped3A : memref<!tpu.dma_semaphore, #tpu.memory_space<semaphore_mem>>) src(%dma_wait3A_162 : memref<640x128xf32, #tpu.memory_space<vmem_shared>>) dst(%dma_wait3A_160 : memref<640x128xf32, #tpu.memory_space<hbm>>)
      tpu.yield
    }) : () -> ()
    return
  }
}

#map = affine_map<(d0, d1) -> (0, 0)>
#map1 = affine_map<(d0, d1) -> (0)>
module attributes {stable_mosaic.version = 14 : i64} {
  func.func @sc_gather_edges(%arg0: i32, %arg1: i32, %arg2: memref<20480x128xf32, #tpu.memory_space<hbm>>, %arg3: memref<2048xi32, #tpu.memory_space<hbm>>, %arg4: memref<2048x128xf32, #tpu.memory_space<hbm>>, %arg5: memref<64xi32, #tpu.memory_space<vmem>>, %arg6: memref<64x128xf32, #tpu.memory_space<vmem>>, %arg7: memref<!tpu.dma_semaphore, #tpu.memory_space<semaphore_mem>>) attributes {dimension_semantics = [#tpu.dimension_semantics<core_parallel>, #tpu.dimension_semantics<subcore_parallel>], iteration_bounds = array<i64: 2, 16>, scalar_prefetch = 0 : i64, scratch_operands = 3 : i64, tpu.core_type = #tpu.core_type<sc_vector_subcore>, window_params = [{transform_indices = #map}, {transform_indices = #map1}, {transform_indices = #map}]} {
    %mul3A = arith.constant 2 : i32
    %mul3A_0 = arith.muli %arg1, %mul3A : i32
    %add3A = arith.addi %mul3A_0, %arg0 : i32
    %mul3A_1 = arith.constant 64 : i32
    %mul3A_2 = arith.muli %add3A, %mul3A_1 : i32
    "tpu.region"() ({
      %run_scoped3A = tpu.sem_alloc : memref<!tpu.dma_semaphore, #tpu.memory_space<semaphore_mem>>
      %dma_start3A_7 = tpu.memref_slice %arg3[%mul3A_2] : memref<2048xi32, #tpu.memory_space<hbm>> -> memref<64xi32, #tpu.memory_space<hbm>>
      %dma_start3A_8 = tpu.memref_slice %arg3[%mul3A_2] : memref<2048xi32, #tpu.memory_space<hbm>> -> memref<64xi32, #tpu.memory_space<hbm>>
      tpu.enqueue_dma source(%dma_start3A_8 : memref<64xi32, #tpu.memory_space<hbm>>) target(%arg5 : memref<64xi32, #tpu.memory_space<vmem>>) target_semaphore(%run_scoped3A : memref<!tpu.dma_semaphore, #tpu.memory_space<semaphore_mem>>)
      %dma_wait3A_9 = tpu.memref_slice %arg3[%mul3A_2] : memref<2048xi32, #tpu.memory_space<hbm>> -> memref<64xi32, #tpu.memory_space<hbm>>
      %dma_wait3A_10 = tpu.memref_slice %arg3[%mul3A_2] : memref<2048xi32, #tpu.memory_space<hbm>> -> memref<64xi32, #tpu.memory_space<hbm>>
      tpu.wait_dma2 semaphore(%run_scoped3A : memref<!tpu.dma_semaphore, #tpu.memory_space<semaphore_mem>>) src(%dma_wait3A_10 : memref<64xi32, #tpu.memory_space<hbm>>) dst(%arg5 : memref<64xi32, #tpu.memory_space<vmem>>)
      tpu.yield
    }) : () -> ()
    %dma_start3A = arith.constant 0 : i32
    %dma_start3A_3 = arith.constant 0 : i32
    %dma_start3A_4 = tpu.memref_slice %arg2[%dma_start3A, %dma_start3A_3] : memref<20480x128xf32, #tpu.memory_space<hbm>> -> memref<20480x128xf32, #tpu.memory_space<hbm>>
    tpu.enqueue_indirect_dma source(%dma_start3A_4 : memref<20480x128xf32, #tpu.memory_space<hbm>>) target(%arg6 : memref<64x128xf32, #tpu.memory_space<vmem>>) offsets(%arg5 : memref<64xi32, #tpu.memory_space<vmem>>) semaphore(%arg7 : memref<!tpu.dma_semaphore, #tpu.memory_space<semaphore_mem>>)
    %dma_wait3A = arith.constant 0 : i32
    %dma_wait3A_5 = arith.constant 0 : i32
    %dma_wait3A_6 = tpu.memref_slice %arg2[%dma_wait3A, %dma_wait3A_5] : memref<20480x128xf32, #tpu.memory_space<hbm>> -> memref<20480x128xf32, #tpu.memory_space<hbm>>
    tpu.wait_indirect_dma semaphore(%arg7 : memref<!tpu.dma_semaphore, #tpu.memory_space<semaphore_mem>>) src(%dma_wait3A_6 : memref<20480x128xf32, #tpu.memory_space<hbm>>) dst(%arg6 : memref<64x128xf32, #tpu.memory_space<vmem>>)
    "tpu.region"() ({
      %run_scoped3A = tpu.sem_alloc : memref<!tpu.dma_semaphore, #tpu.memory_space<semaphore_mem>>
      %dma_start3A_7 = arith.constant 0 : i32
      %dma_start3A_8 = tpu.memref_slice %arg4[%mul3A_2, %dma_start3A_7] : memref<2048x128xf32, #tpu.memory_space<hbm>> -> memref<64x128xf32, #tpu.memory_space<hbm>>
      %dma_start3A_9 = arith.constant 0 : i32
      %dma_start3A_10 = tpu.memref_slice %arg4[%mul3A_2, %dma_start3A_9] : memref<2048x128xf32, #tpu.memory_space<hbm>> -> memref<64x128xf32, #tpu.memory_space<hbm>>
      tpu.enqueue_dma source(%arg6 : memref<64x128xf32, #tpu.memory_space<vmem>>) target(%dma_start3A_10 : memref<64x128xf32, #tpu.memory_space<hbm>>) target_semaphore(%run_scoped3A : memref<!tpu.dma_semaphore, #tpu.memory_space<semaphore_mem>>)
      %dma_wait3A_11 = arith.constant 0 : i32
      %dma_wait3A_12 = tpu.memref_slice %arg4[%mul3A_2, %dma_wait3A_11] : memref<2048x128xf32, #tpu.memory_space<hbm>> -> memref<64x128xf32, #tpu.memory_space<hbm>>
      %dma_wait3A_13 = arith.constant 0 : i32
      %dma_wait3A_14 = tpu.memref_slice %arg4[%mul3A_2, %dma_wait3A_13] : memref<2048x128xf32, #tpu.memory_space<hbm>> -> memref<64x128xf32, #tpu.memory_space<hbm>>
      tpu.wait_dma2 semaphore(%run_scoped3A : memref<!tpu.dma_semaphore, #tpu.memory_space<semaphore_mem>>) src(%arg6 : memref<64x128xf32, #tpu.memory_space<vmem>>) dst(%dma_wait3A_14 : memref<64x128xf32, #tpu.memory_space<hbm>>)
      tpu.yield
    }) : () -> ()
    return
  }
}

#map = affine_map<(d0, d1) -> (0, 0)>
module attributes {stable_mosaic.version = 14 : i64} {
  func.func @sc_gather_names_t0(%arg0: i32, %arg1: i32, %arg2: memref<500x128xf32, #tpu.memory_space<hbm>>, %arg3: memref<256x128xi32, #tpu.memory_space<hbm>>, %arg4: memref<20480x128xf32, #tpu.memory_space<hbm>>, %arg5: memref<8x128xi32, #tpu.memory_space<vmem>>, %arg6: memref<128x128xf32, #tpu.memory_space<vmem>>, %arg7: memref<128x128xf32, #tpu.memory_space<vmem>>, %arg8: memref<!tpu.dma_semaphore, #tpu.memory_space<semaphore_mem>>, %arg9: memref<!tpu.dma_semaphore, #tpu.memory_space<semaphore_mem>>, %arg10: memref<!tpu.dma_semaphore, #tpu.memory_space<semaphore_mem>>, %arg11: memref<!tpu.dma_semaphore, #tpu.memory_space<semaphore_mem>>) attributes {dimension_semantics = [#tpu.dimension_semantics<core_parallel>, #tpu.dimension_semantics<subcore_parallel>], iteration_bounds = array<i64: 2, 16>, scalar_prefetch = 0 : i64, scratch_operands = 7 : i64, tpu.core_type = #tpu.core_type<sc_vector_subcore>, window_params = [{transform_indices = #map}, {transform_indices = #map}, {transform_indices = #map}]} {
    %mul3A = arith.constant 2 : i32
    %mul3A_0 = arith.muli %arg1, %mul3A : i32
    %add3A = arith.addi %mul3A_0, %arg0 : i32
    %mul3A_1 = arith.constant 5 : i32
    %mul3A_2 = arith.muli %add3A, %mul3A_1 : i32
    %mul3A_3 = arith.constant 8 : i32
    %mul3A_4 = arith.muli %add3A, %mul3A_3 : i32
    "tpu.region"() ({
      %run_scoped3A = tpu.sem_alloc : memref<!tpu.dma_semaphore, #tpu.memory_space<semaphore_mem>>
      %dma_start3A_133 = arith.constant 0 : i32
      %dma_start3A_134 = tpu.memref_slice %arg3[%mul3A_4, %dma_start3A_133] : memref<256x128xi32, #tpu.memory_space<hbm>> -> memref<8x128xi32, #tpu.memory_space<hbm>>
      %dma_start3A_135 = arith.constant 0 : i32
      %dma_start3A_136 = tpu.memref_slice %arg3[%mul3A_4, %dma_start3A_135] : memref<256x128xi32, #tpu.memory_space<hbm>> -> memref<8x128xi32, #tpu.memory_space<hbm>>
      tpu.enqueue_dma source(%dma_start3A_136 : memref<8x128xi32, #tpu.memory_space<hbm>>) target(%arg5 : memref<8x128xi32, #tpu.memory_space<vmem>>) target_semaphore(%run_scoped3A : memref<!tpu.dma_semaphore, #tpu.memory_space<semaphore_mem>>)
      %dma_wait3A_137 = arith.constant 0 : i32
      %dma_wait3A_138 = tpu.memref_slice %arg3[%mul3A_4, %dma_wait3A_137] : memref<256x128xi32, #tpu.memory_space<hbm>> -> memref<8x128xi32, #tpu.memory_space<hbm>>
      %dma_wait3A_139 = arith.constant 0 : i32
      %dma_wait3A_140 = tpu.memref_slice %arg3[%mul3A_4, %dma_wait3A_139] : memref<256x128xi32, #tpu.memory_space<hbm>> -> memref<8x128xi32, #tpu.memory_space<hbm>>
      tpu.wait_dma2 semaphore(%run_scoped3A : memref<!tpu.dma_semaphore, #tpu.memory_space<semaphore_mem>>) src(%dma_wait3A_140 : memref<8x128xi32, #tpu.memory_space<hbm>>) dst(%arg5 : memref<8x128xi32, #tpu.memory_space<vmem>>)
      tpu.yield
    }) : () -> ()
    %dma_start3A = arith.constant 0 : i32
    %dma_start3A_5 = arith.constant 0 : i32
    %dma_start3A_6 = tpu.memref_slice %arg5[%dma_start3A, %dma_start3A_5] : memref<8x128xi32, #tpu.memory_space<vmem>> -> memref<1x128xi32, #tpu.memory_space<vmem>>
    %dma_start3A_7 = tpu.memref_squeeze %dma_start3A_6 : memref<1x128xi32, #tpu.memory_space<vmem>> -> memref<128xi32, #tpu.memory_space<vmem>>
    %dma_start3A_8 = arith.constant 0 : i32
    %dma_start3A_9 = arith.constant 0 : i32
    %dma_start3A_10 = tpu.memref_slice %arg2[%dma_start3A_8, %dma_start3A_9] : memref<500x128xf32, #tpu.memory_space<hbm>> -> memref<500x128xf32, #tpu.memory_space<hbm>>
    tpu.enqueue_indirect_dma source(%dma_start3A_10 : memref<500x128xf32, #tpu.memory_space<hbm>>) target(%arg6 : memref<128x128xf32, #tpu.memory_space<vmem>>) offsets(%dma_start3A_7 : memref<128xi32, #tpu.memory_space<vmem>>) semaphore(%arg8 : memref<!tpu.dma_semaphore, #tpu.memory_space<semaphore_mem>>)
    %dma_start3A_11 = arith.constant 1 : i32
    %dma_start3A_12 = arith.constant 0 : i32
    %dma_start3A_13 = tpu.memref_slice %arg5[%dma_start3A_11, %dma_start3A_12] : memref<8x128xi32, #tpu.memory_space<vmem>> -> memref<1x128xi32, #tpu.memory_space<vmem>>
    %dma_start3A_14 = tpu.memref_squeeze %dma_start3A_13 : memref<1x128xi32, #tpu.memory_space<vmem>> -> memref<128xi32, #tpu.memory_space<vmem>>
    %dma_start3A_15 = arith.constant 0 : i32
    %dma_start3A_16 = arith.constant 0 : i32
    %dma_start3A_17 = tpu.memref_slice %arg2[%dma_start3A_15, %dma_start3A_16] : memref<500x128xf32, #tpu.memory_space<hbm>> -> memref<500x128xf32, #tpu.memory_space<hbm>>
    tpu.enqueue_indirect_dma source(%dma_start3A_17 : memref<500x128xf32, #tpu.memory_space<hbm>>) target(%arg7 : memref<128x128xf32, #tpu.memory_space<vmem>>) offsets(%dma_start3A_14 : memref<128xi32, #tpu.memory_space<vmem>>) semaphore(%arg9 : memref<!tpu.dma_semaphore, #tpu.memory_space<semaphore_mem>>)
    %dma_wait3A = arith.constant 0 : i32
    %dma_wait3A_18 = arith.constant 0 : i32
    %dma_wait3A_19 = tpu.memref_slice %arg5[%dma_wait3A, %dma_wait3A_18] : memref<8x128xi32, #tpu.memory_space<vmem>> -> memref<1x128xi32, #tpu.memory_space<vmem>>
    %dma_wait3A_20 = tpu.memref_squeeze %dma_wait3A_19 : memref<1x128xi32, #tpu.memory_space<vmem>> -> memref<128xi32, #tpu.memory_space<vmem>>
    %dma_wait3A_21 = arith.constant 0 : i32
    %dma_wait3A_22 = arith.constant 0 : i32
    %dma_wait3A_23 = tpu.memref_slice %arg2[%dma_wait3A_21, %dma_wait3A_22] : memref<500x128xf32, #tpu.memory_space<hbm>> -> memref<500x128xf32, #tpu.memory_space<hbm>>
    tpu.wait_indirect_dma semaphore(%arg8 : memref<!tpu.dma_semaphore, #tpu.memory_space<semaphore_mem>>) src(%dma_wait3A_23 : memref<500x128xf32, #tpu.memory_space<hbm>>) dst(%arg6 : memref<128x128xf32, #tpu.memory_space<vmem>>)
    %add3A_24 = arith.constant 0 : i32
    %add3A_25 = arith.addi %mul3A_2, %add3A_24 : i32
    %mul3A_26 = arith.constant 128 : i32
    %mul3A_27 = arith.muli %add3A_25, %mul3A_26 : i32
    %dma_start3A_28 = arith.constant 0 : i32
    %dma_start3A_29 = tpu.memref_slice %arg4[%mul3A_27, %dma_start3A_28] : memref<20480x128xf32, #tpu.memory_space<hbm>> -> memref<128x128xf32, #tpu.memory_space<hbm>>
    %dma_start3A_30 = arith.constant 0 : i32
    %dma_start3A_31 = tpu.memref_slice %arg4[%mul3A_27, %dma_start3A_30] : memref<20480x128xf32, #tpu.memory_space<hbm>> -> memref<128x128xf32, #tpu.memory_space<hbm>>
    tpu.enqueue_dma source(%arg6 : memref<128x128xf32, #tpu.memory_space<vmem>>) target(%dma_start3A_31 : memref<128x128xf32, #tpu.memory_space<hbm>>) target_semaphore(%arg10 : memref<!tpu.dma_semaphore, #tpu.memory_space<semaphore_mem>>)
    %dma_wait3A_32 = arith.constant 0 : i32
    %dma_wait3A_33 = tpu.memref_slice %arg4[%mul3A_27, %dma_wait3A_32] : memref<20480x128xf32, #tpu.memory_space<hbm>> -> memref<128x128xf32, #tpu.memory_space<hbm>>
    %dma_wait3A_34 = arith.constant 0 : i32
    %dma_wait3A_35 = tpu.memref_slice %arg4[%mul3A_27, %dma_wait3A_34] : memref<20480x128xf32, #tpu.memory_space<hbm>> -> memref<128x128xf32, #tpu.memory_space<hbm>>
    tpu.wait_dma2 semaphore(%arg10 : memref<!tpu.dma_semaphore, #tpu.memory_space<semaphore_mem>>) src(%arg6 : memref<128x128xf32, #tpu.memory_space<vmem>>) dst(%dma_wait3A_35 : memref<128x128xf32, #tpu.memory_space<hbm>>)
    %dma_start3A_36 = arith.constant 2 : i32
    %dma_start3A_37 = arith.constant 0 : i32
    %dma_start3A_38 = tpu.memref_slice %arg5[%dma_start3A_36, %dma_start3A_37] : memref<8x128xi32, #tpu.memory_space<vmem>> -> memref<1x128xi32, #tpu.memory_space<vmem>>
    %dma_start3A_39 = tpu.memref_squeeze %dma_start3A_38 : memref<1x128xi32, #tpu.memory_space<vmem>> -> memref<128xi32, #tpu.memory_space<vmem>>
    %dma_start3A_40 = arith.constant 0 : i32
    %dma_start3A_41 = arith.constant 0 : i32
    %dma_start3A_42 = tpu.memref_slice %arg2[%dma_start3A_40, %dma_start3A_41] : memref<500x128xf32, #tpu.memory_space<hbm>> -> memref<500x128xf32, #tpu.memory_space<hbm>>
    tpu.enqueue_indirect_dma source(%dma_start3A_42 : memref<500x128xf32, #tpu.memory_space<hbm>>) target(%arg6 : memref<128x128xf32, #tpu.memory_space<vmem>>) offsets(%dma_start3A_39 : memref<128xi32, #tpu.memory_space<vmem>>) semaphore(%arg8 : memref<!tpu.dma_semaphore, #tpu.memory_space<semaphore_mem>>)
    %dma_wait3A_43 = arith.constant 1 : i32
    %dma_wait3A_44 = arith.constant 0 : i32
    %dma_wait3A_45 = tpu.memref_slice %arg5[%dma_wait3A_43, %dma_wait3A_44] : memref<8x128xi32, #tpu.memory_space<vmem>> -> memref<1x128xi32, #tpu.memory_space<vmem>>
    %dma_wait3A_46 = tpu.memref_squeeze %dma_wait3A_45 : memref<1x128xi32, #tpu.memory_space<vmem>> -> memref<128xi32, #tpu.memory_space<vmem>>
    %dma_wait3A_47 = arith.constant 0 : i32
    %dma_wait3A_48 = arith.constant 0 : i32
    %dma_wait3A_49 = tpu.memref_slice %arg2[%dma_wait3A_47, %dma_wait3A_48] : memref<500x128xf32, #tpu.memory_space<hbm>> -> memref<500x128xf32, #tpu.memory_space<hbm>>
    tpu.wait_indirect_dma semaphore(%arg9 : memref<!tpu.dma_semaphore, #tpu.memory_space<semaphore_mem>>) src(%dma_wait3A_49 : memref<500x128xf32, #tpu.memory_space<hbm>>) dst(%arg7 : memref<128x128xf32, #tpu.memory_space<vmem>>)
    %add3A_50 = arith.constant 1 : i32
    %add3A_51 = arith.addi %mul3A_2, %add3A_50 : i32
    %mul3A_52 = arith.constant 128 : i32
    %mul3A_53 = arith.muli %add3A_51, %mul3A_52 : i32
    %dma_start3A_54 = arith.constant 0 : i32
    %dma_start3A_55 = tpu.memref_slice %arg4[%mul3A_53, %dma_start3A_54] : memref<20480x128xf32, #tpu.memory_space<hbm>> -> memref<128x128xf32, #tpu.memory_space<hbm>>
    %dma_start3A_56 = arith.constant 0 : i32
    %dma_start3A_57 = tpu.memref_slice %arg4[%mul3A_53, %dma_start3A_56] : memref<20480x128xf32, #tpu.memory_space<hbm>> -> memref<128x128xf32, #tpu.memory_space<hbm>>
    tpu.enqueue_dma source(%arg7 : memref<128x128xf32, #tpu.memory_space<vmem>>) target(%dma_start3A_57 : memref<128x128xf32, #tpu.memory_space<hbm>>) target_semaphore(%arg11 : memref<!tpu.dma_semaphore, #tpu.memory_space<semaphore_mem>>)
    %dma_wait3A_58 = arith.constant 0 : i32
    %dma_wait3A_59 = tpu.memref_slice %arg4[%mul3A_53, %dma_wait3A_58] : memref<20480x128xf32, #tpu.memory_space<hbm>> -> memref<128x128xf32, #tpu.memory_space<hbm>>
    %dma_wait3A_60 = arith.constant 0 : i32
    %dma_wait3A_61 = tpu.memref_slice %arg4[%mul3A_53, %dma_wait3A_60] : memref<20480x128xf32, #tpu.memory_space<hbm>> -> memref<128x128xf32, #tpu.memory_space<hbm>>
    tpu.wait_dma2 semaphore(%arg11 : memref<!tpu.dma_semaphore, #tpu.memory_space<semaphore_mem>>) src(%arg7 : memref<128x128xf32, #tpu.memory_space<vmem>>) dst(%dma_wait3A_61 : memref<128x128xf32, #tpu.memory_space<hbm>>)
    %dma_start3A_62 = arith.constant 3 : i32
    %dma_start3A_63 = arith.constant 0 : i32
    %dma_start3A_64 = tpu.memref_slice %arg5[%dma_start3A_62, %dma_start3A_63] : memref<8x128xi32, #tpu.memory_space<vmem>> -> memref<1x128xi32, #tpu.memory_space<vmem>>
    %dma_start3A_65 = tpu.memref_squeeze %dma_start3A_64 : memref<1x128xi32, #tpu.memory_space<vmem>> -> memref<128xi32, #tpu.memory_space<vmem>>
    %dma_start3A_66 = arith.constant 0 : i32
    %dma_start3A_67 = arith.constant 0 : i32
    %dma_start3A_68 = tpu.memref_slice %arg2[%dma_start3A_66, %dma_start3A_67] : memref<500x128xf32, #tpu.memory_space<hbm>> -> memref<500x128xf32, #tpu.memory_space<hbm>>
    tpu.enqueue_indirect_dma source(%dma_start3A_68 : memref<500x128xf32, #tpu.memory_space<hbm>>) target(%arg7 : memref<128x128xf32, #tpu.memory_space<vmem>>) offsets(%dma_start3A_65 : memref<128xi32, #tpu.memory_space<vmem>>) semaphore(%arg9 : memref<!tpu.dma_semaphore, #tpu.memory_space<semaphore_mem>>)
    %dma_wait3A_69 = arith.constant 2 : i32
    %dma_wait3A_70 = arith.constant 0 : i32
    %dma_wait3A_71 = tpu.memref_slice %arg5[%dma_wait3A_69, %dma_wait3A_70] : memref<8x128xi32, #tpu.memory_space<vmem>> -> memref<1x128xi32, #tpu.memory_space<vmem>>
    %dma_wait3A_72 = tpu.memref_squeeze %dma_wait3A_71 : memref<1x128xi32, #tpu.memory_space<vmem>> -> memref<128xi32, #tpu.memory_space<vmem>>
    %dma_wait3A_73 = arith.constant 0 : i32
    %dma_wait3A_74 = arith.constant 0 : i32
    %dma_wait3A_75 = tpu.memref_slice %arg2[%dma_wait3A_73, %dma_wait3A_74] : memref<500x128xf32, #tpu.memory_space<hbm>> -> memref<500x128xf32, #tpu.memory_space<hbm>>
    tpu.wait_indirect_dma semaphore(%arg8 : memref<!tpu.dma_semaphore, #tpu.memory_space<semaphore_mem>>) src(%dma_wait3A_75 : memref<500x128xf32, #tpu.memory_space<hbm>>) dst(%arg6 : memref<128x128xf32, #tpu.memory_space<vmem>>)
    %add3A_76 = arith.constant 2 : i32
    %add3A_77 = arith.addi %mul3A_2, %add3A_76 : i32
    %mul3A_78 = arith.constant 128 : i32
    %mul3A_79 = arith.muli %add3A_77, %mul3A_78 : i32
    %dma_start3A_80 = arith.constant 0 : i32
    %dma_start3A_81 = tpu.memref_slice %arg4[%mul3A_79, %dma_start3A_80] : memref<20480x128xf32, #tpu.memory_space<hbm>> -> memref<128x128xf32, #tpu.memory_space<hbm>>
    %dma_start3A_82 = arith.constant 0 : i32
    %dma_start3A_83 = tpu.memref_slice %arg4[%mul3A_79, %dma_start3A_82] : memref<20480x128xf32, #tpu.memory_space<hbm>> -> memref<128x128xf32, #tpu.memory_space<hbm>>
    tpu.enqueue_dma source(%arg6 : memref<128x128xf32, #tpu.memory_space<vmem>>) target(%dma_start3A_83 : memref<128x128xf32, #tpu.memory_space<hbm>>) target_semaphore(%arg10 : memref<!tpu.dma_semaphore, #tpu.memory_space<semaphore_mem>>)
    %dma_wait3A_84 = arith.constant 0 : i32
    %dma_wait3A_85 = tpu.memref_slice %arg4[%mul3A_79, %dma_wait3A_84] : memref<20480x128xf32, #tpu.memory_space<hbm>> -> memref<128x128xf32, #tpu.memory_space<hbm>>
    %dma_wait3A_86 = arith.constant 0 : i32
    %dma_wait3A_87 = tpu.memref_slice %arg4[%mul3A_79, %dma_wait3A_86] : memref<20480x128xf32, #tpu.memory_space<hbm>> -> memref<128x128xf32, #tpu.memory_space<hbm>>
    tpu.wait_dma2 semaphore(%arg10 : memref<!tpu.dma_semaphore, #tpu.memory_space<semaphore_mem>>) src(%arg6 : memref<128x128xf32, #tpu.memory_space<vmem>>) dst(%dma_wait3A_87 : memref<128x128xf32, #tpu.memory_space<hbm>>)
    %dma_start3A_88 = arith.constant 4 : i32
    %dma_start3A_89 = arith.constant 0 : i32
    %dma_start3A_90 = tpu.memref_slice %arg5[%dma_start3A_88, %dma_start3A_89] : memref<8x128xi32, #tpu.memory_space<vmem>> -> memref<1x128xi32, #tpu.memory_space<vmem>>
    %dma_start3A_91 = tpu.memref_squeeze %dma_start3A_90 : memref<1x128xi32, #tpu.memory_space<vmem>> -> memref<128xi32, #tpu.memory_space<vmem>>
    %dma_start3A_92 = arith.constant 0 : i32
    %dma_start3A_93 = arith.constant 0 : i32
    %dma_start3A_94 = tpu.memref_slice %arg2[%dma_start3A_92, %dma_start3A_93] : memref<500x128xf32, #tpu.memory_space<hbm>> -> memref<500x128xf32, #tpu.memory_space<hbm>>
    tpu.enqueue_indirect_dma source(%dma_start3A_94 : memref<500x128xf32, #tpu.memory_space<hbm>>) target(%arg6 : memref<128x128xf32, #tpu.memory_space<vmem>>) offsets(%dma_start3A_91 : memref<128xi32, #tpu.memory_space<vmem>>) semaphore(%arg8 : memref<!tpu.dma_semaphore, #tpu.memory_space<semaphore_mem>>)
    %dma_wait3A_95 = arith.constant 3 : i32
    %dma_wait3A_96 = arith.constant 0 : i32
    %dma_wait3A_97 = tpu.memref_slice %arg5[%dma_wait3A_95, %dma_wait3A_96] : memref<8x128xi32, #tpu.memory_space<vmem>> -> memref<1x128xi32, #tpu.memory_space<vmem>>
    %dma_wait3A_98 = tpu.memref_squeeze %dma_wait3A_97 : memref<1x128xi32, #tpu.memory_space<vmem>> -> memref<128xi32, #tpu.memory_space<vmem>>
    %dma_wait3A_99 = arith.constant 0 : i32
    %dma_wait3A_100 = arith.constant 0 : i32
    %dma_wait3A_101 = tpu.memref_slice %arg2[%dma_wait3A_99, %dma_wait3A_100] : memref<500x128xf32, #tpu.memory_space<hbm>> -> memref<500x128xf32, #tpu.memory_space<hbm>>
    tpu.wait_indirect_dma semaphore(%arg9 : memref<!tpu.dma_semaphore, #tpu.memory_space<semaphore_mem>>) src(%dma_wait3A_101 : memref<500x128xf32, #tpu.memory_space<hbm>>) dst(%arg7 : memref<128x128xf32, #tpu.memory_space<vmem>>)
    %add3A_102 = arith.constant 3 : i32
    %add3A_103 = arith.addi %mul3A_2, %add3A_102 : i32
    %mul3A_104 = arith.constant 128 : i32
    %mul3A_105 = arith.muli %add3A_103, %mul3A_104 : i32
    %dma_start3A_106 = arith.constant 0 : i32
    %dma_start3A_107 = tpu.memref_slice %arg4[%mul3A_105, %dma_start3A_106] : memref<20480x128xf32, #tpu.memory_space<hbm>> -> memref<128x128xf32, #tpu.memory_space<hbm>>
    %dma_start3A_108 = arith.constant 0 : i32
    %dma_start3A_109 = tpu.memref_slice %arg4[%mul3A_105, %dma_start3A_108] : memref<20480x128xf32, #tpu.memory_space<hbm>> -> memref<128x128xf32, #tpu.memory_space<hbm>>
    tpu.enqueue_dma source(%arg7 : memref<128x128xf32, #tpu.memory_space<vmem>>) target(%dma_start3A_109 : memref<128x128xf32, #tpu.memory_space<hbm>>) target_semaphore(%arg11 : memref<!tpu.dma_semaphore, #tpu.memory_space<semaphore_mem>>)
    %dma_wait3A_110 = arith.constant 4 : i32
    %dma_wait3A_111 = arith.constant 0 : i32
    %dma_wait3A_112 = tpu.memref_slice %arg5[%dma_wait3A_110, %dma_wait3A_111] : memref<8x128xi32, #tpu.memory_space<vmem>> -> memref<1x128xi32, #tpu.memory_space<vmem>>
    %dma_wait3A_113 = tpu.memref_squeeze %dma_wait3A_112 : memref<1x128xi32, #tpu.memory_space<vmem>> -> memref<128xi32, #tpu.memory_space<vmem>>
    %dma_wait3A_114 = arith.constant 0 : i32
    %dma_wait3A_115 = arith.constant 0 : i32
    %dma_wait3A_116 = tpu.memref_slice %arg2[%dma_wait3A_114, %dma_wait3A_115] : memref<500x128xf32, #tpu.memory_space<hbm>> -> memref<500x128xf32, #tpu.memory_space<hbm>>
    tpu.wait_indirect_dma semaphore(%arg8 : memref<!tpu.dma_semaphore, #tpu.memory_space<semaphore_mem>>) src(%dma_wait3A_116 : memref<500x128xf32, #tpu.memory_space<hbm>>) dst(%arg6 : memref<128x128xf32, #tpu.memory_space<vmem>>)
    %add3A_117 = arith.constant 4 : i32
    %add3A_118 = arith.addi %mul3A_2, %add3A_117 : i32
    %mul3A_119 = arith.constant 128 : i32
    %mul3A_120 = arith.muli %add3A_118, %mul3A_119 : i32
    %dma_start3A_121 = arith.constant 0 : i32
    %dma_start3A_122 = tpu.memref_slice %arg4[%mul3A_120, %dma_start3A_121] : memref<20480x128xf32, #tpu.memory_space<hbm>> -> memref<128x128xf32, #tpu.memory_space<hbm>>
    %dma_start3A_123 = arith.constant 0 : i32
    %dma_start3A_124 = tpu.memref_slice %arg4[%mul3A_120, %dma_start3A_123] : memref<20480x128xf32, #tpu.memory_space<hbm>> -> memref<128x128xf32, #tpu.memory_space<hbm>>
    tpu.enqueue_dma source(%arg6 : memref<128x128xf32, #tpu.memory_space<vmem>>) target(%dma_start3A_124 : memref<128x128xf32, #tpu.memory_space<hbm>>) target_semaphore(%arg10 : memref<!tpu.dma_semaphore, #tpu.memory_space<semaphore_mem>>)
    %dma_wait3A_125 = arith.constant 0 : i32
    %dma_wait3A_126 = tpu.memref_slice %arg4[%mul3A_105, %dma_wait3A_125] : memref<20480x128xf32, #tpu.memory_space<hbm>> -> memref<128x128xf32, #tpu.memory_space<hbm>>
    %dma_wait3A_127 = arith.constant 0 : i32
    %dma_wait3A_128 = tpu.memref_slice %arg4[%mul3A_105, %dma_wait3A_127] : memref<20480x128xf32, #tpu.memory_space<hbm>> -> memref<128x128xf32, #tpu.memory_space<hbm>>
    tpu.wait_dma2 semaphore(%arg11 : memref<!tpu.dma_semaphore, #tpu.memory_space<semaphore_mem>>) src(%arg7 : memref<128x128xf32, #tpu.memory_space<vmem>>) dst(%dma_wait3A_128 : memref<128x128xf32, #tpu.memory_space<hbm>>)
    %dma_wait3A_129 = arith.constant 0 : i32
    %dma_wait3A_130 = tpu.memref_slice %arg4[%mul3A_120, %dma_wait3A_129] : memref<20480x128xf32, #tpu.memory_space<hbm>> -> memref<128x128xf32, #tpu.memory_space<hbm>>
    %dma_wait3A_131 = arith.constant 0 : i32
    %dma_wait3A_132 = tpu.memref_slice %arg4[%mul3A_120, %dma_wait3A_131] : memref<20480x128xf32, #tpu.memory_space<hbm>> -> memref<128x128xf32, #tpu.memory_space<hbm>>
    tpu.wait_dma2 semaphore(%arg10 : memref<!tpu.dma_semaphore, #tpu.memory_space<semaphore_mem>>) src(%arg6 : memref<128x128xf32, #tpu.memory_space<vmem>>) dst(%dma_wait3A_132 : memref<128x128xf32, #tpu.memory_space<hbm>>)
    return
  }
}

#map = affine_map<(d0, d1) -> (0, 0)>
#map1 = affine_map<(d0, d1) -> (0)>
module attributes {stable_mosaic.version = 14 : i64} {
  func.func @sc_gather_edges(%arg0: i32, %arg1: i32, %arg2: memref<20480x128xf32, #tpu.memory_space<hbm>>, %arg3: memref<2048xi32, #tpu.memory_space<hbm>>, %arg4: memref<2048x128xf32, #tpu.memory_space<hbm>>, %arg5: memref<64xi32, #tpu.memory_space<vmem>>, %arg6: memref<64x128xf32, #tpu.memory_space<vmem>>, %arg7: memref<!tpu.dma_semaphore, #tpu.memory_space<semaphore_mem>>) attributes {dimension_semantics = [#tpu.dimension_semantics<core_parallel>, #tpu.dimension_semantics<subcore_parallel>], iteration_bounds = array<i64: 2, 16>, scalar_prefetch = 0 : i64, scratch_operands = 3 : i64, tpu.core_type = #tpu.core_type<sc_vector_subcore>, window_params = [{transform_indices = #map}, {transform_indices = #map1}, {transform_indices = #map}]} {
    %mul3A = arith.constant 2 : i32
    %mul3A_0 = arith.muli %arg1, %mul3A : i32
    %add3A = arith.addi %mul3A_0, %arg0 : i32
    %mul3A_1 = arith.constant 64 : i32
    %mul3A_2 = arith.muli %add3A, %mul3A_1 : i32
    "tpu.region"() ({
      %run_scoped3A = tpu.sem_alloc : memref<!tpu.dma_semaphore, #tpu.memory_space<semaphore_mem>>
      %dma_start3A_7 = tpu.memref_slice %arg3[%mul3A_2] : memref<2048xi32, #tpu.memory_space<hbm>> -> memref<64xi32, #tpu.memory_space<hbm>>
      %dma_start3A_8 = tpu.memref_slice %arg3[%mul3A_2] : memref<2048xi32, #tpu.memory_space<hbm>> -> memref<64xi32, #tpu.memory_space<hbm>>
      tpu.enqueue_dma source(%dma_start3A_8 : memref<64xi32, #tpu.memory_space<hbm>>) target(%arg5 : memref<64xi32, #tpu.memory_space<vmem>>) target_semaphore(%run_scoped3A : memref<!tpu.dma_semaphore, #tpu.memory_space<semaphore_mem>>)
      %dma_wait3A_9 = tpu.memref_slice %arg3[%mul3A_2] : memref<2048xi32, #tpu.memory_space<hbm>> -> memref<64xi32, #tpu.memory_space<hbm>>
      %dma_wait3A_10 = tpu.memref_slice %arg3[%mul3A_2] : memref<2048xi32, #tpu.memory_space<hbm>> -> memref<64xi32, #tpu.memory_space<hbm>>
      tpu.wait_dma2 semaphore(%run_scoped3A : memref<!tpu.dma_semaphore, #tpu.memory_space<semaphore_mem>>) src(%dma_wait3A_10 : memref<64xi32, #tpu.memory_space<hbm>>) dst(%arg5 : memref<64xi32, #tpu.memory_space<vmem>>)
      tpu.yield
    }) : () -> ()
    %dma_start3A = arith.constant 0 : i32
    %dma_start3A_3 = arith.constant 0 : i32
    %dma_start3A_4 = tpu.memref_slice %arg2[%dma_start3A, %dma_start3A_3] : memref<20480x128xf32, #tpu.memory_space<hbm>> -> memref<20480x128xf32, #tpu.memory_space<hbm>>
    tpu.enqueue_indirect_dma source(%dma_start3A_4 : memref<20480x128xf32, #tpu.memory_space<hbm>>) target(%arg6 : memref<64x128xf32, #tpu.memory_space<vmem>>) offsets(%arg5 : memref<64xi32, #tpu.memory_space<vmem>>) semaphore(%arg7 : memref<!tpu.dma_semaphore, #tpu.memory_space<semaphore_mem>>)
    %dma_wait3A = arith.constant 0 : i32
    %dma_wait3A_5 = arith.constant 0 : i32
    %dma_wait3A_6 = tpu.memref_slice %arg2[%dma_wait3A, %dma_wait3A_5] : memref<20480x128xf32, #tpu.memory_space<hbm>> -> memref<20480x128xf32, #tpu.memory_space<hbm>>
    tpu.wait_indirect_dma semaphore(%arg7 : memref<!tpu.dma_semaphore, #tpu.memory_space<semaphore_mem>>) src(%dma_wait3A_6 : memref<20480x128xf32, #tpu.memory_space<hbm>>) dst(%arg6 : memref<64x128xf32, #tpu.memory_space<vmem>>)
    "tpu.region"() ({
      %run_scoped3A = tpu.sem_alloc : memref<!tpu.dma_semaphore, #tpu.memory_space<semaphore_mem>>
      %dma_start3A_7 = arith.constant 0 : i32
      %dma_start3A_8 = tpu.memref_slice %arg4[%mul3A_2, %dma_start3A_7] : memref<2048x128xf32, #tpu.memory_space<hbm>> -> memref<64x128xf32, #tpu.memory_space<hbm>>
      %dma_start3A_9 = arith.constant 0 : i32
      %dma_start3A_10 = tpu.memref_slice %arg4[%mul3A_2, %dma_start3A_9] : memref<2048x128xf32, #tpu.memory_space<hbm>> -> memref<64x128xf32, #tpu.memory_space<hbm>>
      tpu.enqueue_dma source(%arg6 : memref<64x128xf32, #tpu.memory_space<vmem>>) target(%dma_start3A_10 : memref<64x128xf32, #tpu.memory_space<hbm>>) target_semaphore(%run_scoped3A : memref<!tpu.dma_semaphore, #tpu.memory_space<semaphore_mem>>)
      %dma_wait3A_11 = arith.constant 0 : i32
      %dma_wait3A_12 = tpu.memref_slice %arg4[%mul3A_2, %dma_wait3A_11] : memref<2048x128xf32, #tpu.memory_space<hbm>> -> memref<64x128xf32, #tpu.memory_space<hbm>>
      %dma_wait3A_13 = arith.constant 0 : i32
      %dma_wait3A_14 = tpu.memref_slice %arg4[%mul3A_2, %dma_wait3A_13] : memref<2048x128xf32, #tpu.memory_space<hbm>> -> memref<64x128xf32, #tpu.memory_space<hbm>>
      tpu.wait_dma2 semaphore(%run_scoped3A : memref<!tpu.dma_semaphore, #tpu.memory_space<semaphore_mem>>) src(%arg6 : memref<64x128xf32, #tpu.memory_space<vmem>>) dst(%dma_wait3A_14 : memref<64x128xf32, #tpu.memory_space<hbm>>)
      tpu.yield
    }) : () -> ()
    return
  }
}

#map = affine_map<(d0, d1) -> (0, 0)>
#map1 = affine_map<(d0, d1) -> (0)>
module attributes {stable_mosaic.version = 14 : i64} {
  func.func @sc_scatter_add(%arg0: i32, %arg1: i32, %arg2: memref<2048x128xf32, #tpu.memory_space<hbm>>, %arg3: memref<2048xi32, #tpu.memory_space<hbm>>, %arg4: memref<648x128xf32, #tpu.memory_space<hbm>>, %arg5: memref<20480x128xf32, #tpu.memory_space<hbm>>, %arg6: memref<128xi32, #tpu.memory_space<vmem>>, %arg7: memref<128x128xf32, #tpu.memory_space<vmem>>, %arg8: memref<10248x128xf32, #tpu.memory_space<vmem_shared>>, %arg9: memref<!tpu.dma_semaphore, #tpu.memory_space<semaphore_mem>>) attributes {dimension_semantics = [#tpu.dimension_semantics<core_parallel>, #tpu.dimension_semantics<subcore_parallel>], iteration_bounds = array<i64: 2, 16>, scalar_prefetch = 0 : i64, scratch_operands = 4 : i64, tpu.core_type = #tpu.core_type<sc_vector_subcore>, window_params = [{transform_indices = #map}, {transform_indices = #map1}, {transform_indices = #map}, {transform_indices = #map}]} {
    %mul3A = arith.constant 10240 : i32
    %mul3A_0 = arith.muli %arg0, %mul3A : i32
    %mul3A_1 = arith.constant 640 : i32
    %mul3A_2 = arith.muli %arg1, %mul3A_1 : i32
    "tpu.region"() ({
      %run_scoped3A = tpu.sem_alloc : memref<!tpu.dma_semaphore, #tpu.memory_space<semaphore_mem>>
      %dma_start3A = arith.constant 0 : i32
      %dma_start3A_157 = tpu.memref_slice %arg8[%mul3A_2, %dma_start3A] : memref<10248x128xf32, #tpu.memory_space<vmem_shared>> -> memref<640x128xf32, #tpu.memory_space<vmem_shared>>
      %dma_start3A_158 = arith.constant 0 : i32
      %dma_start3A_159 = arith.constant 0 : i32
      %dma_start3A_160 = tpu.memref_slice %arg4[%dma_start3A_158, %dma_start3A_159] : memref<648x128xf32, #tpu.memory_space<hbm>> -> memref<640x128xf32, #tpu.memory_space<hbm>>
      tpu.enqueue_dma source(%dma_start3A_160 : memref<640x128xf32, #tpu.memory_space<hbm>>) target(%dma_start3A_157 : memref<640x128xf32, #tpu.memory_space<vmem_shared>>) target_semaphore(%run_scoped3A : memref<!tpu.dma_semaphore, #tpu.memory_space<semaphore_mem>>)
      %dma_wait3A = arith.constant 0 : i32
      %dma_wait3A_161 = tpu.memref_slice %arg8[%mul3A_2, %dma_wait3A] : memref<10248x128xf32, #tpu.memory_space<vmem_shared>> -> memref<640x128xf32, #tpu.memory_space<vmem_shared>>
      %dma_wait3A_162 = arith.constant 0 : i32
      %dma_wait3A_163 = arith.constant 0 : i32
      %dma_wait3A_164 = tpu.memref_slice %arg4[%dma_wait3A_162, %dma_wait3A_163] : memref<648x128xf32, #tpu.memory_space<hbm>> -> memref<640x128xf32, #tpu.memory_space<hbm>>
      tpu.wait_dma2 semaphore(%run_scoped3A : memref<!tpu.dma_semaphore, #tpu.memory_space<semaphore_mem>>) src(%dma_wait3A_164 : memref<640x128xf32, #tpu.memory_space<hbm>>) dst(%dma_wait3A_161 : memref<640x128xf32, #tpu.memory_space<vmem_shared>>)
      tpu.yield
    }) : () -> ()
    %eq3A = arith.constant 0 : i32
    %eq3A_3 = arith.cmpi eq, %arg1, %eq3A : i32
    %convert_element_type3A = arith.extui %eq3A_3 : i1 to i32
    %cond3A = arith.constant 0 : i32
    %cond3A_4 = arith.cmpi ne, %convert_element_type3A, %cond3A : i32
    scf.if %cond3A_4 {
      "tpu.region"() ({
        %run_scoped3A = tpu.sem_alloc : memref<!tpu.dma_semaphore, #tpu.memory_space<semaphore_mem>>
        %dma_start3A = arith.constant 10240 : i32
        %dma_start3A_157 = arith.constant 0 : i32
        %dma_start3A_158 = tpu.memref_slice %arg8[%dma_start3A, %dma_start3A_157] : memref<10248x128xf32, #tpu.memory_space<vmem_shared>> -> memref<8x128xf32, #tpu.memory_space<vmem_shared>>
        %dma_start3A_159 = arith.constant 640 : i32
        %dma_start3A_160 = arith.constant 0 : i32
        %dma_start3A_161 = tpu.memref_slice %arg4[%dma_start3A_159, %dma_start3A_160] : memref<648x128xf32, #tpu.memory_space<hbm>> -> memref<8x128xf32, #tpu.memory_space<hbm>>
        tpu.enqueue_dma source(%dma_start3A_161 : memref<8x128xf32, #tpu.memory_space<hbm>>) target(%dma_start3A_158 : memref<8x128xf32, #tpu.memory_space<vmem_shared>>) target_semaphore(%run_scoped3A : memref<!tpu.dma_semaphore, #tpu.memory_space<semaphore_mem>>)
        %dma_wait3A = arith.constant 10240 : i32
        %dma_wait3A_162 = arith.constant 0 : i32
        %dma_wait3A_163 = tpu.memref_slice %arg8[%dma_wait3A, %dma_wait3A_162] : memref<10248x128xf32, #tpu.memory_space<vmem_shared>> -> memref<8x128xf32, #tpu.memory_space<vmem_shared>>
        %dma_wait3A_164 = arith.constant 640 : i32
        %dma_wait3A_165 = arith.constant 0 : i32
        %dma_wait3A_166 = tpu.memref_slice %arg4[%dma_wait3A_164, %dma_wait3A_165] : memref<648x128xf32, #tpu.memory_space<hbm>> -> memref<8x128xf32, #tpu.memory_space<hbm>>
        tpu.wait_dma2 semaphore(%run_scoped3A : memref<!tpu.dma_semaphore, #tpu.memory_space<semaphore_mem>>) src(%dma_wait3A_166 : memref<8x128xf32, #tpu.memory_space<hbm>>) dst(%dma_wait3A_163 : memref<8x128xf32, #tpu.memory_space<vmem_shared>>)
        tpu.yield
      }) : () -> ()
    } else {
    }
    %barrier3A = arith.constant 0 : index
    tpu.barrier barrier_id(%barrier3A)
    %mul3A_5 = arith.constant 128 : i32
    %mul3A_6 = arith.muli %arg1, %mul3A_5 : i32
    "tpu.region"() ({
      %run_scoped3A = tpu.sem_alloc : memref<!tpu.dma_semaphore, #tpu.memory_space<semaphore_mem>>
      %dma_start3A = tpu.memref_slice %arg3[%mul3A_6] : memref<2048xi32, #tpu.memory_space<hbm>> -> memref<128xi32, #tpu.memory_space<hbm>>
      %dma_start3A_157 = tpu.memref_slice %arg3[%mul3A_6] : memref<2048xi32, #tpu.memory_space<hbm>> -> memref<128xi32, #tpu.memory_space<hbm>>
      tpu.enqueue_dma source(%dma_start3A_157 : memref<128xi32, #tpu.memory_space<hbm>>) target(%arg6 : memref<128xi32, #tpu.memory_space<vmem>>) target_semaphore(%run_scoped3A : memref<!tpu.dma_semaphore, #tpu.memory_space<semaphore_mem>>)
      %dma_wait3A = tpu.memref_slice %arg3[%mul3A_6] : memref<2048xi32, #tpu.memory_space<hbm>> -> memref<128xi32, #tpu.memory_space<hbm>>
      %dma_wait3A_158 = tpu.memref_slice %arg3[%mul3A_6] : memref<2048xi32, #tpu.memory_space<hbm>> -> memref<128xi32, #tpu.memory_space<hbm>>
      tpu.wait_dma2 semaphore(%run_scoped3A : memref<!tpu.dma_semaphore, #tpu.memory_space<semaphore_mem>>) src(%dma_wait3A_158 : memref<128xi32, #tpu.memory_space<hbm>>) dst(%arg6 : memref<128xi32, #tpu.memory_space<vmem>>)
      tpu.yield
    }) : () -> ()
    %get3A = arith.constant 0 : index
    %get3A_7 = tpu.vector_load %arg6[%get3A] {strides = array<i32>} : memref<128xi32, #tpu.memory_space<vmem>>, vector<16xi32>,
    %get3A_8 = vector.shape_cast %get3A_7 : vector<16xi32> to vector<16xi32>
    %sub3A = vector.broadcast %mul3A_0 : i32 to vector<16xi32>
    %sub3A_9 = arith.subi %get3A_8, %sub3A : vector<16xi32>
    %lt3A = arith.constant 0 : i32
    %lt3A_10 = vector.broadcast %lt3A : i32 to vector<16xi32>
    %lt3A_11 = arith.cmpi slt, %sub3A_9, %lt3A_10 : vector<16xi32>
    %ge3A = arith.constant 10240 : i32
    %ge3A_12 = vector.broadcast %ge3A : i32 to vector<16xi32>
    %ge3A_13 = arith.cmpi sge, %sub3A_9, %ge3A_12 : vector<16xi32>
    %or3A = arith.ori %lt3A_11, %ge3A_13 : vector<16xi1>
    %jit3A = arith.constant 10240 : i32
    %broadcast_in_dim3A = vector.broadcast %jit3A : i32 to vector<16xi32>
    %select_n3A = arith.select %or3A, %broadcast_in_dim3A, %sub3A_9 : vector<16xi1>, vector<16xi32>
    %swap3A = arith.constant 0 : index
    %swap3A_14 = tpu.vector_load %arg6[%swap3A] {strides = array<i32>} : memref<128xi32, #tpu.memory_space<vmem>>, vector<16xi32>,
    %swap3A_15 = vector.shape_cast %swap3A_14 : vector<16xi32> to vector<16xi32>
    %swap3A_16 = vector.shape_cast %select_n3A : vector<16xi32> to vector<16xi32>
    tpu.vector_store %arg6[%swap3A], %swap3A_16 {strides = array<i32>} : memref<128xi32, #tpu.memory_space<vmem>>, vector<16xi32>,
    %get3A_17 = arith.constant 16 : index
    %get3A_18 = tpu.vector_load %arg6[%get3A_17] {strides = array<i32>} : memref<128xi32, #tpu.memory_space<vmem>>, vector<16xi32>,
    %get3A_19 = vector.shape_cast %get3A_18 : vector<16xi32> to vector<16xi32>
    %sub3A_20 = vector.broadcast %mul3A_0 : i32 to vector<16xi32>
    %sub3A_21 = arith.subi %get3A_19, %sub3A_20 : vector<16xi32>
    %lt3A_22 = arith.constant 0 : i32
    %lt3A_23 = vector.broadcast %lt3A_22 : i32 to vector<16xi32>
    %lt3A_24 = arith.cmpi slt, %sub3A_21, %lt3A_23 : vector<16xi32>
    %ge3A_25 = arith.constant 10240 : i32
    %ge3A_26 = vector.broadcast %ge3A_25 : i32 to vector<16xi32>
    %ge3A_27 = arith.cmpi sge, %sub3A_21, %ge3A_26 : vector<16xi32>
    %or3A_28 = arith.ori %lt3A_24, %ge3A_27 : vector<16xi1>
    %jit3A_29 = arith.constant 10240 : i32
    %broadcast_in_dim3A_30 = vector.broadcast %jit3A_29 : i32 to vector<16xi32>
    %select_n3A_31 = arith.select %or3A_28, %broadcast_in_dim3A_30, %sub3A_21 : vector<16xi1>, vector<16xi32>
    %swap3A_32 = arith.constant 16 : index
    %swap3A_33 = tpu.vector_load %arg6[%swap3A_32] {strides = array<i32>} : memref<128xi32, #tpu.memory_space<vmem>>, vector<16xi32>,
    %swap3A_34 = vector.shape_cast %swap3A_33 : vector<16xi32> to vector<16xi32>
    %swap3A_35 = vector.shape_cast %select_n3A_31 : vector<16xi32> to vector<16xi32>
    tpu.vector_store %arg6[%swap3A_32], %swap3A_35 {strides = array<i32>} : memref<128xi32, #tpu.memory_space<vmem>>, vector<16xi32>,
    %get3A_36 = arith.constant 32 : index
    %get3A_37 = tpu.vector_load %arg6[%get3A_36] {strides = array<i32>} : memref<128xi32, #tpu.memory_space<vmem>>, vector<16xi32>,
    %get3A_38 = vector.shape_cast %get3A_37 : vector<16xi32> to vector<16xi32>
    %sub3A_39 = vector.broadcast %mul3A_0 : i32 to vector<16xi32>
    %sub3A_40 = arith.subi %get3A_38, %sub3A_39 : vector<16xi32>
    %lt3A_41 = arith.constant 0 : i32
    %lt3A_42 = vector.broadcast %lt3A_41 : i32 to vector<16xi32>
    %lt3A_43 = arith.cmpi slt, %sub3A_40, %lt3A_42 : vector<16xi32>
    %ge3A_44 = arith.constant 10240 : i32
    %ge3A_45 = vector.broadcast %ge3A_44 : i32 to vector<16xi32>
    %ge3A_46 = arith.cmpi sge, %sub3A_40, %ge3A_45 : vector<16xi32>
    %or3A_47 = arith.ori %lt3A_43, %ge3A_46 : vector<16xi1>
    %jit3A_48 = arith.constant 10240 : i32
    %broadcast_in_dim3A_49 = vector.broadcast %jit3A_48 : i32 to vector<16xi32>
    %select_n3A_50 = arith.select %or3A_47, %broadcast_in_dim3A_49, %sub3A_40 : vector<16xi1>, vector<16xi32>
    %swap3A_51 = arith.constant 32 : index
    %swap3A_52 = tpu.vector_load %arg6[%swap3A_51] {strides = array<i32>} : memref<128xi32, #tpu.memory_space<vmem>>, vector<16xi32>,
    %swap3A_53 = vector.shape_cast %swap3A_52 : vector<16xi32> to vector<16xi32>
    %swap3A_54 = vector.shape_cast %select_n3A_50 : vector<16xi32> to vector<16xi32>
    tpu.vector_store %arg6[%swap3A_51], %swap3A_54 {strides = array<i32>} : memref<128xi32, #tpu.memory_space<vmem>>, vector<16xi32>,
    %get3A_55 = arith.constant 48 : index
    %get3A_56 = tpu.vector_load %arg6[%get3A_55] {strides = array<i32>} : memref<128xi32, #tpu.memory_space<vmem>>, vector<16xi32>,
    %get3A_57 = vector.shape_cast %get3A_56 : vector<16xi32> to vector<16xi32>
    %sub3A_58 = vector.broadcast %mul3A_0 : i32 to vector<16xi32>
    %sub3A_59 = arith.subi %get3A_57, %sub3A_58 : vector<16xi32>
    %lt3A_60 = arith.constant 0 : i32
    %lt3A_61 = vector.broadcast %lt3A_60 : i32 to vector<16xi32>
    %lt3A_62 = arith.cmpi slt, %sub3A_59, %lt3A_61 : vector<16xi32>
    %ge3A_63 = arith.constant 10240 : i32
    %ge3A_64 = vector.broadcast %ge3A_63 : i32 to vector<16xi32>
    %ge3A_65 = arith.cmpi sge, %sub3A_59, %ge3A_64 : vector<16xi32>
    %or3A_66 = arith.ori %lt3A_62, %ge3A_65 : vector<16xi1>
    %jit3A_67 = arith.constant 10240 : i32
    %broadcast_in_dim3A_68 = vector.broadcast %jit3A_67 : i32 to vector<16xi32>
    %select_n3A_69 = arith.select %or3A_66, %broadcast_in_dim3A_68, %sub3A_59 : vector<16xi1>, vector<16xi32>
    %swap3A_70 = arith.constant 48 : index
    %swap3A_71 = tpu.vector_load %arg6[%swap3A_70] {strides = array<i32>} : memref<128xi32, #tpu.memory_space<vmem>>, vector<16xi32>,
    %swap3A_72 = vector.shape_cast %swap3A_71 : vector<16xi32> to vector<16xi32>
    %swap3A_73 = vector.shape_cast %select_n3A_69 : vector<16xi32> to vector<16xi32>
    tpu.vector_store %arg6[%swap3A_70], %swap3A_73 {strides = array<i32>} : memref<128xi32, #tpu.memory_space<vmem>>, vector<16xi32>,
    %get3A_74 = arith.constant 64 : index
    %get3A_75 = tpu.vector_load %arg6[%get3A_74] {strides = array<i32>} : memref<128xi32, #tpu.memory_space<vmem>>, vector<16xi32>,
    %get3A_76 = vector.shape_cast %get3A_75 : vector<16xi32> to vector<16xi32>
    %sub3A_77 = vector.broadcast %mul3A_0 : i32 to vector<16xi32>
    %sub3A_78 = arith.subi %get3A_76, %sub3A_77 : vector<16xi32>
    %lt3A_79 = arith.constant 0 : i32
    %lt3A_80 = vector.broadcast %lt3A_79 : i32 to vector<16xi32>
    %lt3A_81 = arith.cmpi slt, %sub3A_78, %lt3A_80 : vector<16xi32>
    %ge3A_82 = arith.constant 10240 : i32
    %ge3A_83 = vector.broadcast %ge3A_82 : i32 to vector<16xi32>
    %ge3A_84 = arith.cmpi sge, %sub3A_78, %ge3A_83 : vector<16xi32>
    %or3A_85 = arith.ori %lt3A_81, %ge3A_84 : vector<16xi1>
    %jit3A_86 = arith.constant 10240 : i32
    %broadcast_in_dim3A_87 = vector.broadcast %jit3A_86 : i32 to vector<16xi32>
    %select_n3A_88 = arith.select %or3A_85, %broadcast_in_dim3A_87, %sub3A_78 : vector<16xi1>, vector<16xi32>
    %swap3A_89 = arith.constant 64 : index
    %swap3A_90 = tpu.vector_load %arg6[%swap3A_89] {strides = array<i32>} : memref<128xi32, #tpu.memory_space<vmem>>, vector<16xi32>,
    %swap3A_91 = vector.shape_cast %swap3A_90 : vector<16xi32> to vector<16xi32>
    %swap3A_92 = vector.shape_cast %select_n3A_88 : vector<16xi32> to vector<16xi32>
    tpu.vector_store %arg6[%swap3A_89], %swap3A_92 {strides = array<i32>} : memref<128xi32, #tpu.memory_space<vmem>>, vector<16xi32>,
    %get3A_93 = arith.constant 80 : index
    %get3A_94 = tpu.vector_load %arg6[%get3A_93] {strides = array<i32>} : memref<128xi32, #tpu.memory_space<vmem>>, vector<16xi32>,
    %get3A_95 = vector.shape_cast %get3A_94 : vector<16xi32> to vector<16xi32>
    %sub3A_96 = vector.broadcast %mul3A_0 : i32 to vector<16xi32>
    %sub3A_97 = arith.subi %get3A_95, %sub3A_96 : vector<16xi32>
    %lt3A_98 = arith.constant 0 : i32
    %lt3A_99 = vector.broadcast %lt3A_98 : i32 to vector<16xi32>
    %lt3A_100 = arith.cmpi slt, %sub3A_97, %lt3A_99 : vector<16xi32>
    %ge3A_101 = arith.constant 10240 : i32
    %ge3A_102 = vector.broadcast %ge3A_101 : i32 to vector<16xi32>
    %ge3A_103 = arith.cmpi sge, %sub3A_97, %ge3A_102 : vector<16xi32>
    %or3A_104 = arith.ori %lt3A_100, %ge3A_103 : vector<16xi1>
    %jit3A_105 = arith.constant 10240 : i32
    %broadcast_in_dim3A_106 = vector.broadcast %jit3A_105 : i32 to vector<16xi32>
    %select_n3A_107 = arith.select %or3A_104, %broadcast_in_dim3A_106, %sub3A_97 : vector<16xi1>, vector<16xi32>
    %swap3A_108 = arith.constant 80 : index
    %swap3A_109 = tpu.vector_load %arg6[%swap3A_108] {strides = array<i32>} : memref<128xi32, #tpu.memory_space<vmem>>, vector<16xi32>,
    %swap3A_110 = vector.shape_cast %swap3A_109 : vector<16xi32> to vector<16xi32>
    %swap3A_111 = vector.shape_cast %select_n3A_107 : vector<16xi32> to vector<16xi32>
    tpu.vector_store %arg6[%swap3A_108], %swap3A_111 {strides = array<i32>} : memref<128xi32, #tpu.memory_space<vmem>>, vector<16xi32>,
    %get3A_112 = arith.constant 96 : index
    %get3A_113 = tpu.vector_load %arg6[%get3A_112] {strides = array<i32>} : memref<128xi32, #tpu.memory_space<vmem>>, vector<16xi32>,
    %get3A_114 = vector.shape_cast %get3A_113 : vector<16xi32> to vector<16xi32>
    %sub3A_115 = vector.broadcast %mul3A_0 : i32 to vector<16xi32>
    %sub3A_116 = arith.subi %get3A_114, %sub3A_115 : vector<16xi32>
    %lt3A_117 = arith.constant 0 : i32
    %lt3A_118 = vector.broadcast %lt3A_117 : i32 to vector<16xi32>
    %lt3A_119 = arith.cmpi slt, %sub3A_116, %lt3A_118 : vector<16xi32>
    %ge3A_120 = arith.constant 10240 : i32
    %ge3A_121 = vector.broadcast %ge3A_120 : i32 to vector<16xi32>
    %ge3A_122 = arith.cmpi sge, %sub3A_116, %ge3A_121 : vector<16xi32>
    %or3A_123 = arith.ori %lt3A_119, %ge3A_122 : vector<16xi1>
    %jit3A_124 = arith.constant 10240 : i32
    %broadcast_in_dim3A_125 = vector.broadcast %jit3A_124 : i32 to vector<16xi32>
    %select_n3A_126 = arith.select %or3A_123, %broadcast_in_dim3A_125, %sub3A_116 : vector<16xi1>, vector<16xi32>
    %swap3A_127 = arith.constant 96 : index
    %swap3A_128 = tpu.vector_load %arg6[%swap3A_127] {strides = array<i32>} : memref<128xi32, #tpu.memory_space<vmem>>, vector<16xi32>,
    %swap3A_129 = vector.shape_cast %swap3A_128 : vector<16xi32> to vector<16xi32>
    %swap3A_130 = vector.shape_cast %select_n3A_126 : vector<16xi32> to vector<16xi32>
    tpu.vector_store %arg6[%swap3A_127], %swap3A_130 {strides = array<i32>} : memref<128xi32, #tpu.memory_space<vmem>>, vector<16xi32>,
    %get3A_131 = arith.constant 112 : index
    %get3A_132 = tpu.vector_load %arg6[%get3A_131] {strides = array<i32>} : memref<128xi32, #tpu.memory_space<vmem>>, vector<16xi32>,
    %get3A_133 = vector.shape_cast %get3A_132 : vector<16xi32> to vector<16xi32>
    %sub3A_134 = vector.broadcast %mul3A_0 : i32 to vector<16xi32>
    %sub3A_135 = arith.subi %get3A_133, %sub3A_134 : vector<16xi32>
    %lt3A_136 = arith.constant 0 : i32
    %lt3A_137 = vector.broadcast %lt3A_136 : i32 to vector<16xi32>
    %lt3A_138 = arith.cmpi slt, %sub3A_135, %lt3A_137 : vector<16xi32>
    %ge3A_139 = arith.constant 10240 : i32
    %ge3A_140 = vector.broadcast %ge3A_139 : i32 to vector<16xi32>
    %ge3A_141 = arith.cmpi sge, %sub3A_135, %ge3A_140 : vector<16xi32>
    %or3A_142 = arith.ori %lt3A_138, %ge3A_141 : vector<16xi1>
    %jit3A_143 = arith.constant 10240 : i32
    %broadcast_in_dim3A_144 = vector.broadcast %jit3A_143 : i32 to vector<16xi32>
    %select_n3A_145 = arith.select %or3A_142, %broadcast_in_dim3A_144, %sub3A_135 : vector<16xi1>, vector<16xi32>
    %swap3A_146 = arith.constant 112 : index
    %swap3A_147 = tpu.vector_load %arg6[%swap3A_146] {strides = array<i32>} : memref<128xi32, #tpu.memory_space<vmem>>, vector<16xi32>,
    %swap3A_148 = vector.shape_cast %swap3A_147 : vector<16xi32> to vector<16xi32>
    %swap3A_149 = vector.shape_cast %select_n3A_145 : vector<16xi32> to vector<16xi32>
    tpu.vector_store %arg6[%swap3A_146], %swap3A_149 {strides = array<i32>} : memref<128xi32, #tpu.memory_space<vmem>>, vector<16xi32>,
    %mul3A_150 = arith.constant 128 : i32
    %mul3A_151 = arith.muli %arg1, %mul3A_150 : i32
    "tpu.region"() ({
      %run_scoped3A = tpu.sem_alloc : memref<!tpu.dma_semaphore, #tpu.memory_space<semaphore_mem>>
      %dma_start3A = arith.constant 0 : i32
      %dma_start3A_157 = tpu.memref_slice %arg2[%mul3A_151, %dma_start3A] : memref<2048x128xf32, #tpu.memory_space<hbm>> -> memref<128x128xf32, #tpu.memory_space<hbm>>
      %dma_start3A_158 = arith.constant 0 : i32
      %dma_start3A_159 = tpu.memref_slice %arg2[%mul3A_151, %dma_start3A_158] : memref<2048x128xf32, #tpu.memory_space<hbm>> -> memref<128x128xf32, #tpu.memory_space<hbm>>
      tpu.enqueue_dma source(%dma_start3A_159 : memref<128x128xf32, #tpu.memory_space<hbm>>) target(%arg7 : memref<128x128xf32, #tpu.memory_space<vmem>>) target_semaphore(%run_scoped3A : memref<!tpu.dma_semaphore, #tpu.memory_space<semaphore_mem>>)
      %dma_wait3A = arith.constant 0 : i32
      %dma_wait3A_160 = tpu.memref_slice %arg2[%mul3A_151, %dma_wait3A] : memref<2048x128xf32, #tpu.memory_space<hbm>> -> memref<128x128xf32, #tpu.memory_space<hbm>>
      %dma_wait3A_161 = arith.constant 0 : i32
      %dma_wait3A_162 = tpu.memref_slice %arg2[%mul3A_151, %dma_wait3A_161] : memref<2048x128xf32, #tpu.memory_space<hbm>> -> memref<128x128xf32, #tpu.memory_space<hbm>>
      tpu.wait_dma2 semaphore(%run_scoped3A : memref<!tpu.dma_semaphore, #tpu.memory_space<semaphore_mem>>) src(%dma_wait3A_162 : memref<128x128xf32, #tpu.memory_space<hbm>>) dst(%arg7 : memref<128x128xf32, #tpu.memory_space<vmem>>)
      tpu.yield
    }) : () -> ()
    "tpu.region"() ({
      %run_scoped3A = tpu.sem_alloc : memref<!tpu.dma_semaphore, #tpu.memory_space<semaphore_mem>>
      %dma_start3A = arith.constant 0 : i32
      %dma_start3A_157 = arith.constant 0 : i32
      %dma_start3A_158 = tpu.memref_slice %arg8[%dma_start3A, %dma_start3A_157] : memref<10248x128xf32, #tpu.memory_space<vmem_shared>> -> memref<10248x128xf32, #tpu.memory_space<vmem_shared>>
      tpu.enqueue_indirect_dma source(%arg7 : memref<128x128xf32, #tpu.memory_space<vmem>>) target(%dma_start3A_158 : memref<10248x128xf32, #tpu.memory_space<vmem_shared>>) offsets(%arg6 : memref<128xi32, #tpu.memory_space<vmem>>) semaphore(%run_scoped3A : memref<!tpu.dma_semaphore, #tpu.memory_space<semaphore_mem>>) {add = true}
      %dma_wait3A = arith.constant 0 : i32
      %dma_wait3A_159 = arith.constant 0 : i32
      %dma_wait3A_160 = tpu.memref_slice %arg8[%dma_wait3A, %dma_wait3A_159] : memref<10248x128xf32, #tpu.memory_space<vmem_shared>> -> memref<10248x128xf32, #tpu.memory_space<vmem_shared>>
      tpu.wait_indirect_dma semaphore(%run_scoped3A : memref<!tpu.dma_semaphore, #tpu.memory_space<semaphore_mem>>) src(%arg7 : memref<128x128xf32, #tpu.memory_space<vmem>>) dst(%dma_wait3A_160 : memref<10248x128xf32, #tpu.memory_space<vmem_shared>>)
      tpu.yield
    }) : () -> ()
    %barrier3A_152 = arith.constant 0 : index
    tpu.barrier barrier_id(%barrier3A_152)
    %mul3A_153 = arith.constant 640 : i32
    %mul3A_154 = arith.muli %arg1, %mul3A_153 : i32
    %mul3A_155 = arith.constant 640 : i32
    %mul3A_156 = arith.muli %arg1, %mul3A_155 : i32
    %add3A = arith.addi %mul3A_0, %mul3A_156 : i32
    "tpu.region"() ({
      %run_scoped3A = tpu.sem_alloc : memref<!tpu.dma_semaphore, #tpu.memory_space<semaphore_mem>>
      %dma_start3A = arith.constant 0 : i32
      %dma_start3A_157 = tpu.memref_slice %arg5[%add3A, %dma_start3A] : memref<20480x128xf32, #tpu.memory_space<hbm>> -> memref<640x128xf32, #tpu.memory_space<hbm>>
      %dma_start3A_158 = arith.constant 0 : i32
      %dma_start3A_159 = tpu.memref_slice %arg8[%mul3A_154, %dma_start3A_158] : memref<10248x128xf32, #tpu.memory_space<vmem_shared>> -> memref<640x128xf32, #tpu.memory_space<vmem_shared>>
      tpu.enqueue_dma source(%dma_start3A_159 : memref<640x128xf32, #tpu.memory_space<vmem_shared>>) target(%dma_start3A_157 : memref<640x128xf32, #tpu.memory_space<hbm>>) target_semaphore(%run_scoped3A : memref<!tpu.dma_semaphore, #tpu.memory_space<semaphore_mem>>)
      %dma_wait3A = arith.constant 0 : i32
      %dma_wait3A_160 = tpu.memref_slice %arg5[%add3A, %dma_wait3A] : memref<20480x128xf32, #tpu.memory_space<hbm>> -> memref<640x128xf32, #tpu.memory_space<hbm>>
      %dma_wait3A_161 = arith.constant 0 : i32
      %dma_wait3A_162 = tpu.memref_slice %arg8[%mul3A_154, %dma_wait3A_161] : memref<10248x128xf32, #tpu.memory_space<vmem_shared>> -> memref<640x128xf32, #tpu.memory_space<vmem_shared>>
      tpu.wait_dma2 semaphore(%run_scoped3A : memref<!tpu.dma_semaphore, #tpu.memory_space<semaphore_mem>>) src(%dma_wait3A_162 : memref<640x128xf32, #tpu.memory_space<vmem_shared>>) dst(%dma_wait3A_160 : memref<640x128xf32, #tpu.memory_space<hbm>>)
      tpu.yield
    }) : () -> ()
    return
  }
}

module attributes {stable_mosaic.version = 14 : i64} {
  func.func @tc_init(%arg0: i32, %arg1: i32, %arg2: memref<512x128xf32, #tpu.memory_space<vmem>>, %arg3: memref<1x1x512x16xf32, #tpu.memory_space<vmem>>, %arg4: memref<128x128xf32, #tpu.memory_space<vmem>>, %arg5: memref<16x128xf32, #tpu.memory_space<vmem>>, %arg6: memref<1x128xf32, #tpu.memory_space<vmem>>, %arg7: memref<128x128xf32, #tpu.memory_space<vmem>>, %arg8: memref<1x128xf32, #tpu.memory_space<vmem>>, %arg9: memref<128x384xf32, #tpu.memory_space<vmem>>, %arg10: memref<512x128xf32, #tpu.memory_space<vmem>>) attributes {dimension_semantics = [#tpu.dimension_semantics<arbitrary>, #tpu.dimension_semantics<arbitrary>], iteration_bounds = array<i64: 2, 20>, scalar_prefetch = 0 : i64, scratch_operands = 0 : i64, tpu.core_type = #tpu.core_type<tc>, window_params = [{transform_indices = @transform_0, window_bounds = array<i64: 512, 128>}, {transform_indices = @transform_1, window_bounds = array<i64: 1, 1, 512, 16>}, {pipeline_mode = #tpu.pipeline_mode<synchronous>, transform_indices = @transform_2, window_bounds = array<i64: 128, 128>}, {pipeline_mode = #tpu.pipeline_mode<synchronous>, transform_indices = @transform_3, window_bounds = array<i64: 16, 128>}, {pipeline_mode = #tpu.pipeline_mode<synchronous>, transform_indices = @transform_4, window_bounds = array<i64: 1, 128>}, {pipeline_mode = #tpu.pipeline_mode<synchronous>, transform_indices = @transform_5, window_bounds = array<i64: 128, 128>}, {pipeline_mode = #tpu.pipeline_mode<synchronous>, transform_indices = @transform_6, window_bounds = array<i64: 1, 128>}, {pipeline_mode = #tpu.pipeline_mode<synchronous>, transform_indices = @transform_7, window_bounds = array<i64: 128, 384>}, {transform_indices = @transform_8, window_bounds = array<i64: 512, 128>}]} {
    %get3A = arith.constant 0 : index
    %get3A_0 = arith.constant 0 : index
    %get3A_1 = vector.load %arg2[%get3A, %get3A_0] : memref<512x128xf32, #tpu.memory_space<vmem>>, vector<512x128xf32>
    %get3A_2 = arith.constant 0 : index
    %get3A_3 = arith.constant 0 : index
    %get3A_4 = vector.load %arg4[%get3A_2, %get3A_3] : memref<128x128xf32, #tpu.memory_space<vmem>>, vector<128x128xf32>
    %dot_general3A = arith.constant dense<0.000000e+00> : vector<512x128xf32>
    %dot_general3A_5 = tpu.matmul %get3A_1, %get3A_4, %dot_general3A {dimension_numbers = #tpu.dot_dimension_numbers<[1], [0], [0], [1], [0, 0, 1, 1], [], []>, transpose_lhs_hint = false} : vector<512x128xf32>, vector<128x128xf32>, vector<512x128xf32> -> vector<512x128xf32>
    %get3A_6 = arith.constant 0 : index
    %get3A_7 = arith.constant 0 : index
    %get3A_8 = arith.constant 0 : index
    %get3A_9 = arith.constant 0 : index
    %get3A_10 = vector.load %arg3[%get3A_6, %get3A_7, %get3A_8, %get3A_9] : memref<1x1x512x16xf32, #tpu.memory_space<vmem>>, vector<1x1x512x16xf32>
    %reshape3A = vector.shape_cast %get3A_10 : vector<1x1x512x16xf32> to vector<512x16xf32>
    %get3A_11 = arith.constant 0 : index
    %get3A_12 = arith.constant 0 : index
    %get3A_13 = vector.load %arg5[%get3A_11, %get3A_12] : memref<16x128xf32, #tpu.memory_space<vmem>>, vector<16x128xf32>
    %dot_general3A_14 = arith.constant dense<0.000000e+00> : vector<512x128xf32>
    %dot_general3A_15 = tpu.matmul %reshape3A, %get3A_13, %dot_general3A_14 {dimension_numbers = #tpu.dot_dimension_numbers<[1], [0], [0], [1], [0, 0, 1, 1], [], []>, transpose_lhs_hint = false} : vector<512x16xf32>, vector<16x128xf32>, vector<512x128xf32> -> vector<512x128xf32>
    %add3A = arith.addf %dot_general3A_5, %dot_general3A_15 : vector<512x128xf32>
    %get3A_16 = arith.constant 0 : index
    %get3A_17 = arith.constant 0 : index
    %get3A_18 = vector.load %arg6[%get3A_16, %get3A_17] : memref<1x128xf32, #tpu.memory_space<vmem>>, vector<1x128xf32>
    %add3A_19 = vector.broadcast %get3A_18 : vector<1x128xf32> to vector<512x128xf32>
    %add3A_20 = arith.addf %add3A, %add3A_19 : vector<512x128xf32>
    %max3A = arith.constant 0.000000e+00 : f32
    %max3A_21 = vector.broadcast %max3A : f32 to vector<512x128xf32>
    %max3A_22 = arith.maximumf %add3A_20, %max3A_21 : vector<512x128xf32>
    %get3A_23 = arith.constant 0 : index
    %get3A_24 = arith.constant 0 : index
    %get3A_25 = vector.load %arg7[%get3A_23, %get3A_24] : memref<128x128xf32, #tpu.memory_space<vmem>>, vector<128x128xf32>
    %dot_general3A_26 = arith.constant dense<0.000000e+00> : vector<512x128xf32>
    %dot_general3A_27 = tpu.matmul %max3A_22, %get3A_25, %dot_general3A_26 {dimension_numbers = #tpu.dot_dimension_numbers<[1], [0], [0], [1], [0, 0, 1, 1], [], []>, transpose_lhs_hint = false} : vector<512x128xf32>, vector<128x128xf32>, vector<512x128xf32> -> vector<512x128xf32>
    %get3A_28 = arith.constant 0 : index
    %get3A_29 = arith.constant 0 : index
    %get3A_30 = vector.load %arg8[%get3A_28, %get3A_29] : memref<1x128xf32, #tpu.memory_space<vmem>>, vector<1x128xf32>
    %add3A_31 = vector.broadcast %get3A_30 : vector<1x128xf32> to vector<512x128xf32>
    %add3A_32 = arith.addf %dot_general3A_27, %add3A_31 : vector<512x128xf32>
    %get3A_33 = arith.constant 0 : index
    %get3A_34 = arith.constant 0 : index
    %get3A_35 = vector.load %arg9[%get3A_33, %get3A_34] : memref<128x384xf32, #tpu.memory_space<vmem>>, vector<128x384xf32>
    %dot_general3A_36 = arith.constant dense<0.000000e+00> : vector<512x384xf32>
    %dot_general3A_37 = tpu.matmul %add3A_32, %get3A_35, %dot_general3A_36 {dimension_numbers = #tpu.dot_dimension_numbers<[1], [0], [0], [1], [0, 0, 1, 1], [], []>, transpose_lhs_hint = false} : vector<512x128xf32>, vector<128x384xf32>, vector<512x384xf32> -> vector<512x384xf32>
    %slice3A = vector.extract_strided_slice %dot_general3A_37 {offsets = [0, 128], sizes = [512, 128], strides = [1, 1]} : vector<512x384xf32> to vector<512x128xf32>
    %logistic3A = arith.negf %slice3A : vector<512x128xf32>
    %logistic3A_38 = math.exp %logistic3A : vector<512x128xf32>
    %logistic3A_39 = arith.constant 1.000000e+00 : f32
    %logistic3A_40 = vector.broadcast %logistic3A_39 : f32 to vector<512x128xf32>
    %logistic3A_41 = arith.addf %logistic3A_40, %logistic3A_38 : vector<512x128xf32>
    %logistic3A_42 = arith.divf %logistic3A_40, %logistic3A_41 : vector<512x128xf32>
    %slice3A_43 = vector.extract_strided_slice %dot_general3A_37 {offsets = [0, 256], sizes = [512, 128], strides = [1, 1]} : vector<512x384xf32> to vector<512x128xf32>
    %tanh3A = math.tanh %slice3A_43 : vector<512x128xf32>
    %sub3A = arith.constant 1.000000e+00 : f32
    %sub3A_44 = vector.broadcast %sub3A : f32 to vector<512x128xf32>
    %sub3A_45 = arith.subf %sub3A_44, %logistic3A_42 : vector<512x128xf32>
    %mul3A = arith.mulf %sub3A_45, %tanh3A : vector<512x128xf32>
    %swap3A = arith.constant 0 : index
    %swap3A_46 = arith.constant 0 : index
    %swap3A_47 = vector.load %arg10[%swap3A, %swap3A_46] : memref<512x128xf32, #tpu.memory_space<vmem>>, vector<512x128xf32>
    tpu.vector_store %arg10[%swap3A, %swap3A_46], %mul3A {strides = array<i32>} : memref<512x128xf32, #tpu.memory_space<vmem>>, vector<512x128xf32>,
    return
  }
  func.func @transform_0(%arg0: i32, %arg1: i32) -> (i32, i32) {
    %mul3A = arith.constant 20 : i32
    %mul3A_0 = arith.muli %arg0, %mul3A : i32
    %add3A = arith.addi %mul3A_0, %arg1 : i32
    %c0_i32 = arith.constant 0 : i32
    %c0_i32_1 = arith.constant 0 : i32
    return %add3A, %c0_i32 : i32, i32
  }
  func.func @transform_1(%arg0: i32, %arg1: i32) -> (i32, i32, i32, i32) {
    %c0_i32 = arith.constant 0 : i32
    %c0_i32_0 = arith.constant 0 : i32
    %c0_i32_1 = arith.constant 0 : i32
    return %arg0, %c0_i32, %arg1, %c0_i32_0 : i32, i32, i32, i32
  }
  func.func @transform_2(%arg0: i32, %arg1: i32) -> (i32, i32) {
    %c0_i32 = arith.constant 0 : i32
    %c0_i32_0 = arith.constant 0 : i32
    %c0_i32_1 = arith.constant 0 : i32
    return %c0_i32, %c0_i32_0 : i32, i32
  }
  func.func @transform_3(%arg0: i32, %arg1: i32) -> (i32, i32) {
    %c0_i32 = arith.constant 0 : i32
    %c0_i32_0 = arith.constant 0 : i32
    %c0_i32_1 = arith.constant 0 : i32
    return %c0_i32, %c0_i32_0 : i32, i32
  }
  func.func @transform_4(%arg0: i32, %arg1: i32) -> (i32, i32) {
    %c0_i32 = arith.constant 0 : i32
    %c0_i32_0 = arith.constant 0 : i32
    %c0_i32_1 = arith.constant 0 : i32
    return %c0_i32, %c0_i32_0 : i32, i32
  }
  func.func @transform_5(%arg0: i32, %arg1: i32) -> (i32, i32) {
    %c0_i32 = arith.constant 0 : i32
    %c0_i32_0 = arith.constant 0 : i32
    %c0_i32_1 = arith.constant 0 : i32
    return %c0_i32, %c0_i32_0 : i32, i32
  }
  func.func @transform_6(%arg0: i32, %arg1: i32) -> (i32, i32) {
    %c0_i32 = arith.constant 0 : i32
    %c0_i32_0 = arith.constant 0 : i32
    %c0_i32_1 = arith.constant 0 : i32
    return %c0_i32, %c0_i32_0 : i32, i32
  }
  func.func @transform_7(%arg0: i32, %arg1: i32) -> (i32, i32) {
    %c0_i32 = arith.constant 0 : i32
    %c0_i32_0 = arith.constant 0 : i32
    %c0_i32_1 = arith.constant 0 : i32
    return %c0_i32, %c0_i32_0 : i32, i32
  }
  func.func @transform_8(%arg0: i32, %arg1: i32) -> (i32, i32) {
    %mul3A = arith.constant 20 : i32
    %mul3A_0 = arith.muli %arg0, %mul3A : i32
    %add3A = arith.addi %mul3A_0, %arg1 : i32
    %c0_i32 = arith.constant 0 : i32
    %c0_i32_1 = arith.constant 0 : i32
    return %add3A, %c0_i32 : i32, i32
  }
}

module attributes {stable_mosaic.version = 14 : i64} {
  func.func @tc_prep(%arg0: i32, %arg1: memref<16x100xf32, #tpu.memory_space<vmem>>, %arg2: memref<1x100xf32, #tpu.memory_space<vmem>>, %arg3: memref<200x100xf32, #tpu.memory_space<vmem>>, %arg4: memref<1x100xf32, #tpu.memory_space<vmem>>, %arg5: memref<100x100xf32, #tpu.memory_space<vmem>>, %arg6: memref<1x100xf32, #tpu.memory_space<vmem>>, %arg7: memref<16x10000xf32, #tpu.memory_space<vmem>>, %arg8: memref<100x300xf32, #tpu.memory_space<vmem>>, %arg9: memref<100x300xf32, #tpu.memory_space<vmem>>, %arg10: memref<1x300xf32, #tpu.memory_space<vmem>>, %arg11: memref<1x300xf32, #tpu.memory_space<vmem>>, %arg12: memref<100x300xf32, #tpu.memory_space<vmem>>, %arg13: memref<100x300xf32, #tpu.memory_space<vmem>>, %arg14: memref<2x2x512xf32, #tpu.memory_space<vmem>>, %arg15: memref<2x2x1024xi32, #tpu.memory_space<vmem>>, %arg16: memref<2x2x1024xf32, #tpu.memory_space<vmem>>, %arg17: memref<128x128xf32, #tpu.memory_space<vmem>>, %arg18: memref<16x128xf32, #tpu.memory_space<vmem>>, %arg19: memref<1x128xf32, #tpu.memory_space<vmem>>, %arg20: memref<128x128xf32, #tpu.memory_space<vmem>>, %arg21: memref<1x128xf32, #tpu.memory_space<vmem>>, %arg22: memref<128x384xf32, #tpu.memory_space<vmem>>, %arg23: memref<128x384xf32, #tpu.memory_space<vmem>>, %arg24: memref<1x384xf32, #tpu.memory_space<vmem>>, %arg25: memref<1x384xf32, #tpu.memory_space<vmem>>, %arg26: memref<128x384xf32, #tpu.memory_space<vmem>>, %arg27: memref<128x384xf32, #tpu.memory_space<vmem>>, %arg28: memref<2048x128xf32, #tpu.memory_space<vmem>>, %arg29: memref<4x512x1xf32, #tpu.memory_space<vmem>>, %arg30: memref<4096x1xi32, #tpu.memory_space<vmem>>, %arg31: memref<4096x1xf32, #tpu.memory_space<vmem>>) attributes {dimension_semantics = [#tpu.dimension_semantics<arbitrary>], iteration_bounds = array<i64: 20>, scalar_prefetch = 0 : i64, scratch_operands = 0 : i64, tpu.core_type = #tpu.core_type<tc>, window_params = [{pipeline_mode = #tpu.pipeline_mode<synchronous>, transform_indices = @transform_0, window_bounds = array<i64: 16, 100>}, {pipeline_mode = #tpu.pipeline_mode<synchronous>, transform_indices = @transform_1, window_bounds = array<i64: 1, 100>}, {pipeline_mode = #tpu.pipeline_mode<synchronous>, transform_indices = @transform_2, window_bounds = array<i64: 200, 100>}, {pipeline_mode = #tpu.pipeline_mode<synchronous>, transform_indices = @transform_3, window_bounds = array<i64: 1, 100>}, {pipeline_mode = #tpu.pipeline_mode<synchronous>, transform_indices = @transform_4, window_bounds = array<i64: 100, 100>}, {pipeline_mode = #tpu.pipeline_mode<synchronous>, transform_indices = @transform_5, window_bounds = array<i64: 1, 100>}, {pipeline_mode = #tpu.pipeline_mode<synchronous>, transform_indices = @transform_6, window_bounds = array<i64: 16, 10000>}, {pipeline_mode = #tpu.pipeline_mode<synchronous>, transform_indices = @transform_7, window_bounds = array<i64: 100, 300>}, {pipeline_mode = #tpu.pipeline_mode<synchronous>, transform_indices = @transform_8, window_bounds = array<i64: 100, 300>}, {pipeline_mode = #tpu.pipeline_mode<synchronous>, transform_indices = @transform_9, window_bounds = array<i64: 1, 300>}, {pipeline_mode = #tpu.pipeline_mode<synchronous>, transform_indices = @transform_10, window_bounds = array<i64: 1, 300>}, {pipeline_mode = #tpu.pipeline_mode<synchronous>, transform_indices = @transform_11, window_bounds = array<i64: 100, 300>}, {pipeline_mode = #tpu.pipeline_mode<synchronous>, transform_indices = @transform_12, window_bounds = array<i64: 100, 300>}, {transform_indices = @transform_13, window_bounds = array<i64: 2, 2, 512>}, {pipeline_mode = #tpu.pipeline_mode<synchronous>, transform_indices = @transform_14, window_bounds = array<i64: 2, 2, 1024>}, {pipeline_mode = #tpu.pipeline_mode<synchronous>, transform_indices = @transform_15, window_bounds = array<i64: 2, 2, 1024>}, {pipeline_mode = #tpu.pipeline_mode<synchronous>, transform_indices = @transform_16, window_bounds = array<i64: 128, 128>}, {pipeline_mode = #tpu.pipeline_mode<synchronous>, transform_indices = @transform_17, window_bounds = array<i64: 16, 128>}, {pipeline_mode = #tpu.pipeline_mode<synchronous>, transform_indices = @transform_18, window_bounds = array<i64: 1, 128>}, {pipeline_mode = #tpu.pipeline_mode<synchronous>, transform_indices = @transform_19, window_bounds = array<i64: 128, 128>}, {pipeline_mode = #tpu.pipeline_mode<synchronous>, transform_indices = @transform_20, window_bounds = array<i64: 1, 128>}, {pipeline_mode = #tpu.pipeline_mode<synchronous>, transform_indices = @transform_21, window_bounds = array<i64: 128, 384>}, {pipeline_mode = #tpu.pipeline_mode<synchronous>, transform_indices = @transform_22, window_bounds = array<i64: 128, 384>}, {pipeline_mode = #tpu.pipeline_mode<synchronous>, transform_indices = @transform_23, window_bounds = array<i64: 1, 384>}, {pipeline_mode = #tpu.pipeline_mode<synchronous>, transform_indices = @transform_24, window_bounds = array<i64: 1, 384>}, {pipeline_mode = #tpu.pipeline_mode<synchronous>, transform_indices = @transform_25, window_bounds = array<i64: 128, 384>}, {pipeline_mode = #tpu.pipeline_mode<synchronous>, transform_indices = @transform_26, window_bounds = array<i64: 128, 384>}, {pipeline_mode = #tpu.pipeline_mode<synchronous>, transform_indices = @transform_27, window_bounds = array<i64: 2048, 128>}, {transform_indices = @transform_28, window_bounds = array<i64: 4, 512, 1>}, {pipeline_mode = #tpu.pipeline_mode<synchronous>, transform_indices = @transform_29, window_bounds = array<i64: 4096, 1>}, {pipeline_mode = #tpu.pipeline_mode<synchronous>, transform_indices = @transform_30, window_bounds = array<i64: 4096, 1>}]} {
    %eq3A = arith.constant 0 : i32
    %eq3A_0 = arith.cmpi eq, %arg0, %eq3A : i32
    %convert_element_type3A = arith.extui %eq3A_0 : i1 to i32
    %cond3A = arith.constant 0 : i32
    %cond3A_1 = arith.cmpi ne, %convert_element_type3A, %cond3A : i32
    scf.if %cond3A_1 {
      %get3A_13 = arith.constant 0 : index
      %get3A_14 = arith.constant 0 : index
      %get3A_15 = vector.load %arg3[%get3A_13, %get3A_14] : memref<200x100xf32, #tpu.memory_space<vmem>>, vector<100x100xf32>
      %get3A_16 = arith.constant 100 : index
      %get3A_17 = arith.constant 0 : index
      %get3A_18 = vector.load %arg3[%get3A_16, %get3A_17] : memref<200x100xf32, #tpu.memory_space<vmem>>, vector<100x100xf32>
      %broadcast_in_dim3A_19 = arith.constant 0.000000e+00 : f32
      %broadcast_in_dim3A_20 = vector.broadcast %broadcast_in_dim3A_19 : f32 to vector<128x128xf32>
      %swap3A_21 = arith.constant 0 : index
      %swap3A_22 = arith.constant 0 : index
      %swap3A_23 = vector.load %arg17[%swap3A_21, %swap3A_22] : memref<128x128xf32, #tpu.memory_space<vmem>>, vector<128x128xf32>
      tpu.vector_store %arg17[%swap3A_21, %swap3A_22], %broadcast_in_dim3A_20 {strides = array<i32>} : memref<128x128xf32, #tpu.memory_space<vmem>>, vector<128x128xf32>,
      %swap3A_24 = arith.constant 0 : index
      %swap3A_25 = arith.constant 0 : index
      %swap3A_26 = vector.load %arg17[%swap3A_24, %swap3A_25] : memref<128x128xf32, #tpu.memory_space<vmem>>, vector<100x100xf32>
      tpu.vector_store %arg17[%swap3A_24, %swap3A_25], %get3A_15 {strides = array<i32>} : memref<128x128xf32, #tpu.memory_space<vmem>>, vector<100x100xf32>,
      %broadcast_in_dim3A_27 = arith.constant 0.000000e+00 : f32
      %broadcast_in_dim3A_28 = vector.broadcast %broadcast_in_dim3A_27 : f32 to vector<16x128xf32>
      %swap3A_29 = arith.constant 0 : index
      %swap3A_30 = arith.constant 0 : index
      %swap3A_31 = vector.load %arg18[%swap3A_29, %swap3A_30] : memref<16x128xf32, #tpu.memory_space<vmem>>, vector<16x128xf32>
      tpu.vector_store %arg18[%swap3A_29, %swap3A_30], %broadcast_in_dim3A_28 {strides = array<i32>} : memref<16x128xf32, #tpu.memory_space<vmem>>, vector<16x128xf32>,
      %get3A_32 = arith.constant 0 : index
      %get3A_33 = arith.constant 0 : index
      %get3A_34 = vector.load %arg1[%get3A_32, %get3A_33] : memref<16x100xf32, #tpu.memory_space<vmem>>, vector<16x100xf32>
      %dot_general3A = arith.constant dense<0.000000e+00> : vector<16x100xf32>
      %dot_general3A_35 = tpu.matmul %get3A_34, %get3A_18, %dot_general3A {dimension_numbers = #tpu.dot_dimension_numbers<[1], [0], [0], [1], [0, 0, 1, 1], [], []>, transpose_lhs_hint = false} : vector<16x100xf32>, vector<100x100xf32>, vector<16x100xf32> -> vector<16x100xf32>
      %swap3A_36 = arith.constant 0 : index
      %swap3A_37 = arith.constant 0 : index
      %swap3A_38 = vector.load %arg18[%swap3A_36, %swap3A_37] : memref<16x128xf32, #tpu.memory_space<vmem>>, vector<16x100xf32>
      tpu.vector_store %arg18[%swap3A_36, %swap3A_37], %dot_general3A_35 {strides = array<i32>} : memref<16x128xf32, #tpu.memory_space<vmem>>, vector<16x100xf32>,
      %broadcast_in_dim3A_39 = arith.constant 0.000000e+00 : f32
      %broadcast_in_dim3A_40 = vector.broadcast %broadcast_in_dim3A_39 : f32 to vector<1x128xf32>
      %swap3A_41 = arith.constant 0 : index
      %swap3A_42 = arith.constant 0 : index
      %swap3A_43 = vector.load %arg19[%swap3A_41, %swap3A_42] : memref<1x128xf32, #tpu.memory_space<vmem>>, vector<1x128xf32>
      tpu.vector_store %arg19[%swap3A_41, %swap3A_42], %broadcast_in_dim3A_40 {strides = array<i32>} : memref<1x128xf32, #tpu.memory_space<vmem>>, vector<1x128xf32>,
      %get3A_44 = arith.constant 0 : index
      %get3A_45 = arith.constant 0 : index
      %get3A_46 = vector.load %arg2[%get3A_44, %get3A_45] : memref<1x100xf32, #tpu.memory_space<vmem>>, vector<1x100xf32>
      %dot_general3A_47 = arith.constant dense<0.000000e+00> : vector<1x100xf32>
      %dot_general3A_48 = tpu.matmul %get3A_46, %get3A_18, %dot_general3A_47 {dimension_numbers = #tpu.dot_dimension_numbers<[1], [0], [0], [1], [0, 0, 1, 1], [], []>, transpose_lhs_hint = false} : vector<1x100xf32>, vector<100x100xf32>, vector<1x100xf32> -> vector<1x100xf32>
      %get3A_49 = arith.constant 0 : index
      %get3A_50 = arith.constant 0 : index
      %get3A_51 = vector.load %arg4[%get3A_49, %get3A_50] : memref<1x100xf32, #tpu.memory_space<vmem>>, vector<1x100xf32>
      %add3A_52 = arith.addf %dot_general3A_48, %get3A_51 : vector<1x100xf32>
      %swap3A_53 = arith.constant 0 : index
      %swap3A_54 = arith.constant 0 : index
      %swap3A_55 = vector.load %arg19[%swap3A_53, %swap3A_54] : memref<1x128xf32, #tpu.memory_space<vmem>>, vector<1x100xf32>
      tpu.vector_store %arg19[%swap3A_53, %swap3A_54], %add3A_52 {strides = array<i32>} : memref<1x128xf32, #tpu.memory_space<vmem>>, vector<1x100xf32>,
      %broadcast_in_dim3A_56 = arith.constant 0.000000e+00 : f32
      %broadcast_in_dim3A_57 = vector.broadcast %broadcast_in_dim3A_56 : f32 to vector<128x128xf32>
      %swap3A_58 = arith.constant 0 : index
      %swap3A_59 = arith.constant 0 : index
      %swap3A_60 = vector.load %arg20[%swap3A_58, %swap3A_59] : memref<128x128xf32, #tpu.memory_space<vmem>>, vector<128x128xf32>
      tpu.vector_store %arg20[%swap3A_58, %swap3A_59], %broadcast_in_dim3A_57 {strides = array<i32>} : memref<128x128xf32, #tpu.memory_space<vmem>>, vector<128x128xf32>,
      %get3A_61 = arith.constant 0 : index
      %get3A_62 = arith.constant 0 : index
      %get3A_63 = vector.load %arg5[%get3A_61, %get3A_62] : memref<100x100xf32, #tpu.memory_space<vmem>>, vector<100x100xf32>
      %swap3A_64 = arith.constant 0 : index
      %swap3A_65 = arith.constant 0 : index
      %swap3A_66 = vector.load %arg20[%swap3A_64, %swap3A_65] : memref<128x128xf32, #tpu.memory_space<vmem>>, vector<100x100xf32>
      tpu.vector_store %arg20[%swap3A_64, %swap3A_65], %get3A_63 {strides = array<i32>} : memref<128x128xf32, #tpu.memory_space<vmem>>, vector<100x100xf32>,
      %broadcast_in_dim3A_67 = arith.constant 0.000000e+00 : f32
      %broadcast_in_dim3A_68 = vector.broadcast %broadcast_in_dim3A_67 : f32 to vector<1x128xf32>
      %swap3A_69 = arith.constant 0 : index
      %swap3A_70 = arith.constant 0 : index
      %swap3A_71 = vector.load %arg21[%swap3A_69, %swap3A_70] : memref<1x128xf32, #tpu.memory_space<vmem>>, vector<1x128xf32>
      tpu.vector_store %arg21[%swap3A_69, %swap3A_70], %broadcast_in_dim3A_68 {strides = array<i32>} : memref<1x128xf32, #tpu.memory_space<vmem>>, vector<1x128xf32>,
      %get3A_72 = arith.constant 0 : index
      %get3A_73 = arith.constant 0 : index
      %get3A_74 = vector.load %arg6[%get3A_72, %get3A_73] : memref<1x100xf32, #tpu.memory_space<vmem>>, vector<1x100xf32>
      %swap3A_75 = arith.constant 0 : index
      %swap3A_76 = arith.constant 0 : index
      %swap3A_77 = vector.load %arg21[%swap3A_75, %swap3A_76] : memref<1x128xf32, #tpu.memory_space<vmem>>, vector<1x100xf32>
      tpu.vector_store %arg21[%swap3A_75, %swap3A_76], %get3A_74 {strides = array<i32>} : memref<1x128xf32, #tpu.memory_space<vmem>>, vector<1x100xf32>,
      %broadcast_in_dim3A_78 = arith.constant 0.000000e+00 : f32
      %broadcast_in_dim3A_79 = vector.broadcast %broadcast_in_dim3A_78 : f32 to vector<128x384xf32>
      %swap3A_80 = arith.constant 0 : index
      %swap3A_81 = arith.constant 0 : index
      %swap3A_82 = vector.load %arg22[%swap3A_80, %swap3A_81] : memref<128x384xf32, #tpu.memory_space<vmem>>, vector<128x384xf32>
      tpu.vector_store %arg22[%swap3A_80, %swap3A_81], %broadcast_in_dim3A_79 {strides = array<i32>} : memref<128x384xf32, #tpu.memory_space<vmem>>, vector<128x384xf32>,
      %get3A_83 = arith.constant 0 : index
      %get3A_84 = arith.constant 0 : index
      %get3A_85 = vector.load %arg8[%get3A_83, %get3A_84] : memref<100x300xf32, #tpu.memory_space<vmem>>, vector<100x100xf32>
      %swap3A_86 = arith.constant 0 : index
      %swap3A_87 = arith.constant 0 : index
      %swap3A_88 = vector.load %arg22[%swap3A_86, %swap3A_87] : memref<128x384xf32, #tpu.memory_space<vmem>>, vector<100x100xf32>
      tpu.vector_store %arg22[%swap3A_86, %swap3A_87], %get3A_85 {strides = array<i32>} : memref<128x384xf32, #tpu.memory_space<vmem>>, vector<100x100xf32>,
      %get3A_89 = arith.constant 0 : index
      %get3A_90 = arith.constant 100 : index
      %get3A_91 = vector.load %arg8[%get3A_89, %get3A_90] : memref<100x300xf32, #tpu.memory_space<vmem>>, vector<100x100xf32>
      %swap3A_92 = arith.constant 0 : index
      %swap3A_93 = arith.constant 128 : index
      %swap3A_94 = vector.load %arg22[%swap3A_92, %swap3A_93] : memref<128x384xf32, #tpu.memory_space<vmem>>, vector<100x100xf32>
      tpu.vector_store %arg22[%swap3A_92, %swap3A_93], %get3A_91 {strides = array<i32>} : memref<128x384xf32, #tpu.memory_space<vmem>>, vector<100x100xf32>,
      %get3A_95 = arith.constant 0 : index
      %get3A_96 = arith.constant 200 : index
      %get3A_97 = vector.load %arg8[%get3A_95, %get3A_96] : memref<100x300xf32, #tpu.memory_space<vmem>>, vector<100x100xf32>
      %swap3A_98 = arith.constant 0 : index
      %swap3A_99 = arith.constant 256 : index
      %swap3A_100 = vector.load %arg22[%swap3A_98, %swap3A_99] : memref<128x384xf32, #tpu.memory_space<vmem>>, vector<100x100xf32>
      tpu.vector_store %arg22[%swap3A_98, %swap3A_99], %get3A_97 {strides = array<i32>} : memref<128x384xf32, #tpu.memory_space<vmem>>, vector<100x100xf32>,
      %broadcast_in_dim3A_101 = arith.constant 0.000000e+00 : f32
      %broadcast_in_dim3A_102 = vector.broadcast %broadcast_in_dim3A_101 : f32 to vector<128x384xf32>
      %swap3A_103 = arith.constant 0 : index
      %swap3A_104 = arith.constant 0 : index
      %swap3A_105 = vector.load %arg23[%swap3A_103, %swap3A_104] : memref<128x384xf32, #tpu.memory_space<vmem>>, vector<128x384xf32>
      tpu.vector_store %arg23[%swap3A_103, %swap3A_104], %broadcast_in_dim3A_102 {strides = array<i32>} : memref<128x384xf32, #tpu.memory_space<vmem>>, vector<128x384xf32>,
      %get3A_106 = arith.constant 0 : index
      %get3A_107 = arith.constant 0 : index
      %get3A_108 = vector.load %arg9[%get3A_106, %get3A_107] : memref<100x300xf32, #tpu.memory_space<vmem>>, vector<100x100xf32>
      %swap3A_109 = arith.constant 0 : index
      %swap3A_110 = arith.constant 0 : index
      %swap3A_111 = vector.load %arg23[%swap3A_109, %swap3A_110] : memref<128x384xf32, #tpu.memory_space<vmem>>, vector<100x100xf32>
      tpu.vector_store %arg23[%swap3A_109, %swap3A_110], %get3A_108 {strides = array<i32>} : memref<128x384xf32, #tpu.memory_space<vmem>>, vector<100x100xf32>,
      %get3A_112 = arith.constant 0 : index
      %get3A_113 = arith.constant 100 : index
      %get3A_114 = vector.load %arg9[%get3A_112, %get3A_113] : memref<100x300xf32, #tpu.memory_space<vmem>>, vector<100x100xf32>
      %swap3A_115 = arith.constant 0 : index
      %swap3A_116 = arith.constant 128 : index
      %swap3A_117 = vector.load %arg23[%swap3A_115, %swap3A_116] : memref<128x384xf32, #tpu.memory_space<vmem>>, vector<100x100xf32>
      tpu.vector_store %arg23[%swap3A_115, %swap3A_116], %get3A_114 {strides = array<i32>} : memref<128x384xf32, #tpu.memory_space<vmem>>, vector<100x100xf32>,
      %get3A_118 = arith.constant 0 : index
      %get3A_119 = arith.constant 200 : index
      %get3A_120 = vector.load %arg9[%get3A_118, %get3A_119] : memref<100x300xf32, #tpu.memory_space<vmem>>, vector<100x100xf32>
      %swap3A_121 = arith.constant 0 : index
      %swap3A_122 = arith.constant 256 : index
      %swap3A_123 = vector.load %arg23[%swap3A_121, %swap3A_122] : memref<128x384xf32, #tpu.memory_space<vmem>>, vector<100x100xf32>
      tpu.vector_store %arg23[%swap3A_121, %swap3A_122], %get3A_120 {strides = array<i32>} : memref<128x384xf32, #tpu.memory_space<vmem>>, vector<100x100xf32>,
      %broadcast_in_dim3A_124 = arith.constant 0.000000e+00 : f32
      %broadcast_in_dim3A_125 = vector.broadcast %broadcast_in_dim3A_124 : f32 to vector<128x384xf32>
      %swap3A_126 = arith.constant 0 : index
      %swap3A_127 = arith.constant 0 : index
      %swap3A_128 = vector.load %arg26[%swap3A_126, %swap3A_127] : memref<128x384xf32, #tpu.memory_space<vmem>>, vector<128x384xf32>
      tpu.vector_store %arg26[%swap3A_126, %swap3A_127], %broadcast_in_dim3A_125 {strides = array<i32>} : memref<128x384xf32, #tpu.memory_space<vmem>>, vector<128x384xf32>,
      %get3A_129 = arith.constant 0 : index
      %get3A_130 = arith.constant 0 : index
      %get3A_131 = vector.load %arg12[%get3A_129, %get3A_130] : memref<100x300xf32, #tpu.memory_space<vmem>>, vector<100x100xf32>
      %swap3A_132 = arith.constant 0 : index
      %swap3A_133 = arith.constant 0 : index
      %swap3A_134 = vector.load %arg26[%swap3A_132, %swap3A_133] : memref<128x384xf32, #tpu.memory_space<vmem>>, vector<100x100xf32>
      tpu.vector_store %arg26[%swap3A_132, %swap3A_133], %get3A_131 {strides = array<i32>} : memref<128x384xf32, #tpu.memory_space<vmem>>, vector<100x100xf32>,
      %get3A_135 = arith.constant 0 : index
      %get3A_136 = arith.constant 100 : index
      %get3A_137 = vector.load %arg12[%get3A_135, %get3A_136] : memref<100x300xf32, #tpu.memory_space<vmem>>, vector<100x100xf32>
      %swap3A_138 = arith.constant 0 : index
      %swap3A_139 = arith.constant 128 : index
      %swap3A_140 = vector.load %arg26[%swap3A_138, %swap3A_139] : memref<128x384xf32, #tpu.memory_space<vmem>>, vector<100x100xf32>
      tpu.vector_store %arg26[%swap3A_138, %swap3A_139], %get3A_137 {strides = array<i32>} : memref<128x384xf32, #tpu.memory_space<vmem>>, vector<100x100xf32>,
      %get3A_141 = arith.constant 0 : index
      %get3A_142 = arith.constant 200 : index
      %get3A_143 = vector.load %arg12[%get3A_141, %get3A_142] : memref<100x300xf32, #tpu.memory_space<vmem>>, vector<100x100xf32>
      %swap3A_144 = arith.constant 0 : index
      %swap3A_145 = arith.constant 256 : index
      %swap3A_146 = vector.load %arg26[%swap3A_144, %swap3A_145] : memref<128x384xf32, #tpu.memory_space<vmem>>, vector<100x100xf32>
      tpu.vector_store %arg26[%swap3A_144, %swap3A_145], %get3A_143 {strides = array<i32>} : memref<128x384xf32, #tpu.memory_space<vmem>>, vector<100x100xf32>,
      %broadcast_in_dim3A_147 = arith.constant 0.000000e+00 : f32
      %broadcast_in_dim3A_148 = vector.broadcast %broadcast_in_dim3A_147 : f32 to vector<128x384xf32>
      %swap3A_149 = arith.constant 0 : index
      %swap3A_150 = arith.constant 0 : index
      %swap3A_151 = vector.load %arg27[%swap3A_149, %swap3A_150] : memref<128x384xf32, #tpu.memory_space<vmem>>, vector<128x384xf32>
      tpu.vector_store %arg27[%swap3A_149, %swap3A_150], %broadcast_in_dim3A_148 {strides = array<i32>} : memref<128x384xf32, #tpu.memory_space<vmem>>, vector<128x384xf32>,
      %get3A_152 = arith.constant 0 : index
      %get3A_153 = arith.constant 0 : index
      %get3A_154 = vector.load %arg13[%get3A_152, %get3A_153] : memref<100x300xf32, #tpu.memory_space<vmem>>, vector<100x100xf32>
      %swap3A_155 = arith.constant 0 : index
      %swap3A_156 = arith.constant 0 : index
      %swap3A_157 = vector.load %arg27[%swap3A_155, %swap3A_156] : memref<128x384xf32, #tpu.memory_space<vmem>>, vector<100x100xf32>
      tpu.vector_store %arg27[%swap3A_155, %swap3A_156], %get3A_154 {strides = array<i32>} : memref<128x384xf32, #tpu.memory_space<vmem>>, vector<100x100xf32>,
      %get3A_158 = arith.constant 0 : index
      %get3A_159 = arith.constant 100 : index
      %get3A_160 = vector.load %arg13[%get3A_158, %get3A_159] : memref<100x300xf32, #tpu.memory_space<vmem>>, vector<100x100xf32>
      %swap3A_161 = arith.constant 0 : index
      %swap3A_162 = arith.constant 128 : index
      %swap3A_163 = vector.load %arg27[%swap3A_161, %swap3A_162] : memref<128x384xf32, #tpu.memory_space<vmem>>, vector<100x100xf32>
      tpu.vector_store %arg27[%swap3A_161, %swap3A_162], %get3A_160 {strides = array<i32>} : memref<128x384xf32, #tpu.memory_space<vmem>>, vector<100x100xf32>,
      %get3A_164 = arith.constant 0 : index
      %get3A_165 = arith.constant 200 : index
      %get3A_166 = vector.load %arg13[%get3A_164, %get3A_165] : memref<100x300xf32, #tpu.memory_space<vmem>>, vector<100x100xf32>
      %swap3A_167 = arith.constant 0 : index
      %swap3A_168 = arith.constant 256 : index
      %swap3A_169 = vector.load %arg27[%swap3A_167, %swap3A_168] : memref<128x384xf32, #tpu.memory_space<vmem>>, vector<100x100xf32>
      tpu.vector_store %arg27[%swap3A_167, %swap3A_168], %get3A_166 {strides = array<i32>} : memref<128x384xf32, #tpu.memory_space<vmem>>, vector<100x100xf32>,
      %broadcast_in_dim3A_170 = arith.constant 0.000000e+00 : f32
      %broadcast_in_dim3A_171 = vector.broadcast %broadcast_in_dim3A_170 : f32 to vector<1x384xf32>
      %swap3A_172 = arith.constant 0 : index
      %swap3A_173 = arith.constant 0 : index
      %swap3A_174 = vector.load %arg24[%swap3A_172, %swap3A_173] : memref<1x384xf32, #tpu.memory_space<vmem>>, vector<1x384xf32>
      tpu.vector_store %arg24[%swap3A_172, %swap3A_173], %broadcast_in_dim3A_171 {strides = array<i32>} : memref<1x384xf32, #tpu.memory_space<vmem>>, vector<1x384xf32>,
      %get3A_175 = arith.constant 0 : index
      %get3A_176 = arith.constant 0 : index
      %get3A_177 = vector.load %arg10[%get3A_175, %get3A_176] : memref<1x300xf32, #tpu.memory_space<vmem>>, vector<1x100xf32>
      %swap3A_178 = arith.constant 0 : index
      %swap3A_179 = arith.constant 0 : index
      %swap3A_180 = vector.load %arg24[%swap3A_178, %swap3A_179] : memref<1x384xf32, #tpu.memory_space<vmem>>, vector<1x100xf32>
      tpu.vector_store %arg24[%swap3A_178, %swap3A_179], %get3A_177 {strides = array<i32>} : memref<1x384xf32, #tpu.memory_space<vmem>>, vector<1x100xf32>,
      %get3A_181 = arith.constant 0 : index
      %get3A_182 = arith.constant 100 : index
      %get3A_183 = vector.load %arg10[%get3A_181, %get3A_182] : memref<1x300xf32, #tpu.memory_space<vmem>>, vector<1x100xf32>
      %swap3A_184 = arith.constant 0 : index
      %swap3A_185 = arith.constant 128 : index
      %swap3A_186 = vector.load %arg24[%swap3A_184, %swap3A_185] : memref<1x384xf32, #tpu.memory_space<vmem>>, vector<1x100xf32>
      tpu.vector_store %arg24[%swap3A_184, %swap3A_185], %get3A_183 {strides = array<i32>} : memref<1x384xf32, #tpu.memory_space<vmem>>, vector<1x100xf32>,
      %get3A_187 = arith.constant 0 : index
      %get3A_188 = arith.constant 200 : index
      %get3A_189 = vector.load %arg10[%get3A_187, %get3A_188] : memref<1x300xf32, #tpu.memory_space<vmem>>, vector<1x100xf32>
      %swap3A_190 = arith.constant 0 : index
      %swap3A_191 = arith.constant 256 : index
      %swap3A_192 = vector.load %arg24[%swap3A_190, %swap3A_191] : memref<1x384xf32, #tpu.memory_space<vmem>>, vector<1x100xf32>
      tpu.vector_store %arg24[%swap3A_190, %swap3A_191], %get3A_189 {strides = array<i32>} : memref<1x384xf32, #tpu.memory_space<vmem>>, vector<1x100xf32>,
      %broadcast_in_dim3A_193 = arith.constant 0.000000e+00 : f32
      %broadcast_in_dim3A_194 = vector.broadcast %broadcast_in_dim3A_193 : f32 to vector<1x384xf32>
      %swap3A_195 = arith.constant 0 : index
      %swap3A_196 = arith.constant 0 : index
      %swap3A_197 = vector.load %arg25[%swap3A_195, %swap3A_196] : memref<1x384xf32, #tpu.memory_space<vmem>>, vector<1x384xf32>
      tpu.vector_store %arg25[%swap3A_195, %swap3A_196], %broadcast_in_dim3A_194 {strides = array<i32>} : memref<1x384xf32, #tpu.memory_space<vmem>>, vector<1x384xf32>,
      %get3A_198 = arith.constant 0 : index
      %get3A_199 = arith.constant 0 : index
      %get3A_200 = vector.load %arg11[%get3A_198, %get3A_199] : memref<1x300xf32, #tpu.memory_space<vmem>>, vector<1x100xf32>
      %swap3A_201 = arith.constant 0 : index
      %swap3A_202 = arith.constant 0 : index
      %swap3A_203 = vector.load %arg25[%swap3A_201, %swap3A_202] : memref<1x384xf32, #tpu.memory_space<vmem>>, vector<1x100xf32>
      tpu.vector_store %arg25[%swap3A_201, %swap3A_202], %get3A_200 {strides = array<i32>} : memref<1x384xf32, #tpu.memory_space<vmem>>, vector<1x100xf32>,
      %get3A_204 = arith.constant 0 : index
      %get3A_205 = arith.constant 100 : index
      %get3A_206 = vector.load %arg11[%get3A_204, %get3A_205] : memref<1x300xf32, #tpu.memory_space<vmem>>, vector<1x100xf32>
      %swap3A_207 = arith.constant 0 : index
      %swap3A_208 = arith.constant 128 : index
      %swap3A_209 = vector.load %arg25[%swap3A_207, %swap3A_208] : memref<1x384xf32, #tpu.memory_space<vmem>>, vector<1x100xf32>
      tpu.vector_store %arg25[%swap3A_207, %swap3A_208], %get3A_206 {strides = array<i32>} : memref<1x384xf32, #tpu.memory_space<vmem>>, vector<1x100xf32>,
      %get3A_210 = arith.constant 0 : index
      %get3A_211 = arith.constant 200 : index
      %get3A_212 = vector.load %arg11[%get3A_210, %get3A_211] : memref<1x300xf32, #tpu.memory_space<vmem>>, vector<1x100xf32>
      %swap3A_213 = arith.constant 0 : index
      %swap3A_214 = arith.constant 256 : index
      %swap3A_215 = vector.load %arg25[%swap3A_213, %swap3A_214] : memref<1x384xf32, #tpu.memory_space<vmem>>, vector<1x100xf32>
      tpu.vector_store %arg25[%swap3A_213, %swap3A_214], %get3A_212 {strides = array<i32>} : memref<1x384xf32, #tpu.memory_space<vmem>>, vector<1x100xf32>,
      %get3A_216 = arith.constant 0 : index
      %get3A_217 = arith.constant 0 : index
      %get3A_218 = vector.load %arg7[%get3A_216, %get3A_217] : memref<16x10000xf32, #tpu.memory_space<vmem>>, vector<16x10000xf32>
      %reshape3A_219 = vector.shape_cast %get3A_218 : vector<16x10000xf32> to vector<16x100x100xf32>
      %transpose3A = tpu.transpose %reshape3A_219, [0, 2, 1] : vector<16x100x100xf32> -> vector<16x100x100xf32>
      %broadcast_in_dim3A_220 = arith.constant 0.000000e+00 : f32
      %broadcast_in_dim3A_221 = vector.broadcast %broadcast_in_dim3A_220 : f32 to vector<2048x128xf32>
      %swap3A_222 = arith.constant 0 : index
      %swap3A_223 = arith.constant 0 : index
      %swap3A_224 = vector.load %arg28[%swap3A_222, %swap3A_223] : memref<2048x128xf32, #tpu.memory_space<vmem>>, vector<2048x128xf32>
      tpu.vector_store %arg28[%swap3A_222, %swap3A_223], %broadcast_in_dim3A_221 {strides = array<i32>} : memref<2048x128xf32, #tpu.memory_space<vmem>>, vector<2048x128xf32>,
      %slice3A = vector.extract_strided_slice %transpose3A {offsets = [0, 0, 0], sizes = [1, 100, 100], strides = [1, 1, 1]} : vector<16x100x100xf32> to vector<1x100x100xf32>
      %squeeze3A = vector.shape_cast %slice3A : vector<1x100x100xf32> to vector<100x100xf32>
      %swap3A_225 = arith.constant 0 : index
      %swap3A_226 = arith.constant 0 : index
      %swap3A_227 = vector.load %arg28[%swap3A_225, %swap3A_226] : memref<2048x128xf32, #tpu.memory_space<vmem>>, vector<100x100xf32>
      tpu.vector_store %arg28[%swap3A_225, %swap3A_226], %squeeze3A {strides = array<i32>} : memref<2048x128xf32, #tpu.memory_space<vmem>>, vector<100x100xf32>,
      %slice3A_228 = vector.extract_strided_slice %transpose3A {offsets = [1, 0, 0], sizes = [1, 100, 100], strides = [1, 1, 1]} : vector<16x100x100xf32> to vector<1x100x100xf32>
      %squeeze3A_229 = vector.shape_cast %slice3A_228 : vector<1x100x100xf32> to vector<100x100xf32>
      %swap3A_230 = arith.constant 128 : index
      %swap3A_231 = arith.constant 0 : index
      %swap3A_232 = vector.load %arg28[%swap3A_230, %swap3A_231] : memref<2048x128xf32, #tpu.memory_space<vmem>>, vector<100x100xf32>
      tpu.vector_store %arg28[%swap3A_230, %swap3A_231], %squeeze3A_229 {strides = array<i32>} : memref<2048x128xf32, #tpu.memory_space<vmem>>, vector<100x100xf32>,
      %slice3A_233 = vector.extract_strided_slice %transpose3A {offsets = [2, 0, 0], sizes = [1, 100, 100], strides = [1, 1, 1]} : vector<16x100x100xf32> to vector<1x100x100xf32>
      %squeeze3A_234 = vector.shape_cast %slice3A_233 : vector<1x100x100xf32> to vector<100x100xf32>
      %swap3A_235 = arith.constant 256 : index
      %swap3A_236 = arith.constant 0 : index
      %swap3A_237 = vector.load %arg28[%swap3A_235, %swap3A_236] : memref<2048x128xf32, #tpu.memory_space<vmem>>, vector<100x100xf32>
      tpu.vector_store %arg28[%swap3A_235, %swap3A_236], %squeeze3A_234 {strides = array<i32>} : memref<2048x128xf32, #tpu.memory_space<vmem>>, vector<100x100xf32>,
      %slice3A_238 = vector.extract_strided_slice %transpose3A {offsets = [3, 0, 0], sizes = [1, 100, 100], strides = [1, 1, 1]} : vector<16x100x100xf32> to vector<1x100x100xf32>
      %squeeze3A_239 = vector.shape_cast %slice3A_238 : vector<1x100x100xf32> to vector<100x100xf32>
      %swap3A_240 = arith.constant 384 : index
      %swap3A_241 = arith.constant 0 : index
      %swap3A_242 = vector.load %arg28[%swap3A_240, %swap3A_241] : memref<2048x128xf32, #tpu.memory_space<vmem>>, vector<100x100xf32>
      tpu.vector_store %arg28[%swap3A_240, %swap3A_241], %squeeze3A_239 {strides = array<i32>} : memref<2048x128xf32, #tpu.memory_space<vmem>>, vector<100x100xf32>,
      %slice3A_243 = vector.extract_strided_slice %transpose3A {offsets = [4, 0, 0], sizes = [1, 100, 100], strides = [1, 1, 1]} : vector<16x100x100xf32> to vector<1x100x100xf32>
      %squeeze3A_244 = vector.shape_cast %slice3A_243 : vector<1x100x100xf32> to vector<100x100xf32>
      %swap3A_245 = arith.constant 512 : index
      %swap3A_246 = arith.constant 0 : index
      %swap3A_247 = vector.load %arg28[%swap3A_245, %swap3A_246] : memref<2048x128xf32, #tpu.memory_space<vmem>>, vector<100x100xf32>
      tpu.vector_store %arg28[%swap3A_245, %swap3A_246], %squeeze3A_244 {strides = array<i32>} : memref<2048x128xf32, #tpu.memory_space<vmem>>, vector<100x100xf32>,
      %slice3A_248 = vector.extract_strided_slice %transpose3A {offsets = [5, 0, 0], sizes = [1, 100, 100], strides = [1, 1, 1]} : vector<16x100x100xf32> to vector<1x100x100xf32>
      %squeeze3A_249 = vector.shape_cast %slice3A_248 : vector<1x100x100xf32> to vector<100x100xf32>
      %swap3A_250 = arith.constant 640 : index
      %swap3A_251 = arith.constant 0 : index
      %swap3A_252 = vector.load %arg28[%swap3A_250, %swap3A_251] : memref<2048x128xf32, #tpu.memory_space<vmem>>, vector<100x100xf32>
      tpu.vector_store %arg28[%swap3A_250, %swap3A_251], %squeeze3A_249 {strides = array<i32>} : memref<2048x128xf32, #tpu.memory_space<vmem>>, vector<100x100xf32>,
      %slice3A_253 = vector.extract_strided_slice %transpose3A {offsets = [6, 0, 0], sizes = [1, 100, 100], strides = [1, 1, 1]} : vector<16x100x100xf32> to vector<1x100x100xf32>
      %squeeze3A_254 = vector.shape_cast %slice3A_253 : vector<1x100x100xf32> to vector<100x100xf32>
      %swap3A_255 = arith.constant 768 : index
      %swap3A_256 = arith.constant 0 : index
      %swap3A_257 = vector.load %arg28[%swap3A_255, %swap3A_256] : memref<2048x128xf32, #tpu.memory_space<vmem>>, vector<100x100xf32>
      tpu.vector_store %arg28[%swap3A_255, %swap3A_256], %squeeze3A_254 {strides = array<i32>} : memref<2048x128xf32, #tpu.memory_space<vmem>>, vector<100x100xf32>,
      %slice3A_258 = vector.extract_strided_slice %transpose3A {offsets = [7, 0, 0], sizes = [1, 100, 100], strides = [1, 1, 1]} : vector<16x100x100xf32> to vector<1x100x100xf32>
      %squeeze3A_259 = vector.shape_cast %slice3A_258 : vector<1x100x100xf32> to vector<100x100xf32>
      %swap3A_260 = arith.constant 896 : index
      %swap3A_261 = arith.constant 0 : index
      %swap3A_262 = vector.load %arg28[%swap3A_260, %swap3A_261] : memref<2048x128xf32, #tpu.memory_space<vmem>>, vector<100x100xf32>
      tpu.vector_store %arg28[%swap3A_260, %swap3A_261], %squeeze3A_259 {strides = array<i32>} : memref<2048x128xf32, #tpu.memory_space<vmem>>, vector<100x100xf32>,
      %slice3A_263 = vector.extract_strided_slice %transpose3A {offsets = [8, 0, 0], sizes = [1, 100, 100], strides = [1, 1, 1]} : vector<16x100x100xf32> to vector<1x100x100xf32>
      %squeeze3A_264 = vector.shape_cast %slice3A_263 : vector<1x100x100xf32> to vector<100x100xf32>
      %swap3A_265 = arith.constant 1024 : index
      %swap3A_266 = arith.constant 0 : index
      %swap3A_267 = vector.load %arg28[%swap3A_265, %swap3A_266] : memref<2048x128xf32, #tpu.memory_space<vmem>>, vector<100x100xf32>
      tpu.vector_store %arg28[%swap3A_265, %swap3A_266], %squeeze3A_264 {strides = array<i32>} : memref<2048x128xf32, #tpu.memory_space<vmem>>, vector<100x100xf32>,
      %slice3A_268 = vector.extract_strided_slice %transpose3A {offsets = [9, 0, 0], sizes = [1, 100, 100], strides = [1, 1, 1]} : vector<16x100x100xf32> to vector<1x100x100xf32>
      %squeeze3A_269 = vector.shape_cast %slice3A_268 : vector<1x100x100xf32> to vector<100x100xf32>
      %swap3A_270 = arith.constant 1152 : index
      %swap3A_271 = arith.constant 0 : index
      %swap3A_272 = vector.load %arg28[%swap3A_270, %swap3A_271] : memref<2048x128xf32, #tpu.memory_space<vmem>>, vector<100x100xf32>
      tpu.vector_store %arg28[%swap3A_270, %swap3A_271], %squeeze3A_269 {strides = array<i32>} : memref<2048x128xf32, #tpu.memory_space<vmem>>, vector<100x100xf32>,
      %slice3A_273 = vector.extract_strided_slice %transpose3A {offsets = [10, 0, 0], sizes = [1, 100, 100], strides = [1, 1, 1]} : vector<16x100x100xf32> to vector<1x100x100xf32>
      %squeeze3A_274 = vector.shape_cast %slice3A_273 : vector<1x100x100xf32> to vector<100x100xf32>
      %swap3A_275 = arith.constant 1280 : index
      %swap3A_276 = arith.constant 0 : index
      %swap3A_277 = vector.load %arg28[%swap3A_275, %swap3A_276] : memref<2048x128xf32, #tpu.memory_space<vmem>>, vector<100x100xf32>
      tpu.vector_store %arg28[%swap3A_275, %swap3A_276], %squeeze3A_274 {strides = array<i32>} : memref<2048x128xf32, #tpu.memory_space<vmem>>, vector<100x100xf32>,
      %slice3A_278 = vector.extract_strided_slice %transpose3A {offsets = [11, 0, 0], sizes = [1, 100, 100], strides = [1, 1, 1]} : vector<16x100x100xf32> to vector<1x100x100xf32>
      %squeeze3A_279 = vector.shape_cast %slice3A_278 : vector<1x100x100xf32> to vector<100x100xf32>
      %swap3A_280 = arith.constant 1408 : index
      %swap3A_281 = arith.constant 0 : index
      %swap3A_282 = vector.load %arg28[%swap3A_280, %swap3A_281] : memref<2048x128xf32, #tpu.memory_space<vmem>>, vector<100x100xf32>
      tpu.vector_store %arg28[%swap3A_280, %swap3A_281], %squeeze3A_279 {strides = array<i32>} : memref<2048x128xf32, #tpu.memory_space<vmem>>, vector<100x100xf32>,
      %slice3A_283 = vector.extract_strided_slice %transpose3A {offsets = [12, 0, 0], sizes = [1, 100, 100], strides = [1, 1, 1]} : vector<16x100x100xf32> to vector<1x100x100xf32>
      %squeeze3A_284 = vector.shape_cast %slice3A_283 : vector<1x100x100xf32> to vector<100x100xf32>
      %swap3A_285 = arith.constant 1536 : index
      %swap3A_286 = arith.constant 0 : index
      %swap3A_287 = vector.load %arg28[%swap3A_285, %swap3A_286] : memref<2048x128xf32, #tpu.memory_space<vmem>>, vector<100x100xf32>
      tpu.vector_store %arg28[%swap3A_285, %swap3A_286], %squeeze3A_284 {strides = array<i32>} : memref<2048x128xf32, #tpu.memory_space<vmem>>, vector<100x100xf32>,
      %slice3A_288 = vector.extract_strided_slice %transpose3A {offsets = [13, 0, 0], sizes = [1, 100, 100], strides = [1, 1, 1]} : vector<16x100x100xf32> to vector<1x100x100xf32>
      %squeeze3A_289 = vector.shape_cast %slice3A_288 : vector<1x100x100xf32> to vector<100x100xf32>
      %swap3A_290 = arith.constant 1664 : index
      %swap3A_291 = arith.constant 0 : index
      %swap3A_292 = vector.load %arg28[%swap3A_290, %swap3A_291] : memref<2048x128xf32, #tpu.memory_space<vmem>>, vector<100x100xf32>
      tpu.vector_store %arg28[%swap3A_290, %swap3A_291], %squeeze3A_289 {strides = array<i32>} : memref<2048x128xf32, #tpu.memory_space<vmem>>, vector<100x100xf32>,
      %slice3A_293 = vector.extract_strided_slice %transpose3A {offsets = [14, 0, 0], sizes = [1, 100, 100], strides = [1, 1, 1]} : vector<16x100x100xf32> to vector<1x100x100xf32>
      %squeeze3A_294 = vector.shape_cast %slice3A_293 : vector<1x100x100xf32> to vector<100x100xf32>
      %swap3A_295 = arith.constant 1792 : index
      %swap3A_296 = arith.constant 0 : index
      %swap3A_297 = vector.load %arg28[%swap3A_295, %swap3A_296] : memref<2048x128xf32, #tpu.memory_space<vmem>>, vector<100x100xf32>
      tpu.vector_store %arg28[%swap3A_295, %swap3A_296], %squeeze3A_294 {strides = array<i32>} : memref<2048x128xf32, #tpu.memory_space<vmem>>, vector<100x100xf32>,
      %slice3A_298 = vector.extract_strided_slice %transpose3A {offsets = [15, 0, 0], sizes = [1, 100, 100], strides = [1, 1, 1]} : vector<16x100x100xf32> to vector<1x100x100xf32>
      %squeeze3A_299 = vector.shape_cast %slice3A_298 : vector<1x100x100xf32> to vector<100x100xf32>
      %swap3A_300 = arith.constant 1920 : index
      %swap3A_301 = arith.constant 0 : index
      %swap3A_302 = vector.load %arg28[%swap3A_300, %swap3A_301] : memref<2048x128xf32, #tpu.memory_space<vmem>>, vector<100x100xf32>
      tpu.vector_store %arg28[%swap3A_300, %swap3A_301], %squeeze3A_299 {strides = array<i32>} : memref<2048x128xf32, #tpu.memory_space<vmem>>, vector<100x100xf32>,
      %get3A_303 = arith.constant 0 : index
      %get3A_304 = arith.constant 0 : index
      %get3A_305 = arith.constant 0 : index
      %get3A_306 = vector.load %arg15[%get3A_303, %get3A_304, %get3A_305] : memref<2x2x1024xi32, #tpu.memory_space<vmem>>, vector<2x2x1024xi32>
      %reshape3A_307 = vector.shape_cast %get3A_306 : vector<2x2x1024xi32> to vector<4x1024xi32>
      %get3A_308 = arith.constant 0 : index
      %get3A_309 = arith.constant 0 : index
      %get3A_310 = arith.constant 0 : index
      %get3A_311 = vector.load %arg16[%get3A_308, %get3A_309, %get3A_310] : memref<2x2x1024xf32, #tpu.memory_space<vmem>>, vector<2x2x1024xf32>
      %reshape3A_312 = vector.shape_cast %get3A_311 : vector<2x2x1024xf32> to vector<4x1024xf32>
      %slice3A_313 = vector.extract_strided_slice %reshape3A_307 {offsets = [0, 0], sizes = [1, 1024], strides = [1, 1]} : vector<4x1024xi32> to vector<1x1024xi32>
      %squeeze3A_314 = vector.shape_cast %slice3A_313 : vector<1x1024xi32> to vector<1024xi32>
      %reshape3A_315 = vector.shape_cast %squeeze3A_314 : vector<1024xi32> to vector<1024x1xi32>
      %swap3A_316 = arith.constant 0 : index
      %swap3A_317 = arith.constant 0 : index
      %swap3A_318 = vector.load %arg30[%swap3A_316, %swap3A_317] : memref<4096x1xi32, #tpu.memory_space<vmem>>, vector<1024x1xi32>
      tpu.vector_store %arg30[%swap3A_316, %swap3A_317], %reshape3A_315 {strides = array<i32>} : memref<4096x1xi32, #tpu.memory_space<vmem>>, vector<1024x1xi32>,
      %slice3A_319 = vector.extract_strided_slice %reshape3A_312 {offsets = [0, 0], sizes = [1, 1024], strides = [1, 1]} : vector<4x1024xf32> to vector<1x1024xf32>
      %squeeze3A_320 = vector.shape_cast %slice3A_319 : vector<1x1024xf32> to vector<1024xf32>
      %reshape3A_321 = vector.shape_cast %squeeze3A_320 : vector<1024xf32> to vector<1024x1xf32>
      %swap3A_322 = arith.constant 0 : index
      %swap3A_323 = arith.constant 0 : index
      %swap3A_324 = vector.load %arg31[%swap3A_322, %swap3A_323] : memref<4096x1xf32, #tpu.memory_space<vmem>>, vector<1024x1xf32>
      tpu.vector_store %arg31[%swap3A_322, %swap3A_323], %reshape3A_321 {strides = array<i32>} : memref<4096x1xf32, #tpu.memory_space<vmem>>, vector<1024x1xf32>,
      %slice3A_325 = vector.extract_strided_slice %reshape3A_307 {offsets = [1, 0], sizes = [1, 1024], strides = [1, 1]} : vector<4x1024xi32> to vector<1x1024xi32>
      %squeeze3A_326 = vector.shape_cast %slice3A_325 : vector<1x1024xi32> to vector<1024xi32>
      %reshape3A_327 = vector.shape_cast %squeeze3A_326 : vector<1024xi32> to vector<1024x1xi32>
      %swap3A_328 = arith.constant 2048 : index
      %swap3A_329 = arith.constant 0 : index
      %swap3A_330 = vector.load %arg30[%swap3A_328, %swap3A_329] : memref<4096x1xi32, #tpu.memory_space<vmem>>, vector<1024x1xi32>
      tpu.vector_store %arg30[%swap3A_328, %swap3A_329], %reshape3A_327 {strides = array<i32>} : memref<4096x1xi32, #tpu.memory_space<vmem>>, vector<1024x1xi32>,
      %slice3A_331 = vector.extract_strided_slice %reshape3A_312 {offsets = [1, 0], sizes = [1, 1024], strides = [1, 1]} : vector<4x1024xf32> to vector<1x1024xf32>
      %squeeze3A_332 = vector.shape_cast %slice3A_331 : vector<1x1024xf32> to vector<1024xf32>
      %reshape3A_333 = vector.shape_cast %squeeze3A_332 : vector<1024xf32> to vector<1024x1xf32>
      %swap3A_334 = arith.constant 2048 : index
      %swap3A_335 = arith.constant 0 : index
      %swap3A_336 = vector.load %arg31[%swap3A_334, %swap3A_335] : memref<4096x1xf32, #tpu.memory_space<vmem>>, vector<1024x1xf32>
      tpu.vector_store %arg31[%swap3A_334, %swap3A_335], %reshape3A_333 {strides = array<i32>} : memref<4096x1xf32, #tpu.memory_space<vmem>>, vector<1024x1xf32>,
      %slice3A_337 = vector.extract_strided_slice %reshape3A_307 {offsets = [2, 0], sizes = [1, 1024], strides = [1, 1]} : vector<4x1024xi32> to vector<1x1024xi32>
      %squeeze3A_338 = vector.shape_cast %slice3A_337 : vector<1x1024xi32> to vector<1024xi32>
      %reshape3A_339 = vector.shape_cast %squeeze3A_338 : vector<1024xi32> to vector<1024x1xi32>
      %swap3A_340 = arith.constant 1024 : index
      %swap3A_341 = arith.constant 0 : index
      %swap3A_342 = vector.load %arg30[%swap3A_340, %swap3A_341] : memref<4096x1xi32, #tpu.memory_space<vmem>>, vector<1024x1xi32>
      tpu.vector_store %arg30[%swap3A_340, %swap3A_341], %reshape3A_339 {strides = array<i32>} : memref<4096x1xi32, #tpu.memory_space<vmem>>, vector<1024x1xi32>,
      %slice3A_343 = vector.extract_strided_slice %reshape3A_312 {offsets = [2, 0], sizes = [1, 1024], strides = [1, 1]} : vector<4x1024xf32> to vector<1x1024xf32>
      %squeeze3A_344 = vector.shape_cast %slice3A_343 : vector<1x1024xf32> to vector<1024xf32>
      %reshape3A_345 = vector.shape_cast %squeeze3A_344 : vector<1024xf32> to vector<1024x1xf32>
      %swap3A_346 = arith.constant 1024 : index
      %swap3A_347 = arith.constant 0 : index
      %swap3A_348 = vector.load %arg31[%swap3A_346, %swap3A_347] : memref<4096x1xf32, #tpu.memory_space<vmem>>, vector<1024x1xf32>
      tpu.vector_store %arg31[%swap3A_346, %swap3A_347], %reshape3A_345 {strides = array<i32>} : memref<4096x1xf32, #tpu.memory_space<vmem>>, vector<1024x1xf32>,
      %slice3A_349 = vector.extract_strided_slice %reshape3A_307 {offsets = [3, 0], sizes = [1, 1024], strides = [1, 1]} : vector<4x1024xi32> to vector<1x1024xi32>
      %squeeze3A_350 = vector.shape_cast %slice3A_349 : vector<1x1024xi32> to vector<1024xi32>
      %reshape3A_351 = vector.shape_cast %squeeze3A_350 : vector<1024xi32> to vector<1024x1xi32>
      %swap3A_352 = arith.constant 3072 : index
      %swap3A_353 = arith.constant 0 : index
      %swap3A_354 = vector.load %arg30[%swap3A_352, %swap3A_353] : memref<4096x1xi32, #tpu.memory_space<vmem>>, vector<1024x1xi32>
      tpu.vector_store %arg30[%swap3A_352, %swap3A_353], %reshape3A_351 {strides = array<i32>} : memref<4096x1xi32, #tpu.memory_space<vmem>>, vector<1024x1xi32>,
      %slice3A_355 = vector.extract_strided_slice %reshape3A_312 {offsets = [3, 0], sizes = [1, 1024], strides = [1, 1]} : vector<4x1024xf32> to vector<1x1024xf32>
      %squeeze3A_356 = vector.shape_cast %slice3A_355 : vector<1x1024xf32> to vector<1024xf32>
      %reshape3A_357 = vector.shape_cast %squeeze3A_356 : vector<1024xf32> to vector<1024x1xf32>
      %swap3A_358 = arith.constant 3072 : index
      %swap3A_359 = arith.constant 0 : index
      %swap3A_360 = vector.load %arg31[%swap3A_358, %swap3A_359] : memref<4096x1xf32, #tpu.memory_space<vmem>>, vector<1024x1xf32>
      tpu.vector_store %arg31[%swap3A_358, %swap3A_359], %reshape3A_357 {strides = array<i32>} : memref<4096x1xf32, #tpu.memory_space<vmem>>, vector<1024x1xf32>,
    } else {
    }
    %get3A = arith.constant 0 : index
    %get3A_2 = arith.constant 0 : index
    %get3A_3 = arith.constant 0 : index
    %get3A_4 = vector.load %arg14[%get3A, %get3A_2, %get3A_3] : memref<2x2x512xf32, #tpu.memory_space<vmem>>, vector<2x2x512xf32>
    %reshape3A = vector.shape_cast %get3A_4 : vector<2x2x512xf32> to vector<4x512xf32>
    %iota3A = tpu.iota {dimensions = array<i32: 1>} : vector<4x512xi32>
    %mul3A = arith.constant 512 : i32
    %mul3A_5 = arith.muli %arg0, %mul3A : i32
    %add3A = vector.broadcast %mul3A_5 : i32 to vector<4x512xi32>
    %add3A_6 = arith.addi %iota3A, %add3A : vector<4x512xi32>
    %lt3A = arith.constant 10000 : i32
    %lt3A_7 = vector.broadcast %lt3A : i32 to vector<4x512xi32>
    %lt3A_8 = arith.cmpi slt, %add3A_6, %lt3A_7 : vector<4x512xi32>
    %jit3A = arith.constant 0.000000e+00 : f32
    %broadcast_in_dim3A = vector.broadcast %jit3A : f32 to vector<4x512xf32>
    %select_n3A = arith.select %lt3A_8, %reshape3A, %broadcast_in_dim3A : vector<4x512xi1>, vector<4x512xf32>
    %reshape3A_9 = vector.shape_cast %select_n3A : vector<4x512xf32> to vector<4x512x1xf32>
    %swap3A = arith.constant 0 : index
    %swap3A_10 = arith.constant 0 : index
    %swap3A_11 = arith.constant 0 : index
    %swap3A_12 = vector.load %arg29[%swap3A, %swap3A_10, %swap3A_11] : memref<4x512x1xf32, #tpu.memory_space<vmem>>, vector<4x512x1xf32>
    tpu.vector_store %arg29[%swap3A, %swap3A_10, %swap3A_11], %reshape3A_9 {strides = array<i32>} : memref<4x512x1xf32, #tpu.memory_space<vmem>>, vector<4x512x1xf32>,
    return
  }
  func.func @transform_0(%arg0: i32) -> (i32, i32) {
    %c0_i32 = arith.constant 0 : i32
    %c0_i32_0 = arith.constant 0 : i32
    %c0_i32_1 = arith.constant 0 : i32
    return %c0_i32, %c0_i32_0 : i32, i32
  }
  func.func @transform_1(%arg0: i32) -> (i32, i32) {
    %c0_i32 = arith.constant 0 : i32
    %c0_i32_0 = arith.constant 0 : i32
    %c0_i32_1 = arith.constant 0 : i32
    return %c0_i32, %c0_i32_0 : i32, i32
  }
  func.func @transform_2(%arg0: i32) -> (i32, i32) {
    %c0_i32 = arith.constant 0 : i32
    %c0_i32_0 = arith.constant 0 : i32
    %c0_i32_1 = arith.constant 0 : i32
    return %c0_i32, %c0_i32_0 : i32, i32
  }
  func.func @transform_3(%arg0: i32) -> (i32, i32) {
    %c0_i32 = arith.constant 0 : i32
    %c0_i32_0 = arith.constant 0 : i32
    %c0_i32_1 = arith.constant 0 : i32
    return %c0_i32, %c0_i32_0 : i32, i32
  }
  func.func @transform_4(%arg0: i32) -> (i32, i32) {
    %c0_i32 = arith.constant 0 : i32
    %c0_i32_0 = arith.constant 0 : i32
    %c0_i32_1 = arith.constant 0 : i32
    return %c0_i32, %c0_i32_0 : i32, i32
  }
  func.func @transform_5(%arg0: i32) -> (i32, i32) {
    %c0_i32 = arith.constant 0 : i32
    %c0_i32_0 = arith.constant 0 : i32
    %c0_i32_1 = arith.constant 0 : i32
    return %c0_i32, %c0_i32_0 : i32, i32
  }
  func.func @transform_6(%arg0: i32) -> (i32, i32) {
    %c0_i32 = arith.constant 0 : i32
    %c0_i32_0 = arith.constant 0 : i32
    %c0_i32_1 = arith.constant 0 : i32
    return %c0_i32, %c0_i32_0 : i32, i32
  }
  func.func @transform_7(%arg0: i32) -> (i32, i32) {
    %c0_i32 = arith.constant 0 : i32
    %c0_i32_0 = arith.constant 0 : i32
    %c0_i32_1 = arith.constant 0 : i32
    return %c0_i32, %c0_i32_0 : i32, i32
  }
  func.func @transform_8(%arg0: i32) -> (i32, i32) {
    %c0_i32 = arith.constant 0 : i32
    %c0_i32_0 = arith.constant 0 : i32
    %c0_i32_1 = arith.constant 0 : i32
    return %c0_i32, %c0_i32_0 : i32, i32
  }
  func.func @transform_9(%arg0: i32) -> (i32, i32) {
    %c0_i32 = arith.constant 0 : i32
    %c0_i32_0 = arith.constant 0 : i32
    %c0_i32_1 = arith.constant 0 : i32
    return %c0_i32, %c0_i32_0 : i32, i32
  }
  func.func @transform_10(%arg0: i32) -> (i32, i32) {
    %c0_i32 = arith.constant 0 : i32
    %c0_i32_0 = arith.constant 0 : i32
    %c0_i32_1 = arith.constant 0 : i32
    return %c0_i32, %c0_i32_0 : i32, i32
  }
  func.func @transform_11(%arg0: i32) -> (i32, i32) {
    %c0_i32 = arith.constant 0 : i32
    %c0_i32_0 = arith.constant 0 : i32
    %c0_i32_1 = arith.constant 0 : i32
    return %c0_i32, %c0_i32_0 : i32, i32
  }
  func.func @transform_12(%arg0: i32) -> (i32, i32) {
    %c0_i32 = arith.constant 0 : i32
    %c0_i32_0 = arith.constant 0 : i32
    %c0_i32_1 = arith.constant 0 : i32
    return %c0_i32, %c0_i32_0 : i32, i32
  }
  func.func @transform_13(%arg0: i32) -> (i32, i32, i32) {
    %c0_i32 = arith.constant 0 : i32
    %c0_i32_0 = arith.constant 0 : i32
    %c0_i32_1 = arith.constant 0 : i32
    return %c0_i32, %c0_i32_0, %arg0 : i32, i32, i32
  }
  func.func @transform_14(%arg0: i32) -> (i32, i32, i32) {
    %c0_i32 = arith.constant 0 : i32
    %c0_i32_0 = arith.constant 0 : i32
    %c0_i32_1 = arith.constant 0 : i32
    %c0_i32_2 = arith.constant 0 : i32
    return %c0_i32, %c0_i32_0, %c0_i32_1 : i32, i32, i32
  }
  func.func @transform_15(%arg0: i32) -> (i32, i32, i32) {
    %c0_i32 = arith.constant 0 : i32
    %c0_i32_0 = arith.constant 0 : i32
    %c0_i32_1 = arith.constant 0 : i32
    %c0_i32_2 = arith.constant 0 : i32
    return %c0_i32, %c0_i32_0, %c0_i32_1 : i32, i32, i32
  }
  func.func @transform_16(%arg0: i32) -> (i32, i32) {
    %c0_i32 = arith.constant 0 : i32
    %c0_i32_0 = arith.constant 0 : i32
    %c0_i32_1 = arith.constant 0 : i32
    return %c0_i32, %c0_i32_0 : i32, i32
  }
  func.func @transform_17(%arg0: i32) -> (i32, i32) {
    %c0_i32 = arith.constant 0 : i32
    %c0_i32_0 = arith.constant 0 : i32
    %c0_i32_1 = arith.constant 0 : i32
    return %c0_i32, %c0_i32_0 : i32, i32
  }
  func.func @transform_18(%arg0: i32) -> (i32, i32) {
    %c0_i32 = arith.constant 0 : i32
    %c0_i32_0 = arith.constant 0 : i32
    %c0_i32_1 = arith.constant 0 : i32
    return %c0_i32, %c0_i32_0 : i32, i32
  }
  func.func @transform_19(%arg0: i32) -> (i32, i32) {
    %c0_i32 = arith.constant 0 : i32
    %c0_i32_0 = arith.constant 0 : i32
    %c0_i32_1 = arith.constant 0 : i32
    return %c0_i32, %c0_i32_0 : i32, i32
  }
  func.func @transform_20(%arg0: i32) -> (i32, i32) {
    %c0_i32 = arith.constant 0 : i32
    %c0_i32_0 = arith.constant 0 : i32
    %c0_i32_1 = arith.constant 0 : i32
    return %c0_i32, %c0_i32_0 : i32, i32
  }
  func.func @transform_21(%arg0: i32) -> (i32, i32) {
    %c0_i32 = arith.constant 0 : i32
    %c0_i32_0 = arith.constant 0 : i32
    %c0_i32_1 = arith.constant 0 : i32
    return %c0_i32, %c0_i32_0 : i32, i32
  }
  func.func @transform_22(%arg0: i32) -> (i32, i32) {
    %c0_i32 = arith.constant 0 : i32
    %c0_i32_0 = arith.constant 0 : i32
    %c0_i32_1 = arith.constant 0 : i32
    return %c0_i32, %c0_i32_0 : i32, i32
  }
  func.func @transform_23(%arg0: i32) -> (i32, i32) {
    %c0_i32 = arith.constant 0 : i32
    %c0_i32_0 = arith.constant 0 : i32
    %c0_i32_1 = arith.constant 0 : i32
    return %c0_i32, %c0_i32_0 : i32, i32
  }
  func.func @transform_24(%arg0: i32) -> (i32, i32) {
    %c0_i32 = arith.constant 0 : i32
    %c0_i32_0 = arith.constant 0 : i32
    %c0_i32_1 = arith.constant 0 : i32
    return %c0_i32, %c0_i32_0 : i32, i32
  }
  func.func @transform_25(%arg0: i32) -> (i32, i32) {
    %c0_i32 = arith.constant 0 : i32
    %c0_i32_0 = arith.constant 0 : i32
    %c0_i32_1 = arith.constant 0 : i32
    return %c0_i32, %c0_i32_0 : i32, i32
  }
  func.func @transform_26(%arg0: i32) -> (i32, i32) {
    %c0_i32 = arith.constant 0 : i32
    %c0_i32_0 = arith.constant 0 : i32
    %c0_i32_1 = arith.constant 0 : i32
    return %c0_i32, %c0_i32_0 : i32, i32
  }
  func.func @transform_27(%arg0: i32) -> (i32, i32) {
    %c0_i32 = arith.constant 0 : i32
    %c0_i32_0 = arith.constant 0 : i32
    %c0_i32_1 = arith.constant 0 : i32
    return %c0_i32, %c0_i32_0 : i32, i32
  }
  func.func @transform_28(%arg0: i32) -> (i32, i32, i32) {
    %c0_i32 = arith.constant 0 : i32
    %c0_i32_0 = arith.constant 0 : i32
    %c0_i32_1 = arith.constant 0 : i32
    return %c0_i32, %arg0, %c0_i32_0 : i32, i32, i32
  }
  func.func @transform_29(%arg0: i32) -> (i32, i32) {
    %c0_i32 = arith.constant 0 : i32
    %c0_i32_0 = arith.constant 0 : i32
    %c0_i32_1 = arith.constant 0 : i32
    return %c0_i32, %c0_i32_0 : i32, i32
  }
  func.func @transform_30(%arg0: i32) -> (i32, i32) {
    %c0_i32 = arith.constant 0 : i32
    %c0_i32_0 = arith.constant 0 : i32
    %c0_i32_1 = arith.constant 0 : i32
    return %c0_i32, %c0_i32_0 : i32, i32
  }
}

module attributes {stable_mosaic.version = 14 : i64} {
  func.func @tc_edge_matmul(%arg0: i32, %arg1: memref<256x128xf32, #tpu.memory_space<vmem>>, %arg2: memref<256x1xi32, #tpu.memory_space<vmem>>, %arg3: memref<256x1xf32, #tpu.memory_space<vmem>>, %arg4: memref<2048x128xf32, #tpu.memory_space<vmem>>, %arg5: memref<256x128xf32, #tpu.memory_space<vmem>>) attributes {dimension_semantics = [#tpu.dimension_semantics<arbitrary>], iteration_bounds = array<i64: 8>, scalar_prefetch = 0 : i64, scratch_operands = 0 : i64, tpu.core_type = #tpu.core_type<tc>, window_params = [{transform_indices = @transform_0, window_bounds = array<i64: 256, 128>}, {transform_indices = @transform_1, window_bounds = array<i64: 256, 1>}, {transform_indices = @transform_2, window_bounds = array<i64: 256, 1>}, {pipeline_mode = #tpu.pipeline_mode<synchronous>, transform_indices = @transform_3, window_bounds = array<i64: 2048, 128>}, {transform_indices = @transform_4, window_bounds = array<i64: 256, 128>}]} {
    %get3A = arith.constant 0 : index
    %get3A_0 = arith.constant 0 : index
    %get3A_1 = vector.load %arg1[%get3A, %get3A_0] : memref<256x128xf32, #tpu.memory_space<vmem>>, vector<256x128xf32>
    %get3A_2 = arith.constant 0 : index
    %get3A_3 = arith.constant 0 : index
    %get3A_4 = vector.load %arg3[%get3A_2, %get3A_3] : memref<256x1xf32, #tpu.memory_space<vmem>>, vector<256x1xf32>
    %mul3A = vector.broadcast %get3A_4 : vector<256x1xf32> to vector<256x128xf32>
    %mul3A_5 = arith.mulf %get3A_1, %mul3A : vector<256x128xf32>
    %concatenate3A = tpu.concatenate %mul3A_5, %mul3A_5, %mul3A_5, %mul3A_5, %mul3A_5, %mul3A_5, %mul3A_5, %mul3A_5, %mul3A_5, %mul3A_5, %mul3A_5, %mul3A_5, %mul3A_5, %mul3A_5, %mul3A_5, %mul3A_5 in 1 : vector<256x128xf32>, vector<256x128xf32>, vector<256x128xf32>, vector<256x128xf32>, vector<256x128xf32>, vector<256x128xf32>, vector<256x128xf32>, vector<256x128xf32>, vector<256x128xf32>, vector<256x128xf32>, vector<256x128xf32>, vector<256x128xf32>, vector<256x128xf32>, vector<256x128xf32>, vector<256x128xf32>, vector<256x128xf32> -> vector<256x2048xf32>
    %iota3A = tpu.iota {dimensions = array<i32: 1>} : vector<256x2048xi32>
    %jit3A = arith.constant 128 : i32
    %div3A = vector.broadcast %jit3A : i32 to vector<256x2048xi32>
    %div3A_6 = arith.divsi %iota3A, %div3A : vector<256x2048xi32>
    %sign3A = arith.constant 0 : i32
    %sign3A_7 = vector.broadcast %sign3A : i32 to vector<256x2048xi32>
    %sign3A_8 = arith.cmpi sgt, %iota3A, %sign3A_7 : vector<256x2048xi32>
    %sign3A_9 = arith.extui %sign3A_8 : vector<256x2048xi1> to vector<256x2048xi32>
    %sign3A_10 = arith.constant 0 : i32
    %sign3A_11 = vector.broadcast %sign3A_10 : i32 to vector<256x2048xi32>
    %sign3A_12 = arith.cmpi slt, %iota3A, %sign3A_11 : vector<256x2048xi32>
    %sign3A_13 = arith.extui %sign3A_12 : vector<256x2048xi1> to vector<256x2048xi32>
    %sign3A_14 = arith.subi %sign3A_9, %sign3A_13 : vector<256x2048xi32>
    %sign3A_15 = arith.constant 0 : i32
    %sign3A_16 = arith.cmpi sgt, %jit3A, %sign3A_15 : i32
    %sign3A_17 = arith.extui %sign3A_16 : i1 to i32
    %sign3A_18 = arith.constant 0 : i32
    %sign3A_19 = arith.cmpi slt, %jit3A, %sign3A_18 : i32
    %sign3A_20 = arith.extui %sign3A_19 : i1 to i32
    %sign3A_21 = arith.subi %sign3A_17, %sign3A_20 : i32
    %ne3A = vector.broadcast %sign3A_21 : i32 to vector<256x2048xi32>
    %ne3A_22 = arith.cmpi ne, %sign3A_14, %ne3A : vector<256x2048xi32>
    %rem3A = vector.broadcast %jit3A : i32 to vector<256x2048xi32>
    %rem3A_23 = arith.remsi %iota3A, %rem3A : vector<256x2048xi32>
    %ne3A_24 = arith.constant 0 : i32
    %ne3A_25 = vector.broadcast %ne3A_24 : i32 to vector<256x2048xi32>
    %ne3A_26 = arith.cmpi ne, %rem3A_23, %ne3A_25 : vector<256x2048xi32>
    %and3A = arith.andi %ne3A_22, %ne3A_26 : vector<256x2048xi1>
    %sub3A = arith.constant 1 : i32
    %sub3A_27 = vector.broadcast %sub3A : i32 to vector<256x2048xi32>
    %sub3A_28 = arith.subi %div3A_6, %sub3A_27 : vector<256x2048xi32>
    %select_n3A = arith.select %and3A, %sub3A_28, %div3A_6 : vector<256x2048xi1>, vector<256x2048xi32>
    %get3A_29 = arith.constant 0 : index
    %get3A_30 = arith.constant 0 : index
    %get3A_31 = vector.load %arg2[%get3A_29, %get3A_30] : memref<256x1xi32, #tpu.memory_space<vmem>>, vector<256x1xi32>
    %eq3A = vector.broadcast %get3A_31 : vector<256x1xi32> to vector<256x2048xi32>
    %eq3A_32 = arith.cmpi eq, %eq3A, %select_n3A : vector<256x2048xi32>
    %convert_element_type3A = arith.extui %eq3A_32 : vector<256x2048xi1> to vector<256x2048xi32>
    %convert_element_type3A_33 = arith.sitofp %convert_element_type3A : vector<256x2048xi32> to vector<256x2048xf32>
    %mul3A_34 = arith.mulf %concatenate3A, %convert_element_type3A_33 : vector<256x2048xf32>
    %get3A_35 = arith.constant 0 : index
    %get3A_36 = arith.constant 0 : index
    %get3A_37 = vector.load %arg4[%get3A_35, %get3A_36] : memref<2048x128xf32, #tpu.memory_space<vmem>>, vector<2048x128xf32>
    %dot_general3A = arith.constant dense<0.000000e+00> : vector<256x128xf32>
    %dot_general3A_38 = tpu.matmul %mul3A_34, %get3A_37, %dot_general3A {dimension_numbers = #tpu.dot_dimension_numbers<[1], [0], [0], [1], [0, 0, 1, 1], [], []>, transpose_lhs_hint = false} : vector<256x2048xf32>, vector<2048x128xf32>, vector<256x128xf32> -> vector<256x128xf32>
    %swap3A = arith.constant 0 : index
    %swap3A_39 = arith.constant 0 : index
    %swap3A_40 = vector.load %arg5[%swap3A, %swap3A_39] : memref<256x128xf32, #tpu.memory_space<vmem>>, vector<256x128xf32>
    tpu.vector_store %arg5[%swap3A, %swap3A_39], %dot_general3A_38 {strides = array<i32>} : memref<256x128xf32, #tpu.memory_space<vmem>>, vector<256x128xf32>,
    return
  }
  func.func @transform_0(%arg0: i32) -> (i32, i32) {
    %c0_i32 = arith.constant 0 : i32
    %c0_i32_0 = arith.constant 0 : i32
    return %arg0, %c0_i32 : i32, i32
  }
  func.func @transform_1(%arg0: i32) -> (i32, i32) {
    %add3A = arith.constant 0 : i32
    %add3A_0 = arith.addi %arg0, %add3A : i32
    %c0_i32 = arith.constant 0 : i32
    %c0_i32_1 = arith.constant 0 : i32
    return %add3A_0, %c0_i32 : i32, i32
  }
  func.func @transform_2(%arg0: i32) -> (i32, i32) {
    %add3A = arith.constant 0 : i32
    %add3A_0 = arith.addi %arg0, %add3A : i32
    %c0_i32 = arith.constant 0 : i32
    %c0_i32_1 = arith.constant 0 : i32
    return %add3A_0, %c0_i32 : i32, i32
  }
  func.func @transform_3(%arg0: i32) -> (i32, i32) {
    %c0_i32 = arith.constant 0 : i32
    %c0_i32_0 = arith.constant 0 : i32
    %c0_i32_1 = arith.constant 0 : i32
    return %c0_i32, %c0_i32_0 : i32, i32
  }
  func.func @transform_4(%arg0: i32) -> (i32, i32) {
    %c0_i32 = arith.constant 0 : i32
    %c0_i32_0 = arith.constant 0 : i32
    return %arg0, %c0_i32 : i32, i32
  }
}

module attributes {stable_mosaic.version = 14 : i64} {
  func.func @tc_update_t0(%arg0: i32, %arg1: i32, %arg2: memref<512x128xf32, #tpu.memory_space<vmem>>, %arg3: memref<512x128xf32, #tpu.memory_space<vmem>>, %arg4: memref<1x512x1xf32, #tpu.memory_space<vmem>>, %arg5: memref<128x384xf32, #tpu.memory_space<vmem>>, %arg6: memref<128x384xf32, #tpu.memory_space<vmem>>, %arg7: memref<1x384xf32, #tpu.memory_space<vmem>>, %arg8: memref<1x384xf32, #tpu.memory_space<vmem>>, %arg9: memref<512x128xf32, #tpu.memory_space<vmem>>, %arg10: memref<1x1x512x16xf32, #tpu.memory_space<vmem>>, %arg11: memref<128x128xf32, #tpu.memory_space<vmem>>, %arg12: memref<16x128xf32, #tpu.memory_space<vmem>>, %arg13: memref<1x128xf32, #tpu.memory_space<vmem>>, %arg14: memref<128x128xf32, #tpu.memory_space<vmem>>, %arg15: memref<1x128xf32, #tpu.memory_space<vmem>>, %arg16: memref<128x384xf32, #tpu.memory_space<vmem>>, %arg17: memref<128x384xf32, #tpu.memory_space<vmem>>, %arg18: memref<1x1x512x100xf32, #tpu.memory_space<vmem>>, %arg19: memref<1x8x128xf32, #tpu.memory_space<vmem>>, %arg20: memref<512x128xf32, #tpu.memory_space<vmem>>, %arg21: memref<1x128xf32, #tpu.memory_space<vmem>>, %arg22: memref<1x128xf32, #tpu.memory_space<vmem>>) attributes {dimension_semantics = [#tpu.dimension_semantics<arbitrary>, #tpu.dimension_semantics<arbitrary>], iteration_bounds = array<i64: 2, 20>, scalar_prefetch = 0 : i64, scratch_operands = 2 : i64, tpu.core_type = #tpu.core_type<tc>, window_params = [{transform_indices = @transform_0, window_bounds = array<i64: 512, 128>}, {transform_indices = @transform_1, window_bounds = array<i64: 512, 128>}, {transform_indices = @transform_2, window_bounds = array<i64: 1, 512, 1>}, {pipeline_mode = #tpu.pipeline_mode<synchronous>, transform_indices = @transform_3, window_bounds = array<i64: 128, 384>}, {pipeline_mode = #tpu.pipeline_mode<synchronous>, transform_indices = @transform_4, window_bounds = array<i64: 128, 384>}, {pipeline_mode = #tpu.pipeline_mode<synchronous>, transform_indices = @transform_5, window_bounds = array<i64: 1, 384>}, {pipeline_mode = #tpu.pipeline_mode<synchronous>, transform_indices = @transform_6, window_bounds = array<i64: 1, 384>}, {transform_indices = @transform_7, window_bounds = array<i64: 512, 128>}, {transform_indices = @transform_8, window_bounds = array<i64: 1, 1, 512, 16>}, {pipeline_mode = #tpu.pipeline_mode<synchronous>, transform_indices = @transform_9, window_bounds = array<i64: 128, 128>}, {pipeline_mode = #tpu.pipeline_mode<synchronous>, transform_indices = @transform_10, window_bounds = array<i64: 16, 128>}, {pipeline_mode = #tpu.pipeline_mode<synchronous>, transform_indices = @transform_11, window_bounds = array<i64: 1, 128>}, {pipeline_mode = #tpu.pipeline_mode<synchronous>, transform_indices = @transform_12, window_bounds = array<i64: 128, 128>}, {pipeline_mode = #tpu.pipeline_mode<synchronous>, transform_indices = @transform_13, window_bounds = array<i64: 1, 128>}, {pipeline_mode = #tpu.pipeline_mode<synchronous>, transform_indices = @transform_14, window_bounds = array<i64: 128, 384>}, {pipeline_mode = #tpu.pipeline_mode<synchronous>, transform_indices = @transform_15, window_bounds = array<i64: 128, 384>}, {transform_indices = @transform_16, window_bounds = array<i64: 1, 1, 512, 100>}, {transform_indices = @transform_17, window_bounds = array<i64: 1, 8, 128>}, {transform_indices = @transform_18, window_bounds = array<i64: 512, 128>}]} {
    %get3A = arith.constant 0 : index
    %get3A_0 = arith.constant 0 : index
    %get3A_1 = vector.load %arg3[%get3A, %get3A_0] : memref<512x128xf32, #tpu.memory_space<vmem>>, vector<512x128xf32>
    %get3A_2 = arith.constant 0 : index
    %get3A_3 = arith.constant 0 : index
    %get3A_4 = vector.load %arg2[%get3A_2, %get3A_3] : memref<512x128xf32, #tpu.memory_space<vmem>>, vector<512x128xf32>
    %get3A_5 = arith.constant 0 : index
    %get3A_6 = arith.constant 0 : index
    %get3A_7 = vector.load %arg5[%get3A_5, %get3A_6] : memref<128x384xf32, #tpu.memory_space<vmem>>, vector<128x384xf32>
    %dot_general3A = arith.constant dense<0.000000e+00> : vector<512x384xf32>
    %dot_general3A_8 = tpu.matmul %get3A_4, %get3A_7, %dot_general3A {dimension_numbers = #tpu.dot_dimension_numbers<[1], [0], [0], [1], [0, 0, 1, 1], [], []>, transpose_lhs_hint = false} : vector<512x128xf32>, vector<128x384xf32>, vector<512x384xf32> -> vector<512x384xf32>
    %get3A_9 = arith.constant 0 : index
    %get3A_10 = arith.constant 0 : index
    %get3A_11 = vector.load %arg7[%get3A_9, %get3A_10] : memref<1x384xf32, #tpu.memory_space<vmem>>, vector<1x384xf32>
    %add3A = vector.broadcast %get3A_11 : vector<1x384xf32> to vector<512x384xf32>
    %add3A_12 = arith.addf %dot_general3A_8, %add3A : vector<512x384xf32>
    %get3A_13 = arith.constant 0 : index
    %get3A_14 = arith.constant 0 : index
    %get3A_15 = vector.load %arg6[%get3A_13, %get3A_14] : memref<128x384xf32, #tpu.memory_space<vmem>>, vector<128x384xf32>
    %dot_general3A_16 = arith.constant dense<0.000000e+00> : vector<512x384xf32>
    %dot_general3A_17 = tpu.matmul %get3A_1, %get3A_15, %dot_general3A_16 {dimension_numbers = #tpu.dot_dimension_numbers<[1], [0], [0], [1], [0, 0, 1, 1], [], []>, transpose_lhs_hint = false} : vector<512x128xf32>, vector<128x384xf32>, vector<512x384xf32> -> vector<512x384xf32>
    %get3A_18 = arith.constant 0 : index
    %get3A_19 = arith.constant 0 : index
    %get3A_20 = vector.load %arg8[%get3A_18, %get3A_19] : memref<1x384xf32, #tpu.memory_space<vmem>>, vector<1x384xf32>
    %add3A_21 = vector.broadcast %get3A_20 : vector<1x384xf32> to vector<512x384xf32>
    %add3A_22 = arith.addf %dot_general3A_17, %add3A_21 : vector<512x384xf32>
    %slice3A = vector.extract_strided_slice %add3A_12 {offsets = [0, 0], sizes = [512, 128], strides = [1, 1]} : vector<512x384xf32> to vector<512x128xf32>
    %slice3A_23 = vector.extract_strided_slice %add3A_22 {offsets = [0, 0], sizes = [512, 128], strides = [1, 1]} : vector<512x384xf32> to vector<512x128xf32>
    %add3A_24 = arith.addf %slice3A, %slice3A_23 : vector<512x128xf32>
    %logistic3A = arith.negf %add3A_24 : vector<512x128xf32>
    %logistic3A_25 = math.exp %logistic3A : vector<512x128xf32>
    %logistic3A_26 = arith.constant 1.000000e+00 : f32
    %logistic3A_27 = vector.broadcast %logistic3A_26 : f32 to vector<512x128xf32>
    %logistic3A_28 = arith.addf %logistic3A_27, %logistic3A_25 : vector<512x128xf32>
    %logistic3A_29 = arith.divf %logistic3A_27, %logistic3A_28 : vector<512x128xf32>
    %slice3A_30 = vector.extract_strided_slice %add3A_12 {offsets = [0, 128], sizes = [512, 128], strides = [1, 1]} : vector<512x384xf32> to vector<512x128xf32>
    %slice3A_31 = vector.extract_strided_slice %add3A_22 {offsets = [0, 128], sizes = [512, 128], strides = [1, 1]} : vector<512x384xf32> to vector<512x128xf32>
    %add3A_32 = arith.addf %slice3A_30, %slice3A_31 : vector<512x128xf32>
    %logistic3A_33 = arith.negf %add3A_32 : vector<512x128xf32>
    %logistic3A_34 = math.exp %logistic3A_33 : vector<512x128xf32>
    %logistic3A_35 = arith.constant 1.000000e+00 : f32
    %logistic3A_36 = vector.broadcast %logistic3A_35 : f32 to vector<512x128xf32>
    %logistic3A_37 = arith.addf %logistic3A_36, %logistic3A_34 : vector<512x128xf32>
    %logistic3A_38 = arith.divf %logistic3A_36, %logistic3A_37 : vector<512x128xf32>
    %slice3A_39 = vector.extract_strided_slice %add3A_12 {offsets = [0, 256], sizes = [512, 128], strides = [1, 1]} : vector<512x384xf32> to vector<512x128xf32>
    %slice3A_40 = vector.extract_strided_slice %add3A_22 {offsets = [0, 256], sizes = [512, 128], strides = [1, 1]} : vector<512x384xf32> to vector<512x128xf32>
    %mul3A = arith.mulf %logistic3A_29, %slice3A_40 : vector<512x128xf32>
    %add3A_41 = arith.addf %slice3A_39, %mul3A : vector<512x128xf32>
    %tanh3A = math.tanh %add3A_41 : vector<512x128xf32>
    %sub3A = arith.constant 1.000000e+00 : f32
    %sub3A_42 = vector.broadcast %sub3A : f32 to vector<512x128xf32>
    %sub3A_43 = arith.subf %sub3A_42, %logistic3A_38 : vector<512x128xf32>
    %mul3A_44 = arith.mulf %sub3A_43, %tanh3A : vector<512x128xf32>
    %mul3A_45 = arith.mulf %logistic3A_38, %get3A_1 : vector<512x128xf32>
    %add3A_46 = arith.addf %mul3A_44, %mul3A_45 : vector<512x128xf32>
    %get3A_47 = arith.constant 0 : index
    %get3A_48 = arith.constant 0 : index
    %get3A_49 = arith.constant 0 : index
    %get3A_50 = vector.load %arg4[%get3A_47, %get3A_48, %get3A_49] : memref<1x512x1xf32, #tpu.memory_space<vmem>>, vector<1x512x1xf32>
    %reshape3A = vector.shape_cast %get3A_50 : vector<1x512x1xf32> to vector<512x1xf32>
    %mul3A_51 = vector.broadcast %reshape3A : vector<512x1xf32> to vector<512x128xf32>
    %mul3A_52 = arith.mulf %add3A_46, %mul3A_51 : vector<512x128xf32>
    %slice3A_53 = vector.extract_strided_slice %mul3A_52 {offsets = [0, 0], sizes = [512, 100], strides = [1, 1]} : vector<512x128xf32> to vector<512x100xf32>
    %broadcast_in_dim3A = vector.shape_cast %slice3A_53 : vector<512x100xf32> to vector<1x1x512x100xf32>
    %swap3A = arith.constant 0 : index
    %swap3A_54 = arith.constant 0 : index
    %swap3A_55 = arith.constant 0 : index
    %swap3A_56 = arith.constant 0 : index
    %swap3A_57 = vector.load %arg18[%swap3A, %swap3A_54, %swap3A_55, %swap3A_56] : memref<1x1x512x100xf32, #tpu.memory_space<vmem>>, vector<1x1x512x100xf32>
    tpu.vector_store %arg18[%swap3A, %swap3A_54, %swap3A_55, %swap3A_56], %broadcast_in_dim3A {strides = array<i32>} : memref<1x1x512x100xf32, #tpu.memory_space<vmem>>, vector<1x1x512x100xf32>,
    %iota3A = tpu.iota {dimensions = array<i32: 0>} : vector<512x1xi32>
    %mul3A_58 = arith.constant 512 : i32
    %mul3A_59 = arith.muli %arg1, %mul3A_58 : i32
    %add3A_60 = vector.broadcast %mul3A_59 : i32 to vector<512x1xi32>
    %add3A_61 = arith.addi %iota3A, %add3A_60 : vector<512x1xi32>
    %lt3A = arith.constant 10000 : i32
    %lt3A_62 = vector.broadcast %lt3A : i32 to vector<512x1xi32>
    %lt3A_63 = arith.cmpi slt, %add3A_61, %lt3A_62 : vector<512x1xi32>
    %mul3A_64 = vector.broadcast %reshape3A : vector<512x1xf32> to vector<512x128xf32>
    %mul3A_65 = arith.mulf %mul3A_52, %mul3A_64 : vector<512x128xf32>
    %jit3A = arith.constant 0.000000e+00 : f32
    %broadcast_in_dim3A_66 = vector.shape_cast %lt3A_63 : vector<512x1xi1> to vector<512x1xi1>
    %broadcast_in_dim3A_67 = vector.broadcast %broadcast_in_dim3A_66 : vector<512x1xi1> to vector<512x128xi1>
    %broadcast_in_dim3A_68 = vector.broadcast %jit3A : f32 to vector<512x128xf32>
    %select_n3A = arith.select %broadcast_in_dim3A_67, %mul3A_65, %broadcast_in_dim3A_68 : vector<512x128xi1>, vector<512x128xf32>
    %reduce_sum3A = arith.constant dense<0.000000e+00> : vector<128xf32>
    %reduce_sum3A_69 = vector.multi_reduction <add>, %select_n3A, %reduce_sum3A [0] : vector<512x128xf32> to vector<128xf32>
    %broadcast_in_dim3A_70 = vector.shape_cast %reduce_sum3A_69 : vector<128xf32> to vector<1x128xf32>
    %reduce_sum3A_71 = vector.shape_cast %reshape3A : vector<512x1xf32> to vector<1x512x1xf32>
    %reduce_sum3A_72 = arith.constant dense<0.000000e+00> : vector<1xf32>
    %reduce_sum3A_73 = vector.multi_reduction <add>, %reduce_sum3A_71, %reduce_sum3A_72 [1, 2] : vector<1x512x1xf32> to vector<1xf32>
    %reduce_sum3A_74 = vector.shape_cast %reduce_sum3A_73 : vector<1xf32> to vector<1x1x1xf32>
    %reduce_sum3A_75 = vector.extract %reduce_sum3A_74[0, 0, 0] : f32 from vector<1x1x1xf32>
    %broadcast_in_dim3A_76 = arith.constant 1.000000e+00 : f32
    %broadcast_in_dim3A_77 = vector.broadcast %broadcast_in_dim3A_76 : f32 to vector<1x128xf32>
    %mul3A_78 = vector.broadcast %reduce_sum3A_75 : f32 to vector<1x128xf32>
    %mul3A_79 = arith.mulf %mul3A_78, %broadcast_in_dim3A_77 : vector<1x128xf32>
    %eq3A = arith.constant 0 : i32
    %eq3A_80 = arith.cmpi eq, %arg1, %eq3A : i32
    %get3A_81 = arith.constant 0 : index
    %get3A_82 = arith.constant 0 : index
    %get3A_83 = vector.load %arg21[%get3A_81, %get3A_82] : memref<1x128xf32, #tpu.memory_space<vmem>>, vector<1x128xf32>
    %jit3A_84 = arith.constant 0.000000e+00 : f32
    %broadcast_in_dim3A_85 = vector.broadcast %jit3A_84 : f32 to vector<1x128xf32>
    %select_n3A_86 = arith.select %eq3A_80, %broadcast_in_dim3A_85, %get3A_83 : vector<1x128xf32>
    %eq3A_87 = arith.constant 0 : i32
    %eq3A_88 = arith.cmpi eq, %arg1, %eq3A_87 : i32
    %get3A_89 = arith.constant 0 : index
    %get3A_90 = arith.constant 0 : index
    %get3A_91 = vector.load %arg22[%get3A_89, %get3A_90] : memref<1x128xf32, #tpu.memory_space<vmem>>, vector<1x128xf32>
    %jit3A_92 = arith.constant 0.000000e+00 : f32
    %broadcast_in_dim3A_93 = vector.broadcast %jit3A_92 : f32 to vector<1x128xf32>
    %select_n3A_94 = arith.select %eq3A_88, %broadcast_in_dim3A_93, %get3A_91 : vector<1x128xf32>
    %add3A_95 = arith.addf %select_n3A_86, %broadcast_in_dim3A_70 : vector<1x128xf32>
    %swap3A_96 = arith.constant 0 : index
    %swap3A_97 = arith.constant 0 : index
    %swap3A_98 = vector.load %arg21[%swap3A_96, %swap3A_97] : memref<1x128xf32, #tpu.memory_space<vmem>>, vector<1x128xf32>
    tpu.vector_store %arg21[%swap3A_96, %swap3A_97], %add3A_95 {strides = array<i32>} : memref<1x128xf32, #tpu.memory_space<vmem>>, vector<1x128xf32>,
    %add3A_99 = arith.addf %select_n3A_94, %mul3A_79 : vector<1x128xf32>
    %swap3A_100 = arith.constant 0 : index
    %swap3A_101 = arith.constant 0 : index
    %swap3A_102 = vector.load %arg22[%swap3A_100, %swap3A_101] : memref<1x128xf32, #tpu.memory_space<vmem>>, vector<1x128xf32>
    tpu.vector_store %arg22[%swap3A_100, %swap3A_101], %add3A_99 {strides = array<i32>} : memref<1x128xf32, #tpu.memory_space<vmem>>, vector<1x128xf32>,
    %get3A_103 = arith.constant 0 : index
    %get3A_104 = arith.constant 0 : index
    %get3A_105 = vector.load %arg21[%get3A_103, %get3A_104] : memref<1x128xf32, #tpu.memory_space<vmem>>, vector<1x128xf32>
    %get3A_106 = arith.constant 0 : index
    %get3A_107 = arith.constant 0 : index
    %get3A_108 = vector.load %arg22[%get3A_106, %get3A_107] : memref<1x128xf32, #tpu.memory_space<vmem>>, vector<1x128xf32>
    %add3A_109 = arith.constant 9.99999971E-10 : f32
    %add3A_110 = vector.broadcast %add3A_109 : f32 to vector<1x128xf32>
    %add3A_111 = arith.addf %get3A_108, %add3A_110 : vector<1x128xf32>
    %div3A = arith.divf %get3A_105, %add3A_111 : vector<1x128xf32>
    %broadcast_in_dim3A_112 = vector.shape_cast %div3A : vector<1x128xf32> to vector<1x1x128xf32>
    %broadcast_in_dim3A_113 = vector.shape_cast %broadcast_in_dim3A_112 : vector<1x1x128xf32> to vector<1x1x128xf32>
    %broadcast_in_dim3A_114 = vector.broadcast %broadcast_in_dim3A_113 : vector<1x1x128xf32> to vector<1x8x128xf32>
    %swap3A_115 = arith.constant 0 : index
    %swap3A_116 = arith.constant 0 : index
    %swap3A_117 = arith.constant 0 : index
    %swap3A_118 = vector.load %arg19[%swap3A_115, %swap3A_116, %swap3A_117] : memref<1x8x128xf32, #tpu.memory_space<vmem>>, vector<1x8x128xf32>
    tpu.vector_store %arg19[%swap3A_115, %swap3A_116, %swap3A_117], %broadcast_in_dim3A_114 {strides = array<i32>} : memref<1x8x128xf32, #tpu.memory_space<vmem>>, vector<1x8x128xf32>,
    %get3A_119 = arith.constant 0 : index
    %get3A_120 = arith.constant 0 : index
    %get3A_121 = vector.load %arg9[%get3A_119, %get3A_120] : memref<512x128xf32, #tpu.memory_space<vmem>>, vector<512x128xf32>
    %get3A_122 = arith.constant 0 : index
    %get3A_123 = arith.constant 0 : index
    %get3A_124 = vector.load %arg11[%get3A_122, %get3A_123] : memref<128x128xf32, #tpu.memory_space<vmem>>, vector<128x128xf32>
    %dot_general3A_125 = arith.constant dense<0.000000e+00> : vector<512x128xf32>
    %dot_general3A_126 = tpu.matmul %get3A_121, %get3A_124, %dot_general3A_125 {dimension_numbers = #tpu.dot_dimension_numbers<[1], [0], [0], [1], [0, 0, 1, 1], [], []>, transpose_lhs_hint = false} : vector<512x128xf32>, vector<128x128xf32>, vector<512x128xf32> -> vector<512x128xf32>
    %get3A_127 = arith.constant 0 : index
    %get3A_128 = arith.constant 0 : index
    %get3A_129 = arith.constant 0 : index
    %get3A_130 = arith.constant 0 : index
    %get3A_131 = vector.load %arg10[%get3A_127, %get3A_128, %get3A_129, %get3A_130] : memref<1x1x512x16xf32, #tpu.memory_space<vmem>>, vector<1x1x512x16xf32>
    %reshape3A_132 = vector.shape_cast %get3A_131 : vector<1x1x512x16xf32> to vector<512x16xf32>
    %get3A_133 = arith.constant 0 : index
    %get3A_134 = arith.constant 0 : index
    %get3A_135 = vector.load %arg12[%get3A_133, %get3A_134] : memref<16x128xf32, #tpu.memory_space<vmem>>, vector<16x128xf32>
    %dot_general3A_136 = arith.constant dense<0.000000e+00> : vector<512x128xf32>
    %dot_general3A_137 = tpu.matmul %reshape3A_132, %get3A_135, %dot_general3A_136 {dimension_numbers = #tpu.dot_dimension_numbers<[1], [0], [0], [1], [0, 0, 1, 1], [], []>, transpose_lhs_hint = false} : vector<512x16xf32>, vector<16x128xf32>, vector<512x128xf32> -> vector<512x128xf32>
    %add3A_138 = arith.addf %dot_general3A_126, %dot_general3A_137 : vector<512x128xf32>
    %get3A_139 = arith.constant 0 : index
    %get3A_140 = arith.constant 0 : index
    %get3A_141 = vector.load %arg13[%get3A_139, %get3A_140] : memref<1x128xf32, #tpu.memory_space<vmem>>, vector<1x128xf32>
    %add3A_142 = vector.broadcast %get3A_141 : vector<1x128xf32> to vector<512x128xf32>
    %add3A_143 = arith.addf %add3A_138, %add3A_142 : vector<512x128xf32>
    %max3A = arith.constant 0.000000e+00 : f32
    %max3A_144 = vector.broadcast %max3A : f32 to vector<512x128xf32>
    %max3A_145 = arith.maximumf %add3A_143, %max3A_144 : vector<512x128xf32>
    %get3A_146 = arith.constant 0 : index
    %get3A_147 = arith.constant 0 : index
    %get3A_148 = vector.load %arg14[%get3A_146, %get3A_147] : memref<128x128xf32, #tpu.memory_space<vmem>>, vector<128x128xf32>
    %dot_general3A_149 = arith.constant dense<0.000000e+00> : vector<512x128xf32>
    %dot_general3A_150 = tpu.matmul %max3A_145, %get3A_148, %dot_general3A_149 {dimension_numbers = #tpu.dot_dimension_numbers<[1], [0], [0], [1], [0, 0, 1, 1], [], []>, transpose_lhs_hint = false} : vector<512x128xf32>, vector<128x128xf32>, vector<512x128xf32> -> vector<512x128xf32>
    %get3A_151 = arith.constant 0 : index
    %get3A_152 = arith.constant 0 : index
    %get3A_153 = vector.load %arg15[%get3A_151, %get3A_152] : memref<1x128xf32, #tpu.memory_space<vmem>>, vector<1x128xf32>
    %add3A_154 = vector.broadcast %get3A_153 : vector<1x128xf32> to vector<512x128xf32>
    %add3A_155 = arith.addf %dot_general3A_150, %add3A_154 : vector<512x128xf32>
    %get3A_156 = arith.constant 0 : index
    %get3A_157 = arith.constant 0 : index
    %get3A_158 = vector.load %arg16[%get3A_156, %get3A_157] : memref<128x384xf32, #tpu.memory_space<vmem>>, vector<128x384xf32>
    %dot_general3A_159 = arith.constant dense<0.000000e+00> : vector<512x384xf32>
    %dot_general3A_160 = tpu.matmul %add3A_155, %get3A_158, %dot_general3A_159 {dimension_numbers = #tpu.dot_dimension_numbers<[1], [0], [0], [1], [0, 0, 1, 1], [], []>, transpose_lhs_hint = false} : vector<512x128xf32>, vector<128x384xf32>, vector<512x384xf32> -> vector<512x384xf32>
    %get3A_161 = arith.constant 0 : index
    %get3A_162 = arith.constant 0 : index
    %get3A_163 = vector.load %arg17[%get3A_161, %get3A_162] : memref<128x384xf32, #tpu.memory_space<vmem>>, vector<128x384xf32>
    %dot_general3A_164 = arith.constant dense<0.000000e+00> : vector<512x384xf32>
    %dot_general3A_165 = tpu.matmul %get3A_1, %get3A_163, %dot_general3A_164 {dimension_numbers = #tpu.dot_dimension_numbers<[1], [0], [0], [1], [0, 0, 1, 1], [], []>, transpose_lhs_hint = false} : vector<512x128xf32>, vector<128x384xf32>, vector<512x384xf32> -> vector<512x384xf32>
    %slice3A_166 = vector.extract_strided_slice %dot_general3A_160 {offsets = [0, 0], sizes = [512, 128], strides = [1, 1]} : vector<512x384xf32> to vector<512x128xf32>
    %slice3A_167 = vector.extract_strided_slice %dot_general3A_165 {offsets = [0, 0], sizes = [512, 128], strides = [1, 1]} : vector<512x384xf32> to vector<512x128xf32>
    %add3A_168 = arith.addf %slice3A_166, %slice3A_167 : vector<512x128xf32>
    %logistic3A_169 = arith.negf %add3A_168 : vector<512x128xf32>
    %logistic3A_170 = math.exp %logistic3A_169 : vector<512x128xf32>
    %logistic3A_171 = arith.constant 1.000000e+00 : f32
    %logistic3A_172 = vector.broadcast %logistic3A_171 : f32 to vector<512x128xf32>
    %logistic3A_173 = arith.addf %logistic3A_172, %logistic3A_170 : vector<512x128xf32>
    %logistic3A_174 = arith.divf %logistic3A_172, %logistic3A_173 : vector<512x128xf32>
    %slice3A_175 = vector.extract_strided_slice %dot_general3A_160 {offsets = [0, 128], sizes = [512, 128], strides = [1, 1]} : vector<512x384xf32> to vector<512x128xf32>
    %slice3A_176 = vector.extract_strided_slice %dot_general3A_165 {offsets = [0, 128], sizes = [512, 128], strides = [1, 1]} : vector<512x384xf32> to vector<512x128xf32>
    %add3A_177 = arith.addf %slice3A_175, %slice3A_176 : vector<512x128xf32>
    %logistic3A_178 = arith.negf %add3A_177 : vector<512x128xf32>
    %logistic3A_179 = math.exp %logistic3A_178 : vector<512x128xf32>
    %logistic3A_180 = arith.constant 1.000000e+00 : f32
    %logistic3A_181 = vector.broadcast %logistic3A_180 : f32 to vector<512x128xf32>
    %logistic3A_182 = arith.addf %logistic3A_181, %logistic3A_179 : vector<512x128xf32>
    %logistic3A_183 = arith.divf %logistic3A_181, %logistic3A_182 : vector<512x128xf32>
    %slice3A_184 = vector.extract_strided_slice %dot_general3A_160 {offsets = [0, 256], sizes = [512, 128], strides = [1, 1]} : vector<512x384xf32> to vector<512x128xf32>
    %slice3A_185 = vector.extract_strided_slice %dot_general3A_165 {offsets = [0, 256], sizes = [512, 128], strides = [1, 1]} : vector<512x384xf32> to vector<512x128xf32>
    %mul3A_186 = arith.mulf %logistic3A_174, %slice3A_185 : vector<512x128xf32>
    %add3A_187 = arith.addf %slice3A_184, %mul3A_186 : vector<512x128xf32>
    %tanh3A_188 = math.tanh %add3A_187 : vector<512x128xf32>
    %sub3A_189 = arith.constant 1.000000e+00 : f32
    %sub3A_190 = vector.broadcast %sub3A_189 : f32 to vector<512x128xf32>
    %sub3A_191 = arith.subf %sub3A_190, %logistic3A_183 : vector<512x128xf32>
    %mul3A_192 = arith.mulf %sub3A_191, %tanh3A_188 : vector<512x128xf32>
    %mul3A_193 = arith.mulf %logistic3A_183, %get3A_1 : vector<512x128xf32>
    %add3A_194 = arith.addf %mul3A_192, %mul3A_193 : vector<512x128xf32>
    %swap3A_195 = arith.constant 0 : index
    %swap3A_196 = arith.constant 0 : index
    %swap3A_197 = vector.load %arg20[%swap3A_195, %swap3A_196] : memref<512x128xf32, #tpu.memory_space<vmem>>, vector<512x128xf32>
    tpu.vector_store %arg20[%swap3A_195, %swap3A_196], %add3A_194 {strides = array<i32>} : memref<512x128xf32, #tpu.memory_space<vmem>>, vector<512x128xf32>,
    return
  }
  func.func @transform_0(%arg0: i32, %arg1: i32) -> (i32, i32) {
    %mul3A = arith.constant 20 : i32
    %mul3A_0 = arith.muli %arg0, %mul3A : i32
    %add3A = arith.addi %mul3A_0, %arg1 : i32
    %c0_i32 = arith.constant 0 : i32
    %c0_i32_1 = arith.constant 0 : i32
    return %add3A, %c0_i32 : i32, i32
  }
  func.func @transform_1(%arg0: i32, %arg1: i32) -> (i32, i32) {
    %mul3A = arith.constant 20 : i32
    %mul3A_0 = arith.muli %arg0, %mul3A : i32
    %add3A = arith.addi %mul3A_0, %arg1 : i32
    %c0_i32 = arith.constant 0 : i32
    %c0_i32_1 = arith.constant 0 : i32
    return %add3A, %c0_i32 : i32, i32
  }
  func.func @transform_2(%arg0: i32, %arg1: i32) -> (i32, i32, i32) {
    %mul3A = arith.constant 2 : i32
    %mul3A_0 = arith.muli %mul3A, %arg0 : i32
    %add3A = arith.constant 0 : i32
    %add3A_1 = arith.addi %mul3A_0, %add3A : i32
    %c0_i32 = arith.constant 0 : i32
    %c0_i32_2 = arith.constant 0 : i32
    return %add3A_1, %arg1, %c0_i32 : i32, i32, i32
  }
  func.func @transform_3(%arg0: i32, %arg1: i32) -> (i32, i32) {
    %c0_i32 = arith.constant 0 : i32
    %c0_i32_0 = arith.constant 0 : i32
    %c0_i32_1 = arith.constant 0 : i32
    return %c0_i32, %c0_i32_0 : i32, i32
  }
  func.func @transform_4(%arg0: i32, %arg1: i32) -> (i32, i32) {
    %c0_i32 = arith.constant 0 : i32
    %c0_i32_0 = arith.constant 0 : i32
    %c0_i32_1 = arith.constant 0 : i32
    return %c0_i32, %c0_i32_0 : i32, i32
  }
  func.func @transform_5(%arg0: i32, %arg1: i32) -> (i32, i32) {
    %c0_i32 = arith.constant 0 : i32
    %c0_i32_0 = arith.constant 0 : i32
    %c0_i32_1 = arith.constant 0 : i32
    return %c0_i32, %c0_i32_0 : i32, i32
  }
  func.func @transform_6(%arg0: i32, %arg1: i32) -> (i32, i32) {
    %c0_i32 = arith.constant 0 : i32
    %c0_i32_0 = arith.constant 0 : i32
    %c0_i32_1 = arith.constant 0 : i32
    return %c0_i32, %c0_i32_0 : i32, i32
  }
  func.func @transform_7(%arg0: i32, %arg1: i32) -> (i32, i32) {
    %mul3A = arith.constant 20 : i32
    %mul3A_0 = arith.muli %arg0, %mul3A : i32
    %add3A = arith.addi %mul3A_0, %arg1 : i32
    %c0_i32 = arith.constant 0 : i32
    %c0_i32_1 = arith.constant 0 : i32
    return %add3A, %c0_i32 : i32, i32
  }
  func.func @transform_8(%arg0: i32, %arg1: i32) -> (i32, i32, i32, i32) {
    %c1_i32 = arith.constant 1 : i32
    %c0_i32 = arith.constant 0 : i32
    %c0_i32_0 = arith.constant 0 : i32
    return %arg0, %c1_i32, %arg1, %c0_i32 : i32, i32, i32, i32
  }
  func.func @transform_9(%arg0: i32, %arg1: i32) -> (i32, i32) {
    %c0_i32 = arith.constant 0 : i32
    %c0_i32_0 = arith.constant 0 : i32
    %c0_i32_1 = arith.constant 0 : i32
    return %c0_i32, %c0_i32_0 : i32, i32
  }
  func.func @transform_10(%arg0: i32, %arg1: i32) -> (i32, i32) {
    %c0_i32 = arith.constant 0 : i32
    %c0_i32_0 = arith.constant 0 : i32
    %c0_i32_1 = arith.constant 0 : i32
    return %c0_i32, %c0_i32_0 : i32, i32
  }
  func.func @transform_11(%arg0: i32, %arg1: i32) -> (i32, i32) {
    %c0_i32 = arith.constant 0 : i32
    %c0_i32_0 = arith.constant 0 : i32
    %c0_i32_1 = arith.constant 0 : i32
    return %c0_i32, %c0_i32_0 : i32, i32
  }
  func.func @transform_12(%arg0: i32, %arg1: i32) -> (i32, i32) {
    %c0_i32 = arith.constant 0 : i32
    %c0_i32_0 = arith.constant 0 : i32
    %c0_i32_1 = arith.constant 0 : i32
    return %c0_i32, %c0_i32_0 : i32, i32
  }
  func.func @transform_13(%arg0: i32, %arg1: i32) -> (i32, i32) {
    %c0_i32 = arith.constant 0 : i32
    %c0_i32_0 = arith.constant 0 : i32
    %c0_i32_1 = arith.constant 0 : i32
    return %c0_i32, %c0_i32_0 : i32, i32
  }
  func.func @transform_14(%arg0: i32, %arg1: i32) -> (i32, i32) {
    %c0_i32 = arith.constant 0 : i32
    %c0_i32_0 = arith.constant 0 : i32
    %c0_i32_1 = arith.constant 0 : i32
    return %c0_i32, %c0_i32_0 : i32, i32
  }
  func.func @transform_15(%arg0: i32, %arg1: i32) -> (i32, i32) {
    %c0_i32 = arith.constant 0 : i32
    %c0_i32_0 = arith.constant 0 : i32
    %c0_i32_1 = arith.constant 0 : i32
    return %c0_i32, %c0_i32_0 : i32, i32
  }
  func.func @transform_16(%arg0: i32, %arg1: i32) -> (i32, i32, i32, i32) {
    %c0_i32 = arith.constant 0 : i32
    %c0_i32_0 = arith.constant 0 : i32
    %c0_i32_1 = arith.constant 0 : i32
    return %arg0, %c0_i32, %arg1, %c0_i32_0 : i32, i32, i32, i32
  }
  func.func @transform_17(%arg0: i32, %arg1: i32) -> (i32, i32, i32) {
    %c0_i32 = arith.constant 0 : i32
    %c0_i32_0 = arith.constant 0 : i32
    %c0_i32_1 = arith.constant 0 : i32
    return %arg0, %c0_i32, %c0_i32_0 : i32, i32, i32
  }
  func.func @transform_18(%arg0: i32, %arg1: i32) -> (i32, i32) {
    %mul3A = arith.constant 20 : i32
    %mul3A_0 = arith.muli %arg0, %mul3A : i32
    %add3A = arith.addi %mul3A_0, %arg1 : i32
    %c0_i32 = arith.constant 0 : i32
    %c0_i32_1 = arith.constant 0 : i32
    return %add3A, %c0_i32 : i32, i32
  }
}

module attributes {stable_mosaic.version = 14 : i64} {
  func.func @tc_edge_matmul(%arg0: i32, %arg1: memref<256x128xf32, #tpu.memory_space<vmem>>, %arg2: memref<256x1xi32, #tpu.memory_space<vmem>>, %arg3: memref<256x1xf32, #tpu.memory_space<vmem>>, %arg4: memref<2048x128xf32, #tpu.memory_space<vmem>>, %arg5: memref<256x128xf32, #tpu.memory_space<vmem>>) attributes {dimension_semantics = [#tpu.dimension_semantics<arbitrary>], iteration_bounds = array<i64: 8>, scalar_prefetch = 0 : i64, scratch_operands = 0 : i64, tpu.core_type = #tpu.core_type<tc>, window_params = [{transform_indices = @transform_0, window_bounds = array<i64: 256, 128>}, {transform_indices = @transform_1, window_bounds = array<i64: 256, 1>}, {transform_indices = @transform_2, window_bounds = array<i64: 256, 1>}, {pipeline_mode = #tpu.pipeline_mode<synchronous>, transform_indices = @transform_3, window_bounds = array<i64: 2048, 128>}, {transform_indices = @transform_4, window_bounds = array<i64: 256, 128>}]} {
    %get3A = arith.constant 0 : index
    %get3A_0 = arith.constant 0 : index
    %get3A_1 = vector.load %arg1[%get3A, %get3A_0] : memref<256x128xf32, #tpu.memory_space<vmem>>, vector<256x128xf32>
    %get3A_2 = arith.constant 0 : index
    %get3A_3 = arith.constant 0 : index
    %get3A_4 = vector.load %arg3[%get3A_2, %get3A_3] : memref<256x1xf32, #tpu.memory_space<vmem>>, vector<256x1xf32>
    %mul3A = vector.broadcast %get3A_4 : vector<256x1xf32> to vector<256x128xf32>
    %mul3A_5 = arith.mulf %get3A_1, %mul3A : vector<256x128xf32>
    %concatenate3A = tpu.concatenate %mul3A_5, %mul3A_5, %mul3A_5, %mul3A_5, %mul3A_5, %mul3A_5, %mul3A_5, %mul3A_5, %mul3A_5, %mul3A_5, %mul3A_5, %mul3A_5, %mul3A_5, %mul3A_5, %mul3A_5, %mul3A_5 in 1 : vector<256x128xf32>, vector<256x128xf32>, vector<256x128xf32>, vector<256x128xf32>, vector<256x128xf32>, vector<256x128xf32>, vector<256x128xf32>, vector<256x128xf32>, vector<256x128xf32>, vector<256x128xf32>, vector<256x128xf32>, vector<256x128xf32>, vector<256x128xf32>, vector<256x128xf32>, vector<256x128xf32>, vector<256x128xf32> -> vector<256x2048xf32>
    %iota3A = tpu.iota {dimensions = array<i32: 1>} : vector<256x2048xi32>
    %jit3A = arith.constant 128 : i32
    %div3A = vector.broadcast %jit3A : i32 to vector<256x2048xi32>
    %div3A_6 = arith.divsi %iota3A, %div3A : vector<256x2048xi32>
    %sign3A = arith.constant 0 : i32
    %sign3A_7 = vector.broadcast %sign3A : i32 to vector<256x2048xi32>
    %sign3A_8 = arith.cmpi sgt, %iota3A, %sign3A_7 : vector<256x2048xi32>
    %sign3A_9 = arith.extui %sign3A_8 : vector<256x2048xi1> to vector<256x2048xi32>
    %sign3A_10 = arith.constant 0 : i32
    %sign3A_11 = vector.broadcast %sign3A_10 : i32 to vector<256x2048xi32>
    %sign3A_12 = arith.cmpi slt, %iota3A, %sign3A_11 : vector<256x2048xi32>
    %sign3A_13 = arith.extui %sign3A_12 : vector<256x2048xi1> to vector<256x2048xi32>
    %sign3A_14 = arith.subi %sign3A_9, %sign3A_13 : vector<256x2048xi32>
    %sign3A_15 = arith.constant 0 : i32
    %sign3A_16 = arith.cmpi sgt, %jit3A, %sign3A_15 : i32
    %sign3A_17 = arith.extui %sign3A_16 : i1 to i32
    %sign3A_18 = arith.constant 0 : i32
    %sign3A_19 = arith.cmpi slt, %jit3A, %sign3A_18 : i32
    %sign3A_20 = arith.extui %sign3A_19 : i1 to i32
    %sign3A_21 = arith.subi %sign3A_17, %sign3A_20 : i32
    %ne3A = vector.broadcast %sign3A_21 : i32 to vector<256x2048xi32>
    %ne3A_22 = arith.cmpi ne, %sign3A_14, %ne3A : vector<256x2048xi32>
    %rem3A = vector.broadcast %jit3A : i32 to vector<256x2048xi32>
    %rem3A_23 = arith.remsi %iota3A, %rem3A : vector<256x2048xi32>
    %ne3A_24 = arith.constant 0 : i32
    %ne3A_25 = vector.broadcast %ne3A_24 : i32 to vector<256x2048xi32>
    %ne3A_26 = arith.cmpi ne, %rem3A_23, %ne3A_25 : vector<256x2048xi32>
    %and3A = arith.andi %ne3A_22, %ne3A_26 : vector<256x2048xi1>
    %sub3A = arith.constant 1 : i32
    %sub3A_27 = vector.broadcast %sub3A : i32 to vector<256x2048xi32>
    %sub3A_28 = arith.subi %div3A_6, %sub3A_27 : vector<256x2048xi32>
    %select_n3A = arith.select %and3A, %sub3A_28, %div3A_6 : vector<256x2048xi1>, vector<256x2048xi32>
    %get3A_29 = arith.constant 0 : index
    %get3A_30 = arith.constant 0 : index
    %get3A_31 = vector.load %arg2[%get3A_29, %get3A_30] : memref<256x1xi32, #tpu.memory_space<vmem>>, vector<256x1xi32>
    %eq3A = vector.broadcast %get3A_31 : vector<256x1xi32> to vector<256x2048xi32>
    %eq3A_32 = arith.cmpi eq, %eq3A, %select_n3A : vector<256x2048xi32>
    %convert_element_type3A = arith.extui %eq3A_32 : vector<256x2048xi1> to vector<256x2048xi32>
    %convert_element_type3A_33 = arith.sitofp %convert_element_type3A : vector<256x2048xi32> to vector<256x2048xf32>
    %mul3A_34 = arith.mulf %concatenate3A, %convert_element_type3A_33 : vector<256x2048xf32>
    %get3A_35 = arith.constant 0 : index
    %get3A_36 = arith.constant 0 : index
    %get3A_37 = vector.load %arg4[%get3A_35, %get3A_36] : memref<2048x128xf32, #tpu.memory_space<vmem>>, vector<2048x128xf32>
    %dot_general3A = arith.constant dense<0.000000e+00> : vector<256x128xf32>
    %dot_general3A_38 = tpu.matmul %mul3A_34, %get3A_37, %dot_general3A {dimension_numbers = #tpu.dot_dimension_numbers<[1], [0], [0], [1], [0, 0, 1, 1], [], []>, transpose_lhs_hint = false} : vector<256x2048xf32>, vector<2048x128xf32>, vector<256x128xf32> -> vector<256x128xf32>
    %swap3A = arith.constant 0 : index
    %swap3A_39 = arith.constant 0 : index
    %swap3A_40 = vector.load %arg5[%swap3A, %swap3A_39] : memref<256x128xf32, #tpu.memory_space<vmem>>, vector<256x128xf32>
    tpu.vector_store %arg5[%swap3A, %swap3A_39], %dot_general3A_38 {strides = array<i32>} : memref<256x128xf32, #tpu.memory_space<vmem>>, vector<256x128xf32>,
    return
  }
  func.func @transform_0(%arg0: i32) -> (i32, i32) {
    %c0_i32 = arith.constant 0 : i32
    %c0_i32_0 = arith.constant 0 : i32
    return %arg0, %c0_i32 : i32, i32
  }
  func.func @transform_1(%arg0: i32) -> (i32, i32) {
    %add3A = arith.constant 8 : i32
    %add3A_0 = arith.addi %arg0, %add3A : i32
    %c0_i32 = arith.constant 0 : i32
    %c0_i32_1 = arith.constant 0 : i32
    return %add3A_0, %c0_i32 : i32, i32
  }
  func.func @transform_2(%arg0: i32) -> (i32, i32) {
    %add3A = arith.constant 8 : i32
    %add3A_0 = arith.addi %arg0, %add3A : i32
    %c0_i32 = arith.constant 0 : i32
    %c0_i32_1 = arith.constant 0 : i32
    return %add3A_0, %c0_i32 : i32, i32
  }
  func.func @transform_3(%arg0: i32) -> (i32, i32) {
    %c0_i32 = arith.constant 0 : i32
    %c0_i32_0 = arith.constant 0 : i32
    %c0_i32_1 = arith.constant 0 : i32
    return %c0_i32, %c0_i32_0 : i32, i32
  }
  func.func @transform_4(%arg0: i32) -> (i32, i32) {
    %c0_i32 = arith.constant 0 : i32
    %c0_i32_0 = arith.constant 0 : i32
    return %arg0, %c0_i32 : i32, i32
  }
}

module attributes {stable_mosaic.version = 14 : i64} {
  func.func @tc_update_t1(%arg0: i32, %arg1: i32, %arg2: memref<512x128xf32, #tpu.memory_space<vmem>>, %arg3: memref<512x128xf32, #tpu.memory_space<vmem>>, %arg4: memref<1x512x1xf32, #tpu.memory_space<vmem>>, %arg5: memref<128x384xf32, #tpu.memory_space<vmem>>, %arg6: memref<128x384xf32, #tpu.memory_space<vmem>>, %arg7: memref<1x384xf32, #tpu.memory_space<vmem>>, %arg8: memref<1x384xf32, #tpu.memory_space<vmem>>, %arg9: memref<2x2x10000x100xf32, #tpu.memory_space<any>>, %arg10: memref<1x1x512x100xf32, #tpu.memory_space<vmem>>, %arg11: memref<1x8x128xf32, #tpu.memory_space<vmem>>, %arg12: memref<1x128xf32, #tpu.memory_space<vmem>>, %arg13: memref<1x128xf32, #tpu.memory_space<vmem>>) attributes {dimension_semantics = [#tpu.dimension_semantics<arbitrary>, #tpu.dimension_semantics<arbitrary>], iteration_bounds = array<i64: 2, 20>, scalar_prefetch = 0 : i64, scratch_operands = 2 : i64, tpu.core_type = #tpu.core_type<tc>, window_params = [{transform_indices = @transform_0, window_bounds = array<i64: 512, 128>}, {transform_indices = @transform_1, window_bounds = array<i64: 512, 128>}, {transform_indices = @transform_2, window_bounds = array<i64: 1, 512, 1>}, {pipeline_mode = #tpu.pipeline_mode<synchronous>, transform_indices = @transform_3, window_bounds = array<i64: 128, 384>}, {pipeline_mode = #tpu.pipeline_mode<synchronous>, transform_indices = @transform_4, window_bounds = array<i64: 128, 384>}, {pipeline_mode = #tpu.pipeline_mode<synchronous>, transform_indices = @transform_5, window_bounds = array<i64: 1, 384>}, {pipeline_mode = #tpu.pipeline_mode<synchronous>, transform_indices = @transform_6, window_bounds = array<i64: 1, 384>}, {}, {transform_indices = @transform_8, window_bounds = array<i64: 1, 1, 512, 100>}, {transform_indices = @transform_9, window_bounds = array<i64: 1, 8, 128>}]} {
    %get3A = arith.constant 0 : index
    %get3A_0 = arith.constant 0 : index
    %get3A_1 = vector.load %arg3[%get3A, %get3A_0] : memref<512x128xf32, #tpu.memory_space<vmem>>, vector<512x128xf32>
    %get3A_2 = arith.constant 0 : index
    %get3A_3 = arith.constant 0 : index
    %get3A_4 = vector.load %arg2[%get3A_2, %get3A_3] : memref<512x128xf32, #tpu.memory_space<vmem>>, vector<512x128xf32>
    %get3A_5 = arith.constant 0 : index
    %get3A_6 = arith.constant 0 : index
    %get3A_7 = vector.load %arg5[%get3A_5, %get3A_6] : memref<128x384xf32, #tpu.memory_space<vmem>>, vector<128x384xf32>
    %dot_general3A = arith.constant dense<0.000000e+00> : vector<512x384xf32>
    %dot_general3A_8 = tpu.matmul %get3A_4, %get3A_7, %dot_general3A {dimension_numbers = #tpu.dot_dimension_numbers<[1], [0], [0], [1], [0, 0, 1, 1], [], []>, transpose_lhs_hint = false} : vector<512x128xf32>, vector<128x384xf32>, vector<512x384xf32> -> vector<512x384xf32>
    %get3A_9 = arith.constant 0 : index
    %get3A_10 = arith.constant 0 : index
    %get3A_11 = vector.load %arg7[%get3A_9, %get3A_10] : memref<1x384xf32, #tpu.memory_space<vmem>>, vector<1x384xf32>
    %add3A = vector.broadcast %get3A_11 : vector<1x384xf32> to vector<512x384xf32>
    %add3A_12 = arith.addf %dot_general3A_8, %add3A : vector<512x384xf32>
    %get3A_13 = arith.constant 0 : index
    %get3A_14 = arith.constant 0 : index
    %get3A_15 = vector.load %arg6[%get3A_13, %get3A_14] : memref<128x384xf32, #tpu.memory_space<vmem>>, vector<128x384xf32>
    %dot_general3A_16 = arith.constant dense<0.000000e+00> : vector<512x384xf32>
    %dot_general3A_17 = tpu.matmul %get3A_1, %get3A_15, %dot_general3A_16 {dimension_numbers = #tpu.dot_dimension_numbers<[1], [0], [0], [1], [0, 0, 1, 1], [], []>, transpose_lhs_hint = false} : vector<512x128xf32>, vector<128x384xf32>, vector<512x384xf32> -> vector<512x384xf32>
    %get3A_18 = arith.constant 0 : index
    %get3A_19 = arith.constant 0 : index
    %get3A_20 = vector.load %arg8[%get3A_18, %get3A_19] : memref<1x384xf32, #tpu.memory_space<vmem>>, vector<1x384xf32>
    %add3A_21 = vector.broadcast %get3A_20 : vector<1x384xf32> to vector<512x384xf32>
    %add3A_22 = arith.addf %dot_general3A_17, %add3A_21 : vector<512x384xf32>
    %slice3A = vector.extract_strided_slice %add3A_12 {offsets = [0, 0], sizes = [512, 128], strides = [1, 1]} : vector<512x384xf32> to vector<512x128xf32>
    %slice3A_23 = vector.extract_strided_slice %add3A_22 {offsets = [0, 0], sizes = [512, 128], strides = [1, 1]} : vector<512x384xf32> to vector<512x128xf32>
    %add3A_24 = arith.addf %slice3A, %slice3A_23 : vector<512x128xf32>
    %logistic3A = arith.negf %add3A_24 : vector<512x128xf32>
    %logistic3A_25 = math.exp %logistic3A : vector<512x128xf32>
    %logistic3A_26 = arith.constant 1.000000e+00 : f32
    %logistic3A_27 = vector.broadcast %logistic3A_26 : f32 to vector<512x128xf32>
    %logistic3A_28 = arith.addf %logistic3A_27, %logistic3A_25 : vector<512x128xf32>
    %logistic3A_29 = arith.divf %logistic3A_27, %logistic3A_28 : vector<512x128xf32>
    %slice3A_30 = vector.extract_strided_slice %add3A_12 {offsets = [0, 128], sizes = [512, 128], strides = [1, 1]} : vector<512x384xf32> to vector<512x128xf32>
    %slice3A_31 = vector.extract_strided_slice %add3A_22 {offsets = [0, 128], sizes = [512, 128], strides = [1, 1]} : vector<512x384xf32> to vector<512x128xf32>
    %add3A_32 = arith.addf %slice3A_30, %slice3A_31 : vector<512x128xf32>
    %logistic3A_33 = arith.negf %add3A_32 : vector<512x128xf32>
    %logistic3A_34 = math.exp %logistic3A_33 : vector<512x128xf32>
    %logistic3A_35 = arith.constant 1.000000e+00 : f32
    %logistic3A_36 = vector.broadcast %logistic3A_35 : f32 to vector<512x128xf32>
    %logistic3A_37 = arith.addf %logistic3A_36, %logistic3A_34 : vector<512x128xf32>
    %logistic3A_38 = arith.divf %logistic3A_36, %logistic3A_37 : vector<512x128xf32>
    %slice3A_39 = vector.extract_strided_slice %add3A_12 {offsets = [0, 256], sizes = [512, 128], strides = [1, 1]} : vector<512x384xf32> to vector<512x128xf32>
    %slice3A_40 = vector.extract_strided_slice %add3A_22 {offsets = [0, 256], sizes = [512, 128], strides = [1, 1]} : vector<512x384xf32> to vector<512x128xf32>
    %mul3A = arith.mulf %logistic3A_29, %slice3A_40 : vector<512x128xf32>
    %add3A_41 = arith.addf %slice3A_39, %mul3A : vector<512x128xf32>
    %tanh3A = math.tanh %add3A_41 : vector<512x128xf32>
    %sub3A = arith.constant 1.000000e+00 : f32
    %sub3A_42 = vector.broadcast %sub3A : f32 to vector<512x128xf32>
    %sub3A_43 = arith.subf %sub3A_42, %logistic3A_38 : vector<512x128xf32>
    %mul3A_44 = arith.mulf %sub3A_43, %tanh3A : vector<512x128xf32>
    %mul3A_45 = arith.mulf %logistic3A_38, %get3A_1 : vector<512x128xf32>
    %add3A_46 = arith.addf %mul3A_44, %mul3A_45 : vector<512x128xf32>
    %get3A_47 = arith.constant 0 : index
    %get3A_48 = arith.constant 0 : index
    %get3A_49 = arith.constant 0 : index
    %get3A_50 = vector.load %arg4[%get3A_47, %get3A_48, %get3A_49] : memref<1x512x1xf32, #tpu.memory_space<vmem>>, vector<1x512x1xf32>
    %reshape3A = vector.shape_cast %get3A_50 : vector<1x512x1xf32> to vector<512x1xf32>
    %mul3A_51 = vector.broadcast %reshape3A : vector<512x1xf32> to vector<512x128xf32>
    %mul3A_52 = arith.mulf %add3A_46, %mul3A_51 : vector<512x128xf32>
    %slice3A_53 = vector.extract_strided_slice %mul3A_52 {offsets = [0, 0], sizes = [512, 100], strides = [1, 1]} : vector<512x128xf32> to vector<512x100xf32>
    %broadcast_in_dim3A = vector.shape_cast %slice3A_53 : vector<512x100xf32> to vector<1x1x512x100xf32>
    %swap3A = arith.constant 0 : index
    %swap3A_54 = arith.constant 0 : index
    %swap3A_55 = arith.constant 0 : index
    %swap3A_56 = arith.constant 0 : index
    %swap3A_57 = vector.load %arg10[%swap3A, %swap3A_54, %swap3A_55, %swap3A_56] : memref<1x1x512x100xf32, #tpu.memory_space<vmem>>, vector<1x1x512x100xf32>
    tpu.vector_store %arg10[%swap3A, %swap3A_54, %swap3A_55, %swap3A_56], %broadcast_in_dim3A {strides = array<i32>} : memref<1x1x512x100xf32, #tpu.memory_space<vmem>>, vector<1x1x512x100xf32>,
    %iota3A = tpu.iota {dimensions = array<i32: 0>} : vector<512x1xi32>
    %mul3A_58 = arith.constant 512 : i32
    %mul3A_59 = arith.muli %arg1, %mul3A_58 : i32
    %add3A_60 = vector.broadcast %mul3A_59 : i32 to vector<512x1xi32>
    %add3A_61 = arith.addi %iota3A, %add3A_60 : vector<512x1xi32>
    %lt3A = arith.constant 10000 : i32
    %lt3A_62 = vector.broadcast %lt3A : i32 to vector<512x1xi32>
    %lt3A_63 = arith.cmpi slt, %add3A_61, %lt3A_62 : vector<512x1xi32>
    %mul3A_64 = vector.broadcast %reshape3A : vector<512x1xf32> to vector<512x128xf32>
    %mul3A_65 = arith.mulf %mul3A_52, %mul3A_64 : vector<512x128xf32>
    %jit3A = arith.constant 0.000000e+00 : f32
    %broadcast_in_dim3A_66 = vector.shape_cast %lt3A_63 : vector<512x1xi1> to vector<512x1xi1>
    %broadcast_in_dim3A_67 = vector.broadcast %broadcast_in_dim3A_66 : vector<512x1xi1> to vector<512x128xi1>
    %broadcast_in_dim3A_68 = vector.broadcast %jit3A : f32 to vector<512x128xf32>
    %select_n3A = arith.select %broadcast_in_dim3A_67, %mul3A_65, %broadcast_in_dim3A_68 : vector<512x128xi1>, vector<512x128xf32>
    %reduce_sum3A = arith.constant dense<0.000000e+00> : vector<128xf32>
    %reduce_sum3A_69 = vector.multi_reduction <add>, %select_n3A, %reduce_sum3A [0] : vector<512x128xf32> to vector<128xf32>
    %broadcast_in_dim3A_70 = vector.shape_cast %reduce_sum3A_69 : vector<128xf32> to vector<1x128xf32>
    %reduce_sum3A_71 = vector.shape_cast %reshape3A : vector<512x1xf32> to vector<1x512x1xf32>
    %reduce_sum3A_72 = arith.constant dense<0.000000e+00> : vector<1xf32>
    %reduce_sum3A_73 = vector.multi_reduction <add>, %reduce_sum3A_71, %reduce_sum3A_72 [1, 2] : vector<1x512x1xf32> to vector<1xf32>
    %reduce_sum3A_74 = vector.shape_cast %reduce_sum3A_73 : vector<1xf32> to vector<1x1x1xf32>
    %reduce_sum3A_75 = vector.extract %reduce_sum3A_74[0, 0, 0] : f32 from vector<1x1x1xf32>
    %broadcast_in_dim3A_76 = arith.constant 1.000000e+00 : f32
    %broadcast_in_dim3A_77 = vector.broadcast %broadcast_in_dim3A_76 : f32 to vector<1x128xf32>
    %mul3A_78 = vector.broadcast %reduce_sum3A_75 : f32 to vector<1x128xf32>
    %mul3A_79 = arith.mulf %mul3A_78, %broadcast_in_dim3A_77 : vector<1x128xf32>
    %eq3A = arith.constant 0 : i32
    %eq3A_80 = arith.cmpi eq, %arg1, %eq3A : i32
    %get3A_81 = arith.constant 0 : index
    %get3A_82 = arith.constant 0 : index
    %get3A_83 = vector.load %arg12[%get3A_81, %get3A_82] : memref<1x128xf32, #tpu.memory_space<vmem>>, vector<1x128xf32>
    %jit3A_84 = arith.constant 0.000000e+00 : f32
    %broadcast_in_dim3A_85 = vector.broadcast %jit3A_84 : f32 to vector<1x128xf32>
    %select_n3A_86 = arith.select %eq3A_80, %broadcast_in_dim3A_85, %get3A_83 : vector<1x128xf32>
    %eq3A_87 = arith.constant 0 : i32
    %eq3A_88 = arith.cmpi eq, %arg1, %eq3A_87 : i32
    %get3A_89 = arith.constant 0 : index
    %get3A_90 = arith.constant 0 : index
    %get3A_91 = vector.load %arg13[%get3A_89, %get3A_90] : memref<1x128xf32, #tpu.memory_space<vmem>>, vector<1x128xf32>
    %jit3A_92 = arith.constant 0.000000e+00 : f32
    %broadcast_in_dim3A_93 = vector.broadcast %jit3A_92 : f32 to vector<1x128xf32>
    %select_n3A_94 = arith.select %eq3A_88, %broadcast_in_dim3A_93, %get3A_91 : vector<1x128xf32>
    %add3A_95 = arith.addf %select_n3A_86, %broadcast_in_dim3A_70 : vector<1x128xf32>
    %swap3A_96 = arith.constant 0 : index
    %swap3A_97 = arith.constant 0 : index
    %swap3A_98 = vector.load %arg12[%swap3A_96, %swap3A_97] : memref<1x128xf32, #tpu.memory_space<vmem>>, vector<1x128xf32>
    tpu.vector_store %arg12[%swap3A_96, %swap3A_97], %add3A_95 {strides = array<i32>} : memref<1x128xf32, #tpu.memory_space<vmem>>, vector<1x128xf32>,
    %add3A_99 = arith.addf %select_n3A_94, %mul3A_79 : vector<1x128xf32>
    %swap3A_100 = arith.constant 0 : index
    %swap3A_101 = arith.constant 0 : index
    %swap3A_102 = vector.load %arg13[%swap3A_100, %swap3A_101] : memref<1x128xf32, #tpu.memory_space<vmem>>, vector<1x128xf32>
    tpu.vector_store %arg13[%swap3A_100, %swap3A_101], %add3A_99 {strides = array<i32>} : memref<1x128xf32, #tpu.memory_space<vmem>>, vector<1x128xf32>,
    %get3A_103 = arith.constant 0 : index
    %get3A_104 = arith.constant 0 : index
    %get3A_105 = vector.load %arg12[%get3A_103, %get3A_104] : memref<1x128xf32, #tpu.memory_space<vmem>>, vector<1x128xf32>
    %get3A_106 = arith.constant 0 : index
    %get3A_107 = arith.constant 0 : index
    %get3A_108 = vector.load %arg13[%get3A_106, %get3A_107] : memref<1x128xf32, #tpu.memory_space<vmem>>, vector<1x128xf32>
    %add3A_109 = arith.constant 9.99999971E-10 : f32
    %add3A_110 = vector.broadcast %add3A_109 : f32 to vector<1x128xf32>
    %add3A_111 = arith.addf %get3A_108, %add3A_110 : vector<1x128xf32>
    %div3A = arith.divf %get3A_105, %add3A_111 : vector<1x128xf32>
    %broadcast_in_dim3A_112 = vector.shape_cast %div3A : vector<1x128xf32> to vector<1x1x128xf32>
    %broadcast_in_dim3A_113 = vector.shape_cast %broadcast_in_dim3A_112 : vector<1x1x128xf32> to vector<1x1x128xf32>
    %broadcast_in_dim3A_114 = vector.broadcast %broadcast_in_dim3A_113 : vector<1x1x128xf32> to vector<1x8x128xf32>
    %swap3A_115 = arith.constant 0 : index
    %swap3A_116 = arith.constant 0 : index
    %swap3A_117 = arith.constant 0 : index
    %swap3A_118 = vector.load %arg11[%swap3A_115, %swap3A_116, %swap3A_117] : memref<1x8x128xf32, #tpu.memory_space<vmem>>, vector<1x8x128xf32>
    tpu.vector_store %arg11[%swap3A_115, %swap3A_116, %swap3A_117], %broadcast_in_dim3A_114 {strides = array<i32>} : memref<1x8x128xf32, #tpu.memory_space<vmem>>, vector<1x8x128xf32>,
    return
  }
  func.func @transform_0(%arg0: i32, %arg1: i32) -> (i32, i32) {
    %mul3A = arith.constant 20 : i32
    %mul3A_0 = arith.muli %arg0, %mul3A : i32
    %add3A = arith.addi %mul3A_0, %arg1 : i32
    %c0_i32 = arith.constant 0 : i32
    %c0_i32_1 = arith.constant 0 : i32
    return %add3A, %c0_i32 : i32, i32
  }
  func.func @transform_1(%arg0: i32, %arg1: i32) -> (i32, i32) {
    %mul3A = arith.constant 20 : i32
    %mul3A_0 = arith.muli %arg0, %mul3A : i32
    %add3A = arith.addi %mul3A_0, %arg1 : i32
    %c0_i32 = arith.constant 0 : i32
    %c0_i32_1 = arith.constant 0 : i32
    return %add3A, %c0_i32 : i32, i32
  }
  func.func @transform_2(%arg0: i32, %arg1: i32) -> (i32, i32, i32) {
    %mul3A = arith.constant 2 : i32
    %mul3A_0 = arith.muli %mul3A, %arg0 : i32
    %add3A = arith.constant 1 : i32
    %add3A_1 = arith.addi %mul3A_0, %add3A : i32
    %c0_i32 = arith.constant 0 : i32
    %c0_i32_2 = arith.constant 0 : i32
    return %add3A_1, %arg1, %c0_i32 : i32, i32, i32
  }
  func.func @transform_3(%arg0: i32, %arg1: i32) -> (i32, i32) {
    %c0_i32 = arith.constant 0 : i32
    %c0_i32_0 = arith.constant 0 : i32
    %c0_i32_1 = arith.constant 0 : i32
    return %c0_i32, %c0_i32_0 : i32, i32
  }
  func.func @transform_4(%arg0: i32, %arg1: i32) -> (i32, i32) {
    %c0_i32 = arith.constant 0 : i32
    %c0_i32_0 = arith.constant 0 : i32
    %c0_i32_1 = arith.constant 0 : i32
    return %c0_i32, %c0_i32_0 : i32, i32
  }
  func.func @transform_5(%arg0: i32, %arg1: i32) -> (i32, i32) {
    %c0_i32 = arith.constant 0 : i32
    %c0_i32_0 = arith.constant 0 : i32
    %c0_i32_1 = arith.constant 0 : i32
    return %c0_i32, %c0_i32_0 : i32, i32
  }
  func.func @transform_6(%arg0: i32, %arg1: i32) -> (i32, i32) {
    %c0_i32 = arith.constant 0 : i32
    %c0_i32_0 = arith.constant 0 : i32
    %c0_i32_1 = arith.constant 0 : i32
    return %c0_i32, %c0_i32_0 : i32, i32
  }
  func.func @transform_8(%arg0: i32, %arg1: i32) -> (i32, i32, i32, i32) {
    %c1_i32 = arith.constant 1 : i32
    %c0_i32 = arith.constant 0 : i32
    %c0_i32_0 = arith.constant 0 : i32
    return %arg0, %c1_i32, %arg1, %c0_i32 : i32, i32, i32, i32
  }
  func.func @transform_9(%arg0: i32, %arg1: i32) -> (i32, i32, i32) {
    %c0_i32 = arith.constant 0 : i32
    %c0_i32_0 = arith.constant 0 : i32
    %c0_i32_1 = arith.constant 0 : i32
    return %arg0, %c0_i32, %c0_i32_0 : i32, i32, i32
  }
}

</mosaic_0001>

<sc_bundles>
// kernel: sc_gather_edges.4.cloned.1.call-start
scs
__scs_entry_jumppad:
0x0: {  	(pc) =	sbr.rel $0x88, $3  }
0x1: {  	(tag) =	ssettag $0x0;
	lr =	simm.s32 $0x1  }
0x2: {  	[smem:$0x3F8D] =	sst lr;
	_ =	strace $0xD0000000  }
0x3: {  	_ = 	snop  }
0x4: {  	_ = 	snop  }
0x5: {  	_ = 	snop  }
0x6: {  	_ = 	snop  }
0x7: {  	_ = 	snop  }
__scs_overlays_trampoline_lowered:
0x8: {  	[smem:$0x3F9C] =	sst s0  }
0x9: {  	[smem:$0x3F9D] =	sst s1  }
0xa: {  	[smem:$0x3F9E] =	sst s2  }
0xb: {  	[smem:$0x3F9F] =	sst s3  }
0xc: {  	[smem:$0x3FA0] =	sst s4  }
0xd: {  	[smem:$0x3FA1] =	sst s5  }
0xe: {  	[smem:$0x3FA2] =	sst s6  }
0xf: {  	[smem:$0x3FA3] =	sst s7  }
0x10: {  	[smem:$0x3FA4] =	sst s8  }
0x11: {  	[smem:$0x3FA5] =	sst s9;
	s0 =	simm.s32 @!p0 $0x0  }
0x12: {  	s1 =	sld [smem:$0x3F8B];
	s0 =	simm.s32 @p0 $0x1  }
0x13: {  	[smem:$0x3FA6] =	sst s0;
	s0 =	simm.s32 @!p1 $0x0  }
0x14: {  	s2 =	sld [smem:$0x3F8A];
	s0 =	simm.s32 @p1 $0x1  }
0x15: {  	[smem:$0x3FA7] =	sst s0;
	s0 =	simm.s32 @!p2 $0x0  }
0x16: {  	s3 =	sld [smem:$0x3FDB];
	s0 =	simm.s32 @p2 $0x1  }
0x17: {  	s4 =	simm.s32 $0x1BF5;
	[smem:$0x3FA9] =	sst s0  }
0x18: {  	s0 =	sld [smem:$0x3F8C];
	_ =	swait.ge [sflag:s4], $0x0  }
0x19: {  	s7 =	sld [smem:$0x3F8D]  }
0x1a: {  	s8 =	sadd.s32 $0xFFFFE003, lr  }
0x1b: {  	s9 =	sadd.s32 $0xFFFFFEF7, lr;
	s5 =	simm.s32 $0xFFFFFFFF;
	p2 =	slt.u32 s8, $0xFFFFF086  }
0x1c: {  	p1 =	slt.u32 s9, $0xF7A;
	s5 =	simm.s32 @!p2 $0x0  }
0x1d: {  	s5 =	simm.s32 @p1 $0x1;
	p0 =	seq.s32 s7, s2  }
0x1e: {  	s7 =	smul.u32 @!p0 $0xF7A, s2;
	p2 =	seq.s32 @!p0 s5, $0x0  }
0x1f: {  	s9 =	smul.u32 $0xF7A, s1;
	s8 =	simm.s32 @!p0 $0x1BF5;
	p2 =	por !p2, p0  }
0x20: {  	[sflag:s8] =	ssyncset.s32 @!p0 $0xFFFFF086;
	s6 =	sadd.s32 @!p0 s3, s7;
	s7 =	simm.s32 @!p0 $0x108  }
0x21: {  	s3 =	sadd.s32 s3, s9;
	s6 =	sadd.s32 @!p0 $0x88, s6;
	s7 =	simm.s32 @p2 $0x1082  }
0x22: {  	[simem:s7], [sflag:s8] =	dma.local @!p0 [hbm:s6], $0xF7A  }
0x23: {  	s9 =	sor.u32 $0xD0000000, s2;
	s6 =	simm.s32 $0x108;
	_ =	swait.ge @!p0 [sflag:s8], $0x0  }
0x24: {  	s3 =	sadd.s32 $0x88, s3;
	s6 =	simm.s32 @!p1 $0x1082;
	[sflag:s4] =	ssyncset.s32 $0xFFFFF086  }
0x25: {  	[simem:s6], [sflag:s4] =	dma.local [hbm:s3], $0xF7A  }
0x26: {  	[smem:$0x3F8D] =	sst s1;
	(tag) =	ssettag s2;
	_ =	strace s9  }
0x27: {  	s1 =	sld [smem:$0x3F9D]  }
0x28: {  	s2 =	sld [smem:$0x3F9E]  }
0x29: {  	s4 =	sld [smem:$0x3FA0]  }
0x2a: {  	p0 =	seq.s32 s5, $0x0;
	s5 =	sld [smem:$0x3FA1]  }
0x2b: {  	s6 =	sld [smem:$0x3FA2]  }
0x2c: {  	s7 =	sld [smem:$0x3FA3]  }
0x2d: {  	s3 =	simm.s32 $0x108;
	s8 =	sld [smem:$0x3FA4]  }
0x2e: {  	s3 =	simm.s32 @!p0 $0x1082;
	s9 =	sld [smem:$0x3FA5]  }
0x2f: {  	lr =	sadd.s32 s0, s3;
	s0 =	sld [smem:$0x3F9C]  }
0x30: {  	s3 =	sld [smem:$0x3F9F]  }
0x31: {  	[smem:$0x3FA8] =	sst s10  }
0x32: {  	s10 =	sld [smem:$0x3FA6];
	_ =	sdelay $0x3  }
0x33: {  	p0 =	seq.s32 s10, $0x1;
	s10 =	sld [smem:$0x3FA8];
	_ =	sdelay $0x3  }
0x34: {  	[smem:$0x3FA8] =	sst s10  }
0x35: {  	s10 =	sld [smem:$0x3FA7];
	_ =	sdelay $0x3  }
0x36: {  	p1 =	seq.s32 s10, $0x1;
	s10 =	sld [smem:$0x3FA8];
	_ =	sdelay $0x3  }
0x37: {  	[smem:$0x3FA8] =	sst s10  }
0x38: {  	s10 =	sld [smem:$0x3FA9]  }
0x39: {  	_ = 	snop;
	(pc) =	sbr.ind lr, $3  }
0x3a: {  	_ = 	snop  }
0x3b: {  	_ = 	snop  }
0x3c: {  	p2 =	seq.s32 s10, $0x1;
	s10 =	sld [smem:$0x3FA8]  }
0x3d: {  	_ =	shalt  }
0x3e: {  	_ =	shalt  }
0x3f: {  	_ =	shalt  }
0x40: {  	_ =	shalt  }
0x41: {  	_ =	shalt  }
0x42: {  	_ =	shalt  }
0x43: {  	_ =	shalt  }
0x44: {  	_ =	shalt  }
0x45: {  	_ =	shalt  }
0x46: {  	_ =	shalt  }
0x47: {  	_ =	shalt  }
0x48: {  	_ =	shalt  }
0x49: {  	_ =	shalt  }
0x4a: {  	_ =	shalt  }
0x4b: {  	_ =	shalt  }
0x4c: {  	_ =	shalt  }
0x4d: {  	_ =	shalt  }
0x4e: {  	_ =	shalt  }
0x4f: {  	_ =	shalt  }
0x50: {  	_ =	shalt  }
0x51: {  	_ =	shalt  }
0x52: {  	_ =	shalt  }
0x53: {  	_ =	shalt  }
0x54: {  	_ =	shalt  }
0x55: {  	_ =	shalt  }
0x56: {  	_ =	shalt  }
0x57: {  	_ =	shalt  }
0x58: {  	_ =	shalt  }
0x59: {  	_ =	shalt  }
0x5a: {  	_ =	shalt  }
0x5b: {  	_ =	shalt  }
0x5c: {  	_ =	shalt  }
0x5d: {  	_ =	shalt  }
0x5e: {  	_ =	shalt  }
0x5f: {  	_ =	shalt  }
0x60: {  	_ =	shalt  }
0x61: {  	_ =	shalt  }
0x62: {  	_ =	shalt  }
0x63: {  	_ =	shalt  }
0x64: {  	_ =	shalt  }
0x65: {  	_ =	shalt  }
0x66: {  	_ =	shalt  }
0x67: {  	_ =	shalt  }
0x68: {  	_ =	shalt  }
0x69: {  	_ =	shalt  }
0x6a: {  	_ =	shalt  }
0x6b: {  	_ =	shalt  }
0x6c: {  	_ =	shalt  }
0x6d: {  	_ =	shalt  }
0x6e: {  	_ =	shalt  }
0x6f: {  	_ =	shalt  }
0x70: {  	_ =	shalt  }
0x71: {  	_ =	shalt  }
0x72: {  	_ =	shalt  }
0x73: {  	_ =	shalt  }
0x74: {  	_ =	shalt  }
0x75: {  	_ =	shalt  }
0x76: {  	_ =	shalt  }
0x77: {  	_ =	shalt  }
0x78: {  	_ =	shalt  }
0x79: {  	_ =	shalt  }
0x7a: {  	_ =	shalt  }
0x7b: {  	_ =	shalt  }
0x7c: {  	_ =	shalt  }
0x7d: {  	_ =	shalt  }
0x7e: {  	_ =	shalt  }
0x7f: {  	_ =	shalt  }
0x80: {  	_ =	shalt  }
0x81: {  	_ =	shalt  }
0x82: {  	_ =	shalt  }
0x83: {  	_ =	shalt  }
0x84: {  	_ =	shalt  }
0x85: {  	_ =	shalt  }
0x86: {  	_ =	shalt  }
0x87: {  	_ =	shalt  }
.Lfunc_end0:
.L_simem_size_0:
called_computation.2_lowered:
.L_overlay_start_0:
0x88: {  	s2 =	sld [smem:$0x3FD9]  }
0x89: {  	s3 =	sld [smem:$0x3FFE];
	_ =	sdelay $0x1  }
0x8a: {  	s1 =	srdreg.scid  }
0x8b: {  	s0 =	sand.u32 $0x1, s1  }
0x8c: {  	s14 =	sshll.u32 s0, $0xA;
	s2 =	sadd.s32 s3, s2  }
0x8d: {  	s2 =	sadd.s32 s2, s14  }
0x8e: {  	[smem:$0x3FB4] =	sst s2  }
0x8f: {  	_ = 	snop  }
0x90: {  	s2 =	sld [smem:$0x3FD0];
	_ =	sdelay $0x2  }
0x91: {  	s15 =	simm.s32 $0xB;
	s4 =	simm.s32 $0x10  }
0x92: {  	[smem:s4], [sflag:s15] =	dma.local [hbm:s2], $0x1  }
0x93: {  	_ =	swait.eq [sflag:s15], $0x1  }
0x94: {  	[sflag:s15] =	ssyncset.done $0x0  }
0x95: {  	[sflag:s15] =	ssyncadd.s32 $0xFFFFFFFF  }
0x96: {  	s16 =	sld [smem:$0x10];
	(tm) =	ssettm $0x1  }
0x97: {  	s17 =	sld [smem:$0x3FFB];
	_ =	sdelay $0x3  }
0x98: {  	_ =	strace s17  }
0x99: {  	s3 =	sld [smem:$0x3FFC];
	_ =	sdelay $0x3  }
0x9a: {  	_ =	strace s3  }
0x9b: {  	s3 =	sld [smem:$0x3FFD];
	_ =	sdelay $0x3  }
0x9c: {  	_ =	strace s3  }
0x9d: {  	_ =	strace $0x8FFFFFFF  }
0x9e: {  	s18 =	sld [smem:$0x3FDB];
	_ =	sdelay $0x1  }
0x9f: {  	s19 =	simm.s32 $_scs_section_size  }
0xa0: {  	s5 =	simm.s32 $_size__tile_overlayer_lowered;
	s6 =	simm.s32 $_tile_overlayer_lowered  }
0xa1: {  	s22 =	simm.s32 $0x1BFF;
	s21 =	sshll.u32 s6, $0x1;
	s3 =	sadd.s32 s19, s18  }
0xa2: {  	s7 =	simm.s32 $0x0;
	s20 =	sshll.u32 s5, $0x1;
	s5 =	sadd.s32 s21, s3  }
0xa3: {  	[timem:s7], [sflag:s22] =	dma.local [hbm:s5], s20  }
0xa4: {  	_ =	swait.ge [sflag:s22], s20  }
0xa5: {  	s4 =	ssub.s32 $0x0, s20;
	[sflag:s22] =	ssyncset.done $0x0  }
0xa6: {  	[sflag:s22] =	ssyncadd.s32 s4;
	_ =	sdelay $0x1  }
0xa7: {  	s23 =	simm.s32 $0x1B8B  }
0xa8: {  	_ =	swait.ge [sflag:s23], $0x1  }
0xa9: {  	[sflag:s23] =	ssyncset.done $0x0  }
0xaa: {  	s25 =	simm.s32 $0x1B8E;
	s24 =	sld [smem:$0x3FFE];
	[sflag:s23] =	ssyncadd.s32 $0xFFFFFFFF  }
0xab: {  	s26 =	simm.s32 $execute0_lowered;
	[smem:$0x3FD2] =	sst s25  }
0xac: {  	s5 =	sshll.u32 s26, $0x1;
	_ =	strace $0x80000049;
	[dreg:$0x1] =	wrdreg $0xFFFFFFFF  }
0xad: {  	s28 =	simm.s32 $_size_execute0_lowered;
	s3 =	sadd.s32 s3, s5;
	[dreg:$0x0] =	wrdreg $0x0  }
0xae: {  	s5 =	sshll.u32 s28, $0x1;
	[dreg:$0x2] =	wrdreg s3  }
0xaf: {  	[dreg:$0x3] =	wrdreg s5  }
0xb0: {  	[dreg:$0x4] =	wrdreg $0xC0  }
0xb1: {  	_ =	task [dreg:s7], $0x5FFFF  }
0xb2: {  	[dreg:$0x1] =	wrdreg $0xFFFFFFFF  }
0xb3: {  	[dreg:$0x0] =	wrdreg $0x60  }
0xb4: {  	[dreg:$0x2] =	wrdreg s16  }
0xb5: {  	[dreg:$0x3] =	wrdreg s24  }
0xb6: {  	[dreg:$0x4] =	wrdreg $0xA  }
0xb7: {  	_ =	task.clear_ibuf [dreg:s7], $0x5FFFF;
	_ =	strace $0x90000049  }
0xb8: {  	s29 =	simm.s32 $0xA;
	_ =	strace $0x8000004B  }
0xb9: {  	_ =	swait.ge [sflag:s29], $0x1  }
0xba: {  	[sflag:s29] =	ssyncadd.s32 $0xFFFFFFFF  }
0xbb: {  	_ =	strace $0x9000004B  }
0xbc: {  	_ =	sfence  }
0xbd: {  	s30 =	sld [smem:$0x0];
	_ =	sdelay $0x2  }
0xbe: {  	s31 =	sshll.u32 s1, $0xD;
	s1 =	sshrl.u32 s1, $0x2  }
0xbf: {  	s3 =	sand.u32 $0x4000, s31;
	s1 =	sadd.s32 s1, s30  }
0xc0: {  	s0 =	sor.u32 s3, s0;
	s1 =	sshll.u32 s1, $0x11  }
0xc1: {  	s0 =	sor.u32 s1, s0  }
0xc2: {  	s0 =	sadd.s32 $0x8F2B, s0  }
0xc3: {  	[sflag:s0] =	ssyncadd.remote.s32 $0x1  }
0xc4: {  	_ =	sfence.sel $0xFFFF  }
0xc5: {  	[dreg:$0x0] =	wrdreg $0xFFFFFFFF;
	(pc) =	sbr.abs _section_cstart, $3  }
0xc6: {  	[dreg:$0x1] =	wrdreg $0xFFFFFFFF  }
0xc7: {  	_ =	task.clear_ibuf [dreg:s7], $0x2FFFF;
	_ =	strace $0x9FFFFFFF  }
0xc8: {  	(tm) =	ssettm $0x7FFFFFFF  }
0xc9: {  	_ =	shalt  }
tec
execute0_lowered:
.L_overlay_start_1:
0x0: {  	(tag) =	ssettag $0x1  }
0x1: {  	s1 =	srdreg.scid  }
0x2: {  	s0 =	stileid.u32;
	s2 =	rddreg [dreg:$0x0];
	s6 =	sand.u32 $0x1, s1  }
0x3: {  	s9 =	rddreg [dreg:$0x1];
	s30 =	sshll.u32 s0, $0x7;
	s3 =	sshll.u32 s6, $0x6  }
0x4: {  	s7 =	simm.s32 $0x80;
	s8 =	simm.s32 $0x1;
	s10 =	sor.u32 s3, s30  }
0x5: {  	s1 =	rddreg [dreg:$0x2];
	s3 =	simm.s32 $0x0;
	s4 =	sshrl.u32 s10, $0x3  }
0x6: {  	s11 =	ssub.s32 $0x2, s6;
	[smem:$0x7FF] =	sst s3;
	s4 =	sadd.s32 s4, s9  }
0x7: {  	_ =	strace $0x8000004A;
	s5 =	sadd.s32 $0x145200, s4;
	s4 =	simm.s32 $0x2  }
0x8: {  	[tilespmem:s3], [sflag:$0x2] =	stream.linear.gather [hbm4b:s5+s3], $0x40, $0x38;
	[tilespmem:$0x2080] =	vst v63  }
0x9: {  	s6 =	simm.s32 $0x40;
	s12 =	sshrl.u32 s11, $0x1;
	_ =	swait.ge [sflag:s4], $0x40  }
0xa: {  	s10 =	sshll.u32 s10, $0x4;
	s31 =	ssub.s32 s11, s12;
	[sflag:s4] =	ssyncset.done $0x0  }
0xb: {  	s9 =	sadd.s32 s10, s9;
	s10 =	smax.u32 s31, $0x1;
	[sflag:s4] =	ssyncadd.s32 $0xFFFFFFC0  }
0xc: {  	[tilespmem:s7], [sflag:$0x1] =	stream.indirect.gather [hbm4b:s2+s6], $0x80, s3, s6, $0xb8;
	[tilespmem:$0x2080] =	vst v63  }
0xd: {  	p0 =	sne.s32 s10, $0x1;
	_ =	swait.ge [sflag:s8], $0x2000  }
.Ltmp0:
0xe: {  	[sflag:s8] =	ssyncset.done $0x0;
	(pc) =	sbr.rel @!p0 .LBB2_2-.Ltmp0, $4  }
0xf: {  	s9 =	sadd.s32 $0x145600, s9;
	[sflag:s8] =	ssyncadd.s32 $0xFFFFE000  }
0x10: {  	[hbm4b:s9+s3] =	stream.linear.scatter [tilespmem:s7], [sflag:$0x2], $0x2000, $0x38;
	[tilespmem:$0x2080] =	vst v63  }
0x11: {  	_ =	swait.ge [sflag:s4], $0x2000  }
0x12: {  	s10 =	sadd.s32 $0xFFFFFFFF, s10;
	[sflag:s4] =	ssyncset.done $0x0  }
.LBB2_1:
0x13: {  	p0 =	sne.s32 s10, $0x1;
	s10 =	sadd.s32 $0xFFFFFFFF, s10;
	[sflag:s4] =	ssyncadd.s32 $0xFFFFE000  }
0x14: {  	[tilespmem:s3], [sflag:$0x2] =	stream.linear.gather [hbm4b:s5+s3], $0x40, $0x38;
	[tilespmem:$0x2080] =	vst v63  }
0x15: {  	_ =	swait.ge [sflag:s4], $0x40  }
0x16: {  	[sflag:s4] =	ssyncset.done $0x0  }
0x17: {  	[sflag:s4] =	ssyncadd.s32 $0xFFFFFFC0  }
0x18: {  	[tilespmem:s7], [sflag:$0x1] =	stream.indirect.gather [hbm4b:s2+s6], $0x80, s3, s6, $0xb8;
	[tilespmem:$0x2080] =	vst v63  }
0x19: {  	_ =	swait.ge [sflag:s8], $0x2000  }
.Ltmp1:
0x1a: {  	[sflag:s8] =	ssyncset.done $0x0;
	(pc) =	sbr.rel @p0 .LBB2_1-.Ltmp1, $4  }
0x1b: {  	[sflag:s8] =	ssyncadd.s32 $0xFFFFE000  }
0x1c: {  	[hbm4b:s9+s3] =	stream.linear.scatter [tilespmem:s7], [sflag:$0x2], $0x2000, $0x38;
	[tilespmem:$0x2080] =	vst v63  }
0x1d: {  	_ =	swait.ge [sflag:s4], $0x2000  }
0x1e: {  	[sflag:s4] =	ssyncset.done $0x0  }
.LBB2_2:
0x1f: {  	[sflag:s4] =	ssyncadd.s32 $0xFFFFE000  }
0x20: {  	_ =	sfence.sel $0x180000  }
0x21: {  	[bflag:$0x0] =	sbarrier.arrive $0xFFFF  }
0x22: {  	p0 =	sne.s32 s0, $0x0;
	_ =	strace $0x9000004A  }
0x23: {  	s0 =	sadd.s32 @!p0 $0x100000, s1;
	[bflag:$0x2] =	sbarrier.arrive $0xFFFF  }
0x24: {  	[sflag:s0] =	ssyncadd.tile.s32 @!p0 $0x1;
	_ =	shalt  }
.Lfunc_end2:
_tile_overlayer_lowered:
.L_overlay_start_2:
0x25: {  	(tag) =	ssettag $0x2  }
0x26: {  	s0 =	rddreg [dreg:$0x0];
	s2 =	stileid.u32  }
0x27: {  	s1 =	rddreg [dreg:$0x1];
	p0 =	sne.s32 s2, $0x0  }
0x28: {  	s3 =	rddreg [dreg:$0x2];
	[bflag:$0x3] =	sbarrier.arrive $0xFFFF;
	s2 =	simm.s32 @!p0 $0x1C02  }
0x29: {  	[timem:s3], [sflag:s2] =	dma.local @!p0 [hbm:s0], s1  }
0x2a: {  	s0 =	simm.s32 @!p0 $0x2  }
0x2b: {  	_ =	swait.ge @!p0 [sflag:s0], s1  }
0x2c: {  	s1 =	ssub.s32 @!p0 $0x0, s1;
	[sflag:s0] =	ssyncset.done @!p0 $0x0  }
0x2d: {  	[sflag:s0] =	ssyncadd.s32 @!p0 s1  }
0x2e: {  	[bflag:$0x3] =	sbarrier.arrive $0xFFFF  }
0x2f: {  	_ =	shalt  }

// kernel: sc_gather_edges.7.cloned.1.call-start
scs
__scs_entry_jumppad:
0x0: {  	(pc) =	sbr.rel $0x88, $3  }
0x1: {  	(tag) =	ssettag $0x0;
	lr =	simm.s32 $0x1  }
0x2: {  	[smem:$0x3F8D] =	sst lr;
	_ =	strace $0xD0000000  }
0x3: {  	_ = 	snop  }
0x4: {  	_ = 	snop  }
0x5: {  	_ = 	snop  }
0x6: {  	_ = 	snop  }
0x7: {  	_ = 	snop  }
__scs_overlays_trampoline_lowered:
0x8: {  	[smem:$0x3F9C] =	sst s0  }
0x9: {  	[smem:$0x3F9D] =	sst s1  }
0xa: {  	[smem:$0x3F9E] =	sst s2  }
0xb: {  	[smem:$0x3F9F] =	sst s3  }
0xc: {  	[smem:$0x3FA0] =	sst s4  }
0xd: {  	[smem:$0x3FA1] =	sst s5  }
0xe: {  	[smem:$0x3FA2] =	sst s6  }
0xf: {  	[smem:$0x3FA3] =	sst s7  }
0x10: {  	[smem:$0x3FA4] =	sst s8  }
0x11: {  	[smem:$0x3FA5] =	sst s9;
	s0 =	simm.s32 @!p0 $0x0  }
0x12: {  	s1 =	sld [smem:$0x3F8B];
	s0 =	simm.s32 @p0 $0x1  }
0x13: {  	[smem:$0x3FA6] =	sst s0;
	s0 =	simm.s32 @!p1 $0x0  }
0x14: {  	s2 =	sld [smem:$0x3F8A];
	s0 =	simm.s32 @p1 $0x1  }
0x15: {  	[smem:$0x3FA7] =	sst s0;
	s0 =	simm.s32 @!p2 $0x0  }
0x16: {  	s3 =	sld [smem:$0x3FDB];
	s0 =	simm.s32 @p2 $0x1  }
0x17: {  	s4 =	simm.s32 $0x1BF5;
	[smem:$0x3FA9] =	sst s0  }
0x18: {  	s0 =	sld [smem:$0x3F8C];
	_ =	swait.ge [sflag:s4], $0x0  }
0x19: {  	s7 =	sld [smem:$0x3F8D]  }
0x1a: {  	s8 =	sadd.s32 $0xFFFFE003, lr  }
0x1b: {  	s9 =	sadd.s32 $0xFFFFFEF7, lr;
	s5 =	simm.s32 $0xFFFFFFFF;
	p2 =	slt.u32 s8, $0xFFFFF086  }
0x1c: {  	p1 =	slt.u32 s9, $0xF7A;
	s5 =	simm.s32 @!p2 $0x0  }
0x1d: {  	s5 =	simm.s32 @p1 $0x1;
	p0 =	seq.s32 s7, s2  }
0x1e: {  	s7 =	smul.u32 @!p0 $0xF7A, s2;
	p2 =	seq.s32 @!p0 s5, $0x0  }
0x1f: {  	s9 =	smul.u32 $0xF7A, s1;
	s8 =	simm.s32 @!p0 $0x1BF5;
	p2 =	por !p2, p0  }
0x20: {  	[sflag:s8] =	ssyncset.s32 @!p0 $0xFFFFF086;
	s6 =	sadd.s32 @!p0 s3, s7;
	s7 =	simm.s32 @!p0 $0x108  }
0x21: {  	s3 =	sadd.s32 s3, s9;
	s6 =	sadd.s32 @!p0 $0x88, s6;
	s7 =	simm.s32 @p2 $0x1082  }
0x22: {  	[simem:s7], [sflag:s8] =	dma.local @!p0 [hbm:s6], $0xF7A  }
0x23: {  	s9 =	sor.u32 $0xD0000000, s2;
	s6 =	simm.s32 $0x108;
	_ =	swait.ge @!p0 [sflag:s8], $0x0  }
0x24: {  	s3 =	sadd.s32 $0x88, s3;
	s6 =	simm.s32 @!p1 $0x1082;
	[sflag:s4] =	ssyncset.s32 $0xFFFFF086  }
0x25: {  	[simem:s6], [sflag:s4] =	dma.local [hbm:s3], $0xF7A  }
0x26: {  	[smem:$0x3F8D] =	sst s1;
	(tag) =	ssettag s2;
	_ =	strace s9  }
0x27: {  	s1 =	sld [smem:$0x3F9D]  }
0x28: {  	s2 =	sld [smem:$0x3F9E]  }
0x29: {  	s4 =	sld [smem:$0x3FA0]  }
0x2a: {  	p0 =	seq.s32 s5, $0x0;
	s5 =	sld [smem:$0x3FA1]  }
0x2b: {  	s6 =	sld [smem:$0x3FA2]  }
0x2c: {  	s7 =	sld [smem:$0x3FA3]  }
0x2d: {  	s3 =	simm.s32 $0x108;
	s8 =	sld [smem:$0x3FA4]  }
0x2e: {  	s3 =	simm.s32 @!p0 $0x1082;
	s9 =	sld [smem:$0x3FA5]  }
0x2f: {  	lr =	sadd.s32 s0, s3;
	s0 =	sld [smem:$0x3F9C]  }
0x30: {  	s3 =	sld [smem:$0x3F9F]  }
0x31: {  	[smem:$0x3FA8] =	sst s10  }
0x32: {  	s10 =	sld [smem:$0x3FA6];
	_ =	sdelay $0x3  }
0x33: {  	p0 =	seq.s32 s10, $0x1;
	s10 =	sld [smem:$0x3FA8];
	_ =	sdelay $0x3  }
0x34: {  	[smem:$0x3FA8] =	sst s10  }
0x35: {  	s10 =	sld [smem:$0x3FA7];
	_ =	sdelay $0x3  }
0x36: {  	p1 =	seq.s32 s10, $0x1;
	s10 =	sld [smem:$0x3FA8];
	_ =	sdelay $0x3  }
0x37: {  	[smem:$0x3FA8] =	sst s10  }
0x38: {  	s10 =	sld [smem:$0x3FA9]  }
0x39: {  	_ = 	snop;
	(pc) =	sbr.ind lr, $3  }
0x3a: {  	_ = 	snop  }
0x3b: {  	_ = 	snop  }
0x3c: {  	p2 =	seq.s32 s10, $0x1;
	s10 =	sld [smem:$0x3FA8]  }
0x3d: {  	_ =	shalt  }
0x3e: {  	_ =	shalt  }
0x3f: {  	_ =	shalt  }
0x40: {  	_ =	shalt  }
0x41: {  	_ =	shalt  }
0x42: {  	_ =	shalt  }
0x43: {  	_ =	shalt  }
0x44: {  	_ =	shalt  }
0x45: {  	_ =	shalt  }
0x46: {  	_ =	shalt  }
0x47: {  	_ =	shalt  }
0x48: {  	_ =	shalt  }
0x49: {  	_ =	shalt  }
0x4a: {  	_ =	shalt  }
0x4b: {  	_ =	shalt  }
0x4c: {  	_ =	shalt  }
0x4d: {  	_ =	shalt  }
0x4e: {  	_ =	shalt  }
0x4f: {  	_ =	shalt  }
0x50: {  	_ =	shalt  }
0x51: {  	_ =	shalt  }
0x52: {  	_ =	shalt  }
0x53: {  	_ =	shalt  }
0x54: {  	_ =	shalt  }
0x55: {  	_ =	shalt  }
0x56: {  	_ =	shalt  }
0x57: {  	_ =	shalt  }
0x58: {  	_ =	shalt  }
0x59: {  	_ =	shalt  }
0x5a: {  	_ =	shalt  }
0x5b: {  	_ =	shalt  }
0x5c: {  	_ =	shalt  }
0x5d: {  	_ =	shalt  }
0x5e: {  	_ =	shalt  }
0x5f: {  	_ =	shalt  }
0x60: {  	_ =	shalt  }
0x61: {  	_ =	shalt  }
0x62: {  	_ =	shalt  }
0x63: {  	_ =	shalt  }
0x64: {  	_ =	shalt  }
0x65: {  	_ =	shalt  }
0x66: {  	_ =	shalt  }
0x67: {  	_ =	shalt  }
0x68: {  	_ =	shalt  }
0x69: {  	_ =	shalt  }
0x6a: {  	_ =	shalt  }
0x6b: {  	_ =	shalt  }
0x6c: {  	_ =	shalt  }
0x6d: {  	_ =	shalt  }
0x6e: {  	_ =	shalt  }
0x6f: {  	_ =	shalt  }
0x70: {  	_ =	shalt  }
0x71: {  	_ =	shalt  }
0x72: {  	_ =	shalt  }
0x73: {  	_ =	shalt  }
0x74: {  	_ =	shalt  }
0x75: {  	_ =	shalt  }
0x76: {  	_ =	shalt  }
0x77: {  	_ =	shalt  }
0x78: {  	_ =	shalt  }
0x79: {  	_ =	shalt  }
0x7a: {  	_ =	shalt  }
0x7b: {  	_ =	shalt  }
0x7c: {  	_ =	shalt  }
0x7d: {  	_ =	shalt  }
0x7e: {  	_ =	shalt  }
0x7f: {  	_ =	shalt  }
0x80: {  	_ =	shalt  }
0x81: {  	_ =	shalt  }
0x82: {  	_ =	shalt  }
0x83: {  	_ =	shalt  }
0x84: {  	_ =	shalt  }
0x85: {  	_ =	shalt  }
0x86: {  	_ =	shalt  }
0x87: {  	_ =	shalt  }
.Lfunc_end0:
.L_simem_size_0:
called_computation.4_lowered:
.L_overlay_start_0:
0x88: {  	s2 =	sld [smem:$0x3FD9]  }
0x89: {  	s3 =	sld [smem:$0x3FFE];
	_ =	sdelay $0x1  }
0x8a: {  	s1 =	srdreg.scid  }
0x8b: {  	s0 =	sand.u32 $0x1, s1  }
0x8c: {  	s14 =	sshll.u32 s0, $0xA;
	s2 =	sadd.s32 s3, s2  }
0x8d: {  	s2 =	sadd.s32 s2, s14  }
0x8e: {  	[smem:$0x3FB4] =	sst s2  }
0x8f: {  	_ = 	snop  }
0x90: {  	s2 =	sld [smem:$0x3FD0];
	_ =	sdelay $0x2  }
0x91: {  	s15 =	simm.s32 $0xB;
	s4 =	simm.s32 $0x10  }
0x92: {  	[smem:s4], [sflag:s15] =	dma.local [hbm:s2], $0x1  }
0x93: {  	_ =	swait.eq [sflag:s15], $0x1  }
0x94: {  	[sflag:s15] =	ssyncset.done $0x0  }
0x95: {  	[sflag:s15] =	ssyncadd.s32 $0xFFFFFFFF  }
0x96: {  	s16 =	sld [smem:$0x10];
	(tm) =	ssettm $0x1  }
0x97: {  	s17 =	sld [smem:$0x3FFB];
	_ =	sdelay $0x3  }
0x98: {  	_ =	strace s17  }
0x99: {  	s3 =	sld [smem:$0x3FFC];
	_ =	sdelay $0x3  }
0x9a: {  	_ =	strace s3  }
0x9b: {  	s3 =	sld [smem:$0x3FFD];
	_ =	sdelay $0x3  }
0x9c: {  	_ =	strace s3  }
0x9d: {  	_ =	strace $0x8FFFFFFF  }
0x9e: {  	s18 =	sld [smem:$0x3FDB];
	_ =	sdelay $0x1  }
0x9f: {  	s19 =	simm.s32 $_scs_section_size  }
0xa0: {  	s5 =	simm.s32 $_size__tile_overlayer_lowered;
	s6 =	simm.s32 $_tile_overlayer_lowered  }
0xa1: {  	s22 =	simm.s32 $0x1BFF;
	s21 =	sshll.u32 s6, $0x1;
	s3 =	sadd.s32 s19, s18  }
0xa2: {  	s7 =	simm.s32 $0x0;
	s20 =	sshll.u32 s5, $0x1;
	s5 =	sadd.s32 s21, s3  }
0xa3: {  	[timem:s7], [sflag:s22] =	dma.local [hbm:s5], s20  }
0xa4: {  	_ =	swait.ge [sflag:s22], s20  }
0xa5: {  	s4 =	ssub.s32 $0x0, s20;
	[sflag:s22] =	ssyncset.done $0x0  }
0xa6: {  	[sflag:s22] =	ssyncadd.s32 s4;
	_ =	sdelay $0x1  }
0xa7: {  	s23 =	simm.s32 $0x1B8B  }
0xa8: {  	_ =	swait.ge [sflag:s23], $0x1  }
0xa9: {  	[sflag:s23] =	ssyncset.done $0x0  }
0xaa: {  	s25 =	simm.s32 $0x1B8E;
	s24 =	sld [smem:$0x3FFE];
	[sflag:s23] =	ssyncadd.s32 $0xFFFFFFFF  }
0xab: {  	s26 =	simm.s32 $execute0_lowered;
	[smem:$0x3FD2] =	sst s25  }
0xac: {  	s5 =	sshll.u32 s26, $0x1;
	_ =	strace $0x80000052;
	[dreg:$0x1] =	wrdreg $0xFFFFFFFF  }
0xad: {  	s28 =	simm.s32 $_size_execute0_lowered;
	s3 =	sadd.s32 s3, s5;
	[dreg:$0x0] =	wrdreg $0x0  }
0xae: {  	s5 =	sshll.u32 s28, $0x1;
	[dreg:$0x2] =	wrdreg s3  }
0xaf: {  	[dreg:$0x3] =	wrdreg s5  }
0xb0: {  	[dreg:$0x4] =	wrdreg $0xC0  }
0xb1: {  	_ =	task [dreg:s7], $0x5FFFF  }
0xb2: {  	[dreg:$0x1] =	wrdreg $0xFFFFFFFF  }
0xb3: {  	[dreg:$0x0] =	wrdreg $0x60  }
0xb4: {  	[dreg:$0x2] =	wrdreg s16  }
0xb5: {  	[dreg:$0x3] =	wrdreg s24  }
0xb6: {  	[dreg:$0x4] =	wrdreg $0x9  }
0xb7: {  	_ =	task.clear_ibuf [dreg:s7], $0x5FFFF;
	_ =	strace $0x90000052  }
0xb8: {  	s29 =	simm.s32 $0x9;
	_ =	strace $0x80000054  }
0xb9: {  	_ =	swait.ge [sflag:s29], $0x1  }
0xba: {  	[sflag:s29] =	ssyncadd.s32 $0xFFFFFFFF  }
0xbb: {  	_ =	strace $0x90000054  }
0xbc: {  	_ =	sfence  }
0xbd: {  	s30 =	sld [smem:$0x0];
	_ =	sdelay $0x2  }
0xbe: {  	s31 =	sshll.u32 s1, $0xD;
	s1 =	sshrl.u32 s1, $0x2  }
0xbf: {  	s3 =	sand.u32 $0x4000, s31;
	s1 =	sadd.s32 s1, s30  }
0xc0: {  	s0 =	sor.u32 s3, s0;
	s1 =	sshll.u32 s1, $0x11  }
0xc1: {  	s0 =	sor.u32 s1, s0  }
0xc2: {  	s0 =	sadd.s32 $0x8F2B, s0  }
0xc3: {  	[sflag:s0] =	ssyncadd.remote.s32 $0x1  }
0xc4: {  	_ =	sfence.sel $0xFFFF  }
0xc5: {  	[dreg:$0x0] =	wrdreg $0xFFFFFFFF;
	(pc) =	sbr.abs _section_cstart, $3  }
0xc6: {  	[dreg:$0x1] =	wrdreg $0xFFFFFFFF  }
0xc7: {  	_ =	task.clear_ibuf [dreg:s7], $0x2FFFF;
	_ =	strace $0x9FFFFFFF  }
0xc8: {  	(tm) =	ssettm $0x7FFFFFFF  }
0xc9: {  	_ =	shalt  }
tec
execute0_lowered:
.L_overlay_start_1:
0x0: {  	(tag) =	ssettag $0x1  }
0x1: {  	s1 =	srdreg.scid  }
0x2: {  	s0 =	stileid.u32;
	s2 =	rddreg [dreg:$0x0];
	s6 =	sand.u32 $0x1, s1  }
0x3: {  	s9 =	rddreg [dreg:$0x1];
	s30 =	sshll.u32 s0, $0x7;
	s3 =	sshll.u32 s6, $0x6  }
0x4: {  	s7 =	simm.s32 $0x80;
	s8 =	simm.s32 $0x1;
	s10 =	sor.u32 s3, s30  }
0x5: {  	s1 =	rddreg [dreg:$0x2];
	s3 =	simm.s32 $0x0;
	s4 =	sshrl.u32 s10, $0x3  }
0x6: {  	s11 =	ssub.s32 $0x2, s6;
	[smem:$0x7FF] =	sst s3;
	s4 =	sadd.s32 s4, s9  }
0x7: {  	_ =	strace $0x80000053;
	s5 =	sadd.s32 $0x145200, s4;
	s4 =	simm.s32 $0x2  }
0x8: {  	[tilespmem:s3], [sflag:$0x2] =	stream.linear.gather [hbm4b:s5+s3], $0x40, $0x38;
	[tilespmem:$0x2080] =	vst v63  }
0x9: {  	s6 =	simm.s32 $0x40;
	s12 =	sshrl.u32 s11, $0x1;
	_ =	swait.ge [sflag:s4], $0x40  }
0xa: {  	s10 =	sshll.u32 s10, $0x4;
	s31 =	ssub.s32 s11, s12;
	[sflag:s4] =	ssyncset.done $0x0  }
0xb: {  	s9 =	sadd.s32 s10, s9;
	s10 =	smax.u32 s31, $0x1;
	[sflag:s4] =	ssyncadd.s32 $0xFFFFFFC0  }
0xc: {  	[tilespmem:s7], [sflag:$0x1] =	stream.indirect.gather [hbm4b:s2+s6], $0x80, s3, s6, $0xb8;
	[tilespmem:$0x2080] =	vst v63  }
0xd: {  	p0 =	sne.s32 s10, $0x1;
	_ =	swait.ge [sflag:s8], $0x2000  }
.Ltmp0:
0xe: {  	[sflag:s8] =	ssyncset.done $0x0;
	(pc) =	sbr.rel @!p0 .LBB2_2-.Ltmp0, $4  }
0xf: {  	s9 =	sadd.s32 $0x1A0000, s9;
	[sflag:s8] =	ssyncadd.s32 $0xFFFFE000  }
0x10: {  	[hbm4b:s9+s3] =	stream.linear.scatter [tilespmem:s7], [sflag:$0x2], $0x2000, $0x38;
	[tilespmem:$0x2080] =	vst v63  }
0x11: {  	_ =	swait.ge [sflag:s4], $0x2000  }
0x12: {  	s10 =	sadd.s32 $0xFFFFFFFF, s10;
	[sflag:s4] =	ssyncset.done $0x0  }
.LBB2_1:
0x13: {  	p0 =	sne.s32 s10, $0x1;
	s10 =	sadd.s32 $0xFFFFFFFF, s10;
	[sflag:s4] =	ssyncadd.s32 $0xFFFFE000  }
0x14: {  	[tilespmem:s3], [sflag:$0x2] =	stream.linear.gather [hbm4b:s5+s3], $0x40, $0x38;
	[tilespmem:$0x2080] =	vst v63  }
0x15: {  	_ =	swait.ge [sflag:s4], $0x40  }
0x16: {  	[sflag:s4] =	ssyncset.done $0x0  }
0x17: {  	[sflag:s4] =	ssyncadd.s32 $0xFFFFFFC0  }
0x18: {  	[tilespmem:s7], [sflag:$0x1] =	stream.indirect.gather [hbm4b:s2+s6], $0x80, s3, s6, $0xb8;
	[tilespmem:$0x2080] =	vst v63  }
0x19: {  	_ =	swait.ge [sflag:s8], $0x2000  }
.Ltmp1:
0x1a: {  	[sflag:s8] =	ssyncset.done $0x0;
	(pc) =	sbr.rel @p0 .LBB2_1-.Ltmp1, $4  }
0x1b: {  	[sflag:s8] =	ssyncadd.s32 $0xFFFFE000  }
0x1c: {  	[hbm4b:s9+s3] =	stream.linear.scatter [tilespmem:s7], [sflag:$0x2], $0x2000, $0x38;
	[tilespmem:$0x2080] =	vst v63  }
0x1d: {  	_ =	swait.ge [sflag:s4], $0x2000  }
0x1e: {  	[sflag:s4] =	ssyncset.done $0x0  }
.LBB2_2:
0x1f: {  	[sflag:s4] =	ssyncadd.s32 $0xFFFFE000  }
0x20: {  	_ =	sfence.sel $0x180000  }
0x21: {  	[bflag:$0x0] =	sbarrier.arrive $0xFFFF  }
0x22: {  	p0 =	sne.s32 s0, $0x0;
	_ =	strace $0x90000053  }
0x23: {  	s0 =	sadd.s32 @!p0 $0x100000, s1;
	[bflag:$0x2] =	sbarrier.arrive $0xFFFF  }
0x24: {  	[sflag:s0] =	ssyncadd.tile.s32 @!p0 $0x1;
	_ =	shalt  }
.Lfunc_end2:
_tile_overlayer_lowered:
.L_overlay_start_2:
0x25: {  	(tag) =	ssettag $0x2  }
0x26: {  	s0 =	rddreg [dreg:$0x0];
	s2 =	stileid.u32  }
0x27: {  	s1 =	rddreg [dreg:$0x1];
	p0 =	sne.s32 s2, $0x0  }
0x28: {  	s3 =	rddreg [dreg:$0x2];
	[bflag:$0x3] =	sbarrier.arrive $0xFFFF;
	s2 =	simm.s32 @!p0 $0x1C02  }
0x29: {  	[timem:s3], [sflag:s2] =	dma.local @!p0 [hbm:s0], s1  }
0x2a: {  	s0 =	simm.s32 @!p0 $0x2  }
0x2b: {  	_ =	swait.ge @!p0 [sflag:s0], s1  }
0x2c: {  	s1 =	ssub.s32 @!p0 $0x0, s1;
	[sflag:s0] =	ssyncset.done @!p0 $0x0  }
0x2d: {  	[sflag:s0] =	ssyncadd.s32 @!p0 s1  }
0x2e: {  	[bflag:$0x3] =	sbarrier.arrive $0xFFFF  }
0x2f: {  	_ =	shalt  }

// kernel: sc_gather_names_t0.3.cloned.1.call-start
scs
__scs_entry_jumppad:
0x0: {  	(pc) =	sbr.rel $0x88, $3  }
0x1: {  	(tag) =	ssettag $0x0;
	lr =	simm.s32 $0x1  }
0x2: {  	[smem:$0x3F8D] =	sst lr;
	_ =	strace $0xD0000000  }
0x3: {  	_ = 	snop  }
0x4: {  	_ = 	snop  }
0x5: {  	_ = 	snop  }
0x6: {  	_ = 	snop  }
0x7: {  	_ = 	snop  }
__scs_overlays_trampoline_lowered:
0x8: {  	[smem:$0x3F9C] =	sst s0  }
0x9: {  	[smem:$0x3F9D] =	sst s1  }
0xa: {  	[smem:$0x3F9E] =	sst s2  }
0xb: {  	[smem:$0x3F9F] =	sst s3  }
0xc: {  	[smem:$0x3FA0] =	sst s4  }
0xd: {  	[smem:$0x3FA1] =	sst s5  }
0xe: {  	[smem:$0x3FA2] =	sst s6  }
0xf: {  	[smem:$0x3FA3] =	sst s7  }
0x10: {  	[smem:$0x3FA4] =	sst s8  }
0x11: {  	[smem:$0x3FA5] =	sst s9;
	s0 =	simm.s32 @!p0 $0x0  }
0x12: {  	s1 =	sld [smem:$0x3F8B];
	s0 =	simm.s32 @p0 $0x1  }
0x13: {  	[smem:$0x3FA6] =	sst s0;
	s0 =	simm.s32 @!p1 $0x0  }
0x14: {  	s2 =	sld [smem:$0x3F8A];
	s0 =	simm.s32 @p1 $0x1  }
0x15: {  	[smem:$0x3FA7] =	sst s0;
	s0 =	simm.s32 @!p2 $0x0  }
0x16: {  	s3 =	sld [smem:$0x3FDB];
	s0 =	simm.s32 @p2 $0x1  }
0x17: {  	s4 =	simm.s32 $0x1BF5;
	[smem:$0x3FA9] =	sst s0  }
0x18: {  	s0 =	sld [smem:$0x3F8C];
	_ =	swait.ge [sflag:s4], $0x0  }
0x19: {  	s7 =	sld [smem:$0x3F8D]  }
0x1a: {  	s8 =	sadd.s32 $0xFFFFE003, lr  }
0x1b: {  	s9 =	sadd.s32 $0xFFFFFEF7, lr;
	s5 =	simm.s32 $0xFFFFFFFF;
	p2 =	slt.u32 s8, $0xFFFFF086  }
0x1c: {  	p1 =	slt.u32 s9, $0xF7A;
	s5 =	simm.s32 @!p2 $0x0  }
0x1d: {  	s5 =	simm.s32 @p1 $0x1;
	p0 =	seq.s32 s7, s2  }
0x1e: {  	s7 =	smul.u32 @!p0 $0xF7A, s2;
	p2 =	seq.s32 @!p0 s5, $0x0  }
0x1f: {  	s9 =	smul.u32 $0xF7A, s1;
	s8 =	simm.s32 @!p0 $0x1BF5;
	p2 =	por !p2, p0  }
0x20: {  	[sflag:s8] =	ssyncset.s32 @!p0 $0xFFFFF086;
	s6 =	sadd.s32 @!p0 s3, s7;
	s7 =	simm.s32 @!p0 $0x108  }
0x21: {  	s3 =	sadd.s32 s3, s9;
	s6 =	sadd.s32 @!p0 $0x88, s6;
	s7 =	simm.s32 @p2 $0x1082  }
0x22: {  	[simem:s7], [sflag:s8] =	dma.local @!p0 [hbm:s6], $0xF7A  }
0x23: {  	s9 =	sor.u32 $0xD0000000, s2;
	s6 =	simm.s32 $0x108;
	_ =	swait.ge @!p0 [sflag:s8], $0x0  }
0x24: {  	s3 =	sadd.s32 $0x88, s3;
	s6 =	simm.s32 @!p1 $0x1082;
	[sflag:s4] =	ssyncset.s32 $0xFFFFF086  }
0x25: {  	[simem:s6], [sflag:s4] =	dma.local [hbm:s3], $0xF7A  }
0x26: {  	[smem:$0x3F8D] =	sst s1;
	(tag) =	ssettag s2;
	_ =	strace s9  }
0x27: {  	s1 =	sld [smem:$0x3F9D]  }
0x28: {  	s2 =	sld [smem:$0x3F9E]  }
0x29: {  	s4 =	sld [smem:$0x3FA0]  }
0x2a: {  	p0 =	seq.s32 s5, $0x0;
	s5 =	sld [smem:$0x3FA1]  }
0x2b: {  	s6 =	sld [smem:$0x3FA2]  }
0x2c: {  	s7 =	sld [smem:$0x3FA3]  }
0x2d: {  	s3 =	simm.s32 $0x108;
	s8 =	sld [smem:$0x3FA4]  }
0x2e: {  	s3 =	simm.s32 @!p0 $0x1082;
	s9 =	sld [smem:$0x3FA5]  }
0x2f: {  	lr =	sadd.s32 s0, s3;
	s0 =	sld [smem:$0x3F9C]  }
0x30: {  	s3 =	sld [smem:$0x3F9F]  }
0x31: {  	[smem:$0x3FA8] =	sst s10  }
0x32: {  	s10 =	sld [smem:$0x3FA6];
	_ =	sdelay $0x3  }
0x33: {  	p0 =	seq.s32 s10, $0x1;
	s10 =	sld [smem:$0x3FA8];
	_ =	sdelay $0x3  }
0x34: {  	[smem:$0x3FA8] =	sst s10  }
0x35: {  	s10 =	sld [smem:$0x3FA7];
	_ =	sdelay $0x3  }
0x36: {  	p1 =	seq.s32 s10, $0x1;
	s10 =	sld [smem:$0x3FA8];
	_ =	sdelay $0x3  }
0x37: {  	[smem:$0x3FA8] =	sst s10  }
0x38: {  	s10 =	sld [smem:$0x3FA9]  }
0x39: {  	_ = 	snop;
	(pc) =	sbr.ind lr, $3  }
0x3a: {  	_ = 	snop  }
0x3b: {  	_ = 	snop  }
0x3c: {  	p2 =	seq.s32 s10, $0x1;
	s10 =	sld [smem:$0x3FA8]  }
0x3d: {  	_ =	shalt  }
0x3e: {  	_ =	shalt  }
0x3f: {  	_ =	shalt  }
0x40: {  	_ =	shalt  }
0x41: {  	_ =	shalt  }
0x42: {  	_ =	shalt  }
0x43: {  	_ =	shalt  }
0x44: {  	_ =	shalt  }
0x45: {  	_ =	shalt  }
0x46: {  	_ =	shalt  }
0x47: {  	_ =	shalt  }
0x48: {  	_ =	shalt  }
0x49: {  	_ =	shalt  }
0x4a: {  	_ =	shalt  }
0x4b: {  	_ =	shalt  }
0x4c: {  	_ =	shalt  }
0x4d: {  	_ =	shalt  }
0x4e: {  	_ =	shalt  }
0x4f: {  	_ =	shalt  }
0x50: {  	_ =	shalt  }
0x51: {  	_ =	shalt  }
0x52: {  	_ =	shalt  }
0x53: {  	_ =	shalt  }
0x54: {  	_ =	shalt  }
0x55: {  	_ =	shalt  }
0x56: {  	_ =	shalt  }
0x57: {  	_ =	shalt  }
0x58: {  	_ =	shalt  }
0x59: {  	_ =	shalt  }
0x5a: {  	_ =	shalt  }
0x5b: {  	_ =	shalt  }
0x5c: {  	_ =	shalt  }
0x5d: {  	_ =	shalt  }
0x5e: {  	_ =	shalt  }
0x5f: {  	_ =	shalt  }
0x60: {  	_ =	shalt  }
0x61: {  	_ =	shalt  }
0x62: {  	_ =	shalt  }
0x63: {  	_ =	shalt  }
0x64: {  	_ =	shalt  }
0x65: {  	_ =	shalt  }
0x66: {  	_ =	shalt  }
0x67: {  	_ =	shalt  }
0x68: {  	_ =	shalt  }
0x69: {  	_ =	shalt  }
0x6a: {  	_ =	shalt  }
0x6b: {  	_ =	shalt  }
0x6c: {  	_ =	shalt  }
0x6d: {  	_ =	shalt  }
0x6e: {  	_ =	shalt  }
0x6f: {  	_ =	shalt  }
0x70: {  	_ =	shalt  }
0x71: {  	_ =	shalt  }
0x72: {  	_ =	shalt  }
0x73: {  	_ =	shalt  }
0x74: {  	_ =	shalt  }
0x75: {  	_ =	shalt  }
0x76: {  	_ =	shalt  }
0x77: {  	_ =	shalt  }
0x78: {  	_ =	shalt  }
0x79: {  	_ =	shalt  }
0x7a: {  	_ =	shalt  }
0x7b: {  	_ =	shalt  }
0x7c: {  	_ =	shalt  }
0x7d: {  	_ =	shalt  }
0x7e: {  	_ =	shalt  }
0x7f: {  	_ =	shalt  }
0x80: {  	_ =	shalt  }
0x81: {  	_ =	shalt  }
0x82: {  	_ =	shalt  }
0x83: {  	_ =	shalt  }
0x84: {  	_ =	shalt  }
0x85: {  	_ =	shalt  }
0x86: {  	_ =	shalt  }
0x87: {  	_ =	shalt  }
.Lfunc_end0:
.L_simem_size_0:
called_computation_lowered:
.L_overlay_start_0:
0x88: {  	s2 =	sld [smem:$0x3FD9]  }
0x89: {  	s3 =	sld [smem:$0x3FFE];
	_ =	sdelay $0x1  }
0x8a: {  	s1 =	srdreg.scid  }
0x8b: {  	s0 =	sand.u32 $0x1, s1  }
0x8c: {  	s14 =	sshll.u32 s0, $0xA;
	s2 =	sadd.s32 s3, s2  }
0x8d: {  	s2 =	sadd.s32 s2, s14  }
0x8e: {  	[smem:$0x3FB4] =	sst s2  }
0x8f: {  	_ = 	snop  }
0x90: {  	s2 =	sld [smem:$0x3FD0];
	_ =	sdelay $0x2  }
0x91: {  	s15 =	simm.s32 $0xB;
	s4 =	simm.s32 $0x10  }
0x92: {  	[smem:s4], [sflag:s15] =	dma.local [hbm:s2], $0x1  }
0x93: {  	_ =	swait.eq [sflag:s15], $0x1  }
0x94: {  	[sflag:s15] =	ssyncset.done $0x0  }
0x95: {  	[sflag:s15] =	ssyncadd.s32 $0xFFFFFFFF  }
0x96: {  	s16 =	sld [smem:$0x10];
	(tm) =	ssettm $0x1  }
0x97: {  	s17 =	sld [smem:$0x3FFB];
	_ =	sdelay $0x3  }
0x98: {  	_ =	strace s17  }
0x99: {  	s3 =	sld [smem:$0x3FFC];
	_ =	sdelay $0x3  }
0x9a: {  	_ =	strace s3  }
0x9b: {  	s3 =	sld [smem:$0x3FFD];
	_ =	sdelay $0x3  }
0x9c: {  	_ =	strace s3  }
0x9d: {  	_ =	strace $0x8FFFFFFF  }
0x9e: {  	s18 =	sld [smem:$0x3FDB];
	_ =	sdelay $0x1  }
0x9f: {  	s19 =	simm.s32 $_scs_section_size  }
0xa0: {  	s5 =	simm.s32 $_size__tile_overlayer_lowered;
	s6 =	simm.s32 $_tile_overlayer_lowered  }
0xa1: {  	s22 =	simm.s32 $0x1BFF;
	s21 =	sshll.u32 s6, $0x1;
	s3 =	sadd.s32 s19, s18  }
0xa2: {  	s7 =	simm.s32 $0x0;
	s20 =	sshll.u32 s5, $0x1;
	s5 =	sadd.s32 s21, s3  }
0xa3: {  	[timem:s7], [sflag:s22] =	dma.local [hbm:s5], s20  }
0xa4: {  	_ =	swait.ge [sflag:s22], s20  }
0xa5: {  	s4 =	ssub.s32 $0x0, s20;
	[sflag:s22] =	ssyncset.done $0x0  }
0xa6: {  	[sflag:s22] =	ssyncadd.s32 s4;
	_ =	sdelay $0x1  }
0xa7: {  	s23 =	simm.s32 $0x1B8B  }
0xa8: {  	_ =	swait.ge [sflag:s23], $0x1  }
0xa9: {  	[sflag:s23] =	ssyncset.done $0x0  }
0xaa: {  	s25 =	simm.s32 $0x1B8E;
	s24 =	sld [smem:$0x3FFE];
	[sflag:s23] =	ssyncadd.s32 $0xFFFFFFFF  }
0xab: {  	s26 =	simm.s32 $execute0_lowered;
	[smem:$0x3FD2] =	sst s25  }
0xac: {  	s5 =	sshll.u32 s26, $0x1;
	_ =	strace $0x80000046;
	[dreg:$0x1] =	wrdreg $0xFFFFFFFF  }
0xad: {  	s28 =	simm.s32 $_size_execute0_lowered;
	s3 =	sadd.s32 s3, s5;
	[dreg:$0x0] =	wrdreg $0x0  }
0xae: {  	s5 =	sshll.u32 s28, $0x1;
	[dreg:$0x2] =	wrdreg s3  }
0xaf: {  	[dreg:$0x3] =	wrdreg s5  }
0xb0: {  	[dreg:$0x4] =	wrdreg $0xC0  }
0xb1: {  	_ =	task [dreg:s7], $0x5FFFF  }
0xb2: {  	[dreg:$0x1] =	wrdreg $0xFFFFFFFF  }
0xb3: {  	[dreg:$0x0] =	wrdreg $0x60  }
0xb4: {  	[dreg:$0x2] =	wrdreg s24  }
0xb5: {  	[dreg:$0x3] =	wrdreg s16  }
0xb6: {  	[dreg:$0x4] =	wrdreg $0x9  }
0xb7: {  	_ =	task.clear_ibuf [dreg:s7], $0x5FFFF;
	_ =	strace $0x90000046  }
0xb8: {  	s29 =	simm.s32 $0x9;
	_ =	strace $0x80000048  }
0xb9: {  	_ =	swait.ge [sflag:s29], $0x1  }
0xba: {  	[sflag:s29] =	ssyncadd.s32 $0xFFFFFFFF  }
0xbb: {  	_ =	strace $0x90000048  }
0xbc: {  	_ =	sfence  }
0xbd: {  	s30 =	sld [smem:$0x0];
	_ =	sdelay $0x2  }
0xbe: {  	s31 =	sshll.u32 s1, $0xD;
	s1 =	sshrl.u32 s1, $0x2  }
0xbf: {  	s3 =	sand.u32 $0x4000, s31;
	s1 =	sadd.s32 s1, s30  }
0xc0: {  	s0 =	sor.u32 s3, s0;
	s1 =	sshll.u32 s1, $0x11  }
0xc1: {  	s0 =	sor.u32 s1, s0  }
0xc2: {  	s0 =	sadd.s32 $0x8F2B, s0  }
0xc3: {  	[sflag:s0] =	ssyncadd.remote.s32 $0x1  }
0xc4: {  	_ =	sfence.sel $0xFFFF  }
0xc5: {  	[dreg:$0x0] =	wrdreg $0xFFFFFFFF;
	(pc) =	sbr.abs _section_cstart, $3  }
0xc6: {  	[dreg:$0x1] =	wrdreg $0xFFFFFFFF  }
0xc7: {  	_ =	task.clear_ibuf [dreg:s7], $0x2FFFF;
	_ =	strace $0x9FFFFFFF  }
0xc8: {  	(tm) =	ssettm $0x7FFFFFFF  }
0xc9: {  	_ =	shalt  }
tec
execute0_lowered:
.L_overlay_start_1:
0x0: {  	(tag) =	ssettag $0x1  }
0x1: {  	s1 =	srdreg.scid;
	s0 =	stileid.u32  }
0x2: {  	s20 =	sand.u32 $0x1, s1;
	s30 =	sshll.u32 s0, $0x1  }
0x3: {  	s5 =	rddreg [dreg:$0x0];
	s12 =	sor.u32 s20, s30  }
0x4: {  	s14 =	rddreg [dreg:$0x1];
	s2 =	simm.s32 $0x0;
	s3 =	sshll.u32 s12, $0x7  }
0x5: {  	s4 =	simm.s32 $0x5;
	[smem:$0x7FF] =	sst s2;
	s3 =	sadd.s32 s3, s5  }
0x6: {  	s1 =	rddreg [dreg:$0x2];
	_ =	strace $0x80000047;
	s3 =	sadd.s32 $0x5E00, s3  }
0x7: {  	[tilespmem:s2], [sflag:$0x5] =	stream.linear.gather [hbm4b:s3+s2], $0x400, $0x38;
	[tilespmem:$0x8400] =	vst v63  }
0x8: {  	_ =	swait.ge [sflag:s4], $0x400  }
0x9: {  	s6 =	simm.s32 $0x80;
	[sflag:s4] =	ssyncset.done $0x0  }
0xa: {  	s7 =	simm.s32 $0x400;
	s5 =	sadd.s32 $0x6E00, s5;
	[sflag:s4] =	ssyncadd.s32 $0xFFFFFC00  }
0xb: {  	[tilespmem:s7], [sflag:$0x1] =	stream.indirect.gather [hbm4b:s5+s6], $0x80, s2, s6, $0xb8;
	[tilespmem:$0x8400] =	vst v63  }
0xc: {  	s8 =	simm.s32 $0x4400;
	s9 =	simm.s32 $0x1  }
0xd: {  	[tilespmem:s8], [sflag:$0x2] =	stream.indirect.gather [hbm4b:s5+s6], $0x80, s6, s6, $0xb8;
	[tilespmem:$0x8400] =	vst v63  }
0xe: {  	s10 =	smul.u32 $0x2800, s12;
	_ =	swait.ge [sflag:s9], $0x4000  }
0xf: {  	[sflag:s9] =	ssyncset.done $0x0  }
0x10: {  	s11 =	sadd.s32 s14, s10;
	s10 =	simm.s32 $0x3;
	[sflag:s9] =	ssyncadd.s32 $0xFFFFC000  }
0x11: {  	[hbm4b:s11+s2] =	stream.linear.scatter [tilespmem:s7], [sflag:$0x3], $0x4000, $0x38;
	[tilespmem:$0x8400] =	vst v63  }
0x12: {  	_ =	swait.ge [sflag:s10], $0x4000  }
0x13: {  	s13 =	simm.s32 $0x2;
	[sflag:s10] =	ssyncset.done $0x0  }
0x14: {  	s15 =	smul.u32 $0x14000, s12;
	s12 =	simm.s32 $0x100;
	[sflag:s10] =	ssyncadd.s32 $0xFFFFC000  }
0x15: {  	[tilespmem:s7], [sflag:$0x1] =	stream.indirect.gather [hbm4b:s5+s6], $0x80, s12, s6, $0xb8;
	[tilespmem:$0x8400] =	vst v63  }
0x16: {  	s15 =	sshrl.u32 s15, $0x3;
	_ =	swait.ge [sflag:s13], $0x4000  }
0x17: {  	s21 =	sadd.s32 s14, s15;
	[sflag:s13] =	ssyncset.done $0x0  }
0x18: {  	s15 =	simm.s32 $0x4;
	s14 =	sadd.s32 $0x800, s21;
	[sflag:s13] =	ssyncadd.s32 $0xFFFFC000  }
0x19: {  	[hbm4b:s14+s2] =	stream.linear.scatter [tilespmem:s8], [sflag:$0x4], $0x4000, $0x38;
	[tilespmem:$0x8400] =	vst v63  }
0x1a: {  	_ =	swait.ge [sflag:s15], $0x4000  }
0x1b: {  	[sflag:s15] =	ssyncset.done $0x0  }
0x1c: {  	s16 =	simm.s32 $0x180;
	[sflag:s15] =	ssyncadd.s32 $0xFFFFC000  }
0x1d: {  	[tilespmem:s8], [sflag:$0x2] =	stream.indirect.gather [hbm4b:s5+s6], $0x80, s16, s6, $0xb8;
	[tilespmem:$0x8400] =	vst v63  }
0x1e: {  	_ =	swait.ge [sflag:s9], $0x4000  }
0x1f: {  	[sflag:s9] =	ssyncset.done $0x0  }
0x20: {  	s17 =	sadd.s32 $0x1000, s21;
	[sflag:s9] =	ssyncadd.s32 $0xFFFFC000  }
0x21: {  	[hbm4b:s17+s2] =	stream.linear.scatter [tilespmem:s7], [sflag:$0x3], $0x4000, $0x38;
	[tilespmem:$0x8400] =	vst v63  }
0x22: {  	_ =	swait.ge [sflag:s10], $0x4000  }
0x23: {  	[sflag:s10] =	ssyncset.done $0x0  }
0x24: {  	s18 =	simm.s32 $0x200;
	[sflag:s10] =	ssyncadd.s32 $0xFFFFC000  }
0x25: {  	[tilespmem:s7], [sflag:$0x1] =	stream.indirect.gather [hbm4b:s5+s6], $0x80, s18, s6, $0xb8;
	[tilespmem:$0x8400] =	vst v63  }
0x26: {  	_ =	swait.ge [sflag:s13], $0x4000  }
0x27: {  	s22 =	ssub.s32 $0x2, s20;
	[sflag:s13] =	ssyncset.done $0x0  }
0x28: {  	s31 =	sshrl.u32 s22, $0x1;
	s19 =	sadd.s32 $0x1800, s21;
	[sflag:s13] =	ssyncadd.s32 $0xFFFFC000  }
0x29: {  	[hbm4b:s19+s2] =	stream.linear.scatter [tilespmem:s8], [sflag:$0x4], $0x4000, $0x38;
	[tilespmem:$0x8400] =	vst v63  }
0x2a: {  	s20 =	sadd.s32 $0x2000, s21;
	s21 =	ssub.s32 s22, s31;
	_ =	swait.ge [sflag:s9], $0x4000  }
0x2b: {  	s21 =	smax.u32 s21, $0x1;
	[sflag:s9] =	ssyncset.done $0x0  }
0x2c: {  	p0 =	sne.s32 s21, $0x1;
	[sflag:s9] =	ssyncadd.s32 $0xFFFFC000  }
0x2d: {  	[hbm4b:s20+s2] =	stream.linear.scatter [tilespmem:s7], [sflag:$0x3], $0x4000, $0x38;
	[tilespmem:$0x8400] =	vst v63  }
.Ltmp0:
0x2e: {  	_ =	swait.ge [sflag:s15], $0x4000;
	(pc) =	sbr.rel @!p0 .LBB2_2-.Ltmp0, $4  }
0x2f: {  	[sflag:s15] =	ssyncset.done $0x0  }
0x30: {  	[sflag:s15] =	ssyncadd.s32 $0xFFFFC000  }
0x31: {  	_ =	swait.ge [sflag:s10], $0x4000  }
0x32: {  	s21 =	sadd.s32 $0xFFFFFFFF, s21;
	[sflag:s10] =	ssyncset.done $0x0  }
.LBB2_1:
0x33: {  	p0 =	sne.s32 s21, $0x1;
	s21 =	sadd.s32 $0xFFFFFFFF, s21;
	[sflag:s10] =	ssyncadd.s32 $0xFFFFC000  }
0x34: {  	[tilespmem:s2], [sflag:$0x5] =	stream.linear.gather [hbm4b:s3+s2], $0x400, $0x38;
	[tilespmem:$0x8400] =	vst v63  }
0x35: {  	_ =	swait.ge [sflag:s4], $0x400  }
0x36: {  	[sflag:s4] =	ssyncset.done $0x0  }
0x37: {  	[sflag:s4] =	ssyncadd.s32 $0xFFFFFC00  }
0x38: {  	[tilespmem:s7], [sflag:$0x1] =	stream.indirect.gather [hbm4b:s5+s6], $0x80, s2, s6, $0xb8;
	[tilespmem:$0x8400] =	vst v63  }
0x39: {  	_ = 	snop  }
0x3a: {  	[tilespmem:s8], [sflag:$0x2] =	stream.indirect.gather [hbm4b:s5+s6], $0x80, s6, s6, $0xb8;
	[tilespmem:$0x8400] =	vst v63  }
0x3b: {  	_ =	swait.ge [sflag:s9], $0x4000  }
0x3c: {  	[sflag:s9] =	ssyncset.done $0x0  }
0x3d: {  	[sflag:s9] =	ssyncadd.s32 $0xFFFFC000  }
0x3e: {  	[hbm4b:s11+s2] =	stream.linear.scatter [tilespmem:s7], [sflag:$0x3], $0x4000, $0x38;
	[tilespmem:$0x8400] =	vst v63  }
0x3f: {  	_ =	swait.ge [sflag:s10], $0x4000  }
0x40: {  	[sflag:s10] =	ssyncset.done $0x0  }
0x41: {  	[sflag:s10] =	ssyncadd.s32 $0xFFFFC000  }
0x42: {  	[tilespmem:s7], [sflag:$0x1] =	stream.indirect.gather [hbm4b:s5+s6], $0x80, s12, s6, $0xb8;
	[tilespmem:$0x8400] =	vst v63  }
0x43: {  	_ =	swait.ge [sflag:s13], $0x4000  }
0x44: {  	[sflag:s13] =	ssyncset.done $0x0  }
0x45: {  	[sflag:s13] =	ssyncadd.s32 $0xFFFFC000  }
0x46: {  	[hbm4b:s14+s2] =	stream.linear.scatter [tilespmem:s8], [sflag:$0x4], $0x4000, $0x38;
	[tilespmem:$0x8400] =	vst v63  }
0x47: {  	_ =	swait.ge [sflag:s15], $0x4000  }
0x48: {  	[sflag:s15] =	ssyncset.done $0x0  }
0x49: {  	[sflag:s15] =	ssyncadd.s32 $0xFFFFC000  }
0x4a: {  	[tilespmem:s8], [sflag:$0x2] =	stream.indirect.gather [hbm4b:s5+s6], $0x80, s16, s6, $0xb8;
	[tilespmem:$0x8400] =	vst v63  }
0x4b: {  	_ =	swait.ge [sflag:s9], $0x4000  }
0x4c: {  	[sflag:s9] =	ssyncset.done $0x0  }
0x4d: {  	[sflag:s9] =	ssyncadd.s32 $0xFFFFC000  }
0x4e: {  	[hbm4b:s17+s2] =	stream.linear.scatter [tilespmem:s7], [sflag:$0x3], $0x4000, $0x38;
	[tilespmem:$0x8400] =	vst v63  }
0x4f: {  	_ =	swait.ge [sflag:s10], $0x4000  }
0x50: {  	[sflag:s10] =	ssyncset.done $0x0  }
0x51: {  	[sflag:s10] =	ssyncadd.s32 $0xFFFFC000  }
0x52: {  	[tilespmem:s7], [sflag:$0x1] =	stream.indirect.gather [hbm4b:s5+s6], $0x80, s18, s6, $0xb8;
	[tilespmem:$0x8400] =	vst v63  }
0x53: {  	_ =	swait.ge [sflag:s13], $0x4000  }
0x54: {  	[sflag:s13] =	ssyncset.done $0x0  }
0x55: {  	[sflag:s13] =	ssyncadd.s32 $0xFFFFC000  }
0x56: {  	[hbm4b:s19+s2] =	stream.linear.scatter [tilespmem:s8], [sflag:$0x4], $0x4000, $0x38;
	[tilespmem:$0x8400] =	vst v63  }
0x57: {  	_ =	swait.ge [sflag:s9], $0x4000  }
0x58: {  	[sflag:s9] =	ssyncset.done $0x0  }
0x59: {  	[sflag:s9] =	ssyncadd.s32 $0xFFFFC000  }
0x5a: {  	[hbm4b:s20+s2] =	stream.linear.scatter [tilespmem:s7], [sflag:$0x3], $0x4000, $0x38;
	[tilespmem:$0x8400] =	vst v63  }
.Ltmp1:
0x5b: {  	_ =	swait.ge [sflag:s15], $0x4000;
	(pc) =	sbr.rel @p0 .LBB2_1-.Ltmp1, $4  }
0x5c: {  	[sflag:s15] =	ssyncset.done $0x0  }
0x5d: {  	[sflag:s15] =	ssyncadd.s32 $0xFFFFC000  }
0x5e: {  	_ =	swait.ge [sflag:s10], $0x4000  }
0x5f: {  	[sflag:s10] =	ssyncset.done $0x0  }
.LBB2_2:
0x60: {  	[sflag:s10] =	ssyncadd.s32 $0xFFFFC000  }
0x61: {  	_ =	sfence.sel $0x180000  }
0x62: {  	[bflag:$0x0] =	sbarrier.arrive $0xFFFF  }
0x63: {  	p0 =	sne.s32 s0, $0x0;
	_ =	strace $0x90000047  }
0x64: {  	s0 =	sadd.s32 @!p0 $0x100000, s1;
	[bflag:$0x2] =	sbarrier.arrive $0xFFFF  }
0x65: {  	[sflag:s0] =	ssyncadd.tile.s32 @!p0 $0x1;
	_ =	shalt  }
.Lfunc_end2:
_tile_overlayer_lowered:
.L_overlay_start_2:
0x66: {  	(tag) =	ssettag $0x2  }
0x67: {  	s0 =	rddreg [dreg:$0x0];
	s2 =	stileid.u32  }
0x68: {  	s1 =	rddreg [dreg:$0x1];
	p0 =	sne.s32 s2, $0x0  }
0x69: {  	s3 =	rddreg [dreg:$0x2];
	[bflag:$0x3] =	sbarrier.arrive $0xFFFF;
	s2 =	simm.s32 @!p0 $0x1C05  }
0x6a: {  	[timem:s3], [sflag:s2] =	dma.local @!p0 [hbm:s0], s1  }
0x6b: {  	s0 =	simm.s32 @!p0 $0x5  }
0x6c: {  	_ =	swait.ge @!p0 [sflag:s0], s1  }
0x6d: {  	s1 =	ssub.s32 @!p0 $0x0, s1;
	[sflag:s0] =	ssyncset.done @!p0 $0x0  }
0x6e: {  	[sflag:s0] =	ssyncadd.s32 @!p0 s1  }
0x6f: {  	[bflag:$0x3] =	sbarrier.arrive $0xFFFF  }
0x70: {  	_ =	shalt  }

// kernel: sc_gather_names_t1.3.cloned.1.call-start
scs
__scs_entry_jumppad:
0x0: {  	(pc) =	sbr.rel $0x88, $3  }
0x1: {  	(tag) =	ssettag $0x0;
	lr =	simm.s32 $0x1  }
0x2: {  	[smem:$0x3F8D] =	sst lr;
	_ =	strace $0xD0000000  }
0x3: {  	_ = 	snop  }
0x4: {  	_ = 	snop  }
0x5: {  	_ = 	snop  }
0x6: {  	_ = 	snop  }
0x7: {  	_ = 	snop  }
__scs_overlays_trampoline_lowered:
0x8: {  	[smem:$0x3F9C] =	sst s0  }
0x9: {  	[smem:$0x3F9D] =	sst s1  }
0xa: {  	[smem:$0x3F9E] =	sst s2  }
0xb: {  	[smem:$0x3F9F] =	sst s3  }
0xc: {  	[smem:$0x3FA0] =	sst s4  }
0xd: {  	[smem:$0x3FA1] =	sst s5  }
0xe: {  	[smem:$0x3FA2] =	sst s6  }
0xf: {  	[smem:$0x3FA3] =	sst s7  }
0x10: {  	[smem:$0x3FA4] =	sst s8  }
0x11: {  	[smem:$0x3FA5] =	sst s9;
	s0 =	simm.s32 @!p0 $0x0  }
0x12: {  	s1 =	sld [smem:$0x3F8B];
	s0 =	simm.s32 @p0 $0x1  }
0x13: {  	[smem:$0x3FA6] =	sst s0;
	s0 =	simm.s32 @!p1 $0x0  }
0x14: {  	s2 =	sld [smem:$0x3F8A];
	s0 =	simm.s32 @p1 $0x1  }
0x15: {  	[smem:$0x3FA7] =	sst s0;
	s0 =	simm.s32 @!p2 $0x0  }
0x16: {  	s3 =	sld [smem:$0x3FDB];
	s0 =	simm.s32 @p2 $0x1  }
0x17: {  	s4 =	simm.s32 $0x1BF5;
	[smem:$0x3FA9] =	sst s0  }
0x18: {  	s0 =	sld [smem:$0x3F8C];
	_ =	swait.ge [sflag:s4], $0x0  }
0x19: {  	s7 =	sld [smem:$0x3F8D]  }
0x1a: {  	s8 =	sadd.s32 $0xFFFFE003, lr  }
0x1b: {  	s9 =	sadd.s32 $0xFFFFFEF7, lr;
	s5 =	simm.s32 $0xFFFFFFFF;
	p2 =	slt.u32 s8, $0xFFFFF086  }
0x1c: {  	p1 =	slt.u32 s9, $0xF7A;
	s5 =	simm.s32 @!p2 $0x0  }
0x1d: {  	s5 =	simm.s32 @p1 $0x1;
	p0 =	seq.s32 s7, s2  }
0x1e: {  	s7 =	smul.u32 @!p0 $0xF7A, s2;
	p2 =	seq.s32 @!p0 s5, $0x0  }
0x1f: {  	s9 =	smul.u32 $0xF7A, s1;
	s8 =	simm.s32 @!p0 $0x1BF5;
	p2 =	por !p2, p0  }
0x20: {  	[sflag:s8] =	ssyncset.s32 @!p0 $0xFFFFF086;
	s6 =	sadd.s32 @!p0 s3, s7;
	s7 =	simm.s32 @!p0 $0x108  }
0x21: {  	s3 =	sadd.s32 s3, s9;
	s6 =	sadd.s32 @!p0 $0x88, s6;
	s7 =	simm.s32 @p2 $0x1082  }
0x22: {  	[simem:s7], [sflag:s8] =	dma.local @!p0 [hbm:s6], $0xF7A  }
0x23: {  	s9 =	sor.u32 $0xD0000000, s2;
	s6 =	simm.s32 $0x108;
	_ =	swait.ge @!p0 [sflag:s8], $0x0  }
0x24: {  	s3 =	sadd.s32 $0x88, s3;
	s6 =	simm.s32 @!p1 $0x1082;
	[sflag:s4] =	ssyncset.s32 $0xFFFFF086  }
0x25: {  	[simem:s6], [sflag:s4] =	dma.local [hbm:s3], $0xF7A  }
0x26: {  	[smem:$0x3F8D] =	sst s1;
	(tag) =	ssettag s2;
	_ =	strace s9  }
0x27: {  	s1 =	sld [smem:$0x3F9D]  }
0x28: {  	s2 =	sld [smem:$0x3F9E]  }
0x29: {  	s4 =	sld [smem:$0x3FA0]  }
0x2a: {  	p0 =	seq.s32 s5, $0x0;
	s5 =	sld [smem:$0x3FA1]  }
0x2b: {  	s6 =	sld [smem:$0x3FA2]  }
0x2c: {  	s7 =	sld [smem:$0x3FA3]  }
0x2d: {  	s3 =	simm.s32 $0x108;
	s8 =	sld [smem:$0x3FA4]  }
0x2e: {  	s3 =	simm.s32 @!p0 $0x1082;
	s9 =	sld [smem:$0x3FA5]  }
0x2f: {  	lr =	sadd.s32 s0, s3;
	s0 =	sld [smem:$0x3F9C]  }
0x30: {  	s3 =	sld [smem:$0x3F9F]  }
0x31: {  	[smem:$0x3FA8] =	sst s10  }
0x32: {  	s10 =	sld [smem:$0x3FA6];
	_ =	sdelay $0x3  }
0x33: {  	p0 =	seq.s32 s10, $0x1;
	s10 =	sld [smem:$0x3FA8];
	_ =	sdelay $0x3  }
0x34: {  	[smem:$0x3FA8] =	sst s10  }
0x35: {  	s10 =	sld [smem:$0x3FA7];
	_ =	sdelay $0x3  }
0x36: {  	p1 =	seq.s32 s10, $0x1;
	s10 =	sld [smem:$0x3FA8];
	_ =	sdelay $0x3  }
0x37: {  	[smem:$0x3FA8] =	sst s10  }
0x38: {  	s10 =	sld [smem:$0x3FA9]  }
0x39: {  	_ = 	snop;
	(pc) =	sbr.ind lr, $3  }
0x3a: {  	_ = 	snop  }
0x3b: {  	_ = 	snop  }
0x3c: {  	p2 =	seq.s32 s10, $0x1;
	s10 =	sld [smem:$0x3FA8]  }
0x3d: {  	_ =	shalt  }
0x3e: {  	_ =	shalt  }
0x3f: {  	_ =	shalt  }
0x40: {  	_ =	shalt  }
0x41: {  	_ =	shalt  }
0x42: {  	_ =	shalt  }
0x43: {  	_ =	shalt  }
0x44: {  	_ =	shalt  }
0x45: {  	_ =	shalt  }
0x46: {  	_ =	shalt  }
0x47: {  	_ =	shalt  }
0x48: {  	_ =	shalt  }
0x49: {  	_ =	shalt  }
0x4a: {  	_ =	shalt  }
0x4b: {  	_ =	shalt  }
0x4c: {  	_ =	shalt  }
0x4d: {  	_ =	shalt  }
0x4e: {  	_ =	shalt  }
0x4f: {  	_ =	shalt  }
0x50: {  	_ =	shalt  }
0x51: {  	_ =	shalt  }
0x52: {  	_ =	shalt  }
0x53: {  	_ =	shalt  }
0x54: {  	_ =	shalt  }
0x55: {  	_ =	shalt  }
0x56: {  	_ =	shalt  }
0x57: {  	_ =	shalt  }
0x58: {  	_ =	shalt  }
0x59: {  	_ =	shalt  }
0x5a: {  	_ =	shalt  }
0x5b: {  	_ =	shalt  }
0x5c: {  	_ =	shalt  }
0x5d: {  	_ =	shalt  }
0x5e: {  	_ =	shalt  }
0x5f: {  	_ =	shalt  }
0x60: {  	_ =	shalt  }
0x61: {  	_ =	shalt  }
0x62: {  	_ =	shalt  }
0x63: {  	_ =	shalt  }
0x64: {  	_ =	shalt  }
0x65: {  	_ =	shalt  }
0x66: {  	_ =	shalt  }
0x67: {  	_ =	shalt  }
0x68: {  	_ =	shalt  }
0x69: {  	_ =	shalt  }
0x6a: {  	_ =	shalt  }
0x6b: {  	_ =	shalt  }
0x6c: {  	_ =	shalt  }
0x6d: {  	_ =	shalt  }
0x6e: {  	_ =	shalt  }
0x6f: {  	_ =	shalt  }
0x70: {  	_ =	shalt  }
0x71: {  	_ =	shalt  }
0x72: {  	_ =	shalt  }
0x73: {  	_ =	shalt  }
0x74: {  	_ =	shalt  }
0x75: {  	_ =	shalt  }
0x76: {  	_ =	shalt  }
0x77: {  	_ =	shalt  }
0x78: {  	_ =	shalt  }
0x79: {  	_ =	shalt  }
0x7a: {  	_ =	shalt  }
0x7b: {  	_ =	shalt  }
0x7c: {  	_ =	shalt  }
0x7d: {  	_ =	shalt  }
0x7e: {  	_ =	shalt  }
0x7f: {  	_ =	shalt  }
0x80: {  	_ =	shalt  }
0x81: {  	_ =	shalt  }
0x82: {  	_ =	shalt  }
0x83: {  	_ =	shalt  }
0x84: {  	_ =	shalt  }
0x85: {  	_ =	shalt  }
0x86: {  	_ =	shalt  }
0x87: {  	_ =	shalt  }
.Lfunc_end0:
.L_simem_size_0:
called_computation.1_lowered:
.L_overlay_start_0:
0x88: {  	s2 =	sld [smem:$0x3FD9]  }
0x89: {  	s3 =	sld [smem:$0x3FFE];
	_ =	sdelay $0x1  }
0x8a: {  	s1 =	srdreg.scid  }
0x8b: {  	s0 =	sand.u32 $0x1, s1  }
0x8c: {  	s17 =	sshll.u32 s0, $0xA;
	s2 =	sadd.s32 s3, s2  }
0x8d: {  	s2 =	sadd.s32 s2, s17  }
0x8e: {  	[smem:$0x3FB4] =	sst s2  }
0x8f: {  	_ = 	snop  }
0x90: {  	(tm) =	ssettm $0x1  }
0x91: {  	s18 =	sld [smem:$0x3FFB];
	_ =	sdelay $0x3  }
0x92: {  	_ =	strace s18  }
0x93: {  	s2 =	sld [smem:$0x3FFC];
	_ =	sdelay $0x3  }
0x94: {  	_ =	strace s2  }
0x95: {  	s2 =	sld [smem:$0x3FFD];
	_ =	sdelay $0x3  }
0x96: {  	_ =	strace s2  }
0x97: {  	_ =	strace $0x8FFFFFFF  }
0x98: {  	s19 =	sld [smem:$0x3FDB];
	_ =	sdelay $0x1  }
0x99: {  	s20 =	simm.s32 $_scs_section_size  }
0x9a: {  	s4 =	simm.s32 $_size__tile_overlayer_lowered;
	s5 =	simm.s32 $_tile_overlayer_lowered  }
0x9b: {  	s6 =	simm.s32 $0x1BFF;
	s21 =	sshll.u32 s5, $0x1;
	s3 =	sadd.s32 s20, s19  }
0x9c: {  	s22 =	simm.s32 $0x0;
	s4 =	sshll.u32 s4, $0x1;
	s5 =	sadd.s32 s21, s3  }
0x9d: {  	[timem:s22], [sflag:s6] =	dma.local [hbm:s5], s4  }
0x9e: {  	_ =	swait.ge [sflag:s6], s4  }
0x9f: {  	s4 =	ssub.s32 $0x0, s4;
	[sflag:s6] =	ssyncset.done $0x0  }
0xa0: {  	[sflag:s6] =	ssyncadd.s32 s4;
	_ =	sdelay $0x1  }
0xa1: {  	s23 =	simm.s32 $0x1B8B  }
0xa2: {  	_ =	swait.ge [sflag:s23], $0x1  }
0xa3: {  	[sflag:s23] =	ssyncset.done $0x0  }
0xa4: {  	[sflag:s23] =	ssyncadd.s32 $0xFFFFFFFF  }
0xa5: {  	s4 =	sld [smem:$0x0]  }
0xa6: {  	s5 =	sand.u32 $0xFFFFFFFE, s1  }
0xa7: {  	p0 =	sne.s32 s1, s5  }
0xa8: {  	s5 =	sshll.u32 @p0 s5, $0xE  }
0xa9: {  	s5 =	sadd.s32 @p0 $0x11B8D, s5;
	s6 =	sshll.u32 @p0 s4, $0x11  }
0xaa: {  	s5 =	sor.u32 @p0 s6, s5  }
0xab: {  	[sflag:s5] =	ssyncadd.remote.s32 @p0 $0x1;
	_ =	sdelay $0x1  }
0xac: {  	s5 =	simm.s32 @p0 $0x1B8D  }
0xad: {  	_ =	swait.eq @p0 [sflag:s5], $0x1  }
0xae: {  	[sflag:s5] =	ssyncadd.s32 @p0 $0xFFFFFFFF  }
0xaf: {  	s6 =	sshll.u32 @!p0 s1, $0xE  }
0xb0: {  	s6 =	sor.u32 @!p0 $0x4000, s6;
	s5 =	simm.s32 @!p0 $0x1B8D  }
0xb1: {  	s4 =	sshll.u32 @!p0 s4, $0x11;
	s6 =	sadd.s32 @!p0 $0x11B8D, s6;
	_ =	swait.eq @!p0 [sflag:s5], $0x1  }
0xb2: {  	s4 =	sor.u32 @!p0 s4, s6;
	[sflag:s5] =	ssyncadd.s32 @!p0 $0xFFFFFFFF  }
0xb3: {  	s25 =	simm.s32 $0x1B8E;
	s24 =	sld [smem:$0x3FFE];
	[sflag:s4] =	ssyncadd.remote.s32 @!p0 $0x1  }
0xb4: {  	s26 =	simm.s32 $execute0_lowered;
	[smem:$0x3FD2] =	sst s25  }
0xb5: {  	s5 =	sshll.u32 s26, $0x1;
	_ =	strace $0x8000004C;
	[dreg:$0x1] =	wrdreg $0xFFFFFFFF  }
0xb6: {  	s28 =	simm.s32 $_size_execute0_lowered;
	s3 =	sadd.s32 s3, s5;
	[dreg:$0x0] =	wrdreg $0x0  }
0xb7: {  	s5 =	sshll.u32 s28, $0x1;
	[dreg:$0x2] =	wrdreg s3  }
0xb8: {  	[dreg:$0x3] =	wrdreg s5  }
0xb9: {  	[dreg:$0x4] =	wrdreg $0xC0  }
0xba: {  	_ =	task [dreg:s22], $0x5FFFF  }
0xbb: {  	[dreg:$0x1] =	wrdreg $0xFFFFFFFF  }
0xbc: {  	[dreg:$0x0] =	wrdreg $0x60  }
0xbd: {  	[dreg:$0x2] =	wrdreg s24  }
0xbe: {  	[dreg:$0x3] =	wrdreg $0x9  }
0xbf: {  	_ =	task.clear_ibuf [dreg:s22], $0x4FFFF;
	_ =	strace $0x9000004C  }
0xc0: {  	s29 =	simm.s32 $0x9;
	_ =	strace $0x8000004E  }
0xc1: {  	_ =	swait.ge [sflag:s29], $0x1  }
0xc2: {  	[sflag:s29] =	ssyncadd.s32 $0xFFFFFFFF  }
0xc3: {  	_ =	strace $0x9000004E  }
0xc4: {  	_ =	sfence  }
0xc5: {  	s30 =	sld [smem:$0x0];
	_ =	sdelay $0x2  }
0xc6: {  	s31 =	sshll.u32 s1, $0xD;
	s1 =	sshrl.u32 s1, $0x2  }
0xc7: {  	s4 =	sand.u32 $0x4000, s31;
	s1 =	sadd.s32 s1, s30  }
0xc8: {  	s0 =	sor.u32 s4, s0;
	s1 =	sshll.u32 s1, $0x11  }
0xc9: {  	s0 =	sor.u32 s1, s0  }
0xca: {  	s0 =	sadd.s32 $0x8F2B, s0  }
0xcb: {  	[sflag:s0] =	ssyncadd.remote.s32 $0x1  }
0xcc: {  	_ =	sfence.sel $0xFFFF  }
0xcd: {  	[dreg:$0x0] =	wrdreg $0xFFFFFFFF;
	(pc) =	sbr.abs _section_cstart, $3  }
0xce: {  	[dreg:$0x1] =	wrdreg $0xFFFFFFFF  }
0xcf: {  	_ =	task.clear_ibuf [dreg:s22], $0x2FFFF;
	_ =	strace $0x9FFFFFFF  }
0xd0: {  	(tm) =	ssettm $0x7FFFFFFF  }
0xd1: {  	_ =	shalt  }
tec
execute0_lowered:
.L_overlay_start_1:
0x0: {  	(tag) =	ssettag $0x1  }
0x1: {  	s1 =	srdreg.scid;
	s0 =	stileid.u32  }
0x2: {  	s20 =	sand.u32 $0x1, s1;
	s30 =	sshll.u32 s0, $0x1  }
0x3: {  	s12 =	sor.u32 s20, s30  }
0x4: {  	s10 =	rddreg [dreg:$0x0];
	s2 =	simm.s32 $0x0;
	s3 =	sshll.u32 s12, $0x7  }
0x5: {  	s4 =	simm.s32 $0x5;
	[smem:$0x7FF] =	sst s2;
	s3 =	sadd.s32 s3, s10  }
0x6: {  	s1 =	rddreg [dreg:$0x1];
	_ =	strace $0x8000004D;
	s3 =	sadd.s32 $0x5E00, s3  }
0x7: {  	[tilespmem:s2], [sflag:$0x5] =	stream.linear.gather [hbm4b:s3+s2], $0x400, $0x38;
	[tilespmem:$0x8400] =	vst v63  }
0x8: {  	_ =	swait.ge [sflag:s4], $0x400  }
0x9: {  	s6 =	simm.s32 $0x80;
	[sflag:s4] =	ssyncset.done $0x0  }
0xa: {  	s7 =	simm.s32 $0x400;
	s5 =	sadd.s32 $0x6E00, s10;
	[sflag:s4] =	ssyncadd.s32 $0xFFFFFC00  }
0xb: {  	[tilespmem:s7], [sflag:$0x1] =	stream.indirect.gather [hbm4b:s5+s6], $0x80, s2, s6, $0xb8;
	[tilespmem:$0x8400] =	vst v63  }
0xc: {  	s8 =	simm.s32 $0x4400;
	s9 =	simm.s32 $0x1  }
0xd: {  	[tilespmem:s8], [sflag:$0x2] =	stream.indirect.gather [hbm4b:s5+s6], $0x80, s6, s6, $0xb8;
	[tilespmem:$0x8400] =	vst v63  }
0xe: {  	s11 =	smul.u32 $0x2800, s12;
	_ =	swait.ge [sflag:s9], $0x4000  }
0xf: {  	s14 =	sadd.s32 $0x14D600, s10;
	[sflag:s9] =	ssyncset.done $0x0  }
0x10: {  	s10 =	simm.s32 $0x3;
	s11 =	sadd.s32 s14, s11;
	[sflag:s9] =	ssyncadd.s32 $0xFFFFC000  }
0x11: {  	[hbm4b:s11+s2] =	stream.linear.scatter [tilespmem:s7], [sflag:$0x3], $0x4000, $0x38;
	[tilespmem:$0x8400] =	vst v63  }
0x12: {  	_ =	swait.ge [sflag:s10], $0x4000  }
0x13: {  	s13 =	simm.s32 $0x2;
	[sflag:s10] =	ssyncset.done $0x0  }
0x14: {  	s15 =	smul.u32 $0x14000, s12;
	s12 =	simm.s32 $0x100;
	[sflag:s10] =	ssyncadd.s32 $0xFFFFC000  }
0x15: {  	[tilespmem:s7], [sflag:$0x1] =	stream.indirect.gather [hbm4b:s5+s6], $0x80, s12, s6, $0xb8;
	[tilespmem:$0x8400] =	vst v63  }
0x16: {  	s15 =	sshrl.u32 s15, $0x3;
	_ =	swait.ge [sflag:s13], $0x4000  }
0x17: {  	s21 =	sadd.s32 s14, s15;
	[sflag:s13] =	ssyncset.done $0x0  }
0x18: {  	s15 =	simm.s32 $0x4;
	s14 =	sadd.s32 $0x800, s21;
	[sflag:s13] =	ssyncadd.s32 $0xFFFFC000  }
0x19: {  	[hbm4b:s14+s2] =	stream.linear.scatter [tilespmem:s8], [sflag:$0x4], $0x4000, $0x38;
	[tilespmem:$0x8400] =	vst v63  }
0x1a: {  	_ =	swait.ge [sflag:s15], $0x4000  }
0x1b: {  	[sflag:s15] =	ssyncset.done $0x0  }
0x1c: {  	s16 =	simm.s32 $0x180;
	[sflag:s15] =	ssyncadd.s32 $0xFFFFC000  }
0x1d: {  	[tilespmem:s8], [sflag:$0x2] =	stream.indirect.gather [hbm4b:s5+s6], $0x80, s16, s6, $0xb8;
	[tilespmem:$0x8400] =	vst v63  }
0x1e: {  	_ =	swait.ge [sflag:s9], $0x4000  }
0x1f: {  	[sflag:s9] =	ssyncset.done $0x0  }
0x20: {  	s17 =	sadd.s32 $0x1000, s21;
	[sflag:s9] =	ssyncadd.s32 $0xFFFFC000  }
0x21: {  	[hbm4b:s17+s2] =	stream.linear.scatter [tilespmem:s7], [sflag:$0x3], $0x4000, $0x38;
	[tilespmem:$0x8400] =	vst v63  }
0x22: {  	_ =	swait.ge [sflag:s10], $0x4000  }
0x23: {  	[sflag:s10] =	ssyncset.done $0x0  }
0x24: {  	s18 =	simm.s32 $0x200;
	[sflag:s10] =	ssyncadd.s32 $0xFFFFC000  }
0x25: {  	[tilespmem:s7], [sflag:$0x1] =	stream.indirect.gather [hbm4b:s5+s6], $0x80, s18, s6, $0xb8;
	[tilespmem:$0x8400] =	vst v63  }
0x26: {  	_ =	swait.ge [sflag:s13], $0x4000  }
0x27: {  	s22 =	ssub.s32 $0x2, s20;
	[sflag:s13] =	ssyncset.done $0x0  }
0x28: {  	s31 =	sshrl.u32 s22, $0x1;
	s19 =	sadd.s32 $0x1800, s21;
	[sflag:s13] =	ssyncadd.s32 $0xFFFFC000  }
0x29: {  	[hbm4b:s19+s2] =	stream.linear.scatter [tilespmem:s8], [sflag:$0x4], $0x4000, $0x38;
	[tilespmem:$0x8400] =	vst v63  }
0x2a: {  	s20 =	sadd.s32 $0x2000, s21;
	s21 =	ssub.s32 s22, s31;
	_ =	swait.ge [sflag:s9], $0x4000  }
0x2b: {  	s21 =	smax.u32 s21, $0x1;
	[sflag:s9] =	ssyncset.done $0x0  }
0x2c: {  	p0 =	sne.s32 s21, $0x1;
	[sflag:s9] =	ssyncadd.s32 $0xFFFFC000  }
0x2d: {  	[hbm4b:s20+s2] =	stream.linear.scatter [tilespmem:s7], [sflag:$0x3], $0x4000, $0x38;
	[tilespmem:$0x8400] =	vst v63  }
.Ltmp0:
0x2e: {  	_ =	swait.ge [sflag:s15], $0x4000;
	(pc) =	sbr.rel @!p0 .LBB2_2-.Ltmp0, $4  }
0x2f: {  	[sflag:s15] =	ssyncset.done $0x0  }
0x30: {  	[sflag:s15] =	ssyncadd.s32 $0xFFFFC000  }
0x31: {  	_ =	swait.ge [sflag:s10], $0x4000  }
0x32: {  	s21 =	sadd.s32 $0xFFFFFFFF, s21;
	[sflag:s10] =	ssyncset.done $0x0  }
.LBB2_1:
0x33: {  	p0 =	sne.s32 s21, $0x1;
	s21 =	sadd.s32 $0xFFFFFFFF, s21;
	[sflag:s10] =	ssyncadd.s32 $0xFFFFC000  }
0x34: {  	[tilespmem:s2], [sflag:$0x5] =	stream.linear.gather [hbm4b:s3+s2], $0x400, $0x38;
	[tilespmem:$0x8400] =	vst v63  }
0x35: {  	_ =	swait.ge [sflag:s4], $0x400  }
0x36: {  	[sflag:s4] =	ssyncset.done $0x0  }
0x37: {  	[sflag:s4] =	ssyncadd.s32 $0xFFFFFC00  }
0x38: {  	[tilespmem:s7], [sflag:$0x1] =	stream.indirect.gather [hbm4b:s5+s6], $0x80, s2, s6, $0xb8;
	[tilespmem:$0x8400] =	vst v63  }
0x39: {  	_ = 	snop  }
0x3a: {  	[tilespmem:s8], [sflag:$0x2] =	stream.indirect.gather [hbm4b:s5+s6], $0x80, s6, s6, $0xb8;
	[tilespmem:$0x8400] =	vst v63  }
0x3b: {  	_ =	swait.ge [sflag:s9], $0x4000  }
0x3c: {  	[sflag:s9] =	ssyncset.done $0x0  }
0x3d: {  	[sflag:s9] =	ssyncadd.s32 $0xFFFFC000  }
0x3e: {  	[hbm4b:s11+s2] =	stream.linear.scatter [tilespmem:s7], [sflag:$0x3], $0x4000, $0x38;
	[tilespmem:$0x8400] =	vst v63  }
0x3f: {  	_ =	swait.ge [sflag:s10], $0x4000  }
0x40: {  	[sflag:s10] =	ssyncset.done $0x0  }
0x41: {  	[sflag:s10] =	ssyncadd.s32 $0xFFFFC000  }
0x42: {  	[tilespmem:s7], [sflag:$0x1] =	stream.indirect.gather [hbm4b:s5+s6], $0x80, s12, s6, $0xb8;
	[tilespmem:$0x8400] =	vst v63  }
0x43: {  	_ =	swait.ge [sflag:s13], $0x4000  }
0x44: {  	[sflag:s13] =	ssyncset.done $0x0  }
0x45: {  	[sflag:s13] =	ssyncadd.s32 $0xFFFFC000  }
0x46: {  	[hbm4b:s14+s2] =	stream.linear.scatter [tilespmem:s8], [sflag:$0x4], $0x4000, $0x38;
	[tilespmem:$0x8400] =	vst v63  }
0x47: {  	_ =	swait.ge [sflag:s15], $0x4000  }
0x48: {  	[sflag:s15] =	ssyncset.done $0x0  }
0x49: {  	[sflag:s15] =	ssyncadd.s32 $0xFFFFC000  }
0x4a: {  	[tilespmem:s8], [sflag:$0x2] =	stream.indirect.gather [hbm4b:s5+s6], $0x80, s16, s6, $0xb8;
	[tilespmem:$0x8400] =	vst v63  }
0x4b: {  	_ =	swait.ge [sflag:s9], $0x4000  }
0x4c: {  	[sflag:s9] =	ssyncset.done $0x0  }
0x4d: {  	[sflag:s9] =	ssyncadd.s32 $0xFFFFC000  }
0x4e: {  	[hbm4b:s17+s2] =	stream.linear.scatter [tilespmem:s7], [sflag:$0x3], $0x4000, $0x38;
	[tilespmem:$0x8400] =	vst v63  }
0x4f: {  	_ =	swait.ge [sflag:s10], $0x4000  }
0x50: {  	[sflag:s10] =	ssyncset.done $0x0  }
0x51: {  	[sflag:s10] =	ssyncadd.s32 $0xFFFFC000  }
0x52: {  	[tilespmem:s7], [sflag:$0x1] =	stream.indirect.gather [hbm4b:s5+s6], $0x80, s18, s6, $0xb8;
	[tilespmem:$0x8400] =	vst v63  }
0x53: {  	_ =	swait.ge [sflag:s13], $0x4000  }
0x54: {  	[sflag:s13] =	ssyncset.done $0x0  }
0x55: {  	[sflag:s13] =	ssyncadd.s32 $0xFFFFC000  }
0x56: {  	[hbm4b:s19+s2] =	stream.linear.scatter [tilespmem:s8], [sflag:$0x4], $0x4000, $0x38;
	[tilespmem:$0x8400] =	vst v63  }
0x57: {  	_ =	swait.ge [sflag:s9], $0x4000  }
0x58: {  	[sflag:s9] =	ssyncset.done $0x0  }
0x59: {  	[sflag:s9] =	ssyncadd.s32 $0xFFFFC000  }
0x5a: {  	[hbm4b:s20+s2] =	stream.linear.scatter [tilespmem:s7], [sflag:$0x3], $0x4000, $0x38;
	[tilespmem:$0x8400] =	vst v63  }
.Ltmp1:
0x5b: {  	_ =	swait.ge [sflag:s15], $0x4000;
	(pc) =	sbr.rel @p0 .LBB2_1-.Ltmp1, $4  }
0x5c: {  	[sflag:s15] =	ssyncset.done $0x0  }
0x5d: {  	[sflag:s15] =	ssyncadd.s32 $0xFFFFC000  }
0x5e: {  	_ =	swait.ge [sflag:s10], $0x4000  }
0x5f: {  	[sflag:s10] =	ssyncset.done $0x0  }
.LBB2_2:
0x60: {  	[sflag:s10] =	ssyncadd.s32 $0xFFFFC000  }
0x61: {  	_ =	sfence.sel $0x180000  }
0x62: {  	[bflag:$0x0] =	sbarrier.arrive $0xFFFF  }
0x63: {  	p0 =	sne.s32 s0, $0x0;
	_ =	strace $0x9000004D  }
0x64: {  	s0 =	sadd.s32 @!p0 $0x100000, s1;
	[bflag:$0x2] =	sbarrier.arrive $0xFFFF  }
0x65: {  	[sflag:s0] =	ssyncadd.tile.s32 @!p0 $0x1;
	_ =	shalt  }
.Lfunc_end2:
_tile_overlayer_lowered:
.L_overlay_start_2:
0x66: {  	(tag) =	ssettag $0x2  }
0x67: {  	s0 =	rddreg [dreg:$0x0];
	s2 =	stileid.u32  }
0x68: {  	s1 =	rddreg [dreg:$0x1];
	p0 =	sne.s32 s2, $0x0  }
0x69: {  	s3 =	rddreg [dreg:$0x2];
	[bflag:$0x3] =	sbarrier.arrive $0xFFFF;
	s2 =	simm.s32 @!p0 $0x1C05  }
0x6a: {  	[timem:s3], [sflag:s2] =	dma.local @!p0 [hbm:s0], s1  }
0x6b: {  	s0 =	simm.s32 @!p0 $0x5  }
0x6c: {  	_ =	swait.ge @!p0 [sflag:s0], s1  }
0x6d: {  	s1 =	ssub.s32 @!p0 $0x0, s1;
	[sflag:s0] =	ssyncset.done @!p0 $0x0  }
0x6e: {  	[sflag:s0] =	ssyncadd.s32 @!p0 s1  }
0x6f: {  	[bflag:$0x3] =	sbarrier.arrive $0xFFFF  }
0x70: {  	_ =	shalt  }

// kernel: sc_scatter_add.4.cloned.1.call-start
scs
__scs_entry_jumppad:
0x0: {  	(pc) =	sbr.rel $0x88, $3  }
0x1: {  	(tag) =	ssettag $0x0;
	lr =	simm.s32 $0x1  }
0x2: {  	[smem:$0x3F8D] =	sst lr;
	_ =	strace $0xD0000000  }
0x3: {  	_ = 	snop  }
0x4: {  	_ = 	snop  }
0x5: {  	_ = 	snop  }
0x6: {  	_ = 	snop  }
0x7: {  	_ = 	snop  }
__scs_overlays_trampoline_lowered:
0x8: {  	[smem:$0x3F9C] =	sst s0  }
0x9: {  	[smem:$0x3F9D] =	sst s1  }
0xa: {  	[smem:$0x3F9E] =	sst s2  }
0xb: {  	[smem:$0x3F9F] =	sst s3  }
0xc: {  	[smem:$0x3FA0] =	sst s4  }
0xd: {  	[smem:$0x3FA1] =	sst s5  }
0xe: {  	[smem:$0x3FA2] =	sst s6  }
0xf: {  	[smem:$0x3FA3] =	sst s7  }
0x10: {  	[smem:$0x3FA4] =	sst s8  }
0x11: {  	[smem:$0x3FA5] =	sst s9;
	s0 =	simm.s32 @!p0 $0x0  }
0x12: {  	s1 =	sld [smem:$0x3F8B];
	s0 =	simm.s32 @p0 $0x1  }
0x13: {  	[smem:$0x3FA6] =	sst s0;
	s0 =	simm.s32 @!p1 $0x0  }
0x14: {  	s2 =	sld [smem:$0x3F8A];
	s0 =	simm.s32 @p1 $0x1  }
0x15: {  	[smem:$0x3FA7] =	sst s0;
	s0 =	simm.s32 @!p2 $0x0  }
0x16: {  	s3 =	sld [smem:$0x3FDB];
	s0 =	simm.s32 @p2 $0x1  }
0x17: {  	s4 =	simm.s32 $0x1BF5;
	[smem:$0x3FA9] =	sst s0  }
0x18: {  	s0 =	sld [smem:$0x3F8C];
	_ =	swait.ge [sflag:s4], $0x0  }
0x19: {  	s7 =	sld [smem:$0x3F8D]  }
0x1a: {  	s8 =	sadd.s32 $0xFFFFE003, lr  }
0x1b: {  	s9 =	sadd.s32 $0xFFFFFEF7, lr;
	s5 =	simm.s32 $0xFFFFFFFF;
	p2 =	slt.u32 s8, $0xFFFFF086  }
0x1c: {  	p1 =	slt.u32 s9, $0xF7A;
	s5 =	simm.s32 @!p2 $0x0  }
0x1d: {  	s5 =	simm.s32 @p1 $0x1;
	p0 =	seq.s32 s7, s2  }
0x1e: {  	s7 =	smul.u32 @!p0 $0xF7A, s2;
	p2 =	seq.s32 @!p0 s5, $0x0  }
0x1f: {  	s9 =	smul.u32 $0xF7A, s1;
	s8 =	simm.s32 @!p0 $0x1BF5;
	p2 =	por !p2, p0  }
0x20: {  	[sflag:s8] =	ssyncset.s32 @!p0 $0xFFFFF086;
	s6 =	sadd.s32 @!p0 s3, s7;
	s7 =	simm.s32 @!p0 $0x108  }
0x21: {  	s3 =	sadd.s32 s3, s9;
	s6 =	sadd.s32 @!p0 $0x88, s6;
	s7 =	simm.s32 @p2 $0x1082  }
0x22: {  	[simem:s7], [sflag:s8] =	dma.local @!p0 [hbm:s6], $0xF7A  }
0x23: {  	s9 =	sor.u32 $0xD0000000, s2;
	s6 =	simm.s32 $0x108;
	_ =	swait.ge @!p0 [sflag:s8], $0x0  }
0x24: {  	s3 =	sadd.s32 $0x88, s3;
	s6 =	simm.s32 @!p1 $0x1082;
	[sflag:s4] =	ssyncset.s32 $0xFFFFF086  }
0x25: {  	[simem:s6], [sflag:s4] =	dma.local [hbm:s3], $0xF7A  }
0x26: {  	[smem:$0x3F8D] =	sst s1;
	(tag) =	ssettag s2;
	_ =	strace s9  }
0x27: {  	s1 =	sld [smem:$0x3F9D]  }
0x28: {  	s2 =	sld [smem:$0x3F9E]  }
0x29: {  	s4 =	sld [smem:$0x3FA0]  }
0x2a: {  	p0 =	seq.s32 s5, $0x0;
	s5 =	sld [smem:$0x3FA1]  }
0x2b: {  	s6 =	sld [smem:$0x3FA2]  }
0x2c: {  	s7 =	sld [smem:$0x3FA3]  }
0x2d: {  	s3 =	simm.s32 $0x108;
	s8 =	sld [smem:$0x3FA4]  }
0x2e: {  	s3 =	simm.s32 @!p0 $0x1082;
	s9 =	sld [smem:$0x3FA5]  }
0x2f: {  	lr =	sadd.s32 s0, s3;
	s0 =	sld [smem:$0x3F9C]  }
0x30: {  	s3 =	sld [smem:$0x3F9F]  }
0x31: {  	[smem:$0x3FA8] =	sst s10  }
0x32: {  	s10 =	sld [smem:$0x3FA6];
	_ =	sdelay $0x3  }
0x33: {  	p0 =	seq.s32 s10, $0x1;
	s10 =	sld [smem:$0x3FA8];
	_ =	sdelay $0x3  }
0x34: {  	[smem:$0x3FA8] =	sst s10  }
0x35: {  	s10 =	sld [smem:$0x3FA7];
	_ =	sdelay $0x3  }
0x36: {  	p1 =	seq.s32 s10, $0x1;
	s10 =	sld [smem:$0x3FA8];
	_ =	sdelay $0x3  }
0x37: {  	[smem:$0x3FA8] =	sst s10  }
0x38: {  	s10 =	sld [smem:$0x3FA9]  }
0x39: {  	_ = 	snop;
	(pc) =	sbr.ind lr, $3  }
0x3a: {  	_ = 	snop  }
0x3b: {  	_ = 	snop  }
0x3c: {  	p2 =	seq.s32 s10, $0x1;
	s10 =	sld [smem:$0x3FA8]  }
0x3d: {  	_ =	shalt  }
0x3e: {  	_ =	shalt  }
0x3f: {  	_ =	shalt  }
0x40: {  	_ =	shalt  }
0x41: {  	_ =	shalt  }
0x42: {  	_ =	shalt  }
0x43: {  	_ =	shalt  }
0x44: {  	_ =	shalt  }
0x45: {  	_ =	shalt  }
0x46: {  	_ =	shalt  }
0x47: {  	_ =	shalt  }
0x48: {  	_ =	shalt  }
0x49: {  	_ =	shalt  }
0x4a: {  	_ =	shalt  }
0x4b: {  	_ =	shalt  }
0x4c: {  	_ =	shalt  }
0x4d: {  	_ =	shalt  }
0x4e: {  	_ =	shalt  }
0x4f: {  	_ =	shalt  }
0x50: {  	_ =	shalt  }
0x51: {  	_ =	shalt  }
0x52: {  	_ =	shalt  }
0x53: {  	_ =	shalt  }
0x54: {  	_ =	shalt  }
0x55: {  	_ =	shalt  }
0x56: {  	_ =	shalt  }
0x57: {  	_ =	shalt  }
0x58: {  	_ =	shalt  }
0x59: {  	_ =	shalt  }
0x5a: {  	_ =	shalt  }
0x5b: {  	_ =	shalt  }
0x5c: {  	_ =	shalt  }
0x5d: {  	_ =	shalt  }
0x5e: {  	_ =	shalt  }
0x5f: {  	_ =	shalt  }
0x60: {  	_ =	shalt  }
0x61: {  	_ =	shalt  }
0x62: {  	_ =	shalt  }
0x63: {  	_ =	shalt  }
0x64: {  	_ =	shalt  }
0x65: {  	_ =	shalt  }
0x66: {  	_ =	shalt  }
0x67: {  	_ =	shalt  }
0x68: {  	_ =	shalt  }
0x69: {  	_ =	shalt  }
0x6a: {  	_ =	shalt  }
0x6b: {  	_ =	shalt  }
0x6c: {  	_ =	shalt  }
0x6d: {  	_ =	shalt  }
0x6e: {  	_ =	shalt  }
0x6f: {  	_ =	shalt  }
0x70: {  	_ =	shalt  }
0x71: {  	_ =	shalt  }
0x72: {  	_ =	shalt  }
0x73: {  	_ =	shalt  }
0x74: {  	_ =	shalt  }
0x75: {  	_ =	shalt  }
0x76: {  	_ =	shalt  }
0x77: {  	_ =	shalt  }
0x78: {  	_ =	shalt  }
0x79: {  	_ =	shalt  }
0x7a: {  	_ =	shalt  }
0x7b: {  	_ =	shalt  }
0x7c: {  	_ =	shalt  }
0x7d: {  	_ =	shalt  }
0x7e: {  	_ =	shalt  }
0x7f: {  	_ =	shalt  }
0x80: {  	_ =	shalt  }
0x81: {  	_ =	shalt  }
0x82: {  	_ =	shalt  }
0x83: {  	_ =	shalt  }
0x84: {  	_ =	shalt  }
0x85: {  	_ =	shalt  }
0x86: {  	_ =	shalt  }
0x87: {  	_ =	shalt  }
.Lfunc_end0:
.L_simem_size_0:
called_computation.3_lowered:
.L_overlay_start_0:
0x88: {  	s2 =	sld [smem:$0x3FD9]  }
0x89: {  	s3 =	sld [smem:$0x3FFE];
	_ =	sdelay $0x1  }
0x8a: {  	s1 =	srdreg.scid  }
0x8b: {  	s0 =	sand.u32 $0x1, s1  }
0x8c: {  	s17 =	sshll.u32 s0, $0xA;
	s2 =	sadd.s32 s3, s2  }
0x8d: {  	s2 =	sadd.s32 s2, s17  }
0x8e: {  	[smem:$0x3FB4] =	sst s2  }
0x8f: {  	_ = 	snop  }
0x90: {  	(tm) =	ssettm $0x1  }
0x91: {  	s18 =	sld [smem:$0x3FFB];
	_ =	sdelay $0x3  }
0x92: {  	_ =	strace s18  }
0x93: {  	s2 =	sld [smem:$0x3FFC];
	_ =	sdelay $0x3  }
0x94: {  	_ =	strace s2  }
0x95: {  	s2 =	sld [smem:$0x3FFD];
	_ =	sdelay $0x3  }
0x96: {  	_ =	strace s2  }
0x97: {  	_ =	strace $0x8FFFFFFF  }
0x98: {  	s19 =	sld [smem:$0x3FDB];
	_ =	sdelay $0x1  }
0x99: {  	s20 =	simm.s32 $_scs_section_size  }
0x9a: {  	s4 =	simm.s32 $_size__tile_overlayer_lowered;
	s5 =	simm.s32 $_tile_overlayer_lowered  }
0x9b: {  	s6 =	simm.s32 $0x1BFF;
	s21 =	sshll.u32 s5, $0x1;
	s3 =	sadd.s32 s20, s19  }
0x9c: {  	s22 =	simm.s32 $0x0;
	s4 =	sshll.u32 s4, $0x1;
	s5 =	sadd.s32 s21, s3  }
0x9d: {  	[timem:s22], [sflag:s6] =	dma.local [hbm:s5], s4  }
0x9e: {  	_ =	swait.ge [sflag:s6], s4  }
0x9f: {  	s4 =	ssub.s32 $0x0, s4;
	[sflag:s6] =	ssyncset.done $0x0  }
0xa0: {  	[sflag:s6] =	ssyncadd.s32 s4;
	_ =	sdelay $0x1  }
0xa1: {  	s23 =	simm.s32 $0x1B8B  }
0xa2: {  	_ =	swait.ge [sflag:s23], $0x1  }
0xa3: {  	[sflag:s23] =	ssyncset.done $0x0  }
0xa4: {  	[sflag:s23] =	ssyncadd.s32 $0xFFFFFFFF  }
0xa5: {  	s4 =	sld [smem:$0x0]  }
0xa6: {  	s5 =	sand.u32 $0xFFFFFFFE, s1  }
0xa7: {  	p0 =	sne.s32 s1, s5  }
0xa8: {  	s5 =	sshll.u32 @p0 s5, $0xE  }
0xa9: {  	s5 =	sadd.s32 @p0 $0x11B8D, s5;
	s6 =	sshll.u32 @p0 s4, $0x11  }
0xaa: {  	s5 =	sor.u32 @p0 s6, s5  }
0xab: {  	[sflag:s5] =	ssyncadd.remote.s32 @p0 $0x1;
	_ =	sdelay $0x1  }
0xac: {  	s5 =	simm.s32 @p0 $0x1B8D  }
0xad: {  	_ =	swait.eq @p0 [sflag:s5], $0x1  }
0xae: {  	[sflag:s5] =	ssyncadd.s32 @p0 $0xFFFFFFFF  }
0xaf: {  	s6 =	sshll.u32 @!p0 s1, $0xE  }
0xb0: {  	s6 =	sor.u32 @!p0 $0x4000, s6;
	s5 =	simm.s32 @!p0 $0x1B8D  }
0xb1: {  	s4 =	sshll.u32 @!p0 s4, $0x11;
	s6 =	sadd.s32 @!p0 $0x11B8D, s6;
	_ =	swait.eq @!p0 [sflag:s5], $0x1  }
0xb2: {  	s4 =	sor.u32 @!p0 s4, s6;
	[sflag:s5] =	ssyncadd.s32 @!p0 $0xFFFFFFFF  }
0xb3: {  	s25 =	simm.s32 $0x1B8E;
	s24 =	sld [smem:$0x3FFE];
	[sflag:s4] =	ssyncadd.remote.s32 @!p0 $0x1  }
0xb4: {  	s26 =	simm.s32 $execute0_lowered;
	[smem:$0x3FD2] =	sst s25  }
0xb5: {  	s5 =	sshll.u32 s26, $0x1;
	_ =	strace $0x8000004F;
	[dreg:$0x1] =	wrdreg $0xFFFFFFFF  }
0xb6: {  	s28 =	simm.s32 $_size_execute0_lowered;
	s3 =	sadd.s32 s3, s5;
	[dreg:$0x0] =	wrdreg $0x0  }
0xb7: {  	s5 =	sshll.u32 s28, $0x1;
	[dreg:$0x2] =	wrdreg s3  }
0xb8: {  	[dreg:$0x3] =	wrdreg s5  }
0xb9: {  	[dreg:$0x4] =	wrdreg $0xC0  }
0xba: {  	_ =	task [dreg:s22], $0x5FFFF  }
0xbb: {  	[dreg:$0x1] =	wrdreg $0xFFFFFFFF  }
0xbc: {  	[dreg:$0x0] =	wrdreg $0x60  }
0xbd: {  	[dreg:$0x2] =	wrdreg s24  }
0xbe: {  	[dreg:$0x3] =	wrdreg $0x40800  }
0xbf: {  	[dreg:$0x4] =	wrdreg $0xA  }
0xc0: {  	_ =	task.clear_ibuf [dreg:s22], $0x5FFFF;
	_ =	strace $0x9000004F  }
0xc1: {  	s29 =	simm.s32 $0xA;
	_ =	strace $0x80000051  }
0xc2: {  	_ =	swait.ge [sflag:s29], $0x1  }
0xc3: {  	[sflag:s29] =	ssyncadd.s32 $0xFFFFFFFF  }
0xc4: {  	_ =	strace $0x90000051  }
0xc5: {  	_ =	sfence  }
0xc6: {  	s30 =	sld [smem:$0x0];
	_ =	sdelay $0x2  }
0xc7: {  	s31 =	sshll.u32 s1, $0xD;
	s1 =	sshrl.u32 s1, $0x2  }
0xc8: {  	s4 =	sand.u32 $0x4000, s31;
	s1 =	sadd.s32 s1, s30  }
0xc9: {  	s0 =	sor.u32 s4, s0;
	s1 =	sshll.u32 s1, $0x11  }
0xca: {  	s0 =	sor.u32 s1, s0  }
0xcb: {  	s0 =	sadd.s32 $0x8F2B, s0  }
0xcc: {  	[sflag:s0] =	ssyncadd.remote.s32 $0x1  }
0xcd: {  	_ =	sfence.sel $0xFFFF  }
0xce: {  	[dreg:$0x0] =	wrdreg $0xFFFFFFFF;
	(pc) =	sbr.abs _section_cstart, $3  }
0xcf: {  	[dreg:$0x1] =	wrdreg $0xFFFFFFFF  }
0xd0: {  	_ =	task.clear_ibuf [dreg:s22], $0x2FFFF;
	_ =	strace $0x9FFFFFFF  }
0xd1: {  	(tm) =	ssettm $0x7FFFFFFF  }
tec
execute0_lowered:
.L_overlay_start_1:
0x0: {  	(tag) =	ssettag $0x1  }
0x1: {  	s13 =	rddreg [dreg:$0x0];
	s11 =	stileid.u32  }
0x2: {  	s1 =	rddreg [dreg:$0x1];
	s3 =	smul.u32 $0x50000, s11  }
0x3: {  	s0 =	rddreg [dreg:$0x2];
	s2 =	simm.s32 $0x0  }
0x4: {  	[smem:$0x7FF] =	sst s2;
	s6 =	sadd.s32 $0x19D600, s13;
	s3 =	sshrl.u32 s3, $0x2  }
0x5: {  	s4 =	sshll.u32 s11, $0x6;
	_ =	strace $0x80000050;
	s3 =	sadd.s32 s3, s1  }
0x6: {  	s4 =	sor.u32 $0x1C01, s4;
	s5 =	sshrl.u32 s3, $0x3;
	s3 =	simm.s32 $0x1  }
0x7: {  	[spmem:s5], [sflag:s4] =	dma.local [hbm:s6], $0x2800  }
0x8: {  	s8 =	sadd.s32 $0x140000, s1;
	_ =	swait.ge [sflag:s3], $0x2800  }
0x9: {  	s7 =	sadd.s32 $0x19FE00, s13;
	p0 =	sne.s32 s11, $0x0;
	[sflag:s3] =	ssyncset.done $0x0  }
0xa: {  	s8 =	sshrl.u32 @!p0 s8, $0x3;
	s9 =	simm.s32 @!p0 $0x1;
	[sflag:s3] =	ssyncadd.s32 $0xFFFFD800  }
0xb: {  	[spmem:s8], [sflag:s4] =	dma.local @!p0 [hbm:s7], $0x80  }
0xc: {  	_ =	swait.ge @!p0 [sflag:s9], $0x80  }
0xd: {  	s10 =	sshll.u32 s11, $0x4;
	[sflag:s9] =	ssyncset.done @!p0 $0x0  }
0xe: {  	s10 =	sadd.s32 s10, s13;
	[sflag:s9] =	ssyncadd.s32 @!p0 $0xFFFFFF80  }
0xf: {  	s10 =	sadd.s32 $0x145400, s10;
	[bflag:$0x0] =	sbarrier.arrive $0xFFFF  }
0x10: {  	[tilespmem:s2], [sflag:$0x1] =	stream.linear.gather [hbm4b:s10+s2], $0x80, $0x38;
	[tilespmem:$0x180C0] =	vst v63  }
0x11: {  	_ =	swait.ge [sflag:s3], $0x80  }
0x12: {  	[sflag:s3] =	ssyncset.done $0x0  }
0x13: {  	[sflag:s3] =	ssyncadd.s32 $0xFFFFFF80  }
0x14: {  	s12 =	srdreg.scid;
	v1 =	vld [tilespmem:$0x70]  }
0x15: {  	s12 =	sand.u32 $0x1, s12;
	v2 =	vld [tilespmem:$0x60]  }
0x16: {  	s14 =	smul.u32 $0x2800, s12;
	v3 =	vld [tilespmem:$0x50]  }
0x17: {  	v4 =	vld [tilespmem:$0x30]  }
0x18: {  	v0 =	vmov s14;
	v5 =	vld [tilespmem:$0x20]  }
0x19: {  	v6 =	vld [tilespmem:$0x10];
	v1 =	vsub.s32 v1, v0  }
0x1a: {  	v7 =	vld [tilespmem:$0x40];
	v2 =	vsub.s32 v2, v0;
	v1 =	vmin.u32 v1, $0x2800  }
0x1b: {  	v8 =	vld [tilespmem:$0x0];
	v3 =	vsub.s32 v3, v0;
	v2 =	vmin.u32 v2, $0x2800;
	[tilespmem:$0x70] =	vst v1  }
0x1c: {  	v3 =	vmin.u32 v3, $0x2800;
	v1 =	vsub.s32 v4, v0;
	[tilespmem:$0x60] =	vst v2  }
0x1d: {  	s17 =	ssub.s32 $0x2, s12;
	v2 =	vsub.s32 v5, v0;
	[tilespmem:$0x50] =	vst v3;
	v1 =	vmin.u32 v1, $0x2800  }
0x1e: {  	s15 =	sshll.u32 s11, $0xB;
	s16 =	smul.u32 $0x280, s11;
	s18 =	sshrl.u32 s17, $0x1;
	v3 =	vsub.s32 v6, v0;
	v2 =	vmin.u32 v2, $0x2800;
	[tilespmem:$0x30] =	vst v1  }
0x1f: {  	s15 =	sadd.s32 s15, s13;
	s31 =	ssub.s32 s17, s18;
	v1 =	vmin.u32 v3, $0x2800;
	[tilespmem:$0x20] =	vst v2;
	v2 =	vsub.s32 v7, v0  }
0x20: {  	s11 =	sadd.s32 $0x145600, s15;
	s14 =	sadd.s32 s16, s14;
	s15 =	smax.u32 s31, $0x1;
	v3 =	vsub.s32 v8, v0;
	[tilespmem:$0x10] =	vst v1;
	v1 =	vmin.u32 v2, $0x2800  }
0x21: {  	s16 =	sshll.u32 s14, $0x4;
	s14 =	sadd.s32 $0xFFFFFFFF, s15;
	v2 =	vmin.u32 v3, $0x2800;
	[tilespmem:$0x40] =	vst v1  }
0x22: {  	s12 =	simm.s32 $0x80;
	p1 =	sne.s32 s14, $0x0;
	[tilespmem:$0x0] =	vst v2  }
0x23: {  	[tilespmem:s12], [sflag:$0x1] =	stream.linear.gather [hbm4b:s11+s2], $0x4000, $0x38;
	[tilespmem:$0x180C0] =	vst v63  }
.Ltmp0:
0x24: {  	_ = 	snop;
	(pc) =	sbr.rel @!p1 .LBB2_2-.Ltmp0, $4  }
0x25: {  	_ =	swait.ge [sflag:s3], $0x4000  }
0x26: {  	s13 =	sadd.s32 s16, s13;
	[sflag:s3] =	ssyncset.done $0x0  }
0x27: {  	s13 =	sadd.s32 $0x1A0000, s13;
	[sflag:s3] =	ssyncadd.s32 $0xFFFFC000  }
0x28: {  	[spmem:s1] =	stream.indirect.scatter.add.f32 [tilespmem:s12], [sflag:$0x1], $0x80, s2, s12, $0xb8;
	[tilespmem:$0x180C0] =	vst v63  }
.LBB2_1:
0x29: {  	s14 =	sadd.s32 $0xFFFFFFFF, s14;
	_ =	swait.ge [sflag:s3], $0x4000  }
0x2a: {  	p1 =	sne.s32 s14, $0x0;
	[sflag:s3] =	ssyncset.done $0x0  }
0x2b: {  	[sflag:s3] =	ssyncadd.s32 $0xFFFFC000  }
0x2c: {  	[bflag:$0x0] =	sbarrier.arrive $0xFFFF  }
0x2d: {  	[hbm:s13], [sflag:s4] =	dma.local [spmem:s5], $0x2800  }
0x2e: {  	_ =	swait.ge [sflag:s3], $0x2800  }
0x2f: {  	[sflag:s3] =	ssyncset.done $0x0  }
0x30: {  	[sflag:s3] =	ssyncadd.s32 $0xFFFFD800;
	_ =	sdelay $0x1  }
0x31: {  	[spmem:s5], [sflag:s4] =	dma.local [hbm:s6], $0x2800  }
0x32: {  	_ =	swait.ge [sflag:s3], $0x2800  }
0x33: {  	[sflag:s3] =	ssyncset.done $0x0  }
0x34: {  	[sflag:s3] =	ssyncadd.s32 $0xFFFFD800  }
0x35: {  	[spmem:s8], [sflag:s4] =	dma.local @!p0 [hbm:s7], $0x80  }
0x36: {  	_ =	swait.ge @!p0 [sflag:s9], $0x80  }
0x37: {  	[sflag:s9] =	ssyncset.done @!p0 $0x0  }
0x38: {  	[sflag:s9] =	ssyncadd.s32 @!p0 $0xFFFFFF80  }
0x39: {  	[bflag:$0x0] =	sbarrier.arrive $0xFFFF  }
0x3a: {  	[tilespmem:s2], [sflag:$0x1] =	stream.linear.gather [hbm4b:s10+s2], $0x80, $0x38;
	[tilespmem:$0x180C0] =	vst v63  }
0x3b: {  	_ =	swait.ge [sflag:s3], $0x80  }
0x3c: {  	[sflag:s3] =	ssyncset.done $0x0  }
0x3d: {  	[sflag:s3] =	ssyncadd.s32 $0xFFFFFF80  }
0x3e: {  	v1 =	vld [tilespmem:$0x70]  }
0x3f: {  	v2 =	vld [tilespmem:$0x60]  }
0x40: {  	v3 =	vld [tilespmem:$0x50]  }
0x41: {  	v4 =	vld [tilespmem:$0x30]  }
0x42: {  	v5 =	vld [tilespmem:$0x20]  }
0x43: {  	v6 =	vld [tilespmem:$0x10];
	v1 =	vsub.s32 v1, v0  }
0x44: {  	v7 =	vld [tilespmem:$0x40];
	v2 =	vsub.s32 v2, v0;
	v1 =	vmin.u32 v1, $0x2800  }
0x45: {  	v8 =	vld [tilespmem:$0x0];
	v3 =	vsub.s32 v3, v0;
	v2 =	vmin.u32 v2, $0x2800;
	[tilespmem:$0x70] =	vst v1  }
0x46: {  	v1 =	vsub.s32 v4, v0;
	v3 =	vmin.u32 v3, $0x2800;
	[tilespmem:$0x60] =	vst v2  }
0x47: {  	v2 =	vsub.s32 v5, v0;
	v1 =	vmin.u32 v1, $0x2800;
	[tilespmem:$0x50] =	vst v3  }
0x48: {  	v3 =	vsub.s32 v6, v0;
	v2 =	vmin.u32 v2, $0x2800;
	[tilespmem:$0x30] =	vst v1  }
0x49: {  	v1 =	vmin.u32 v3, $0x2800;
	[tilespmem:$0x20] =	vst v2;
	v2 =	vsub.s32 v7, v0  }
0x4a: {  	v3 =	vsub.s32 v8, v0;
	[tilespmem:$0x10] =	vst v1;
	v1 =	vmin.u32 v2, $0x2800  }
0x4b: {  	v2 =	vmin.u32 v3, $0x2800;
	[tilespmem:$0x40] =	vst v1  }
0x4c: {  	[tilespmem:$0x0] =	vst v2  }
0x4d: {  	[tilespmem:s12], [sflag:$0x1] =	stream.linear.gather [hbm4b:s11+s2], $0x4000, $0x38;
	[tilespmem:$0x180C0] =	vst v63  }
.Ltmp1:
0x4e: {  	_ = 	snop;
	(pc) =	sbr.rel @p1 .LBB2_1-.Ltmp1, $4  }
0x4f: {  	_ =	swait.ge [sflag:s3], $0x4000  }
0x50: {  	[sflag:s3] =	ssyncset.done $0x0  }
0x51: {  	[sflag:s3] =	ssyncadd.s32 $0xFFFFC000  }
0x52: {  	[spmem:s1] =	stream.indirect.scatter.add.f32 [tilespmem:s12], [sflag:$0x1], $0x80, s2, s12, $0xb8;
	[tilespmem:$0x180C0] =	vst v63  }
.LBB2_2:
0x53: {  	_ =	swait.ge [sflag:s3], $0x4000  }
0x54: {  	[sflag:s3] =	ssyncset.done $0x0  }
0x55: {  	[sflag:s3] =	ssyncadd.s32 $0xFFFFC000  }
0x56: {  	[bflag:$0x0] =	sbarrier.arrive $0xFFFF  }
0x57: {  	[hbm:s13], [sflag:s4] =	dma.local [spmem:s5], $0x2800  }
0x58: {  	_ =	swait.ge [sflag:s3], $0x2800  }
0x59: {  	[sflag:s3] =	ssyncset.done $0x0  }
0x5a: {  	[sflag:s3] =	ssyncadd.s32 $0xFFFFD800  }
0x5b: {  	_ =	sfence.sel $0x180000  }
0x5c: {  	[bflag:$0x0] =	sbarrier.arrive $0xFFFF  }
0x5d: {  	_ =	strace $0x90000050  }
0x5e: {  	s0 =	sadd.s32 @!p0 $0x100000, s0;
	[bflag:$0x2] =	sbarrier.arrive $0xFFFF  }
0x5f: {  	[sflag:s0] =	ssyncadd.tile.s32 @!p0 $0x1;
	_ =	shalt  }
.Lfunc_end2:
_tile_overlayer_lowered:
.L_overlay_start_2:
0x60: {  	(tag) =	ssettag $0x2  }
0x61: {  	s0 =	rddreg [dreg:$0x0];
	s2 =	stileid.u32  }
0x62: {  	s1 =	rddreg [dreg:$0x1];
	p0 =	sne.s32 s2, $0x0  }
0x63: {  	s3 =	rddreg [dreg:$0x2];
	[bflag:$0x3] =	sbarrier.arrive $0xFFFF;
	s2 =	simm.s32 @!p0 $0x1C01  }
0x64: {  	[timem:s3], [sflag:s2] =	dma.local @!p0 [hbm:s0], s1  }
0x65: {  	s0 =	simm.s32 @!p0 $0x1  }
0x66: {  	_ =	swait.ge @!p0 [sflag:s0], s1  }
0x67: {  	s1 =	ssub.s32 @!p0 $0x0, s1;
	[sflag:s0] =	ssyncset.done @!p0 $0x0  }
0x68: {  	[sflag:s0] =	ssyncadd.s32 @!p0 s1  }
0x69: {  	[bflag:$0x3] =	sbarrier.arrive $0xFFFF  }
0x6a: {  	_ =	shalt  }

// kernel: sc_scatter_add.7.cloned.1.call-start
scs
__scs_entry_jumppad:
0x0: {  	(pc) =	sbr.rel $0x88, $3  }
0x1: {  	(tag) =	ssettag $0x0;
	lr =	simm.s32 $0x1  }
0x2: {  	[smem:$0x3F8D] =	sst lr;
	_ =	strace $0xD0000000  }
0x3: {  	_ = 	snop  }
0x4: {  	_ = 	snop  }
0x5: {  	_ = 	snop  }
0x6: {  	_ = 	snop  }
0x7: {  	_ = 	snop  }
__scs_overlays_trampoline_lowered:
0x8: {  	[smem:$0x3F9C] =	sst s0  }
0x9: {  	[smem:$0x3F9D] =	sst s1  }
0xa: {  	[smem:$0x3F9E] =	sst s2  }
0xb: {  	[smem:$0x3F9F] =	sst s3  }
0xc: {  	[smem:$0x3FA0] =	sst s4  }
0xd: {  	[smem:$0x3FA1] =	sst s5  }
0xe: {  	[smem:$0x3FA2] =	sst s6  }
0xf: {  	[smem:$0x3FA3] =	sst s7  }
0x10: {  	[smem:$0x3FA4] =	sst s8  }
0x11: {  	[smem:$0x3FA5] =	sst s9;
	s0 =	simm.s32 @!p0 $0x0  }
0x12: {  	s1 =	sld [smem:$0x3F8B];
	s0 =	simm.s32 @p0 $0x1  }
0x13: {  	[smem:$0x3FA6] =	sst s0;
	s0 =	simm.s32 @!p1 $0x0  }
0x14: {  	s2 =	sld [smem:$0x3F8A];
	s0 =	simm.s32 @p1 $0x1  }
0x15: {  	[smem:$0x3FA7] =	sst s0;
	s0 =	simm.s32 @!p2 $0x0  }
0x16: {  	s3 =	sld [smem:$0x3FDB];
	s0 =	simm.s32 @p2 $0x1  }
0x17: {  	s4 =	simm.s32 $0x1BF5;
	[smem:$0x3FA9] =	sst s0  }
0x18: {  	s0 =	sld [smem:$0x3F8C];
	_ =	swait.ge [sflag:s4], $0x0  }
0x19: {  	s7 =	sld [smem:$0x3F8D]  }
0x1a: {  	s8 =	sadd.s32 $0xFFFFE003, lr  }
0x1b: {  	s9 =	sadd.s32 $0xFFFFFEF7, lr;
	s5 =	simm.s32 $0xFFFFFFFF;
	p2 =	slt.u32 s8, $0xFFFFF086  }
0x1c: {  	p1 =	slt.u32 s9, $0xF7A;
	s5 =	simm.s32 @!p2 $0x0  }
0x1d: {  	s5 =	simm.s32 @p1 $0x1;
	p0 =	seq.s32 s7, s2  }
0x1e: {  	s7 =	smul.u32 @!p0 $0xF7A, s2;
	p2 =	seq.s32 @!p0 s5, $0x0  }
0x1f: {  	s9 =	smul.u32 $0xF7A, s1;
	s8 =	simm.s32 @!p0 $0x1BF5;
	p2 =	por !p2, p0  }
0x20: {  	[sflag:s8] =	ssyncset.s32 @!p0 $0xFFFFF086;
	s6 =	sadd.s32 @!p0 s3, s7;
	s7 =	simm.s32 @!p0 $0x108  }
0x21: {  	s3 =	sadd.s32 s3, s9;
	s6 =	sadd.s32 @!p0 $0x88, s6;
	s7 =	simm.s32 @p2 $0x1082  }
0x22: {  	[simem:s7], [sflag:s8] =	dma.local @!p0 [hbm:s6], $0xF7A  }
0x23: {  	s9 =	sor.u32 $0xD0000000, s2;
	s6 =	simm.s32 $0x108;
	_ =	swait.ge @!p0 [sflag:s8], $0x0  }
0x24: {  	s3 =	sadd.s32 $0x88, s3;
	s6 =	simm.s32 @!p1 $0x1082;
	[sflag:s4] =	ssyncset.s32 $0xFFFFF086  }
0x25: {  	[simem:s6], [sflag:s4] =	dma.local [hbm:s3], $0xF7A  }
0x26: {  	[smem:$0x3F8D] =	sst s1;
	(tag) =	ssettag s2;
	_ =	strace s9  }
0x27: {  	s1 =	sld [smem:$0x3F9D]  }
0x28: {  	s2 =	sld [smem:$0x3F9E]  }
0x29: {  	s4 =	sld [smem:$0x3FA0]  }
0x2a: {  	p0 =	seq.s32 s5, $0x0;
	s5 =	sld [smem:$0x3FA1]  }
0x2b: {  	s6 =	sld [smem:$0x3FA2]  }
0x2c: {  	s7 =	sld [smem:$0x3FA3]  }
0x2d: {  	s3 =	simm.s32 $0x108;
	s8 =	sld [smem:$0x3FA4]  }
0x2e: {  	s3 =	simm.s32 @!p0 $0x1082;
	s9 =	sld [smem:$0x3FA5]  }
0x2f: {  	lr =	sadd.s32 s0, s3;
	s0 =	sld [smem:$0x3F9C]  }
0x30: {  	s3 =	sld [smem:$0x3F9F]  }
0x31: {  	[smem:$0x3FA8] =	sst s10  }
0x32: {  	s10 =	sld [smem:$0x3FA6];
	_ =	sdelay $0x3  }
0x33: {  	p0 =	seq.s32 s10, $0x1;
	s10 =	sld [smem:$0x3FA8];
	_ =	sdelay $0x3  }
0x34: {  	[smem:$0x3FA8] =	sst s10  }
0x35: {  	s10 =	sld [smem:$0x3FA7];
	_ =	sdelay $0x3  }
0x36: {  	p1 =	seq.s32 s10, $0x1;
	s10 =	sld [smem:$0x3FA8];
	_ =	sdelay $0x3  }
0x37: {  	[smem:$0x3FA8] =	sst s10  }
0x38: {  	s10 =	sld [smem:$0x3FA9]  }
0x39: {  	_ = 	snop;
	(pc) =	sbr.ind lr, $3  }
0x3a: {  	_ = 	snop  }
0x3b: {  	_ = 	snop  }
0x3c: {  	p2 =	seq.s32 s10, $0x1;
	s10 =	sld [smem:$0x3FA8]  }
0x3d: {  	_ =	shalt  }
0x3e: {  	_ =	shalt  }
0x3f: {  	_ =	shalt  }
0x40: {  	_ =	shalt  }
0x41: {  	_ =	shalt  }
0x42: {  	_ =	shalt  }
0x43: {  	_ =	shalt  }
0x44: {  	_ =	shalt  }
0x45: {  	_ =	shalt  }
0x46: {  	_ =	shalt  }
0x47: {  	_ =	shalt  }
0x48: {  	_ =	shalt  }
0x49: {  	_ =	shalt  }
0x4a: {  	_ =	shalt  }
0x4b: {  	_ =	shalt  }
0x4c: {  	_ =	shalt  }
0x4d: {  	_ =	shalt  }
0x4e: {  	_ =	shalt  }
0x4f: {  	_ =	shalt  }
0x50: {  	_ =	shalt  }
0x51: {  	_ =	shalt  }
0x52: {  	_ =	shalt  }
0x53: {  	_ =	shalt  }
0x54: {  	_ =	shalt  }
0x55: {  	_ =	shalt  }
0x56: {  	_ =	shalt  }
0x57: {  	_ =	shalt  }
0x58: {  	_ =	shalt  }
0x59: {  	_ =	shalt  }
0x5a: {  	_ =	shalt  }
0x5b: {  	_ =	shalt  }
0x5c: {  	_ =	shalt  }
0x5d: {  	_ =	shalt  }
0x5e: {  	_ =	shalt  }
0x5f: {  	_ =	shalt  }
0x60: {  	_ =	shalt  }
0x61: {  	_ =	shalt  }
0x62: {  	_ =	shalt  }
0x63: {  	_ =	shalt  }
0x64: {  	_ =	shalt  }
0x65: {  	_ =	shalt  }
0x66: {  	_ =	shalt  }
0x67: {  	_ =	shalt  }
0x68: {  	_ =	shalt  }
0x69: {  	_ =	shalt  }
0x6a: {  	_ =	shalt  }
0x6b: {  	_ =	shalt  }
0x6c: {  	_ =	shalt  }
0x6d: {  	_ =	shalt  }
0x6e: {  	_ =	shalt  }
0x6f: {  	_ =	shalt  }
0x70: {  	_ =	shalt  }
0x71: {  	_ =	shalt  }
0x72: {  	_ =	shalt  }
0x73: {  	_ =	shalt  }
0x74: {  	_ =	shalt  }
0x75: {  	_ =	shalt  }
0x76: {  	_ =	shalt  }
0x77: {  	_ =	shalt  }
0x78: {  	_ =	shalt  }
0x79: {  	_ =	shalt  }
0x7a: {  	_ =	shalt  }
0x7b: {  	_ =	shalt  }
0x7c: {  	_ =	shalt  }
0x7d: {  	_ =	shalt  }
0x7e: {  	_ =	shalt  }
0x7f: {  	_ =	shalt  }
0x80: {  	_ =	shalt  }
0x81: {  	_ =	shalt  }
0x82: {  	_ =	shalt  }
0x83: {  	_ =	shalt  }
0x84: {  	_ =	shalt  }
0x85: {  	_ =	shalt  }
0x86: {  	_ =	shalt  }
0x87: {  	_ =	shalt  }
.Lfunc_end0:
.L_simem_size_0:
called_computation.5_lowered:
.L_overlay_start_0:
0x88: {  	s2 =	sld [smem:$0x3FD9]  }
0x89: {  	s3 =	sld [smem:$0x3FFE];
	_ =	sdelay $0x1  }
0x8a: {  	s1 =	srdreg.scid  }
0x8b: {  	s0 =	sand.u32 $0x1, s1  }
0x8c: {  	s16 =	sshll.u32 s0, $0xA;
	s2 =	sadd.s32 s3, s2  }
0x8d: {  	s2 =	sadd.s32 s2, s16  }
0x8e: {  	[smem:$0x3FB4] =	sst s2  }
0x8f: {  	_ = 	snop  }
0x90: {  	(tm) =	ssettm $0x1  }
0x91: {  	s17 =	sld [smem:$0x3FFB];
	_ =	sdelay $0x3  }
0x92: {  	_ =	strace s17  }
0x93: {  	s2 =	sld [smem:$0x3FFC];
	_ =	sdelay $0x3  }
0x94: {  	_ =	strace s2  }
0x95: {  	s2 =	sld [smem:$0x3FFD];
	_ =	sdelay $0x3  }
0x96: {  	_ =	strace s2  }
0x97: {  	_ =	strace $0x8FFFFFFF  }
0x98: {  	s18 =	sld [smem:$0x3FDB];
	_ =	sdelay $0x1  }
0x99: {  	s19 =	simm.s32 $_scs_section_size  }
0x9a: {  	s4 =	simm.s32 $_size__tile_overlayer_lowered;
	s5 =	simm.s32 $_tile_overlayer_lowered  }
0x9b: {  	s22 =	simm.s32 $0x1BFF;
	s21 =	sshll.u32 s5, $0x1;
	s2 =	sadd.s32 s19, s18  }
0x9c: {  	s6 =	simm.s32 $0x0;
	s20 =	sshll.u32 s4, $0x1;
	s4 =	sadd.s32 s21, s2  }
0x9d: {  	[timem:s6], [sflag:s22] =	dma.local [hbm:s4], s20  }
0x9e: {  	_ =	swait.ge [sflag:s22], s20  }
0x9f: {  	s3 =	ssub.s32 $0x0, s20;
	[sflag:s22] =	ssyncset.done $0x0  }
0xa0: {  	[sflag:s22] =	ssyncadd.s32 s3;
	_ =	sdelay $0x1  }
0xa1: {  	s23 =	simm.s32 $0x1B8B  }
0xa2: {  	_ =	swait.ge [sflag:s23], $0x1  }
0xa3: {  	[sflag:s23] =	ssyncset.done $0x0  }
0xa4: {  	s25 =	simm.s32 $0x1B8E;
	s24 =	sld [smem:$0x3FFE];
	[sflag:s23] =	ssyncadd.s32 $0xFFFFFFFF  }
0xa5: {  	s26 =	simm.s32 $execute0_lowered;
	[smem:$0x3FD2] =	sst s25  }
0xa6: {  	s4 =	sshll.u32 s26, $0x1;
	_ =	strace $0x80000055;
	[dreg:$0x1] =	wrdreg $0xFFFFFFFF  }
0xa7: {  	s28 =	simm.s32 $_size_execute0_lowered;
	s2 =	sadd.s32 s2, s4;
	[dreg:$0x0] =	wrdreg $0x0  }
0xa8: {  	s4 =	sshll.u32 s28, $0x1;
	[dreg:$0x2] =	wrdreg s2  }
0xa9: {  	[dreg:$0x3] =	wrdreg s4  }
0xaa: {  	[dreg:$0x4] =	wrdreg $0xC0  }
0xab: {  	_ =	task [dreg:s6], $0x5FFFF  }
0xac: {  	[dreg:$0x1] =	wrdreg $0xFFFFFFFF  }
0xad: {  	[dreg:$0x0] =	wrdreg $0x60  }
0xae: {  	[dreg:$0x2] =	wrdreg s24  }
0xaf: {  	[dreg:$0x3] =	wrdreg $0x40800  }
0xb0: {  	[dreg:$0x4] =	wrdreg $0x9  }
0xb1: {  	_ =	task.clear_ibuf [dreg:s6], $0x5FFFF;
	_ =	strace $0x90000055  }
0xb2: {  	s29 =	simm.s32 $0x9;
	_ =	strace $0x80000057  }
0xb3: {  	_ =	swait.ge [sflag:s29], $0x1  }
0xb4: {  	[sflag:s29] =	ssyncadd.s32 $0xFFFFFFFF  }
0xb5: {  	_ =	strace $0x90000057  }
0xb6: {  	_ =	sfence  }
0xb7: {  	s30 =	sld [smem:$0x0];
	_ =	sdelay $0x2  }
0xb8: {  	s31 =	sshll.u32 s1, $0xD;
	s1 =	sshrl.u32 s1, $0x2  }
0xb9: {  	s3 =	sand.u32 $0x4000, s31;
	s1 =	sadd.s32 s1, s30  }
0xba: {  	s0 =	sor.u32 s3, s0;
	s1 =	sshll.u32 s1, $0x11  }
0xbb: {  	s0 =	sor.u32 s1, s0  }
0xbc: {  	s0 =	sadd.s32 $0x8F2B, s0  }
0xbd: {  	[sflag:s0] =	ssyncadd.remote.s32 $0x1  }
0xbe: {  	_ =	sfence.sel $0xFFFF  }
0xbf: {  	[dreg:$0x0] =	wrdreg $0xFFFFFFFF;
	(pc) =	sbr.abs _section_cstart, $3  }
0xc0: {  	[dreg:$0x1] =	wrdreg $0xFFFFFFFF  }
0xc1: {  	_ =	task.clear_ibuf [dreg:s6], $0x2FFFF;
	_ =	strace $0x9FFFFFFF  }
0xc2: {  	(tm) =	ssettm $0x7FFFFFFF  }
0xc3: {  	_ =	shalt  }
tec
execute0_lowered:
.L_overlay_start_1:
0x0: {  	(tag) =	ssettag $0x1  }
0x1: {  	s13 =	rddreg [dreg:$0x0];
	s11 =	stileid.u32  }
0x2: {  	s1 =	rddreg [dreg:$0x1];
	s3 =	smul.u32 $0x50000, s11  }
0x3: {  	s0 =	rddreg [dreg:$0x2];
	s2 =	simm.s32 $0x0  }
0x4: {  	[smem:$0x7FF] =	sst s2;
	s6 =	sadd.s32 $0x19D600, s13;
	s3 =	sshrl.u32 s3, $0x2  }
0x5: {  	s4 =	sshll.u32 s11, $0x6;
	_ =	strace $0x80000056;
	s3 =	sadd.s32 s3, s1  }
0x6: {  	s4 =	sor.u32 $0x1C01, s4;
	s5 =	sshrl.u32 s3, $0x3;
	s3 =	simm.s32 $0x1  }
0x7: {  	[spmem:s5], [sflag:s4] =	dma.local [hbm:s6], $0x2800  }
0x8: {  	s8 =	sadd.s32 $0x140000, s1;
	_ =	swait.ge [sflag:s3], $0x2800  }
0x9: {  	s7 =	sadd.s32 $0x19FE00, s13;
	p0 =	sne.s32 s11, $0x0;
	[sflag:s3] =	ssyncset.done $0x0  }
0xa: {  	s8 =	sshrl.u32 @!p0 s8, $0x3;
	s9 =	simm.s32 @!p0 $0x1;
	[sflag:s3] =	ssyncadd.s32 $0xFFFFD800  }
0xb: {  	[spmem:s8], [sflag:s4] =	dma.local @!p0 [hbm:s7], $0x80  }
0xc: {  	_ =	swait.ge @!p0 [sflag:s9], $0x80  }
0xd: {  	s10 =	sshll.u32 s11, $0x4;
	[sflag:s9] =	ssyncset.done @!p0 $0x0  }
0xe: {  	s10 =	sadd.s32 s10, s13;
	[sflag:s9] =	ssyncadd.s32 @!p0 $0xFFFFFF80  }
0xf: {  	s10 =	sadd.s32 $0x1F0000, s10;
	[bflag:$0x0] =	sbarrier.arrive $0xFFFF  }
0x10: {  	[tilespmem:s2], [sflag:$0x1] =	stream.linear.gather [hbm4b:s10+s2], $0x80, $0x38;
	[tilespmem:$0x180C0] =	vst v63  }
0x11: {  	_ =	swait.ge [sflag:s3], $0x80  }
0x12: {  	[sflag:s3] =	ssyncset.done $0x0  }
0x13: {  	[sflag:s3] =	ssyncadd.s32 $0xFFFFFF80  }
0x14: {  	s12 =	srdreg.scid;
	v1 =	vld [tilespmem:$0x70]  }
0x15: {  	s12 =	sand.u32 $0x1, s12;
	v2 =	vld [tilespmem:$0x60]  }
0x16: {  	s14 =	smul.u32 $0x2800, s12;
	v3 =	vld [tilespmem:$0x50]  }
0x17: {  	v4 =	vld [tilespmem:$0x30]  }
0x18: {  	v0 =	vmov s14;
	v5 =	vld [tilespmem:$0x20]  }
0x19: {  	v6 =	vld [tilespmem:$0x10];
	v1 =	vsub.s32 v1, v0  }
0x1a: {  	v7 =	vld [tilespmem:$0x40];
	v2 =	vsub.s32 v2, v0;
	v1 =	vmin.u32 v1, $0x2800  }
0x1b: {  	v8 =	vld [tilespmem:$0x0];
	v3 =	vsub.s32 v3, v0;
	v2 =	vmin.u32 v2, $0x2800;
	[tilespmem:$0x70] =	vst v1  }
0x1c: {  	v3 =	vmin.u32 v3, $0x2800;
	v1 =	vsub.s32 v4, v0;
	[tilespmem:$0x60] =	vst v2  }
0x1d: {  	s17 =	ssub.s32 $0x2, s12;
	v2 =	vsub.s32 v5, v0;
	[tilespmem:$0x50] =	vst v3;
	v1 =	vmin.u32 v1, $0x2800  }
0x1e: {  	s15 =	sshll.u32 s11, $0xB;
	s16 =	smul.u32 $0x280, s11;
	s18 =	sshrl.u32 s17, $0x1;
	v3 =	vsub.s32 v6, v0;
	v2 =	vmin.u32 v2, $0x2800;
	[tilespmem:$0x30] =	vst v1  }
0x1f: {  	s15 =	sadd.s32 s15, s13;
	s31 =	ssub.s32 s17, s18;
	v1 =	vmin.u32 v3, $0x2800;
	[tilespmem:$0x20] =	vst v2;
	v2 =	vsub.s32 v7, v0  }
0x20: {  	s11 =	sadd.s32 $0x1A0000, s15;
	s14 =	sadd.s32 s16, s14;
	s15 =	smax.u32 s31, $0x1;
	v3 =	vsub.s32 v8, v0;
	[tilespmem:$0x10] =	vst v1;
	v1 =	vmin.u32 v2, $0x2800  }
0x21: {  	s16 =	sshll.u32 s14, $0x4;
	s14 =	sadd.s32 $0xFFFFFFFF, s15;
	v2 =	vmin.u32 v3, $0x2800;
	[tilespmem:$0x40] =	vst v1  }
0x22: {  	s12 =	simm.s32 $0x80;
	p1 =	sne.s32 s14, $0x0;
	[tilespmem:$0x0] =	vst v2  }
0x23: {  	[tilespmem:s12], [sflag:$0x1] =	stream.linear.gather [hbm4b:s11+s2], $0x4000, $0x38;
	[tilespmem:$0x180C0] =	vst v63  }
.Ltmp0:
0x24: {  	_ = 	snop;
	(pc) =	sbr.rel @!p1 .LBB2_2-.Ltmp0, $4  }
0x25: {  	_ =	swait.ge [sflag:s3], $0x4000  }
0x26: {  	s13 =	sadd.s32 s16, s13;
	[sflag:s3] =	ssyncset.done $0x0  }
0x27: {  	s13 =	sadd.s32 $0x145200, s13;
	[sflag:s3] =	ssyncadd.s32 $0xFFFFC000  }
0x28: {  	[spmem:s1] =	stream.indirect.scatter.add.f32 [tilespmem:s12], [sflag:$0x1], $0x80, s2, s12, $0xb8;
	[tilespmem:$0x180C0] =	vst v63  }
.LBB2_1:
0x29: {  	s14 =	sadd.s32 $0xFFFFFFFF, s14;
	_ =	swait.ge [sflag:s3], $0x4000  }
0x2a: {  	p1 =	sne.s32 s14, $0x0;
	[sflag:s3] =	ssyncset.done $0x0  }
0x2b: {  	[sflag:s3] =	ssyncadd.s32 $0xFFFFC000  }
0x2c: {  	[bflag:$0x0] =	sbarrier.arrive $0xFFFF  }
0x2d: {  	[hbm:s13], [sflag:s4] =	dma.local [spmem:s5], $0x2800  }
0x2e: {  	_ =	swait.ge [sflag:s3], $0x2800  }
0x2f: {  	[sflag:s3] =	ssyncset.done $0x0  }
0x30: {  	[sflag:s3] =	ssyncadd.s32 $0xFFFFD800;
	_ =	sdelay $0x1  }
0x31: {  	[spmem:s5], [sflag:s4] =	dma.local [hbm:s6], $0x2800  }
0x32: {  	_ =	swait.ge [sflag:s3], $0x2800  }
0x33: {  	[sflag:s3] =	ssyncset.done $0x0  }
0x34: {  	[sflag:s3] =	ssyncadd.s32 $0xFFFFD800  }
0x35: {  	[spmem:s8], [sflag:s4] =	dma.local @!p0 [hbm:s7], $0x80  }
0x36: {  	_ =	swait.ge @!p0 [sflag:s9], $0x80  }
0x37: {  	[sflag:s9] =	ssyncset.done @!p0 $0x0  }
0x38: {  	[sflag:s9] =	ssyncadd.s32 @!p0 $0xFFFFFF80  }
0x39: {  	[bflag:$0x0] =	sbarrier.arrive $0xFFFF  }
0x3a: {  	[tilespmem:s2], [sflag:$0x1] =	stream.linear.gather [hbm4b:s10+s2], $0x80, $0x38;
	[tilespmem:$0x180C0] =	vst v63  }
0x3b: {  	_ =	swait.ge [sflag:s3], $0x80  }
0x3c: {  	[sflag:s3] =	ssyncset.done $0x0  }
0x3d: {  	[sflag:s3] =	ssyncadd.s32 $0xFFFFFF80  }
0x3e: {  	v1 =	vld [tilespmem:$0x70]  }
0x3f: {  	v2 =	vld [tilespmem:$0x60]  }
0x40: {  	v3 =	vld [tilespmem:$0x50]  }
0x41: {  	v4 =	vld [tilespmem:$0x30]  }
0x42: {  	v5 =	vld [tilespmem:$0x20]  }
0x43: {  	v6 =	vld [tilespmem:$0x10];
	v1 =	vsub.s32 v1, v0  }
0x44: {  	v7 =	vld [tilespmem:$0x40];
	v2 =	vsub.s32 v2, v0;
	v1 =	vmin.u32 v1, $0x2800  }
0x45: {  	v8 =	vld [tilespmem:$0x0];
	v3 =	vsub.s32 v3, v0;
	v2 =	vmin.u32 v2, $0x2800;
	[tilespmem:$0x70] =	vst v1  }
0x46: {  	v1 =	vsub.s32 v4, v0;
	v3 =	vmin.u32 v3, $0x2800;
	[tilespmem:$0x60] =	vst v2  }
0x47: {  	v2 =	vsub.s32 v5, v0;
	v1 =	vmin.u32 v1, $0x2800;
	[tilespmem:$0x50] =	vst v3  }
0x48: {  	v3 =	vsub.s32 v6, v0;
	v2 =	vmin.u32 v2, $0x2800;
	[tilespmem:$0x30] =	vst v1  }
0x49: {  	v1 =	vmin.u32 v3, $0x2800;
	[tilespmem:$0x20] =	vst v2;
	v2 =	vsub.s32 v7, v0  }
0x4a: {  	v3 =	vsub.s32 v8, v0;
	[tilespmem:$0x10] =	vst v1;
	v1 =	vmin.u32 v2, $0x2800  }
0x4b: {  	v2 =	vmin.u32 v3, $0x2800;
	[tilespmem:$0x40] =	vst v1  }
0x4c: {  	[tilespmem:$0x0] =	vst v2  }
0x4d: {  	[tilespmem:s12], [sflag:$0x1] =	stream.linear.gather [hbm4b:s11+s2], $0x4000, $0x38;
	[tilespmem:$0x180C0] =	vst v63  }
.Ltmp1:
0x4e: {  	_ = 	snop;
	(pc) =	sbr.rel @p1 .LBB2_1-.Ltmp1, $4  }
0x4f: {  	_ =	swait.ge [sflag:s3], $0x4000  }
0x50: {  	[sflag:s3] =	ssyncset.done $0x0  }
0x51: {  	[sflag:s3] =	ssyncadd.s32 $0xFFFFC000  }
0x52: {  	[spmem:s1] =	stream.indirect.scatter.add.f32 [tilespmem:s12], [sflag:$0x1], $0x80, s2, s12, $0xb8;
	[tilespmem:$0x180C0] =	vst v63  }
.LBB2_2:
0x53: {  	_ =	swait.ge [sflag:s3], $0x4000  }
0x54: {  	[sflag:s3] =	ssyncset.done $0x0  }
0x55: {  	[sflag:s3] =	ssyncadd.s32 $0xFFFFC000  }
0x56: {  	[bflag:$0x0] =	sbarrier.arrive $0xFFFF  }
0x57: {  	[hbm:s13], [sflag:s4] =	dma.local [spmem:s5], $0x2800  }
0x58: {  	_ =	swait.ge [sflag:s3], $0x2800  }
0x59: {  	[sflag:s3] =	ssyncset.done $0x0  }
0x5a: {  	[sflag:s3] =	ssyncadd.s32 $0xFFFFD800  }
0x5b: {  	_ =	sfence.sel $0x180000  }
0x5c: {  	[bflag:$0x0] =	sbarrier.arrive $0xFFFF  }
0x5d: {  	_ =	strace $0x90000056  }
0x5e: {  	s0 =	sadd.s32 @!p0 $0x100000, s0;
	[bflag:$0x2] =	sbarrier.arrive $0xFFFF  }
0x5f: {  	[sflag:s0] =	ssyncadd.tile.s32 @!p0 $0x1;
	_ =	shalt  }
.Lfunc_end2:
_tile_overlayer_lowered:
.L_overlay_start_2:
0x60: {  	(tag) =	ssettag $0x2  }
0x61: {  	s0 =	rddreg [dreg:$0x0];
	s2 =	stileid.u32  }
0x62: {  	s1 =	rddreg [dreg:$0x1];
	p0 =	sne.s32 s2, $0x0  }
0x63: {  	s3 =	rddreg [dreg:$0x2];
	[bflag:$0x3] =	sbarrier.arrive $0xFFFF;
	s2 =	simm.s32 @!p0 $0x1C01  }
0x64: {  	[timem:s3], [sflag:s2] =	dma.local @!p0 [hbm:s0], s1  }
0x65: {  	s0 =	simm.s32 @!p0 $0x1  }
0x66: {  	_ =	swait.ge @!p0 [sflag:s0], s1  }
0x67: {  	s1 =	ssub.s32 @!p0 $0x0, s1;
	[sflag:s0] =	ssyncset.done @!p0 $0x0  }
0x68: {  	[sflag:s0] =	ssyncadd.s32 @!p0 s1  }
0x69: {  	[bflag:$0x3] =	sbarrier.arrive $0xFFFF  }
0x6a: {  	_ =	shalt  }

</sc_bundles>
